<compile_context>
chip_gen: v7x
topology: tpu7x:2x2x1
jax: 0.10.2.dev20260603
libtpu: 0.0.44.dev20260713+nightly
codegen_flags: <defaults>
</compile_context>

<pallas_src>
import jax
import jax.numpy as jnp
from jax import lax
from jax.experimental import pallas as pl
from jax.experimental.pallas import tpu as pltpu
from jax.experimental.pallas import tpu_sc as plsc

N = 10000
D = 128
H = D // 2
E = 320000
NC = 2
NS = 16
NW = NC * NS
K = 128
C = 80
NG = 2
NSB = 2
BODY = 2
EPT = C * K
EP = NW * EPT
RZ0 = 632
RZL = N - (NS - 1) * RZ0


def _zero_rows(buf, acc, base, nrows):
    for j in range(nrows // K):
        pltpu.sync_copy(buf, acc.at[pl.ds(base + j * K, K)])
    rem = nrows % K
    if rem:
        pltpu.sync_copy(
            buf.at[pl.ds(0, rem)], acc.at[pl.ds(base + (nrows // K) * K, rem)]
        )


def _sc_body(cols_hbm, rows_hbm, vals_hbm, x0_hbm, x1_hbm, part_hbm,
             cidx, ridx, vals_v, gbufs, sbufs, acc, gsems, ssems):
    c = lax.axis_index("c")
    s = lax.axis_index("s")
    tid = c * NS + s
    base = s * RZ0

    pltpu.sync_copy(cols_hbm.at[tid], cidx)
    pltpu.sync_copy(rows_hbm.at[tid], ridx)
    pltpu.sync_copy(vals_hbm.at[tid], vals_v)

    for h in range(2):
        def zero_buf(i, _):
            for j in range(H // 16):
                gbufs[0][i, pl.ds(j * 16, 16)] = jnp.zeros((16,), jnp.float32)
            return 0
        lax.fori_loop(0, K, zero_buf, 0)

        @pl.when(s < NS - 1)
        def _zero_main():
            _zero_rows(gbufs[0], acc, base, RZ0)

        @pl.when(s == NS - 1)
        def _zero_last():
            _zero_rows(gbufs[0], acc, base, RZL)

        plsc.subcore_barrier()

        xh_hbm = x0_hbm if h == 0 else x1_hbm

        def scale(ci, gb, sb):
            def scale_g(g, _):
                vv = vals_v[ci, pl.ds(g * 16, 16)]
                for ee in range(16):
                    e = g * 16 + ee
                    v = vv[ee]
                    for j in range(H // 16):
                        sl = pl.ds(j * 16, 16)
                        sb[e, sl] = gb[e, sl] * v
                return 0
            lax.fori_loop(0, K // 16, scale_g, 0)

        def do_chunk(cj, bg, bs):
            pltpu.make_async_copy(
                xh_hbm.at[cidx.at[cj]], gbufs[bg], gsems[bg]
            ).wait()

            @pl.when(cj >= NSB)
            def _wait_prev_scatter():
                pltpu.make_async_copy(
                    sbufs[bs], acc.at[ridx.at[cj]], ssems[bs]
                ).wait()

            scale(cj, gbufs[bg], sbufs[bs])

            @pl.when(cj + NG < C)
            def _prefetch():
                pltpu.async_copy(xh_hbm.at[cidx.at[cj + NG]], gbufs[bg], gsems[bg])

            pltpu.async_copy(sbufs[bs], acc.at[ridx.at[cj]], ssems[bs], add=True)

        for b in range(NG):
            pltpu.async_copy(xh_hbm.at[cidx.at[b]], gbufs[b], gsems[b])

        def body(i, _):
            for b in range(BODY):
                do_chunk(BODY * i + b, b % NG, b % NSB)
            return 0
        lax.fori_loop(0, C // BODY, body, 0)

        for b in range(NSB):
            pltpu.make_async_copy(sbufs[b], acc.at[ridx.at[0]], ssems[b]).wait()

        plsc.subcore_barrier()

        @pl.when(s < NS - 1)
        def _write_main():
            pltpu.sync_copy(
                acc.at[pl.ds(base, RZ0)], part_hbm.at[c, h, pl.ds(base, RZ0)]
            )

        @pl.when(s == NS - 1)
        def _write_last():
            pltpu.sync_copy(
                acc.at[pl.ds(base, RZL)], part_hbm.at[c, h, pl.ds(base, RZL)]
            )

        if h == 0:
            plsc.subcore_barrier()


def _sc_body_flat(cols_hbm, rows_hbm, vals_hbm, x0_hbm, x1_hbm, part_hbm,
                  cidx, ridx, vals_v,
                  g0, g1, s0, s1, acc,
                  gs0, gs1, ss0, ss1):
    _sc_body(cols_hbm, rows_hbm, vals_hbm, x0_hbm, x1_hbm, part_hbm,
             cidx, ridx, vals_v,
             (g0, g1), (s0, s1), acc,
             (gs0, gs1), (ss0, ss1))


def _sc_partials(cols, rows, vals, x0, x1):
    mesh = plsc.VectorSubcoreMesh(
        core_axis_name="c", subcore_axis_name="s", num_cores=NC, num_subcores=NS
    )
    buf = pltpu.VMEM((K, H), jnp.float32)
    return pl.kernel(
        _sc_body_flat,
        out_type=jax.ShapeDtypeStruct((NC, 2, N, H), jnp.float32),
        mesh=mesh,
        compiler_params=pltpu.CompilerParams(use_tc_tiling_on_sc=False),
        scratch_types=[
            pltpu.VMEM((C, K), jnp.int32),
            pltpu.VMEM((C, K), jnp.int32),
            pltpu.VMEM((C, K), jnp.float32),
        ] + [buf] * (NG + NSB) + [
            pltpu.VMEM_SHARED((N, H), jnp.float32),
        ] + [pltpu.SemaphoreType.DMA] * (NG + NSB),
    )(cols, rows, vals, x0, x1)


def _tc_body(p_ref, th_ref, o_ref):
    lx = jnp.concatenate(
        [p_ref[0, 0] + p_ref[1, 0], p_ref[0, 1] + p_ref[1, 1]], axis=-1
    )
    o_ref[...] = jnp.dot(lx, th_ref[...], preferred_element_type=jnp.float32)


def _tc_combine(part, theta):
    RB = 1000
    return pl.pallas_call(
        _tc_body,
        grid=(N // RB,),
        in_specs=[
            pl.BlockSpec((NC, 2, RB, H), lambda i: (0, 0, i, 0)),
            pl.BlockSpec((D, D), lambda i: (0, 0)),
        ],
        out_specs=pl.BlockSpec((RB, D), lambda i: (i, 0)),
        out_shape=jax.ShapeDtypeStruct((N, D), jnp.float32),
    )(part, theta)


def kernel(L_indices, L_values, x, theta):
    pad = EP - E
    pad_idx = jnp.arange(pad, dtype=jnp.int32) % N
    rows = jnp.concatenate(
        [L_indices[0].astype(jnp.int32), pad_idx]).reshape(NW, C, K)
    cols = jnp.concatenate(
        [L_indices[1].astype(jnp.int32), pad_idx]).reshape(NW, C, K)
    vals = jnp.concatenate(
        [L_values.astype(jnp.float32), jnp.zeros((pad,), jnp.float32)]
    ).reshape(NW, C, K)
    x0 = x[:, :H]
    x1 = x[:, H:]
    part = _sc_partials(cols, rows, vals, x0, x1)
    return _tc_combine(part, theta)

# --- scband reference (transcript-rebuilt; emitter-appended) ---
"""Pipeline reference for scband-scn-49478023250099 (READ-ONLY COPY).

The authoritative reference and input builder live on the scoring server;
editing this copy changes nothing except your own understanding.
"""

import jax, jax.numpy as jnp
import numpy as np

N = 10000
E = 320000
D = 128
OUT = 128

def setup_inputs(seed: int = 0) -> dict:
    key = jax.random.key(seed)
    k1, k2, k3, k4 = jax.random.split(key, 4)
    L_indices = jax.random.randint(k1, (2, E), 0, N)
    L_values = jax.random.normal(k2, (E,), dtype=jnp.float32)
    x = jax.random.normal(k3, (N, D), dtype=jnp.float32)
    theta = 0.01 * jax.random.normal(k4, (D, OUT), dtype=jnp.float32)
    return {"L_indices": L_indices, "L_values": L_values, "x": x, "theta": theta}

def reference(L_indices, L_values, x, theta):
    # torch.sparse.mm(L, x): out[row] += L_values[e] * x[col] for each nonzero e=(row,col)
    rows = L_indices[0]
    cols = L_indices[1]
    gathered = jnp.take(x, cols, axis=0) * L_values[:, None]
    Lx = jax.ops.segment_sum(gathered, rows, num_segments=N)
    # torch.mm(Lx, theta)
    return Lx @ theta

if __name__ == "__main__":
    import jax
    _d = setup_inputs()
    print(jax.jit(kernel)(*tuple(_d.values())))

</pallas_src>

<mosaic_0001>
#map = affine_map<(d0, d1) -> (0, 0, 0)>
#map1 = affine_map<(d0, d1) -> (0, 0)>
#map2 = affine_map<(d0, d1) -> (0, 0, 0, 0)>
module attributes {stable_mosaic.version = 14 : i64} {
  func.func @_sc_body_flat(%arg0: i32, %arg1: i32, %arg2: memref<32x80x128xi32, #tpu.memory_space<hbm>>, %arg3: memref<32x80x128xi32, #tpu.memory_space<hbm>>, %arg4: memref<32x80x128xf32, #tpu.memory_space<hbm>>, %arg5: memref<10000x64xf32, #tpu.memory_space<hbm>>, %arg6: memref<10000x64xf32, #tpu.memory_space<hbm>>, %arg7: memref<2x2x10000x64xf32, #tpu.memory_space<hbm>>, %arg8: memref<80x128xi32, #tpu.memory_space<vmem>>, %arg9: memref<80x128xi32, #tpu.memory_space<vmem>>, %arg10: memref<80x128xf32, #tpu.memory_space<vmem>>, %arg11: memref<128x64xf32, #tpu.memory_space<vmem>>, %arg12: memref<128x64xf32, #tpu.memory_space<vmem>>, %arg13: memref<128x64xf32, #tpu.memory_space<vmem>>, %arg14: memref<128x64xf32, #tpu.memory_space<vmem>>, %arg15: memref<10000x64xf32, #tpu.memory_space<vmem_shared>>, %arg16: memref<!tpu.dma_semaphore, #tpu.memory_space<semaphore_mem>>, %arg17: memref<!tpu.dma_semaphore, #tpu.memory_space<semaphore_mem>>, %arg18: memref<!tpu.dma_semaphore, #tpu.memory_space<semaphore_mem>>, %arg19: memref<!tpu.dma_semaphore, #tpu.memory_space<semaphore_mem>>) attributes {dimension_semantics = [#tpu.dimension_semantics<core_parallel>, #tpu.dimension_semantics<subcore_parallel>], iteration_bounds = array<i64: 2, 16>, scalar_prefetch = 0 : i64, scratch_operands = 12 : i64, tpu.core_type = #tpu.core_type<sc_vector_subcore>, window_params = [{transform_indices = #map}, {transform_indices = #map}, {transform_indices = #map}, {transform_indices = #map1}, {transform_indices = #map1}, {transform_indices = #map2}]} {
    %mul3A = arith.constant 16 : i32
    %mul3A_0 = arith.muli %arg0, %mul3A : i32
    %add3A = arith.addi %mul3A_0, %arg1 : i32
    %mul3A_1 = arith.constant 632 : i32
    %mul3A_2 = arith.muli %arg1, %mul3A_1 : i32
    "tpu.region"() ({
      %run_scoped3A = tpu.sem_alloc : memref<!tpu.dma_semaphore, #tpu.memory_space<semaphore_mem>>
      %dma_start3A_124 = arith.constant 0 : i32
      %dma_start3A_125 = arith.constant 0 : i32
      %dma_start3A_126 = tpu.memref_slice %arg2[%add3A, %dma_start3A_124, %dma_start3A_125] : memref<32x80x128xi32, #tpu.memory_space<hbm>> -> memref<1x80x128xi32, #tpu.memory_space<hbm>>
      %dma_start3A_127 = tpu.memref_squeeze %dma_start3A_126 : memref<1x80x128xi32, #tpu.memory_space<hbm>> -> memref<80x128xi32, #tpu.memory_space<hbm>>
      %dma_start3A_128 = arith.constant 0 : i32
      %dma_start3A_129 = arith.constant 0 : i32
      %dma_start3A_130 = tpu.memref_slice %arg2[%add3A, %dma_start3A_128, %dma_start3A_129] : memref<32x80x128xi32, #tpu.memory_space<hbm>> -> memref<1x80x128xi32, #tpu.memory_space<hbm>>
      %dma_start3A_131 = tpu.memref_squeeze %dma_start3A_130 : memref<1x80x128xi32, #tpu.memory_space<hbm>> -> memref<80x128xi32, #tpu.memory_space<hbm>>
      tpu.enqueue_dma source(%dma_start3A_131 : memref<80x128xi32, #tpu.memory_space<hbm>>) target(%arg8 : memref<80x128xi32, #tpu.memory_space<vmem>>) target_semaphore(%run_scoped3A : memref<!tpu.dma_semaphore, #tpu.memory_space<semaphore_mem>>)
      %dma_wait3A_132 = arith.constant 0 : i32
      %dma_wait3A_133 = arith.constant 0 : i32
      %dma_wait3A_134 = tpu.memref_slice %arg2[%add3A, %dma_wait3A_132, %dma_wait3A_133] : memref<32x80x128xi32, #tpu.memory_space<hbm>> -> memref<1x80x128xi32, #tpu.memory_space<hbm>>
      %dma_wait3A_135 = tpu.memref_squeeze %dma_wait3A_134 : memref<1x80x128xi32, #tpu.memory_space<hbm>> -> memref<80x128xi32, #tpu.memory_space<hbm>>
      %dma_wait3A_136 = arith.constant 0 : i32
      %dma_wait3A_137 = arith.constant 0 : i32
      %dma_wait3A_138 = tpu.memref_slice %arg2[%add3A, %dma_wait3A_136, %dma_wait3A_137] : memref<32x80x128xi32, #tpu.memory_space<hbm>> -> memref<1x80x128xi32, #tpu.memory_space<hbm>>
      %dma_wait3A_139 = tpu.memref_squeeze %dma_wait3A_138 : memref<1x80x128xi32, #tpu.memory_space<hbm>> -> memref<80x128xi32, #tpu.memory_space<hbm>>
      tpu.wait_dma2 semaphore(%run_scoped3A : memref<!tpu.dma_semaphore, #tpu.memory_space<semaphore_mem>>) src(%dma_wait3A_139 : memref<80x128xi32, #tpu.memory_space<hbm>>) dst(%arg8 : memref<80x128xi32, #tpu.memory_space<vmem>>)
      tpu.yield
    }) : () -> ()
    "tpu.region"() ({
      %run_scoped3A = tpu.sem_alloc : memref<!tpu.dma_semaphore, #tpu.memory_space<semaphore_mem>>
      %dma_start3A_124 = arith.constant 0 : i32
      %dma_start3A_125 = arith.constant 0 : i32
      %dma_start3A_126 = tpu.memref_slice %arg3[%add3A, %dma_start3A_124, %dma_start3A_125] : memref<32x80x128xi32, #tpu.memory_space<hbm>> -> memref<1x80x128xi32, #tpu.memory_space<hbm>>
      %dma_start3A_127 = tpu.memref_squeeze %dma_start3A_126 : memref<1x80x128xi32, #tpu.memory_space<hbm>> -> memref<80x128xi32, #tpu.memory_space<hbm>>
      %dma_start3A_128 = arith.constant 0 : i32
      %dma_start3A_129 = arith.constant 0 : i32
      %dma_start3A_130 = tpu.memref_slice %arg3[%add3A, %dma_start3A_128, %dma_start3A_129] : memref<32x80x128xi32, #tpu.memory_space<hbm>> -> memref<1x80x128xi32, #tpu.memory_space<hbm>>
      %dma_start3A_131 = tpu.memref_squeeze %dma_start3A_130 : memref<1x80x128xi32, #tpu.memory_space<hbm>> -> memref<80x128xi32, #tpu.memory_space<hbm>>
      tpu.enqueue_dma source(%dma_start3A_131 : memref<80x128xi32, #tpu.memory_space<hbm>>) target(%arg9 : memref<80x128xi32, #tpu.memory_space<vmem>>) target_semaphore(%run_scoped3A : memref<!tpu.dma_semaphore, #tpu.memory_space<semaphore_mem>>)
      %dma_wait3A_132 = arith.constant 0 : i32
      %dma_wait3A_133 = arith.constant 0 : i32
      %dma_wait3A_134 = tpu.memref_slice %arg3[%add3A, %dma_wait3A_132, %dma_wait3A_133] : memref<32x80x128xi32, #tpu.memory_space<hbm>> -> memref<1x80x128xi32, #tpu.memory_space<hbm>>
      %dma_wait3A_135 = tpu.memref_squeeze %dma_wait3A_134 : memref<1x80x128xi32, #tpu.memory_space<hbm>> -> memref<80x128xi32, #tpu.memory_space<hbm>>
      %dma_wait3A_136 = arith.constant 0 : i32
      %dma_wait3A_137 = arith.constant 0 : i32
      %dma_wait3A_138 = tpu.memref_slice %arg3[%add3A, %dma_wait3A_136, %dma_wait3A_137] : memref<32x80x128xi32, #tpu.memory_space<hbm>> -> memref<1x80x128xi32, #tpu.memory_space<hbm>>
      %dma_wait3A_139 = tpu.memref_squeeze %dma_wait3A_138 : memref<1x80x128xi32, #tpu.memory_space<hbm>> -> memref<80x128xi32, #tpu.memory_space<hbm>>
      tpu.wait_dma2 semaphore(%run_scoped3A : memref<!tpu.dma_semaphore, #tpu.memory_space<semaphore_mem>>) src(%dma_wait3A_139 : memref<80x128xi32, #tpu.memory_space<hbm>>) dst(%arg9 : memref<80x128xi32, #tpu.memory_space<vmem>>)
      tpu.yield
    }) : () -> ()
    "tpu.region"() ({
      %run_scoped3A = tpu.sem_alloc : memref<!tpu.dma_semaphore, #tpu.memory_space<semaphore_mem>>
      %dma_start3A_124 = arith.constant 0 : i32
      %dma_start3A_125 = arith.constant 0 : i32
      %dma_start3A_126 = tpu.memref_slice %arg4[%add3A, %dma_start3A_124, %dma_start3A_125] : memref<32x80x128xf32, #tpu.memory_space<hbm>> -> memref<1x80x128xf32, #tpu.memory_space<hbm>>
      %dma_start3A_127 = tpu.memref_squeeze %dma_start3A_126 : memref<1x80x128xf32, #tpu.memory_space<hbm>> -> memref<80x128xf32, #tpu.memory_space<hbm>>
      %dma_start3A_128 = arith.constant 0 : i32
      %dma_start3A_129 = arith.constant 0 : i32
      %dma_start3A_130 = tpu.memref_slice %arg4[%add3A, %dma_start3A_128, %dma_start3A_129] : memref<32x80x128xf32, #tpu.memory_space<hbm>> -> memref<1x80x128xf32, #tpu.memory_space<hbm>>
      %dma_start3A_131 = tpu.memref_squeeze %dma_start3A_130 : memref<1x80x128xf32, #tpu.memory_space<hbm>> -> memref<80x128xf32, #tpu.memory_space<hbm>>
      tpu.enqueue_dma source(%dma_start3A_131 : memref<80x128xf32, #tpu.memory_space<hbm>>) target(%arg10 : memref<80x128xf32, #tpu.memory_space<vmem>>) target_semaphore(%run_scoped3A : memref<!tpu.dma_semaphore, #tpu.memory_space<semaphore_mem>>)
      %dma_wait3A_132 = arith.constant 0 : i32
      %dma_wait3A_133 = arith.constant 0 : i32
      %dma_wait3A_134 = tpu.memref_slice %arg4[%add3A, %dma_wait3A_132, %dma_wait3A_133] : memref<32x80x128xf32, #tpu.memory_space<hbm>> -> memref<1x80x128xf32, #tpu.memory_space<hbm>>
      %dma_wait3A_135 = tpu.memref_squeeze %dma_wait3A_134 : memref<1x80x128xf32, #tpu.memory_space<hbm>> -> memref<80x128xf32, #tpu.memory_space<hbm>>
      %dma_wait3A_136 = arith.constant 0 : i32
      %dma_wait3A_137 = arith.constant 0 : i32
      %dma_wait3A_138 = tpu.memref_slice %arg4[%add3A, %dma_wait3A_136, %dma_wait3A_137] : memref<32x80x128xf32, #tpu.memory_space<hbm>> -> memref<1x80x128xf32, #tpu.memory_space<hbm>>
      %dma_wait3A_139 = tpu.memref_squeeze %dma_wait3A_138 : memref<1x80x128xf32, #tpu.memory_space<hbm>> -> memref<80x128xf32, #tpu.memory_space<hbm>>
      tpu.wait_dma2 semaphore(%run_scoped3A : memref<!tpu.dma_semaphore, #tpu.memory_space<semaphore_mem>>) src(%dma_wait3A_139 : memref<80x128xf32, #tpu.memory_space<hbm>>) dst(%arg10 : memref<80x128xf32, #tpu.memory_space<vmem>>)
      tpu.yield
    }) : () -> ()
    %scan3A = arith.constant 0 : i32
    %scan3A_3 = arith.constant 0 : i32
    %scan3A_4 = arith.constant 128 : i32
    %scan3A_5 = arith.addi %scan3A_3, %scan3A_4 : i32
    %scan3A_6 = arith.constant 1 : i32
    %scan3A_7 = scf.for %scan3A_124 = %scan3A_3 to %scan3A_5 step %scan3A_6 iter_args(%scan3A_125 = %scan3A) -> (i32)  : i32 {
      %broadcast_in_dim3A = arith.constant 0.000000e+00 : f32
      %broadcast_in_dim3A_126 = vector.broadcast %broadcast_in_dim3A : f32 to vector<16xf32>
      %swap3A = arith.index_cast %scan3A_124 : i32 to index
      %swap3A_127 = arith.constant 0 : index
      %swap3A_128 = tpu.vector_load %arg11[%swap3A, %swap3A_127] {strides = array<i32>} : memref<128x64xf32, #tpu.memory_space<vmem>>, vector<1x16xf32>,
      %swap3A_129 = vector.shape_cast %swap3A_128 : vector<1x16xf32> to vector<16xf32>
      %swap3A_130 = vector.shape_cast %broadcast_in_dim3A_126 : vector<16xf32> to vector<1x16xf32>
      tpu.vector_store %arg11[%swap3A, %swap3A_127], %swap3A_130 {strides = array<i32>} : memref<128x64xf32, #tpu.memory_space<vmem>>, vector<1x16xf32>,
      %broadcast_in_dim3A_131 = arith.constant 0.000000e+00 : f32
      %broadcast_in_dim3A_132 = vector.broadcast %broadcast_in_dim3A_131 : f32 to vector<16xf32>
      %swap3A_133 = arith.index_cast %scan3A_124 : i32 to index
      %swap3A_134 = arith.constant 16 : index
      %swap3A_135 = tpu.vector_load %arg11[%swap3A_133, %swap3A_134] {strides = array<i32>} : memref<128x64xf32, #tpu.memory_space<vmem>>, vector<1x16xf32>,
      %swap3A_136 = vector.shape_cast %swap3A_135 : vector<1x16xf32> to vector<16xf32>
      %swap3A_137 = vector.shape_cast %broadcast_in_dim3A_132 : vector<16xf32> to vector<1x16xf32>
      tpu.vector_store %arg11[%swap3A_133, %swap3A_134], %swap3A_137 {strides = array<i32>} : memref<128x64xf32, #tpu.memory_space<vmem>>, vector<1x16xf32>,
      %broadcast_in_dim3A_138 = arith.constant 0.000000e+00 : f32
      %broadcast_in_dim3A_139 = vector.broadcast %broadcast_in_dim3A_138 : f32 to vector<16xf32>
      %swap3A_140 = arith.index_cast %scan3A_124 : i32 to index
      %swap3A_141 = arith.constant 32 : index
      %swap3A_142 = tpu.vector_load %arg11[%swap3A_140, %swap3A_141] {strides = array<i32>} : memref<128x64xf32, #tpu.memory_space<vmem>>, vector<1x16xf32>,
      %swap3A_143 = vector.shape_cast %swap3A_142 : vector<1x16xf32> to vector<16xf32>
      %swap3A_144 = vector.shape_cast %broadcast_in_dim3A_139 : vector<16xf32> to vector<1x16xf32>
      tpu.vector_store %arg11[%swap3A_140, %swap3A_141], %swap3A_144 {strides = array<i32>} : memref<128x64xf32, #tpu.memory_space<vmem>>, vector<1x16xf32>,
      %broadcast_in_dim3A_145 = arith.constant 0.000000e+00 : f32
      %broadcast_in_dim3A_146 = vector.broadcast %broadcast_in_dim3A_145 : f32 to vector<16xf32>
      %swap3A_147 = arith.index_cast %scan3A_124 : i32 to index
      %swap3A_148 = arith.constant 48 : index
      %swap3A_149 = tpu.vector_load %arg11[%swap3A_147, %swap3A_148] {strides = array<i32>} : memref<128x64xf32, #tpu.memory_space<vmem>>, vector<1x16xf32>,
      %swap3A_150 = vector.shape_cast %swap3A_149 : vector<1x16xf32> to vector<16xf32>
      %swap3A_151 = vector.shape_cast %broadcast_in_dim3A_146 : vector<16xf32> to vector<1x16xf32>
      tpu.vector_store %arg11[%swap3A_147, %swap3A_148], %swap3A_151 {strides = array<i32>} : memref<128x64xf32, #tpu.memory_space<vmem>>, vector<1x16xf32>,
      %scan3A_152 = arith.constant 0 : i32
      scf.yield %scan3A_152 : i32
    }
    %scan3A_8 = arith.constant 128 : i32
    %lt3A = arith.constant 15 : i32
    %lt3A_9 = arith.cmpi slt, %arg1, %lt3A : i32
    %convert_element_type3A = arith.extui %lt3A_9 : i1 to i32
    %cond3A = arith.constant 0 : i32
    %cond3A_10 = arith.cmpi ne, %convert_element_type3A, %cond3A : i32
    scf.if %cond3A_10 {
      %add3A_124 = arith.constant 0 : i32
      %add3A_125 = arith.addi %mul3A_2, %add3A_124 : i32
      "tpu.region"() ({
        %run_scoped3A = tpu.sem_alloc : memref<!tpu.dma_semaphore, #tpu.memory_space<semaphore_mem>>
        %dma_start3A_134 = arith.constant 0 : i32
        %dma_start3A_135 = tpu.memref_slice %arg15[%add3A_125, %dma_start3A_134] : memref<10000x64xf32, #tpu.memory_space<vmem_shared>> -> memref<128x64xf32, #tpu.memory_space<vmem_shared>>
        %dma_start3A_136 = arith.constant 0 : i32
        %dma_start3A_137 = tpu.memref_slice %arg15[%add3A_125, %dma_start3A_136] : memref<10000x64xf32, #tpu.memory_space<vmem_shared>> -> memref<128x64xf32, #tpu.memory_space<vmem_shared>>
        tpu.enqueue_dma source(%arg11 : memref<128x64xf32, #tpu.memory_space<vmem>>) target(%dma_start3A_137 : memref<128x64xf32, #tpu.memory_space<vmem_shared>>) target_semaphore(%run_scoped3A : memref<!tpu.dma_semaphore, #tpu.memory_space<semaphore_mem>>)
        %dma_wait3A_138 = arith.constant 0 : i32
        %dma_wait3A_139 = tpu.memref_slice %arg15[%add3A_125, %dma_wait3A_138] : memref<10000x64xf32, #tpu.memory_space<vmem_shared>> -> memref<128x64xf32, #tpu.memory_space<vmem_shared>>
        %dma_wait3A_140 = arith.constant 0 : i32
        %dma_wait3A_141 = tpu.memref_slice %arg15[%add3A_125, %dma_wait3A_140] : memref<10000x64xf32, #tpu.memory_space<vmem_shared>> -> memref<128x64xf32, #tpu.memory_space<vmem_shared>>
        tpu.wait_dma2 semaphore(%run_scoped3A : memref<!tpu.dma_semaphore, #tpu.memory_space<semaphore_mem>>) src(%arg11 : memref<128x64xf32, #tpu.memory_space<vmem>>) dst(%dma_wait3A_141 : memref<128x64xf32, #tpu.memory_space<vmem_shared>>)
        tpu.yield
      }) : () -> ()
      %add3A_126 = arith.constant 128 : i32
      %add3A_127 = arith.addi %mul3A_2, %add3A_126 : i32
      "tpu.region"() ({
        %run_scoped3A = tpu.sem_alloc : memref<!tpu.dma_semaphore, #tpu.memory_space<semaphore_mem>>
        %dma_start3A_134 = arith.constant 0 : i32
        %dma_start3A_135 = tpu.memref_slice %arg15[%add3A_127, %dma_start3A_134] : memref<10000x64xf32, #tpu.memory_space<vmem_shared>> -> memref<128x64xf32, #tpu.memory_space<vmem_shared>>
        %dma_start3A_136 = arith.constant 0 : i32
        %dma_start3A_137 = tpu.memref_slice %arg15[%add3A_127, %dma_start3A_136] : memref<10000x64xf32, #tpu.memory_space<vmem_shared>> -> memref<128x64xf32, #tpu.memory_space<vmem_shared>>
        tpu.enqueue_dma source(%arg11 : memref<128x64xf32, #tpu.memory_space<vmem>>) target(%dma_start3A_137 : memref<128x64xf32, #tpu.memory_space<vmem_shared>>) target_semaphore(%run_scoped3A : memref<!tpu.dma_semaphore, #tpu.memory_space<semaphore_mem>>)
        %dma_wait3A_138 = arith.constant 0 : i32
        %dma_wait3A_139 = tpu.memref_slice %arg15[%add3A_127, %dma_wait3A_138] : memref<10000x64xf32, #tpu.memory_space<vmem_shared>> -> memref<128x64xf32, #tpu.memory_space<vmem_shared>>
        %dma_wait3A_140 = arith.constant 0 : i32
        %dma_wait3A_141 = tpu.memref_slice %arg15[%add3A_127, %dma_wait3A_140] : memref<10000x64xf32, #tpu.memory_space<vmem_shared>> -> memref<128x64xf32, #tpu.memory_space<vmem_shared>>
        tpu.wait_dma2 semaphore(%run_scoped3A : memref<!tpu.dma_semaphore, #tpu.memory_space<semaphore_mem>>) src(%arg11 : memref<128x64xf32, #tpu.memory_space<vmem>>) dst(%dma_wait3A_141 : memref<128x64xf32, #tpu.memory_space<vmem_shared>>)
        tpu.yield
      }) : () -> ()
      %add3A_128 = arith.constant 256 : i32
      %add3A_129 = arith.addi %mul3A_2, %add3A_128 : i32
      "tpu.region"() ({
        %run_scoped3A = tpu.sem_alloc : memref<!tpu.dma_semaphore, #tpu.memory_space<semaphore_mem>>
        %dma_start3A_134 = arith.constant 0 : i32
        %dma_start3A_135 = tpu.memref_slice %arg15[%add3A_129, %dma_start3A_134] : memref<10000x64xf32, #tpu.memory_space<vmem_shared>> -> memref<128x64xf32, #tpu.memory_space<vmem_shared>>
        %dma_start3A_136 = arith.constant 0 : i32
        %dma_start3A_137 = tpu.memref_slice %arg15[%add3A_129, %dma_start3A_136] : memref<10000x64xf32, #tpu.memory_space<vmem_shared>> -> memref<128x64xf32, #tpu.memory_space<vmem_shared>>
        tpu.enqueue_dma source(%arg11 : memref<128x64xf32, #tpu.memory_space<vmem>>) target(%dma_start3A_137 : memref<128x64xf32, #tpu.memory_space<vmem_shared>>) target_semaphore(%run_scoped3A : memref<!tpu.dma_semaphore, #tpu.memory_space<semaphore_mem>>)
        %dma_wait3A_138 = arith.constant 0 : i32
        %dma_wait3A_139 = tpu.memref_slice %arg15[%add3A_129, %dma_wait3A_138] : memref<10000x64xf32, #tpu.memory_space<vmem_shared>> -> memref<128x64xf32, #tpu.memory_space<vmem_shared>>
        %dma_wait3A_140 = arith.constant 0 : i32
        %dma_wait3A_141 = tpu.memref_slice %arg15[%add3A_129, %dma_wait3A_140] : memref<10000x64xf32, #tpu.memory_space<vmem_shared>> -> memref<128x64xf32, #tpu.memory_space<vmem_shared>>
        tpu.wait_dma2 semaphore(%run_scoped3A : memref<!tpu.dma_semaphore, #tpu.memory_space<semaphore_mem>>) src(%arg11 : memref<128x64xf32, #tpu.memory_space<vmem>>) dst(%dma_wait3A_141 : memref<128x64xf32, #tpu.memory_space<vmem_shared>>)
        tpu.yield
      }) : () -> ()
      %add3A_130 = arith.constant 384 : i32
      %add3A_131 = arith.addi %mul3A_2, %add3A_130 : i32
      "tpu.region"() ({
        %run_scoped3A = tpu.sem_alloc : memref<!tpu.dma_semaphore, #tpu.memory_space<semaphore_mem>>
        %dma_start3A_134 = arith.constant 0 : i32
        %dma_start3A_135 = tpu.memref_slice %arg15[%add3A_131, %dma_start3A_134] : memref<10000x64xf32, #tpu.memory_space<vmem_shared>> -> memref<128x64xf32, #tpu.memory_space<vmem_shared>>
        %dma_start3A_136 = arith.constant 0 : i32
        %dma_start3A_137 = tpu.memref_slice %arg15[%add3A_131, %dma_start3A_136] : memref<10000x64xf32, #tpu.memory_space<vmem_shared>> -> memref<128x64xf32, #tpu.memory_space<vmem_shared>>
        tpu.enqueue_dma source(%arg11 : memref<128x64xf32, #tpu.memory_space<vmem>>) target(%dma_start3A_137 : memref<128x64xf32, #tpu.memory_space<vmem_shared>>) target_semaphore(%run_scoped3A : memref<!tpu.dma_semaphore, #tpu.memory_space<semaphore_mem>>)
        %dma_wait3A_138 = arith.constant 0 : i32
        %dma_wait3A_139 = tpu.memref_slice %arg15[%add3A_131, %dma_wait3A_138] : memref<10000x64xf32, #tpu.memory_space<vmem_shared>> -> memref<128x64xf32, #tpu.memory_space<vmem_shared>>
        %dma_wait3A_140 = arith.constant 0 : i32
        %dma_wait3A_141 = tpu.memref_slice %arg15[%add3A_131, %dma_wait3A_140] : memref<10000x64xf32, #tpu.memory_space<vmem_shared>> -> memref<128x64xf32, #tpu.memory_space<vmem_shared>>
        tpu.wait_dma2 semaphore(%run_scoped3A : memref<!tpu.dma_semaphore, #tpu.memory_space<semaphore_mem>>) src(%arg11 : memref<128x64xf32, #tpu.memory_space<vmem>>) dst(%dma_wait3A_141 : memref<128x64xf32, #tpu.memory_space<vmem_shared>>)
        tpu.yield
      }) : () -> ()
      %add3A_132 = arith.constant 512 : i32
      %add3A_133 = arith.addi %mul3A_2, %add3A_132 : i32
      "tpu.region"() ({
        %run_scoped3A = tpu.sem_alloc : memref<!tpu.dma_semaphore, #tpu.memory_space<semaphore_mem>>
        %dma_start3A_134 = arith.constant 0 : i32
        %dma_start3A_135 = arith.constant 0 : i32
        %dma_start3A_136 = tpu.memref_slice %arg11[%dma_start3A_134, %dma_start3A_135] : memref<128x64xf32, #tpu.memory_space<vmem>> -> memref<120x64xf32, #tpu.memory_space<vmem>>
        %dma_start3A_137 = arith.constant 0 : i32
        %dma_start3A_138 = tpu.memref_slice %arg15[%add3A_133, %dma_start3A_137] : memref<10000x64xf32, #tpu.memory_space<vmem_shared>> -> memref<120x64xf32, #tpu.memory_space<vmem_shared>>
        %dma_start3A_139 = arith.constant 0 : i32
        %dma_start3A_140 = tpu.memref_slice %arg15[%add3A_133, %dma_start3A_139] : memref<10000x64xf32, #tpu.memory_space<vmem_shared>> -> memref<120x64xf32, #tpu.memory_space<vmem_shared>>
        %dma_start3A_141 = arith.constant 0 : i32
        %dma_start3A_142 = arith.constant 0 : i32
        %dma_start3A_143 = tpu.memref_slice %arg11[%dma_start3A_141, %dma_start3A_142] : memref<128x64xf32, #tpu.memory_space<vmem>> -> memref<120x64xf32, #tpu.memory_space<vmem>>
        tpu.enqueue_dma source(%dma_start3A_143 : memref<120x64xf32, #tpu.memory_space<vmem>>) target(%dma_start3A_140 : memref<120x64xf32, #tpu.memory_space<vmem_shared>>) target_semaphore(%run_scoped3A : memref<!tpu.dma_semaphore, #tpu.memory_space<semaphore_mem>>)
        %dma_wait3A_144 = arith.constant 0 : i32
        %dma_wait3A_145 = arith.constant 0 : i32
        %dma_wait3A_146 = tpu.memref_slice %arg11[%dma_wait3A_144, %dma_wait3A_145] : memref<128x64xf32, #tpu.memory_space<vmem>> -> memref<120x64xf32, #tpu.memory_space<vmem>>
        %dma_wait3A_147 = arith.constant 0 : i32
        %dma_wait3A_148 = tpu.memref_slice %arg15[%add3A_133, %dma_wait3A_147] : memref<10000x64xf32, #tpu.memory_space<vmem_shared>> -> memref<120x64xf32, #tpu.memory_space<vmem_shared>>
        %dma_wait3A_149 = arith.constant 0 : i32
        %dma_wait3A_150 = tpu.memref_slice %arg15[%add3A_133, %dma_wait3A_149] : memref<10000x64xf32, #tpu.memory_space<vmem_shared>> -> memref<120x64xf32, #tpu.memory_space<vmem_shared>>
        %dma_wait3A_151 = arith.constant 0 : i32
        %dma_wait3A_152 = arith.constant 0 : i32
        %dma_wait3A_153 = tpu.memref_slice %arg11[%dma_wait3A_151, %dma_wait3A_152] : memref<128x64xf32, #tpu.memory_space<vmem>> -> memref<120x64xf32, #tpu.memory_space<vmem>>
        tpu.wait_dma2 semaphore(%run_scoped3A : memref<!tpu.dma_semaphore, #tpu.memory_space<semaphore_mem>>) src(%dma_wait3A_153 : memref<120x64xf32, #tpu.memory_space<vmem>>) dst(%dma_wait3A_150 : memref<120x64xf32, #tpu.memory_space<vmem_shared>>)
        tpu.yield
      }) : () -> ()
    } else {
    }
    %eq3A = arith.constant 15 : i32
    %eq3A_11 = arith.cmpi eq, %arg1, %eq3A : i32
    %convert_element_type3A_12 = arith.extui %eq3A_11 : i1 to i32
    %cond3A_13 = arith.constant 0 : i32
    %cond3A_14 = arith.cmpi ne, %convert_element_type3A_12, %cond3A_13 : i32
    scf.if %cond3A_14 {
      %add3A_124 = arith.constant 0 : i32
      %add3A_125 = arith.addi %mul3A_2, %add3A_124 : i32
      "tpu.region"() ({
        %run_scoped3A = tpu.sem_alloc : memref<!tpu.dma_semaphore, #tpu.memory_space<semaphore_mem>>
        %dma_start3A_134 = arith.constant 0 : i32
        %dma_start3A_135 = tpu.memref_slice %arg15[%add3A_125, %dma_start3A_134] : memref<10000x64xf32, #tpu.memory_space<vmem_shared>> -> memref<128x64xf32, #tpu.memory_space<vmem_shared>>
        %dma_start3A_136 = arith.constant 0 : i32
        %dma_start3A_137 = tpu.memref_slice %arg15[%add3A_125, %dma_start3A_136] : memref<10000x64xf32, #tpu.memory_space<vmem_shared>> -> memref<128x64xf32, #tpu.memory_space<vmem_shared>>
        tpu.enqueue_dma source(%arg11 : memref<128x64xf32, #tpu.memory_space<vmem>>) target(%dma_start3A_137 : memref<128x64xf32, #tpu.memory_space<vmem_shared>>) target_semaphore(%run_scoped3A : memref<!tpu.dma_semaphore, #tpu.memory_space<semaphore_mem>>)
        %dma_wait3A_138 = arith.constant 0 : i32
        %dma_wait3A_139 = tpu.memref_slice %arg15[%add3A_125, %dma_wait3A_138] : memref<10000x64xf32, #tpu.memory_space<vmem_shared>> -> memref<128x64xf32, #tpu.memory_space<vmem_shared>>
        %dma_wait3A_140 = arith.constant 0 : i32
        %dma_wait3A_141 = tpu.memref_slice %arg15[%add3A_125, %dma_wait3A_140] : memref<10000x64xf32, #tpu.memory_space<vmem_shared>> -> memref<128x64xf32, #tpu.memory_space<vmem_shared>>
        tpu.wait_dma2 semaphore(%run_scoped3A : memref<!tpu.dma_semaphore, #tpu.memory_space<semaphore_mem>>) src(%arg11 : memref<128x64xf32, #tpu.memory_space<vmem>>) dst(%dma_wait3A_141 : memref<128x64xf32, #tpu.memory_space<vmem_shared>>)
        tpu.yield
      }) : () -> ()
      %add3A_126 = arith.constant 128 : i32
      %add3A_127 = arith.addi %mul3A_2, %add3A_126 : i32
      "tpu.region"() ({
        %run_scoped3A = tpu.sem_alloc : memref<!tpu.dma_semaphore, #tpu.memory_space<semaphore_mem>>
        %dma_start3A_134 = arith.constant 0 : i32
        %dma_start3A_135 = tpu.memref_slice %arg15[%add3A_127, %dma_start3A_134] : memref<10000x64xf32, #tpu.memory_space<vmem_shared>> -> memref<128x64xf32, #tpu.memory_space<vmem_shared>>
        %dma_start3A_136 = arith.constant 0 : i32
        %dma_start3A_137 = tpu.memref_slice %arg15[%add3A_127, %dma_start3A_136] : memref<10000x64xf32, #tpu.memory_space<vmem_shared>> -> memref<128x64xf32, #tpu.memory_space<vmem_shared>>
        tpu.enqueue_dma source(%arg11 : memref<128x64xf32, #tpu.memory_space<vmem>>) target(%dma_start3A_137 : memref<128x64xf32, #tpu.memory_space<vmem_shared>>) target_semaphore(%run_scoped3A : memref<!tpu.dma_semaphore, #tpu.memory_space<semaphore_mem>>)
        %dma_wait3A_138 = arith.constant 0 : i32
        %dma_wait3A_139 = tpu.memref_slice %arg15[%add3A_127, %dma_wait3A_138] : memref<10000x64xf32, #tpu.memory_space<vmem_shared>> -> memref<128x64xf32, #tpu.memory_space<vmem_shared>>
        %dma_wait3A_140 = arith.constant 0 : i32
        %dma_wait3A_141 = tpu.memref_slice %arg15[%add3A_127, %dma_wait3A_140] : memref<10000x64xf32, #tpu.memory_space<vmem_shared>> -> memref<128x64xf32, #tpu.memory_space<vmem_shared>>
        tpu.wait_dma2 semaphore(%run_scoped3A : memref<!tpu.dma_semaphore, #tpu.memory_space<semaphore_mem>>) src(%arg11 : memref<128x64xf32, #tpu.memory_space<vmem>>) dst(%dma_wait3A_141 : memref<128x64xf32, #tpu.memory_space<vmem_shared>>)
        tpu.yield
      }) : () -> ()
      %add3A_128 = arith.constant 256 : i32
      %add3A_129 = arith.addi %mul3A_2, %add3A_128 : i32
      "tpu.region"() ({
        %run_scoped3A = tpu.sem_alloc : memref<!tpu.dma_semaphore, #tpu.memory_space<semaphore_mem>>
        %dma_start3A_134 = arith.constant 0 : i32
        %dma_start3A_135 = tpu.memref_slice %arg15[%add3A_129, %dma_start3A_134] : memref<10000x64xf32, #tpu.memory_space<vmem_shared>> -> memref<128x64xf32, #tpu.memory_space<vmem_shared>>
        %dma_start3A_136 = arith.constant 0 : i32
        %dma_start3A_137 = tpu.memref_slice %arg15[%add3A_129, %dma_start3A_136] : memref<10000x64xf32, #tpu.memory_space<vmem_shared>> -> memref<128x64xf32, #tpu.memory_space<vmem_shared>>
        tpu.enqueue_dma source(%arg11 : memref<128x64xf32, #tpu.memory_space<vmem>>) target(%dma_start3A_137 : memref<128x64xf32, #tpu.memory_space<vmem_shared>>) target_semaphore(%run_scoped3A : memref<!tpu.dma_semaphore, #tpu.memory_space<semaphore_mem>>)
        %dma_wait3A_138 = arith.constant 0 : i32
        %dma_wait3A_139 = tpu.memref_slice %arg15[%add3A_129, %dma_wait3A_138] : memref<10000x64xf32, #tpu.memory_space<vmem_shared>> -> memref<128x64xf32, #tpu.memory_space<vmem_shared>>
        %dma_wait3A_140 = arith.constant 0 : i32
        %dma_wait3A_141 = tpu.memref_slice %arg15[%add3A_129, %dma_wait3A_140] : memref<10000x64xf32, #tpu.memory_space<vmem_shared>> -> memref<128x64xf32, #tpu.memory_space<vmem_shared>>
        tpu.wait_dma2 semaphore(%run_scoped3A : memref<!tpu.dma_semaphore, #tpu.memory_space<semaphore_mem>>) src(%arg11 : memref<128x64xf32, #tpu.memory_space<vmem>>) dst(%dma_wait3A_141 : memref<128x64xf32, #tpu.memory_space<vmem_shared>>)
        tpu.yield
      }) : () -> ()
      %add3A_130 = arith.constant 384 : i32
      %add3A_131 = arith.addi %mul3A_2, %add3A_130 : i32
      "tpu.region"() ({
        %run_scoped3A = tpu.sem_alloc : memref<!tpu.dma_semaphore, #tpu.memory_space<semaphore_mem>>
        %dma_start3A_134 = arith.constant 0 : i32
        %dma_start3A_135 = tpu.memref_slice %arg15[%add3A_131, %dma_start3A_134] : memref<10000x64xf32, #tpu.memory_space<vmem_shared>> -> memref<128x64xf32, #tpu.memory_space<vmem_shared>>
        %dma_start3A_136 = arith.constant 0 : i32
        %dma_start3A_137 = tpu.memref_slice %arg15[%add3A_131, %dma_start3A_136] : memref<10000x64xf32, #tpu.memory_space<vmem_shared>> -> memref<128x64xf32, #tpu.memory_space<vmem_shared>>
        tpu.enqueue_dma source(%arg11 : memref<128x64xf32, #tpu.memory_space<vmem>>) target(%dma_start3A_137 : memref<128x64xf32, #tpu.memory_space<vmem_shared>>) target_semaphore(%run_scoped3A : memref<!tpu.dma_semaphore, #tpu.memory_space<semaphore_mem>>)
        %dma_wait3A_138 = arith.constant 0 : i32
        %dma_wait3A_139 = tpu.memref_slice %arg15[%add3A_131, %dma_wait3A_138] : memref<10000x64xf32, #tpu.memory_space<vmem_shared>> -> memref<128x64xf32, #tpu.memory_space<vmem_shared>>
        %dma_wait3A_140 = arith.constant 0 : i32
        %dma_wait3A_141 = tpu.memref_slice %arg15[%add3A_131, %dma_wait3A_140] : memref<10000x64xf32, #tpu.memory_space<vmem_shared>> -> memref<128x64xf32, #tpu.memory_space<vmem_shared>>
        tpu.wait_dma2 semaphore(%run_scoped3A : memref<!tpu.dma_semaphore, #tpu.memory_space<semaphore_mem>>) src(%arg11 : memref<128x64xf32, #tpu.memory_space<vmem>>) dst(%dma_wait3A_141 : memref<128x64xf32, #tpu.memory_space<vmem_shared>>)
        tpu.yield
      }) : () -> ()
      %add3A_132 = arith.constant 512 : i32
      %add3A_133 = arith.addi %mul3A_2, %add3A_132 : i32
      "tpu.region"() ({
        %run_scoped3A = tpu.sem_alloc : memref<!tpu.dma_semaphore, #tpu.memory_space<semaphore_mem>>
        %dma_start3A_134 = arith.constant 0 : i32
        %dma_start3A_135 = arith.constant 0 : i32
        %dma_start3A_136 = tpu.memref_slice %arg11[%dma_start3A_134, %dma_start3A_135] : memref<128x64xf32, #tpu.memory_space<vmem>> -> memref<8x64xf32, #tpu.memory_space<vmem>>
        %dma_start3A_137 = arith.constant 0 : i32
        %dma_start3A_138 = tpu.memref_slice %arg15[%add3A_133, %dma_start3A_137] : memref<10000x64xf32, #tpu.memory_space<vmem_shared>> -> memref<8x64xf32, #tpu.memory_space<vmem_shared>>
        %dma_start3A_139 = arith.constant 0 : i32
        %dma_start3A_140 = tpu.memref_slice %arg15[%add3A_133, %dma_start3A_139] : memref<10000x64xf32, #tpu.memory_space<vmem_shared>> -> memref<8x64xf32, #tpu.memory_space<vmem_shared>>
        %dma_start3A_141 = arith.constant 0 : i32
        %dma_start3A_142 = arith.constant 0 : i32
        %dma_start3A_143 = tpu.memref_slice %arg11[%dma_start3A_141, %dma_start3A_142] : memref<128x64xf32, #tpu.memory_space<vmem>> -> memref<8x64xf32, #tpu.memory_space<vmem>>
        tpu.enqueue_dma source(%dma_start3A_143 : memref<8x64xf32, #tpu.memory_space<vmem>>) target(%dma_start3A_140 : memref<8x64xf32, #tpu.memory_space<vmem_shared>>) target_semaphore(%run_scoped3A : memref<!tpu.dma_semaphore, #tpu.memory_space<semaphore_mem>>)
        %dma_wait3A_144 = arith.constant 0 : i32
        %dma_wait3A_145 = arith.constant 0 : i32
        %dma_wait3A_146 = tpu.memref_slice %arg11[%dma_wait3A_144, %dma_wait3A_145] : memref<128x64xf32, #tpu.memory_space<vmem>> -> memref<8x64xf32, #tpu.memory_space<vmem>>
        %dma_wait3A_147 = arith.constant 0 : i32
        %dma_wait3A_148 = tpu.memref_slice %arg15[%add3A_133, %dma_wait3A_147] : memref<10000x64xf32, #tpu.memory_space<vmem_shared>> -> memref<8x64xf32, #tpu.memory_space<vmem_shared>>
        %dma_wait3A_149 = arith.constant 0 : i32
        %dma_wait3A_150 = tpu.memref_slice %arg15[%add3A_133, %dma_wait3A_149] : memref<10000x64xf32, #tpu.memory_space<vmem_shared>> -> memref<8x64xf32, #tpu.memory_space<vmem_shared>>
        %dma_wait3A_151 = arith.constant 0 : i32
        %dma_wait3A_152 = arith.constant 0 : i32
        %dma_wait3A_153 = tpu.memref_slice %arg11[%dma_wait3A_151, %dma_wait3A_152] : memref<128x64xf32, #tpu.memory_space<vmem>> -> memref<8x64xf32, #tpu.memory_space<vmem>>
        tpu.wait_dma2 semaphore(%run_scoped3A : memref<!tpu.dma_semaphore, #tpu.memory_space<semaphore_mem>>) src(%dma_wait3A_153 : memref<8x64xf32, #tpu.memory_space<vmem>>) dst(%dma_wait3A_150 : memref<8x64xf32, #tpu.memory_space<vmem_shared>>)
        tpu.yield
      }) : () -> ()
    } else {
    }
    %barrier3A = arith.constant 0 : index
    tpu.barrier barrier_id(%barrier3A)
    %dma_start3A = arith.constant 0 : i32
    %dma_start3A_15 = arith.constant 0 : i32
    %dma_start3A_16 = tpu.memref_slice %arg8[%dma_start3A, %dma_start3A_15] : memref<80x128xi32, #tpu.memory_space<vmem>> -> memref<1x128xi32, #tpu.memory_space<vmem>>
    %dma_start3A_17 = tpu.memref_squeeze %dma_start3A_16 : memref<1x128xi32, #tpu.memory_space<vmem>> -> memref<128xi32, #tpu.memory_space<vmem>>
    %dma_start3A_18 = arith.constant 0 : i32
    %dma_start3A_19 = arith.constant 0 : i32
    %dma_start3A_20 = tpu.memref_slice %arg5[%dma_start3A_18, %dma_start3A_19] : memref<10000x64xf32, #tpu.memory_space<hbm>> -> memref<10000x64xf32, #tpu.memory_space<hbm>>
    tpu.enqueue_indirect_dma source(%dma_start3A_20 : memref<10000x64xf32, #tpu.memory_space<hbm>>) target(%arg11 : memref<128x64xf32, #tpu.memory_space<vmem>>) offsets(%dma_start3A_17 : memref<128xi32, #tpu.memory_space<vmem>>) semaphore(%arg16 : memref<!tpu.dma_semaphore, #tpu.memory_space<semaphore_mem>>)
    %dma_start3A_21 = arith.constant 1 : i32
    %dma_start3A_22 = arith.constant 0 : i32
    %dma_start3A_23 = tpu.memref_slice %arg8[%dma_start3A_21, %dma_start3A_22] : memref<80x128xi32, #tpu.memory_space<vmem>> -> memref<1x128xi32, #tpu.memory_space<vmem>>
    %dma_start3A_24 = tpu.memref_squeeze %dma_start3A_23 : memref<1x128xi32, #tpu.memory_space<vmem>> -> memref<128xi32, #tpu.memory_space<vmem>>
    %dma_start3A_25 = arith.constant 0 : i32
    %dma_start3A_26 = arith.constant 0 : i32
    %dma_start3A_27 = tpu.memref_slice %arg5[%dma_start3A_25, %dma_start3A_26] : memref<10000x64xf32, #tpu.memory_space<hbm>> -> memref<10000x64xf32, #tpu.memory_space<hbm>>
    tpu.enqueue_indirect_dma source(%dma_start3A_27 : memref<10000x64xf32, #tpu.memory_space<hbm>>) target(%arg12 : memref<128x64xf32, #tpu.memory_space<vmem>>) offsets(%dma_start3A_24 : memref<128xi32, #tpu.memory_space<vmem>>) semaphore(%arg17 : memref<!tpu.dma_semaphore, #tpu.memory_space<semaphore_mem>>)
    %scan3A_28 = arith.constant 0 : i32
    %scan3A_29 = arith.constant 0 : i32
    %scan3A_30 = arith.constant 40 : i32
    %scan3A_31 = arith.addi %scan3A_29, %scan3A_30 : i32
    %scan3A_32 = arith.constant 1 : i32
    %scan3A_33 = scf.for %scan3A_124 = %scan3A_29 to %scan3A_31 step %scan3A_32 iter_args(%scan3A_125 = %scan3A_28) -> (i32)  : i32 {
      %mul3A_126 = arith.constant 2 : i32
      %mul3A_127 = arith.muli %mul3A_126, %scan3A_124 : i32
      %add3A_128 = arith.constant 0 : i32
      %add3A_129 = arith.addi %mul3A_127, %add3A_128 : i32
      %dma_wait3A_130 = arith.constant 0 : i32
      %dma_wait3A_131 = tpu.memref_slice %arg8[%add3A_129, %dma_wait3A_130] : memref<80x128xi32, #tpu.memory_space<vmem>> -> memref<1x128xi32, #tpu.memory_space<vmem>>
      %dma_wait3A_132 = tpu.memref_squeeze %dma_wait3A_131 : memref<1x128xi32, #tpu.memory_space<vmem>> -> memref<128xi32, #tpu.memory_space<vmem>>
      %dma_wait3A_133 = arith.constant 0 : i32
      %dma_wait3A_134 = arith.constant 0 : i32
      %dma_wait3A_135 = tpu.memref_slice %arg5[%dma_wait3A_133, %dma_wait3A_134] : memref<10000x64xf32, #tpu.memory_space<hbm>> -> memref<10000x64xf32, #tpu.memory_space<hbm>>
      tpu.wait_indirect_dma semaphore(%arg16 : memref<!tpu.dma_semaphore, #tpu.memory_space<semaphore_mem>>) src(%dma_wait3A_135 : memref<10000x64xf32, #tpu.memory_space<hbm>>) dst(%arg11 : memref<128x64xf32, #tpu.memory_space<vmem>>)
      %ge3A = arith.constant 2 : i32
      %ge3A_136 = arith.cmpi sge, %add3A_129, %ge3A : i32
      %convert_element_type3A_137 = arith.extui %ge3A_136 : i1 to i32
      %cond3A_138 = arith.constant 0 : i32
      %cond3A_139 = arith.cmpi ne, %convert_element_type3A_137, %cond3A_138 : i32
      scf.if %cond3A_139 {
        %dma_wait3A_196 = arith.constant 0 : i32
        %dma_wait3A_197 = tpu.memref_slice %arg9[%add3A_129, %dma_wait3A_196] : memref<80x128xi32, #tpu.memory_space<vmem>> -> memref<1x128xi32, #tpu.memory_space<vmem>>
        %dma_wait3A_198 = tpu.memref_squeeze %dma_wait3A_197 : memref<1x128xi32, #tpu.memory_space<vmem>> -> memref<128xi32, #tpu.memory_space<vmem>>
        %dma_wait3A_199 = arith.constant 0 : i32
        %dma_wait3A_200 = arith.constant 0 : i32
        %dma_wait3A_201 = tpu.memref_slice %arg15[%dma_wait3A_199, %dma_wait3A_200] : memref<10000x64xf32, #tpu.memory_space<vmem_shared>> -> memref<10000x64xf32, #tpu.memory_space<vmem_shared>>
        tpu.wait_indirect_dma semaphore(%arg18 : memref<!tpu.dma_semaphore, #tpu.memory_space<semaphore_mem>>) src(%arg13 : memref<128x64xf32, #tpu.memory_space<vmem>>) dst(%dma_wait3A_201 : memref<10000x64xf32, #tpu.memory_space<vmem_shared>>)
      } else {
      }
      %scan3A_140 = arith.constant 0 : i32
      %scan3A_141 = arith.constant 0 : i32
      %scan3A_142 = arith.constant 8 : i32
      %scan3A_143 = arith.addi %scan3A_141, %scan3A_142 : i32
      %scan3A_144 = arith.constant 1 : i32
      %scan3A_145 = scf.for %scan3A_196 = %scan3A_141 to %scan3A_143 step %scan3A_144 iter_args(%scan3A_197 = %scan3A_140) -> (i32)  : i32 {
        %mul3A_198 = arith.constant 16 : i32
        %mul3A_199 = arith.muli %scan3A_196, %mul3A_198 : i32
        %get3A = arith.index_cast %add3A_129 : i32 to index
        %get3A_200 = arith.index_cast %mul3A_199 : i32 to index
        %get3A_201 = tpu.vector_load %arg10[%get3A, %get3A_200] {strides = array<i32>} : memref<80x128xf32, #tpu.memory_space<vmem>>, vector<1x16xf32>,
        %get3A_202 = vector.shape_cast %get3A_201 : vector<1x16xf32> to vector<16xf32>
        %mul3A_203 = arith.constant 16 : i32
        %mul3A_204 = arith.muli %scan3A_196, %mul3A_203 : i32
        %add3A_205 = arith.constant 0 : i32
        %add3A_206 = arith.addi %mul3A_204, %add3A_205 : i32
        %slice3A = vector.extract_strided_slice %get3A_202 {offsets = [0], sizes = [1], strides = [1]} : vector<16xf32> to vector<1xf32>
        %squeeze3A = vector.extract %slice3A[0] : f32 from vector<1xf32>
        %get3A_207 = arith.index_cast %add3A_206 : i32 to index
        %get3A_208 = arith.constant 0 : index
        %get3A_209 = tpu.vector_load %arg11[%get3A_207, %get3A_208] {strides = array<i32>} : memref<128x64xf32, #tpu.memory_space<vmem>>, vector<1x16xf32>,
        %get3A_210 = vector.shape_cast %get3A_209 : vector<1x16xf32> to vector<16xf32>
        %mul3A_211 = vector.broadcast %squeeze3A : f32 to vector<16xf32>
        %mul3A_212 = arith.mulf %get3A_210, %mul3A_211 : vector<16xf32>
        %swap3A = arith.index_cast %add3A_206 : i32 to index
        %swap3A_213 = arith.constant 0 : index
        %swap3A_214 = tpu.vector_load %arg13[%swap3A, %swap3A_213] {strides = array<i32>} : memref<128x64xf32, #tpu.memory_space<vmem>>, vector<1x16xf32>,
        %swap3A_215 = vector.shape_cast %swap3A_214 : vector<1x16xf32> to vector<16xf32>
        %swap3A_216 = vector.shape_cast %mul3A_212 : vector<16xf32> to vector<1x16xf32>
        tpu.vector_store %arg13[%swap3A, %swap3A_213], %swap3A_216 {strides = array<i32>} : memref<128x64xf32, #tpu.memory_space<vmem>>, vector<1x16xf32>,
        %get3A_217 = arith.index_cast %add3A_206 : i32 to index
        %get3A_218 = arith.constant 16 : index
        %get3A_219 = tpu.vector_load %arg11[%get3A_217, %get3A_218] {strides = array<i32>} : memref<128x64xf32, #tpu.memory_space<vmem>>, vector<1x16xf32>,
        %get3A_220 = vector.shape_cast %get3A_219 : vector<1x16xf32> to vector<16xf32>
        %mul3A_221 = vector.broadcast %squeeze3A : f32 to vector<16xf32>
        %mul3A_222 = arith.mulf %get3A_220, %mul3A_221 : vector<16xf32>
        %swap3A_223 = arith.index_cast %add3A_206 : i32 to index
        %swap3A_224 = arith.constant 16 : index
        %swap3A_225 = tpu.vector_load %arg13[%swap3A_223, %swap3A_224] {strides = array<i32>} : memref<128x64xf32, #tpu.memory_space<vmem>>, vector<1x16xf32>,
        %swap3A_226 = vector.shape_cast %swap3A_225 : vector<1x16xf32> to vector<16xf32>
        %swap3A_227 = vector.shape_cast %mul3A_222 : vector<16xf32> to vector<1x16xf32>
        tpu.vector_store %arg13[%swap3A_223, %swap3A_224], %swap3A_227 {strides = array<i32>} : memref<128x64xf32, #tpu.memory_space<vmem>>, vector<1x16xf32>,
        %get3A_228 = arith.index_cast %add3A_206 : i32 to index
        %get3A_229 = arith.constant 32 : index
        %get3A_230 = tpu.vector_load %arg11[%get3A_228, %get3A_229] {strides = array<i32>} : memref<128x64xf32, #tpu.memory_space<vmem>>, vector<1x16xf32>,
        %get3A_231 = vector.shape_cast %get3A_230 : vector<1x16xf32> to vector<16xf32>
        %mul3A_232 = vector.broadcast %squeeze3A : f32 to vector<16xf32>
        %mul3A_233 = arith.mulf %get3A_231, %mul3A_232 : vector<16xf32>
        %swap3A_234 = arith.index_cast %add3A_206 : i32 to index
        %swap3A_235 = arith.constant 32 : index
        %swap3A_236 = tpu.vector_load %arg13[%swap3A_234, %swap3A_235] {strides = array<i32>} : memref<128x64xf32, #tpu.memory_space<vmem>>, vector<1x16xf32>,
        %swap3A_237 = vector.shape_cast %swap3A_236 : vector<1x16xf32> to vector<16xf32>
        %swap3A_238 = vector.shape_cast %mul3A_233 : vector<16xf32> to vector<1x16xf32>
        tpu.vector_store %arg13[%swap3A_234, %swap3A_235], %swap3A_238 {strides = array<i32>} : memref<128x64xf32, #tpu.memory_space<vmem>>, vector<1x16xf32>,
        %get3A_239 = arith.index_cast %add3A_206 : i32 to index
        %get3A_240 = arith.constant 48 : index
        %get3A_241 = tpu.vector_load %arg11[%get3A_239, %get3A_240] {strides = array<i32>} : memref<128x64xf32, #tpu.memory_space<vmem>>, vector<1x16xf32>,
        %get3A_242 = vector.shape_cast %get3A_241 : vector<1x16xf32> to vector<16xf32>
        %mul3A_243 = vector.broadcast %squeeze3A : f32 to vector<16xf32>
        %mul3A_244 = arith.mulf %get3A_242, %mul3A_243 : vector<16xf32>
        %swap3A_245 = arith.index_cast %add3A_206 : i32 to index
        %swap3A_246 = arith.constant 48 : index
        %swap3A_247 = tpu.vector_load %arg13[%swap3A_245, %swap3A_246] {strides = array<i32>} : memref<128x64xf32, #tpu.memory_space<vmem>>, vector<1x16xf32>,
        %swap3A_248 = vector.shape_cast %swap3A_247 : vector<1x16xf32> to vector<16xf32>
        %swap3A_249 = vector.shape_cast %mul3A_244 : vector<16xf32> to vector<1x16xf32>
        tpu.vector_store %arg13[%swap3A_245, %swap3A_246], %swap3A_249 {strides = array<i32>} : memref<128x64xf32, #tpu.memory_space<vmem>>, vector<1x16xf32>,
        %mul3A_250 = arith.constant 16 : i32
        %mul3A_251 = arith.muli %scan3A_196, %mul3A_250 : i32
        %add3A_252 = arith.constant 1 : i32
        %add3A_253 = arith.addi %mul3A_251, %add3A_252 : i32
        %slice3A_254 = vector.extract_strided_slice %get3A_202 {offsets = [1], sizes = [1], strides = [1]} : vector<16xf32> to vector<1xf32>
        %squeeze3A_255 = vector.extract %slice3A_254[0] : f32 from vector<1xf32>
        %get3A_256 = arith.index_cast %add3A_253 : i32 to index
        %get3A_257 = arith.constant 0 : index
        %get3A_258 = tpu.vector_load %arg11[%get3A_256, %get3A_257] {strides = array<i32>} : memref<128x64xf32, #tpu.memory_space<vmem>>, vector<1x16xf32>,
        %get3A_259 = vector.shape_cast %get3A_258 : vector<1x16xf32> to vector<16xf32>
        %mul3A_260 = vector.broadcast %squeeze3A_255 : f32 to vector<16xf32>
        %mul3A_261 = arith.mulf %get3A_259, %mul3A_260 : vector<16xf32>
        %swap3A_262 = arith.index_cast %add3A_253 : i32 to index
        %swap3A_263 = arith.constant 0 : index
        %swap3A_264 = tpu.vector_load %arg13[%swap3A_262, %swap3A_263] {strides = array<i32>} : memref<128x64xf32, #tpu.memory_space<vmem>>, vector<1x16xf32>,
        %swap3A_265 = vector.shape_cast %swap3A_264 : vector<1x16xf32> to vector<16xf32>
        %swap3A_266 = vector.shape_cast %mul3A_261 : vector<16xf32> to vector<1x16xf32>
        tpu.vector_store %arg13[%swap3A_262, %swap3A_263], %swap3A_266 {strides = array<i32>} : memref<128x64xf32, #tpu.memory_space<vmem>>, vector<1x16xf32>,
        %get3A_267 = arith.index_cast %add3A_253 : i32 to index
        %get3A_268 = arith.constant 16 : index
        %get3A_269 = tpu.vector_load %arg11[%get3A_267, %get3A_268] {strides = array<i32>} : memref<128x64xf32, #tpu.memory_space<vmem>>, vector<1x16xf32>,
        %get3A_270 = vector.shape_cast %get3A_269 : vector<1x16xf32> to vector<16xf32>
        %mul3A_271 = vector.broadcast %squeeze3A_255 : f32 to vector<16xf32>
        %mul3A_272 = arith.mulf %get3A_270, %mul3A_271 : vector<16xf32>
        %swap3A_273 = arith.index_cast %add3A_253 : i32 to index
        %swap3A_274 = arith.constant 16 : index
        %swap3A_275 = tpu.vector_load %arg13[%swap3A_273, %swap3A_274] {strides = array<i32>} : memref<128x64xf32, #tpu.memory_space<vmem>>, vector<1x16xf32>,
        %swap3A_276 = vector.shape_cast %swap3A_275 : vector<1x16xf32> to vector<16xf32>
        %swap3A_277 = vector.shape_cast %mul3A_272 : vector<16xf32> to vector<1x16xf32>
        tpu.vector_store %arg13[%swap3A_273, %swap3A_274], %swap3A_277 {strides = array<i32>} : memref<128x64xf32, #tpu.memory_space<vmem>>, vector<1x16xf32>,
        %get3A_278 = arith.index_cast %add3A_253 : i32 to index
        %get3A_279 = arith.constant 32 : index
        %get3A_280 = tpu.vector_load %arg11[%get3A_278, %get3A_279] {strides = array<i32>} : memref<128x64xf32, #tpu.memory_space<vmem>>, vector<1x16xf32>,
        %get3A_281 = vector.shape_cast %get3A_280 : vector<1x16xf32> to vector<16xf32>
        %mul3A_282 = vector.broadcast %squeeze3A_255 : f32 to vector<16xf32>
        %mul3A_283 = arith.mulf %get3A_281, %mul3A_282 : vector<16xf32>
        %swap3A_284 = arith.index_cast %add3A_253 : i32 to index
        %swap3A_285 = arith.constant 32 : index
        %swap3A_286 = tpu.vector_load %arg13[%swap3A_284, %swap3A_285] {strides = array<i32>} : memref<128x64xf32, #tpu.memory_space<vmem>>, vector<1x16xf32>,
        %swap3A_287 = vector.shape_cast %swap3A_286 : vector<1x16xf32> to vector<16xf32>
        %swap3A_288 = vector.shape_cast %mul3A_283 : vector<16xf32> to vector<1x16xf32>
        tpu.vector_store %arg13[%swap3A_284, %swap3A_285], %swap3A_288 {strides = array<i32>} : memref<128x64xf32, #tpu.memory_space<vmem>>, vector<1x16xf32>,
        %get3A_289 = arith.index_cast %add3A_253 : i32 to index
        %get3A_290 = arith.constant 48 : index
        %get3A_291 = tpu.vector_load %arg11[%get3A_289, %get3A_290] {strides = array<i32>} : memref<128x64xf32, #tpu.memory_space<vmem>>, vector<1x16xf32>,
        %get3A_292 = vector.shape_cast %get3A_291 : vector<1x16xf32> to vector<16xf32>
        %mul3A_293 = vector.broadcast %squeeze3A_255 : f32 to vector<16xf32>
        %mul3A_294 = arith.mulf %get3A_292, %mul3A_293 : vector<16xf32>
        %swap3A_295 = arith.index_cast %add3A_253 : i32 to index
        %swap3A_296 = arith.constant 48 : index
        %swap3A_297 = tpu.vector_load %arg13[%swap3A_295, %swap3A_296] {strides = array<i32>} : memref<128x64xf32, #tpu.memory_space<vmem>>, vector<1x16xf32>,
        %swap3A_298 = vector.shape_cast %swap3A_297 : vector<1x16xf32> to vector<16xf32>
        %swap3A_299 = vector.shape_cast %mul3A_294 : vector<16xf32> to vector<1x16xf32>
        tpu.vector_store %arg13[%swap3A_295, %swap3A_296], %swap3A_299 {strides = array<i32>} : memref<128x64xf32, #tpu.memory_space<vmem>>, vector<1x16xf32>,
        %mul3A_300 = arith.constant 16 : i32
        %mul3A_301 = arith.muli %scan3A_196, %mul3A_300 : i32
        %add3A_302 = arith.constant 2 : i32
        %add3A_303 = arith.addi %mul3A_301, %add3A_302 : i32
        %slice3A_304 = vector.extract_strided_slice %get3A_202 {offsets = [2], sizes = [1], strides = [1]} : vector<16xf32> to vector<1xf32>
        %squeeze3A_305 = vector.extract %slice3A_304[0] : f32 from vector<1xf32>
        %get3A_306 = arith.index_cast %add3A_303 : i32 to index
        %get3A_307 = arith.constant 0 : index
        %get3A_308 = tpu.vector_load %arg11[%get3A_306, %get3A_307] {strides = array<i32>} : memref<128x64xf32, #tpu.memory_space<vmem>>, vector<1x16xf32>,
        %get3A_309 = vector.shape_cast %get3A_308 : vector<1x16xf32> to vector<16xf32>
        %mul3A_310 = vector.broadcast %squeeze3A_305 : f32 to vector<16xf32>
        %mul3A_311 = arith.mulf %get3A_309, %mul3A_310 : vector<16xf32>
        %swap3A_312 = arith.index_cast %add3A_303 : i32 to index
        %swap3A_313 = arith.constant 0 : index
        %swap3A_314 = tpu.vector_load %arg13[%swap3A_312, %swap3A_313] {strides = array<i32>} : memref<128x64xf32, #tpu.memory_space<vmem>>, vector<1x16xf32>,
        %swap3A_315 = vector.shape_cast %swap3A_314 : vector<1x16xf32> to vector<16xf32>
        %swap3A_316 = vector.shape_cast %mul3A_311 : vector<16xf32> to vector<1x16xf32>
        tpu.vector_store %arg13[%swap3A_312, %swap3A_313], %swap3A_316 {strides = array<i32>} : memref<128x64xf32, #tpu.memory_space<vmem>>, vector<1x16xf32>,
        %get3A_317 = arith.index_cast %add3A_303 : i32 to index
        %get3A_318 = arith.constant 16 : index
        %get3A_319 = tpu.vector_load %arg11[%get3A_317, %get3A_318] {strides = array<i32>} : memref<128x64xf32, #tpu.memory_space<vmem>>, vector<1x16xf32>,
        %get3A_320 = vector.shape_cast %get3A_319 : vector<1x16xf32> to vector<16xf32>
        %mul3A_321 = vector.broadcast %squeeze3A_305 : f32 to vector<16xf32>
        %mul3A_322 = arith.mulf %get3A_320, %mul3A_321 : vector<16xf32>
        %swap3A_323 = arith.index_cast %add3A_303 : i32 to index
        %swap3A_324 = arith.constant 16 : index
        %swap3A_325 = tpu.vector_load %arg13[%swap3A_323, %swap3A_324] {strides = array<i32>} : memref<128x64xf32, #tpu.memory_space<vmem>>, vector<1x16xf32>,
        %swap3A_326 = vector.shape_cast %swap3A_325 : vector<1x16xf32> to vector<16xf32>
        %swap3A_327 = vector.shape_cast %mul3A_322 : vector<16xf32> to vector<1x16xf32>
        tpu.vector_store %arg13[%swap3A_323, %swap3A_324], %swap3A_327 {strides = array<i32>} : memref<128x64xf32, #tpu.memory_space<vmem>>, vector<1x16xf32>,
        %get3A_328 = arith.index_cast %add3A_303 : i32 to index
        %get3A_329 = arith.constant 32 : index
        %get3A_330 = tpu.vector_load %arg11[%get3A_328, %get3A_329] {strides = array<i32>} : memref<128x64xf32, #tpu.memory_space<vmem>>, vector<1x16xf32>,
        %get3A_331 = vector.shape_cast %get3A_330 : vector<1x16xf32> to vector<16xf32>
        %mul3A_332 = vector.broadcast %squeeze3A_305 : f32 to vector<16xf32>
        %mul3A_333 = arith.mulf %get3A_331, %mul3A_332 : vector<16xf32>
        %swap3A_334 = arith.index_cast %add3A_303 : i32 to index
        %swap3A_335 = arith.constant 32 : index
        %swap3A_336 = tpu.vector_load %arg13[%swap3A_334, %swap3A_335] {strides = array<i32>} : memref<128x64xf32, #tpu.memory_space<vmem>>, vector<1x16xf32>,
        %swap3A_337 = vector.shape_cast %swap3A_336 : vector<1x16xf32> to vector<16xf32>
        %swap3A_338 = vector.shape_cast %mul3A_333 : vector<16xf32> to vector<1x16xf32>
        tpu.vector_store %arg13[%swap3A_334, %swap3A_335], %swap3A_338 {strides = array<i32>} : memref<128x64xf32, #tpu.memory_space<vmem>>, vector<1x16xf32>,
        %get3A_339 = arith.index_cast %add3A_303 : i32 to index
        %get3A_340 = arith.constant 48 : index
        %get3A_341 = tpu.vector_load %arg11[%get3A_339, %get3A_340] {strides = array<i32>} : memref<128x64xf32, #tpu.memory_space<vmem>>, vector<1x16xf32>,
        %get3A_342 = vector.shape_cast %get3A_341 : vector<1x16xf32> to vector<16xf32>
        %mul3A_343 = vector.broadcast %squeeze3A_305 : f32 to vector<16xf32>
        %mul3A_344 = arith.mulf %get3A_342, %mul3A_343 : vector<16xf32>
        %swap3A_345 = arith.index_cast %add3A_303 : i32 to index
        %swap3A_346 = arith.constant 48 : index
        %swap3A_347 = tpu.vector_load %arg13[%swap3A_345, %swap3A_346] {strides = array<i32>} : memref<128x64xf32, #tpu.memory_space<vmem>>, vector<1x16xf32>,
        %swap3A_348 = vector.shape_cast %swap3A_347 : vector<1x16xf32> to vector<16xf32>
        %swap3A_349 = vector.shape_cast %mul3A_344 : vector<16xf32> to vector<1x16xf32>
        tpu.vector_store %arg13[%swap3A_345, %swap3A_346], %swap3A_349 {strides = array<i32>} : memref<128x64xf32, #tpu.memory_space<vmem>>, vector<1x16xf32>,
        %mul3A_350 = arith.constant 16 : i32
        %mul3A_351 = arith.muli %scan3A_196, %mul3A_350 : i32
        %add3A_352 = arith.constant 3 : i32
        %add3A_353 = arith.addi %mul3A_351, %add3A_352 : i32
        %slice3A_354 = vector.extract_strided_slice %get3A_202 {offsets = [3], sizes = [1], strides = [1]} : vector<16xf32> to vector<1xf32>
        %squeeze3A_355 = vector.extract %slice3A_354[0] : f32 from vector<1xf32>
        %get3A_356 = arith.index_cast %add3A_353 : i32 to index
        %get3A_357 = arith.constant 0 : index
        %get3A_358 = tpu.vector_load %arg11[%get3A_356, %get3A_357] {strides = array<i32>} : memref<128x64xf32, #tpu.memory_space<vmem>>, vector<1x16xf32>,
        %get3A_359 = vector.shape_cast %get3A_358 : vector<1x16xf32> to vector<16xf32>
        %mul3A_360 = vector.broadcast %squeeze3A_355 : f32 to vector<16xf32>
        %mul3A_361 = arith.mulf %get3A_359, %mul3A_360 : vector<16xf32>
        %swap3A_362 = arith.index_cast %add3A_353 : i32 to index
        %swap3A_363 = arith.constant 0 : index
        %swap3A_364 = tpu.vector_load %arg13[%swap3A_362, %swap3A_363] {strides = array<i32>} : memref<128x64xf32, #tpu.memory_space<vmem>>, vector<1x16xf32>,
        %swap3A_365 = vector.shape_cast %swap3A_364 : vector<1x16xf32> to vector<16xf32>
        %swap3A_366 = vector.shape_cast %mul3A_361 : vector<16xf32> to vector<1x16xf32>
        tpu.vector_store %arg13[%swap3A_362, %swap3A_363], %swap3A_366 {strides = array<i32>} : memref<128x64xf32, #tpu.memory_space<vmem>>, vector<1x16xf32>,
        %get3A_367 = arith.index_cast %add3A_353 : i32 to index
        %get3A_368 = arith.constant 16 : index
        %get3A_369 = tpu.vector_load %arg11[%get3A_367, %get3A_368] {strides = array<i32>} : memref<128x64xf32, #tpu.memory_space<vmem>>, vector<1x16xf32>,
        %get3A_370 = vector.shape_cast %get3A_369 : vector<1x16xf32> to vector<16xf32>
        %mul3A_371 = vector.broadcast %squeeze3A_355 : f32 to vector<16xf32>
        %mul3A_372 = arith.mulf %get3A_370, %mul3A_371 : vector<16xf32>
        %swap3A_373 = arith.index_cast %add3A_353 : i32 to index
        %swap3A_374 = arith.constant 16 : index
        %swap3A_375 = tpu.vector_load %arg13[%swap3A_373, %swap3A_374] {strides = array<i32>} : memref<128x64xf32, #tpu.memory_space<vmem>>, vector<1x16xf32>,
        %swap3A_376 = vector.shape_cast %swap3A_375 : vector<1x16xf32> to vector<16xf32>
        %swap3A_377 = vector.shape_cast %mul3A_372 : vector<16xf32> to vector<1x16xf32>
        tpu.vector_store %arg13[%swap3A_373, %swap3A_374], %swap3A_377 {strides = array<i32>} : memref<128x64xf32, #tpu.memory_space<vmem>>, vector<1x16xf32>,
        %get3A_378 = arith.index_cast %add3A_353 : i32 to index
        %get3A_379 = arith.constant 32 : index
        %get3A_380 = tpu.vector_load %arg11[%get3A_378, %get3A_379] {strides = array<i32>} : memref<128x64xf32, #tpu.memory_space<vmem>>, vector<1x16xf32>,
        %get3A_381 = vector.shape_cast %get3A_380 : vector<1x16xf32> to vector<16xf32>
        %mul3A_382 = vector.broadcast %squeeze3A_355 : f32 to vector<16xf32>
        %mul3A_383 = arith.mulf %get3A_381, %mul3A_382 : vector<16xf32>
        %swap3A_384 = arith.index_cast %add3A_353 : i32 to index
        %swap3A_385 = arith.constant 32 : index
        %swap3A_386 = tpu.vector_load %arg13[%swap3A_384, %swap3A_385] {strides = array<i32>} : memref<128x64xf32, #tpu.memory_space<vmem>>, vector<1x16xf32>,
        %swap3A_387 = vector.shape_cast %swap3A_386 : vector<1x16xf32> to vector<16xf32>
        %swap3A_388 = vector.shape_cast %mul3A_383 : vector<16xf32> to vector<1x16xf32>
        tpu.vector_store %arg13[%swap3A_384, %swap3A_385], %swap3A_388 {strides = array<i32>} : memref<128x64xf32, #tpu.memory_space<vmem>>, vector<1x16xf32>,
        %get3A_389 = arith.index_cast %add3A_353 : i32 to index
        %get3A_390 = arith.constant 48 : index
        %get3A_391 = tpu.vector_load %arg11[%get3A_389, %get3A_390] {strides = array<i32>} : memref<128x64xf32, #tpu.memory_space<vmem>>, vector<1x16xf32>,
        %get3A_392 = vector.shape_cast %get3A_391 : vector<1x16xf32> to vector<16xf32>
        %mul3A_393 = vector.broadcast %squeeze3A_355 : f32 to vector<16xf32>
        %mul3A_394 = arith.mulf %get3A_392, %mul3A_393 : vector<16xf32>
        %swap3A_395 = arith.index_cast %add3A_353 : i32 to index
        %swap3A_396 = arith.constant 48 : index
        %swap3A_397 = tpu.vector_load %arg13[%swap3A_395, %swap3A_396] {strides = array<i32>} : memref<128x64xf32, #tpu.memory_space<vmem>>, vector<1x16xf32>,
        %swap3A_398 = vector.shape_cast %swap3A_397 : vector<1x16xf32> to vector<16xf32>
        %swap3A_399 = vector.shape_cast %mul3A_394 : vector<16xf32> to vector<1x16xf32>
        tpu.vector_store %arg13[%swap3A_395, %swap3A_396], %swap3A_399 {strides = array<i32>} : memref<128x64xf32, #tpu.memory_space<vmem>>, vector<1x16xf32>,
        %mul3A_400 = arith.constant 16 : i32
        %mul3A_401 = arith.muli %scan3A_196, %mul3A_400 : i32
        %add3A_402 = arith.constant 4 : i32
        %add3A_403 = arith.addi %mul3A_401, %add3A_402 : i32
        %slice3A_404 = vector.extract_strided_slice %get3A_202 {offsets = [4], sizes = [1], strides = [1]} : vector<16xf32> to vector<1xf32>
        %squeeze3A_405 = vector.extract %slice3A_404[0] : f32 from vector<1xf32>
        %get3A_406 = arith.index_cast %add3A_403 : i32 to index
        %get3A_407 = arith.constant 0 : index
        %get3A_408 = tpu.vector_load %arg11[%get3A_406, %get3A_407] {strides = array<i32>} : memref<128x64xf32, #tpu.memory_space<vmem>>, vector<1x16xf32>,
        %get3A_409 = vector.shape_cast %get3A_408 : vector<1x16xf32> to vector<16xf32>
        %mul3A_410 = vector.broadcast %squeeze3A_405 : f32 to vector<16xf32>
        %mul3A_411 = arith.mulf %get3A_409, %mul3A_410 : vector<16xf32>
        %swap3A_412 = arith.index_cast %add3A_403 : i32 to index
        %swap3A_413 = arith.constant 0 : index
        %swap3A_414 = tpu.vector_load %arg13[%swap3A_412, %swap3A_413] {strides = array<i32>} : memref<128x64xf32, #tpu.memory_space<vmem>>, vector<1x16xf32>,
        %swap3A_415 = vector.shape_cast %swap3A_414 : vector<1x16xf32> to vector<16xf32>
        %swap3A_416 = vector.shape_cast %mul3A_411 : vector<16xf32> to vector<1x16xf32>
        tpu.vector_store %arg13[%swap3A_412, %swap3A_413], %swap3A_416 {strides = array<i32>} : memref<128x64xf32, #tpu.memory_space<vmem>>, vector<1x16xf32>,
        %get3A_417 = arith.index_cast %add3A_403 : i32 to index
        %get3A_418 = arith.constant 16 : index
        %get3A_419 = tpu.vector_load %arg11[%get3A_417, %get3A_418] {strides = array<i32>} : memref<128x64xf32, #tpu.memory_space<vmem>>, vector<1x16xf32>,
        %get3A_420 = vector.shape_cast %get3A_419 : vector<1x16xf32> to vector<16xf32>
        %mul3A_421 = vector.broadcast %squeeze3A_405 : f32 to vector<16xf32>
        %mul3A_422 = arith.mulf %get3A_420, %mul3A_421 : vector<16xf32>
        %swap3A_423 = arith.index_cast %add3A_403 : i32 to index
        %swap3A_424 = arith.constant 16 : index
        %swap3A_425 = tpu.vector_load %arg13[%swap3A_423, %swap3A_424] {strides = array<i32>} : memref<128x64xf32, #tpu.memory_space<vmem>>, vector<1x16xf32>,
        %swap3A_426 = vector.shape_cast %swap3A_425 : vector<1x16xf32> to vector<16xf32>
        %swap3A_427 = vector.shape_cast %mul3A_422 : vector<16xf32> to vector<1x16xf32>
        tpu.vector_store %arg13[%swap3A_423, %swap3A_424], %swap3A_427 {strides = array<i32>} : memref<128x64xf32, #tpu.memory_space<vmem>>, vector<1x16xf32>,
        %get3A_428 = arith.index_cast %add3A_403 : i32 to index
        %get3A_429 = arith.constant 32 : index
        %get3A_430 = tpu.vector_load %arg11[%get3A_428, %get3A_429] {strides = array<i32>} : memref<128x64xf32, #tpu.memory_space<vmem>>, vector<1x16xf32>,
        %get3A_431 = vector.shape_cast %get3A_430 : vector<1x16xf32> to vector<16xf32>
        %mul3A_432 = vector.broadcast %squeeze3A_405 : f32 to vector<16xf32>
        %mul3A_433 = arith.mulf %get3A_431, %mul3A_432 : vector<16xf32>
        %swap3A_434 = arith.index_cast %add3A_403 : i32 to index
        %swap3A_435 = arith.constant 32 : index
        %swap3A_436 = tpu.vector_load %arg13[%swap3A_434, %swap3A_435] {strides = array<i32>} : memref<128x64xf32, #tpu.memory_space<vmem>>, vector<1x16xf32>,
        %swap3A_437 = vector.shape_cast %swap3A_436 : vector<1x16xf32> to vector<16xf32>
        %swap3A_438 = vector.shape_cast %mul3A_433 : vector<16xf32> to vector<1x16xf32>
        tpu.vector_store %arg13[%swap3A_434, %swap3A_435], %swap3A_438 {strides = array<i32>} : memref<128x64xf32, #tpu.memory_space<vmem>>, vector<1x16xf32>,
        %get3A_439 = arith.index_cast %add3A_403 : i32 to index
        %get3A_440 = arith.constant 48 : index
        %get3A_441 = tpu.vector_load %arg11[%get3A_439, %get3A_440] {strides = array<i32>} : memref<128x64xf32, #tpu.memory_space<vmem>>, vector<1x16xf32>,
        %get3A_442 = vector.shape_cast %get3A_441 : vector<1x16xf32> to vector<16xf32>
        %mul3A_443 = vector.broadcast %squeeze3A_405 : f32 to vector<16xf32>
        %mul3A_444 = arith.mulf %get3A_442, %mul3A_443 : vector<16xf32>
        %swap3A_445 = arith.index_cast %add3A_403 : i32 to index
        %swap3A_446 = arith.constant 48 : index
        %swap3A_447 = tpu.vector_load %arg13[%swap3A_445, %swap3A_446] {strides = array<i32>} : memref<128x64xf32, #tpu.memory_space<vmem>>, vector<1x16xf32>,
        %swap3A_448 = vector.shape_cast %swap3A_447 : vector<1x16xf32> to vector<16xf32>
        %swap3A_449 = vector.shape_cast %mul3A_444 : vector<16xf32> to vector<1x16xf32>
        tpu.vector_store %arg13[%swap3A_445, %swap3A_446], %swap3A_449 {strides = array<i32>} : memref<128x64xf32, #tpu.memory_space<vmem>>, vector<1x16xf32>,
        %mul3A_450 = arith.constant 16 : i32
        %mul3A_451 = arith.muli %scan3A_196, %mul3A_450 : i32
        %add3A_452 = arith.constant 5 : i32
        %add3A_453 = arith.addi %mul3A_451, %add3A_452 : i32
        %slice3A_454 = vector.extract_strided_slice %get3A_202 {offsets = [5], sizes = [1], strides = [1]} : vector<16xf32> to vector<1xf32>
        %squeeze3A_455 = vector.extract %slice3A_454[0] : f32 from vector<1xf32>
        %get3A_456 = arith.index_cast %add3A_453 : i32 to index
        %get3A_457 = arith.constant 0 : index
        %get3A_458 = tpu.vector_load %arg11[%get3A_456, %get3A_457] {strides = array<i32>} : memref<128x64xf32, #tpu.memory_space<vmem>>, vector<1x16xf32>,
        %get3A_459 = vector.shape_cast %get3A_458 : vector<1x16xf32> to vector<16xf32>
        %mul3A_460 = vector.broadcast %squeeze3A_455 : f32 to vector<16xf32>
        %mul3A_461 = arith.mulf %get3A_459, %mul3A_460 : vector<16xf32>
        %swap3A_462 = arith.index_cast %add3A_453 : i32 to index
        %swap3A_463 = arith.constant 0 : index
        %swap3A_464 = tpu.vector_load %arg13[%swap3A_462, %swap3A_463] {strides = array<i32>} : memref<128x64xf32, #tpu.memory_space<vmem>>, vector<1x16xf32>,
        %swap3A_465 = vector.shape_cast %swap3A_464 : vector<1x16xf32> to vector<16xf32>
        %swap3A_466 = vector.shape_cast %mul3A_461 : vector<16xf32> to vector<1x16xf32>
        tpu.vector_store %arg13[%swap3A_462, %swap3A_463], %swap3A_466 {strides = array<i32>} : memref<128x64xf32, #tpu.memory_space<vmem>>, vector<1x16xf32>,
        %get3A_467 = arith.index_cast %add3A_453 : i32 to index
        %get3A_468 = arith.constant 16 : index
        %get3A_469 = tpu.vector_load %arg11[%get3A_467, %get3A_468] {strides = array<i32>} : memref<128x64xf32, #tpu.memory_space<vmem>>, vector<1x16xf32>,
        %get3A_470 = vector.shape_cast %get3A_469 : vector<1x16xf32> to vector<16xf32>
        %mul3A_471 = vector.broadcast %squeeze3A_455 : f32 to vector<16xf32>
        %mul3A_472 = arith.mulf %get3A_470, %mul3A_471 : vector<16xf32>
        %swap3A_473 = arith.index_cast %add3A_453 : i32 to index
        %swap3A_474 = arith.constant 16 : index
        %swap3A_475 = tpu.vector_load %arg13[%swap3A_473, %swap3A_474] {strides = array<i32>} : memref<128x64xf32, #tpu.memory_space<vmem>>, vector<1x16xf32>,
        %swap3A_476 = vector.shape_cast %swap3A_475 : vector<1x16xf32> to vector<16xf32>
        %swap3A_477 = vector.shape_cast %mul3A_472 : vector<16xf32> to vector<1x16xf32>
        tpu.vector_store %arg13[%swap3A_473, %swap3A_474], %swap3A_477 {strides = array<i32>} : memref<128x64xf32, #tpu.memory_space<vmem>>, vector<1x16xf32>,
        %get3A_478 = arith.index_cast %add3A_453 : i32 to index
        %get3A_479 = arith.constant 32 : index
        %get3A_480 = tpu.vector_load %arg11[%get3A_478, %get3A_479] {strides = array<i32>} : memref<128x64xf32, #tpu.memory_space<vmem>>, vector<1x16xf32>,
        %get3A_481 = vector.shape_cast %get3A_480 : vector<1x16xf32> to vector<16xf32>
        %mul3A_482 = vector.broadcast %squeeze3A_455 : f32 to vector<16xf32>
        %mul3A_483 = arith.mulf %get3A_481, %mul3A_482 : vector<16xf32>
        %swap3A_484 = arith.index_cast %add3A_453 : i32 to index
        %swap3A_485 = arith.constant 32 : index
        %swap3A_486 = tpu.vector_load %arg13[%swap3A_484, %swap3A_485] {strides = array<i32>} : memref<128x64xf32, #tpu.memory_space<vmem>>, vector<1x16xf32>,
        %swap3A_487 = vector.shape_cast %swap3A_486 : vector<1x16xf32> to vector<16xf32>
        %swap3A_488 = vector.shape_cast %mul3A_483 : vector<16xf32> to vector<1x16xf32>
        tpu.vector_store %arg13[%swap3A_484, %swap3A_485], %swap3A_488 {strides = array<i32>} : memref<128x64xf32, #tpu.memory_space<vmem>>, vector<1x16xf32>,
        %get3A_489 = arith.index_cast %add3A_453 : i32 to index
        %get3A_490 = arith.constant 48 : index
        %get3A_491 = tpu.vector_load %arg11[%get3A_489, %get3A_490] {strides = array<i32>} : memref<128x64xf32, #tpu.memory_space<vmem>>, vector<1x16xf32>,
        %get3A_492 = vector.shape_cast %get3A_491 : vector<1x16xf32> to vector<16xf32>
        %mul3A_493 = vector.broadcast %squeeze3A_455 : f32 to vector<16xf32>
        %mul3A_494 = arith.mulf %get3A_492, %mul3A_493 : vector<16xf32>
        %swap3A_495 = arith.index_cast %add3A_453 : i32 to index
        %swap3A_496 = arith.constant 48 : index
        %swap3A_497 = tpu.vector_load %arg13[%swap3A_495, %swap3A_496] {strides = array<i32>} : memref<128x64xf32, #tpu.memory_space<vmem>>, vector<1x16xf32>,
        %swap3A_498 = vector.shape_cast %swap3A_497 : vector<1x16xf32> to vector<16xf32>
        %swap3A_499 = vector.shape_cast %mul3A_494 : vector<16xf32> to vector<1x16xf32>
        tpu.vector_store %arg13[%swap3A_495, %swap3A_496], %swap3A_499 {strides = array<i32>} : memref<128x64xf32, #tpu.memory_space<vmem>>, vector<1x16xf32>,
        %mul3A_500 = arith.constant 16 : i32
        %mul3A_501 = arith.muli %scan3A_196, %mul3A_500 : i32
        %add3A_502 = arith.constant 6 : i32
        %add3A_503 = arith.addi %mul3A_501, %add3A_502 : i32
        %slice3A_504 = vector.extract_strided_slice %get3A_202 {offsets = [6], sizes = [1], strides = [1]} : vector<16xf32> to vector<1xf32>
        %squeeze3A_505 = vector.extract %slice3A_504[0] : f32 from vector<1xf32>
        %get3A_506 = arith.index_cast %add3A_503 : i32 to index
        %get3A_507 = arith.constant 0 : index
        %get3A_508 = tpu.vector_load %arg11[%get3A_506, %get3A_507] {strides = array<i32>} : memref<128x64xf32, #tpu.memory_space<vmem>>, vector<1x16xf32>,
        %get3A_509 = vector.shape_cast %get3A_508 : vector<1x16xf32> to vector<16xf32>
        %mul3A_510 = vector.broadcast %squeeze3A_505 : f32 to vector<16xf32>
        %mul3A_511 = arith.mulf %get3A_509, %mul3A_510 : vector<16xf32>
        %swap3A_512 = arith.index_cast %add3A_503 : i32 to index
        %swap3A_513 = arith.constant 0 : index
        %swap3A_514 = tpu.vector_load %arg13[%swap3A_512, %swap3A_513] {strides = array<i32>} : memref<128x64xf32, #tpu.memory_space<vmem>>, vector<1x16xf32>,
        %swap3A_515 = vector.shape_cast %swap3A_514 : vector<1x16xf32> to vector<16xf32>
        %swap3A_516 = vector.shape_cast %mul3A_511 : vector<16xf32> to vector<1x16xf32>
        tpu.vector_store %arg13[%swap3A_512, %swap3A_513], %swap3A_516 {strides = array<i32>} : memref<128x64xf32, #tpu.memory_space<vmem>>, vector<1x16xf32>,
        %get3A_517 = arith.index_cast %add3A_503 : i32 to index
        %get3A_518 = arith.constant 16 : index
        %get3A_519 = tpu.vector_load %arg11[%get3A_517, %get3A_518] {strides = array<i32>} : memref<128x64xf32, #tpu.memory_space<vmem>>, vector<1x16xf32>,
        %get3A_520 = vector.shape_cast %get3A_519 : vector<1x16xf32> to vector<16xf32>
        %mul3A_521 = vector.broadcast %squeeze3A_505 : f32 to vector<16xf32>
        %mul3A_522 = arith.mulf %get3A_520, %mul3A_521 : vector<16xf32>
        %swap3A_523 = arith.index_cast %add3A_503 : i32 to index
        %swap3A_524 = arith.constant 16 : index
        %swap3A_525 = tpu.vector_load %arg13[%swap3A_523, %swap3A_524] {strides = array<i32>} : memref<128x64xf32, #tpu.memory_space<vmem>>, vector<1x16xf32>,
        %swap3A_526 = vector.shape_cast %swap3A_525 : vector<1x16xf32> to vector<16xf32>
        %swap3A_527 = vector.shape_cast %mul3A_522 : vector<16xf32> to vector<1x16xf32>
        tpu.vector_store %arg13[%swap3A_523, %swap3A_524], %swap3A_527 {strides = array<i32>} : memref<128x64xf32, #tpu.memory_space<vmem>>, vector<1x16xf32>,
        %get3A_528 = arith.index_cast %add3A_503 : i32 to index
        %get3A_529 = arith.constant 32 : index
        %get3A_530 = tpu.vector_load %arg11[%get3A_528, %get3A_529] {strides = array<i32>} : memref<128x64xf32, #tpu.memory_space<vmem>>, vector<1x16xf32>,
        %get3A_531 = vector.shape_cast %get3A_530 : vector<1x16xf32> to vector<16xf32>
        %mul3A_532 = vector.broadcast %squeeze3A_505 : f32 to vector<16xf32>
        %mul3A_533 = arith.mulf %get3A_531, %mul3A_532 : vector<16xf32>
        %swap3A_534 = arith.index_cast %add3A_503 : i32 to index
        %swap3A_535 = arith.constant 32 : index
        %swap3A_536 = tpu.vector_load %arg13[%swap3A_534, %swap3A_535] {strides = array<i32>} : memref<128x64xf32, #tpu.memory_space<vmem>>, vector<1x16xf32>,
        %swap3A_537 = vector.shape_cast %swap3A_536 : vector<1x16xf32> to vector<16xf32>
        %swap3A_538 = vector.shape_cast %mul3A_533 : vector<16xf32> to vector<1x16xf32>
        tpu.vector_store %arg13[%swap3A_534, %swap3A_535], %swap3A_538 {strides = array<i32>} : memref<128x64xf32, #tpu.memory_space<vmem>>, vector<1x16xf32>,
        %get3A_539 = arith.index_cast %add3A_503 : i32 to index
        %get3A_540 = arith.constant 48 : index
        %get3A_541 = tpu.vector_load %arg11[%get3A_539, %get3A_540] {strides = array<i32>} : memref<128x64xf32, #tpu.memory_space<vmem>>, vector<1x16xf32>,
        %get3A_542 = vector.shape_cast %get3A_541 : vector<1x16xf32> to vector<16xf32>
        %mul3A_543 = vector.broadcast %squeeze3A_505 : f32 to vector<16xf32>
        %mul3A_544 = arith.mulf %get3A_542, %mul3A_543 : vector<16xf32>
        %swap3A_545 = arith.index_cast %add3A_503 : i32 to index
        %swap3A_546 = arith.constant 48 : index
        %swap3A_547 = tpu.vector_load %arg13[%swap3A_545, %swap3A_546] {strides = array<i32>} : memref<128x64xf32, #tpu.memory_space<vmem>>, vector<1x16xf32>,
        %swap3A_548 = vector.shape_cast %swap3A_547 : vector<1x16xf32> to vector<16xf32>
        %swap3A_549 = vector.shape_cast %mul3A_544 : vector<16xf32> to vector<1x16xf32>
        tpu.vector_store %arg13[%swap3A_545, %swap3A_546], %swap3A_549 {strides = array<i32>} : memref<128x64xf32, #tpu.memory_space<vmem>>, vector<1x16xf32>,
        %mul3A_550 = arith.constant 16 : i32
        %mul3A_551 = arith.muli %scan3A_196, %mul3A_550 : i32
        %add3A_552 = arith.constant 7 : i32
        %add3A_553 = arith.addi %mul3A_551, %add3A_552 : i32
        %slice3A_554 = vector.extract_strided_slice %get3A_202 {offsets = [7], sizes = [1], strides = [1]} : vector<16xf32> to vector<1xf32>
        %squeeze3A_555 = vector.extract %slice3A_554[0] : f32 from vector<1xf32>
        %get3A_556 = arith.index_cast %add3A_553 : i32 to index
        %get3A_557 = arith.constant 0 : index
        %get3A_558 = tpu.vector_load %arg11[%get3A_556, %get3A_557] {strides = array<i32>} : memref<128x64xf32, #tpu.memory_space<vmem>>, vector<1x16xf32>,
        %get3A_559 = vector.shape_cast %get3A_558 : vector<1x16xf32> to vector<16xf32>
        %mul3A_560 = vector.broadcast %squeeze3A_555 : f32 to vector<16xf32>
        %mul3A_561 = arith.mulf %get3A_559, %mul3A_560 : vector<16xf32>
        %swap3A_562 = arith.index_cast %add3A_553 : i32 to index
        %swap3A_563 = arith.constant 0 : index
        %swap3A_564 = tpu.vector_load %arg13[%swap3A_562, %swap3A_563] {strides = array<i32>} : memref<128x64xf32, #tpu.memory_space<vmem>>, vector<1x16xf32>,
        %swap3A_565 = vector.shape_cast %swap3A_564 : vector<1x16xf32> to vector<16xf32>
        %swap3A_566 = vector.shape_cast %mul3A_561 : vector<16xf32> to vector<1x16xf32>
        tpu.vector_store %arg13[%swap3A_562, %swap3A_563], %swap3A_566 {strides = array<i32>} : memref<128x64xf32, #tpu.memory_space<vmem>>, vector<1x16xf32>,
        %get3A_567 = arith.index_cast %add3A_553 : i32 to index
        %get3A_568 = arith.constant 16 : index
        %get3A_569 = tpu.vector_load %arg11[%get3A_567, %get3A_568] {strides = array<i32>} : memref<128x64xf32, #tpu.memory_space<vmem>>, vector<1x16xf32>,
        %get3A_570 = vector.shape_cast %get3A_569 : vector<1x16xf32> to vector<16xf32>
        %mul3A_571 = vector.broadcast %squeeze3A_555 : f32 to vector<16xf32>
        %mul3A_572 = arith.mulf %get3A_570, %mul3A_571 : vector<16xf32>
        %swap3A_573 = arith.index_cast %add3A_553 : i32 to index
        %swap3A_574 = arith.constant 16 : index
        %swap3A_575 = tpu.vector_load %arg13[%swap3A_573, %swap3A_574] {strides = array<i32>} : memref<128x64xf32, #tpu.memory_space<vmem>>, vector<1x16xf32>,
        %swap3A_576 = vector.shape_cast %swap3A_575 : vector<1x16xf32> to vector<16xf32>
        %swap3A_577 = vector.shape_cast %mul3A_572 : vector<16xf32> to vector<1x16xf32>
        tpu.vector_store %arg13[%swap3A_573, %swap3A_574], %swap3A_577 {strides = array<i32>} : memref<128x64xf32, #tpu.memory_space<vmem>>, vector<1x16xf32>,
        %get3A_578 = arith.index_cast %add3A_553 : i32 to index
        %get3A_579 = arith.constant 32 : index
        %get3A_580 = tpu.vector_load %arg11[%get3A_578, %get3A_579] {strides = array<i32>} : memref<128x64xf32, #tpu.memory_space<vmem>>, vector<1x16xf32>,
        %get3A_581 = vector.shape_cast %get3A_580 : vector<1x16xf32> to vector<16xf32>
        %mul3A_582 = vector.broadcast %squeeze3A_555 : f32 to vector<16xf32>
        %mul3A_583 = arith.mulf %get3A_581, %mul3A_582 : vector<16xf32>
        %swap3A_584 = arith.index_cast %add3A_553 : i32 to index
        %swap3A_585 = arith.constant 32 : index
        %swap3A_586 = tpu.vector_load %arg13[%swap3A_584, %swap3A_585] {strides = array<i32>} : memref<128x64xf32, #tpu.memory_space<vmem>>, vector<1x16xf32>,
        %swap3A_587 = vector.shape_cast %swap3A_586 : vector<1x16xf32> to vector<16xf32>
        %swap3A_588 = vector.shape_cast %mul3A_583 : vector<16xf32> to vector<1x16xf32>
        tpu.vector_store %arg13[%swap3A_584, %swap3A_585], %swap3A_588 {strides = array<i32>} : memref<128x64xf32, #tpu.memory_space<vmem>>, vector<1x16xf32>,
        %get3A_589 = arith.index_cast %add3A_553 : i32 to index
        %get3A_590 = arith.constant 48 : index
        %get3A_591 = tpu.vector_load %arg11[%get3A_589, %get3A_590] {strides = array<i32>} : memref<128x64xf32, #tpu.memory_space<vmem>>, vector<1x16xf32>,
        %get3A_592 = vector.shape_cast %get3A_591 : vector<1x16xf32> to vector<16xf32>
        %mul3A_593 = vector.broadcast %squeeze3A_555 : f32 to vector<16xf32>
        %mul3A_594 = arith.mulf %get3A_592, %mul3A_593 : vector<16xf32>
        %swap3A_595 = arith.index_cast %add3A_553 : i32 to index
        %swap3A_596 = arith.constant 48 : index
        %swap3A_597 = tpu.vector_load %arg13[%swap3A_595, %swap3A_596] {strides = array<i32>} : memref<128x64xf32, #tpu.memory_space<vmem>>, vector<1x16xf32>,
        %swap3A_598 = vector.shape_cast %swap3A_597 : vector<1x16xf32> to vector<16xf32>
        %swap3A_599 = vector.shape_cast %mul3A_594 : vector<16xf32> to vector<1x16xf32>
        tpu.vector_store %arg13[%swap3A_595, %swap3A_596], %swap3A_599 {strides = array<i32>} : memref<128x64xf32, #tpu.memory_space<vmem>>, vector<1x16xf32>,
        %mul3A_600 = arith.constant 16 : i32
        %mul3A_601 = arith.muli %scan3A_196, %mul3A_600 : i32
        %add3A_602 = arith.constant 8 : i32
        %add3A_603 = arith.addi %mul3A_601, %add3A_602 : i32
        %slice3A_604 = vector.extract_strided_slice %get3A_202 {offsets = [8], sizes = [1], strides = [1]} : vector<16xf32> to vector<1xf32>
        %squeeze3A_605 = vector.extract %slice3A_604[0] : f32 from vector<1xf32>
        %get3A_606 = arith.index_cast %add3A_603 : i32 to index
        %get3A_607 = arith.constant 0 : index
        %get3A_608 = tpu.vector_load %arg11[%get3A_606, %get3A_607] {strides = array<i32>} : memref<128x64xf32, #tpu.memory_space<vmem>>, vector<1x16xf32>,
        %get3A_609 = vector.shape_cast %get3A_608 : vector<1x16xf32> to vector<16xf32>
        %mul3A_610 = vector.broadcast %squeeze3A_605 : f32 to vector<16xf32>
        %mul3A_611 = arith.mulf %get3A_609, %mul3A_610 : vector<16xf32>
        %swap3A_612 = arith.index_cast %add3A_603 : i32 to index
        %swap3A_613 = arith.constant 0 : index
        %swap3A_614 = tpu.vector_load %arg13[%swap3A_612, %swap3A_613] {strides = array<i32>} : memref<128x64xf32, #tpu.memory_space<vmem>>, vector<1x16xf32>,
        %swap3A_615 = vector.shape_cast %swap3A_614 : vector<1x16xf32> to vector<16xf32>
        %swap3A_616 = vector.shape_cast %mul3A_611 : vector<16xf32> to vector<1x16xf32>
        tpu.vector_store %arg13[%swap3A_612, %swap3A_613], %swap3A_616 {strides = array<i32>} : memref<128x64xf32, #tpu.memory_space<vmem>>, vector<1x16xf32>,
        %get3A_617 = arith.index_cast %add3A_603 : i32 to index
        %get3A_618 = arith.constant 16 : index
        %get3A_619 = tpu.vector_load %arg11[%get3A_617, %get3A_618] {strides = array<i32>} : memref<128x64xf32, #tpu.memory_space<vmem>>, vector<1x16xf32>,
        %get3A_620 = vector.shape_cast %get3A_619 : vector<1x16xf32> to vector<16xf32>
        %mul3A_621 = vector.broadcast %squeeze3A_605 : f32 to vector<16xf32>
        %mul3A_622 = arith.mulf %get3A_620, %mul3A_621 : vector<16xf32>
        %swap3A_623 = arith.index_cast %add3A_603 : i32 to index
        %swap3A_624 = arith.constant 16 : index
        %swap3A_625 = tpu.vector_load %arg13[%swap3A_623, %swap3A_624] {strides = array<i32>} : memref<128x64xf32, #tpu.memory_space<vmem>>, vector<1x16xf32>,
        %swap3A_626 = vector.shape_cast %swap3A_625 : vector<1x16xf32> to vector<16xf32>
        %swap3A_627 = vector.shape_cast %mul3A_622 : vector<16xf32> to vector<1x16xf32>
        tpu.vector_store %arg13[%swap3A_623, %swap3A_624], %swap3A_627 {strides = array<i32>} : memref<128x64xf32, #tpu.memory_space<vmem>>, vector<1x16xf32>,
        %get3A_628 = arith.index_cast %add3A_603 : i32 to index
        %get3A_629 = arith.constant 32 : index
        %get3A_630 = tpu.vector_load %arg11[%get3A_628, %get3A_629] {strides = array<i32>} : memref<128x64xf32, #tpu.memory_space<vmem>>, vector<1x16xf32>,
        %get3A_631 = vector.shape_cast %get3A_630 : vector<1x16xf32> to vector<16xf32>
        %mul3A_632 = vector.broadcast %squeeze3A_605 : f32 to vector<16xf32>
        %mul3A_633 = arith.mulf %get3A_631, %mul3A_632 : vector<16xf32>
        %swap3A_634 = arith.index_cast %add3A_603 : i32 to index
        %swap3A_635 = arith.constant 32 : index
        %swap3A_636 = tpu.vector_load %arg13[%swap3A_634, %swap3A_635] {strides = array<i32>} : memref<128x64xf32, #tpu.memory_space<vmem>>, vector<1x16xf32>,
        %swap3A_637 = vector.shape_cast %swap3A_636 : vector<1x16xf32> to vector<16xf32>
        %swap3A_638 = vector.shape_cast %mul3A_633 : vector<16xf32> to vector<1x16xf32>
        tpu.vector_store %arg13[%swap3A_634, %swap3A_635], %swap3A_638 {strides = array<i32>} : memref<128x64xf32, #tpu.memory_space<vmem>>, vector<1x16xf32>,
        %get3A_639 = arith.index_cast %add3A_603 : i32 to index
        %get3A_640 = arith.constant 48 : index
        %get3A_641 = tpu.vector_load %arg11[%get3A_639, %get3A_640] {strides = array<i32>} : memref<128x64xf32, #tpu.memory_space<vmem>>, vector<1x16xf32>,
        %get3A_642 = vector.shape_cast %get3A_641 : vector<1x16xf32> to vector<16xf32>
        %mul3A_643 = vector.broadcast %squeeze3A_605 : f32 to vector<16xf32>
        %mul3A_644 = arith.mulf %get3A_642, %mul3A_643 : vector<16xf32>
        %swap3A_645 = arith.index_cast %add3A_603 : i32 to index
        %swap3A_646 = arith.constant 48 : index
        %swap3A_647 = tpu.vector_load %arg13[%swap3A_645, %swap3A_646] {strides = array<i32>} : memref<128x64xf32, #tpu.memory_space<vmem>>, vector<1x16xf32>,
        %swap3A_648 = vector.shape_cast %swap3A_647 : vector<1x16xf32> to vector<16xf32>
        %swap3A_649 = vector.shape_cast %mul3A_644 : vector<16xf32> to vector<1x16xf32>
        tpu.vector_store %arg13[%swap3A_645, %swap3A_646], %swap3A_649 {strides = array<i32>} : memref<128x64xf32, #tpu.memory_space<vmem>>, vector<1x16xf32>,
        %mul3A_650 = arith.constant 16 : i32
        %mul3A_651 = arith.muli %scan3A_196, %mul3A_650 : i32
        %add3A_652 = arith.constant 9 : i32
        %add3A_653 = arith.addi %mul3A_651, %add3A_652 : i32
        %slice3A_654 = vector.extract_strided_slice %get3A_202 {offsets = [9], sizes = [1], strides = [1]} : vector<16xf32> to vector<1xf32>
        %squeeze3A_655 = vector.extract %slice3A_654[0] : f32 from vector<1xf32>
        %get3A_656 = arith.index_cast %add3A_653 : i32 to index
        %get3A_657 = arith.constant 0 : index
        %get3A_658 = tpu.vector_load %arg11[%get3A_656, %get3A_657] {strides = array<i32>} : memref<128x64xf32, #tpu.memory_space<vmem>>, vector<1x16xf32>,
        %get3A_659 = vector.shape_cast %get3A_658 : vector<1x16xf32> to vector<16xf32>
        %mul3A_660 = vector.broadcast %squeeze3A_655 : f32 to vector<16xf32>
        %mul3A_661 = arith.mulf %get3A_659, %mul3A_660 : vector<16xf32>
        %swap3A_662 = arith.index_cast %add3A_653 : i32 to index
        %swap3A_663 = arith.constant 0 : index
        %swap3A_664 = tpu.vector_load %arg13[%swap3A_662, %swap3A_663] {strides = array<i32>} : memref<128x64xf32, #tpu.memory_space<vmem>>, vector<1x16xf32>,
        %swap3A_665 = vector.shape_cast %swap3A_664 : vector<1x16xf32> to vector<16xf32>
        %swap3A_666 = vector.shape_cast %mul3A_661 : vector<16xf32> to vector<1x16xf32>
        tpu.vector_store %arg13[%swap3A_662, %swap3A_663], %swap3A_666 {strides = array<i32>} : memref<128x64xf32, #tpu.memory_space<vmem>>, vector<1x16xf32>,
        %get3A_667 = arith.index_cast %add3A_653 : i32 to index
        %get3A_668 = arith.constant 16 : index
        %get3A_669 = tpu.vector_load %arg11[%get3A_667, %get3A_668] {strides = array<i32>} : memref<128x64xf32, #tpu.memory_space<vmem>>, vector<1x16xf32>,
        %get3A_670 = vector.shape_cast %get3A_669 : vector<1x16xf32> to vector<16xf32>
        %mul3A_671 = vector.broadcast %squeeze3A_655 : f32 to vector<16xf32>
        %mul3A_672 = arith.mulf %get3A_670, %mul3A_671 : vector<16xf32>
        %swap3A_673 = arith.index_cast %add3A_653 : i32 to index
        %swap3A_674 = arith.constant 16 : index
        %swap3A_675 = tpu.vector_load %arg13[%swap3A_673, %swap3A_674] {strides = array<i32>} : memref<128x64xf32, #tpu.memory_space<vmem>>, vector<1x16xf32>,
        %swap3A_676 = vector.shape_cast %swap3A_675 : vector<1x16xf32> to vector<16xf32>
        %swap3A_677 = vector.shape_cast %mul3A_672 : vector<16xf32> to vector<1x16xf32>
        tpu.vector_store %arg13[%swap3A_673, %swap3A_674], %swap3A_677 {strides = array<i32>} : memref<128x64xf32, #tpu.memory_space<vmem>>, vector<1x16xf32>,
        %get3A_678 = arith.index_cast %add3A_653 : i32 to index
        %get3A_679 = arith.constant 32 : index
        %get3A_680 = tpu.vector_load %arg11[%get3A_678, %get3A_679] {strides = array<i32>} : memref<128x64xf32, #tpu.memory_space<vmem>>, vector<1x16xf32>,
        %get3A_681 = vector.shape_cast %get3A_680 : vector<1x16xf32> to vector<16xf32>
        %mul3A_682 = vector.broadcast %squeeze3A_655 : f32 to vector<16xf32>
        %mul3A_683 = arith.mulf %get3A_681, %mul3A_682 : vector<16xf32>
        %swap3A_684 = arith.index_cast %add3A_653 : i32 to index
        %swap3A_685 = arith.constant 32 : index
        %swap3A_686 = tpu.vector_load %arg13[%swap3A_684, %swap3A_685] {strides = array<i32>} : memref<128x64xf32, #tpu.memory_space<vmem>>, vector<1x16xf32>,
        %swap3A_687 = vector.shape_cast %swap3A_686 : vector<1x16xf32> to vector<16xf32>
        %swap3A_688 = vector.shape_cast %mul3A_683 : vector<16xf32> to vector<1x16xf32>
        tpu.vector_store %arg13[%swap3A_684, %swap3A_685], %swap3A_688 {strides = array<i32>} : memref<128x64xf32, #tpu.memory_space<vmem>>, vector<1x16xf32>,
        %get3A_689 = arith.index_cast %add3A_653 : i32 to index
        %get3A_690 = arith.constant 48 : index
        %get3A_691 = tpu.vector_load %arg11[%get3A_689, %get3A_690] {strides = array<i32>} : memref<128x64xf32, #tpu.memory_space<vmem>>, vector<1x16xf32>,
        %get3A_692 = vector.shape_cast %get3A_691 : vector<1x16xf32> to vector<16xf32>
        %mul3A_693 = vector.broadcast %squeeze3A_655 : f32 to vector<16xf32>
        %mul3A_694 = arith.mulf %get3A_692, %mul3A_693 : vector<16xf32>
        %swap3A_695 = arith.index_cast %add3A_653 : i32 to index
        %swap3A_696 = arith.constant 48 : index
        %swap3A_697 = tpu.vector_load %arg13[%swap3A_695, %swap3A_696] {strides = array<i32>} : memref<128x64xf32, #tpu.memory_space<vmem>>, vector<1x16xf32>,
        %swap3A_698 = vector.shape_cast %swap3A_697 : vector<1x16xf32> to vector<16xf32>
        %swap3A_699 = vector.shape_cast %mul3A_694 : vector<16xf32> to vector<1x16xf32>
        tpu.vector_store %arg13[%swap3A_695, %swap3A_696], %swap3A_699 {strides = array<i32>} : memref<128x64xf32, #tpu.memory_space<vmem>>, vector<1x16xf32>,
        %mul3A_700 = arith.constant 16 : i32
        %mul3A_701 = arith.muli %scan3A_196, %mul3A_700 : i32
        %add3A_702 = arith.constant 10 : i32
        %add3A_703 = arith.addi %mul3A_701, %add3A_702 : i32
        %slice3A_704 = vector.extract_strided_slice %get3A_202 {offsets = [10], sizes = [1], strides = [1]} : vector<16xf32> to vector<1xf32>
        %squeeze3A_705 = vector.extract %slice3A_704[0] : f32 from vector<1xf32>
        %get3A_706 = arith.index_cast %add3A_703 : i32 to index
        %get3A_707 = arith.constant 0 : index
        %get3A_708 = tpu.vector_load %arg11[%get3A_706, %get3A_707] {strides = array<i32>} : memref<128x64xf32, #tpu.memory_space<vmem>>, vector<1x16xf32>,
        %get3A_709 = vector.shape_cast %get3A_708 : vector<1x16xf32> to vector<16xf32>
        %mul3A_710 = vector.broadcast %squeeze3A_705 : f32 to vector<16xf32>
        %mul3A_711 = arith.mulf %get3A_709, %mul3A_710 : vector<16xf32>
        %swap3A_712 = arith.index_cast %add3A_703 : i32 to index
        %swap3A_713 = arith.constant 0 : index
        %swap3A_714 = tpu.vector_load %arg13[%swap3A_712, %swap3A_713] {strides = array<i32>} : memref<128x64xf32, #tpu.memory_space<vmem>>, vector<1x16xf32>,
        %swap3A_715 = vector.shape_cast %swap3A_714 : vector<1x16xf32> to vector<16xf32>
        %swap3A_716 = vector.shape_cast %mul3A_711 : vector<16xf32> to vector<1x16xf32>
        tpu.vector_store %arg13[%swap3A_712, %swap3A_713], %swap3A_716 {strides = array<i32>} : memref<128x64xf32, #tpu.memory_space<vmem>>, vector<1x16xf32>,
        %get3A_717 = arith.index_cast %add3A_703 : i32 to index
        %get3A_718 = arith.constant 16 : index
        %get3A_719 = tpu.vector_load %arg11[%get3A_717, %get3A_718] {strides = array<i32>} : memref<128x64xf32, #tpu.memory_space<vmem>>, vector<1x16xf32>,
        %get3A_720 = vector.shape_cast %get3A_719 : vector<1x16xf32> to vector<16xf32>
        %mul3A_721 = vector.broadcast %squeeze3A_705 : f32 to vector<16xf32>
        %mul3A_722 = arith.mulf %get3A_720, %mul3A_721 : vector<16xf32>
        %swap3A_723 = arith.index_cast %add3A_703 : i32 to index
        %swap3A_724 = arith.constant 16 : index
        %swap3A_725 = tpu.vector_load %arg13[%swap3A_723, %swap3A_724] {strides = array<i32>} : memref<128x64xf32, #tpu.memory_space<vmem>>, vector<1x16xf32>,
        %swap3A_726 = vector.shape_cast %swap3A_725 : vector<1x16xf32> to vector<16xf32>
        %swap3A_727 = vector.shape_cast %mul3A_722 : vector<16xf32> to vector<1x16xf32>
        tpu.vector_store %arg13[%swap3A_723, %swap3A_724], %swap3A_727 {strides = array<i32>} : memref<128x64xf32, #tpu.memory_space<vmem>>, vector<1x16xf32>,
        %get3A_728 = arith.index_cast %add3A_703 : i32 to index
        %get3A_729 = arith.constant 32 : index
        %get3A_730 = tpu.vector_load %arg11[%get3A_728, %get3A_729] {strides = array<i32>} : memref<128x64xf32, #tpu.memory_space<vmem>>, vector<1x16xf32>,
        %get3A_731 = vector.shape_cast %get3A_730 : vector<1x16xf32> to vector<16xf32>
        %mul3A_732 = vector.broadcast %squeeze3A_705 : f32 to vector<16xf32>
        %mul3A_733 = arith.mulf %get3A_731, %mul3A_732 : vector<16xf32>
        %swap3A_734 = arith.index_cast %add3A_703 : i32 to index
        %swap3A_735 = arith.constant 32 : index
        %swap3A_736 = tpu.vector_load %arg13[%swap3A_734, %swap3A_735] {strides = array<i32>} : memref<128x64xf32, #tpu.memory_space<vmem>>, vector<1x16xf32>,
        %swap3A_737 = vector.shape_cast %swap3A_736 : vector<1x16xf32> to vector<16xf32>
        %swap3A_738 = vector.shape_cast %mul3A_733 : vector<16xf32> to vector<1x16xf32>
        tpu.vector_store %arg13[%swap3A_734, %swap3A_735], %swap3A_738 {strides = array<i32>} : memref<128x64xf32, #tpu.memory_space<vmem>>, vector<1x16xf32>,
        %get3A_739 = arith.index_cast %add3A_703 : i32 to index
        %get3A_740 = arith.constant 48 : index
        %get3A_741 = tpu.vector_load %arg11[%get3A_739, %get3A_740] {strides = array<i32>} : memref<128x64xf32, #tpu.memory_space<vmem>>, vector<1x16xf32>,
        %get3A_742 = vector.shape_cast %get3A_741 : vector<1x16xf32> to vector<16xf32>
        %mul3A_743 = vector.broadcast %squeeze3A_705 : f32 to vector<16xf32>
        %mul3A_744 = arith.mulf %get3A_742, %mul3A_743 : vector<16xf32>
        %swap3A_745 = arith.index_cast %add3A_703 : i32 to index
        %swap3A_746 = arith.constant 48 : index
        %swap3A_747 = tpu.vector_load %arg13[%swap3A_745, %swap3A_746] {strides = array<i32>} : memref<128x64xf32, #tpu.memory_space<vmem>>, vector<1x16xf32>,
        %swap3A_748 = vector.shape_cast %swap3A_747 : vector<1x16xf32> to vector<16xf32>
        %swap3A_749 = vector.shape_cast %mul3A_744 : vector<16xf32> to vector<1x16xf32>
        tpu.vector_store %arg13[%swap3A_745, %swap3A_746], %swap3A_749 {strides = array<i32>} : memref<128x64xf32, #tpu.memory_space<vmem>>, vector<1x16xf32>,
        %mul3A_750 = arith.constant 16 : i32
        %mul3A_751 = arith.muli %scan3A_196, %mul3A_750 : i32
        %add3A_752 = arith.constant 11 : i32
        %add3A_753 = arith.addi %mul3A_751, %add3A_752 : i32
        %slice3A_754 = vector.extract_strided_slice %get3A_202 {offsets = [11], sizes = [1], strides = [1]} : vector<16xf32> to vector<1xf32>
        %squeeze3A_755 = vector.extract %slice3A_754[0] : f32 from vector<1xf32>
        %get3A_756 = arith.index_cast %add3A_753 : i32 to index
        %get3A_757 = arith.constant 0 : index
        %get3A_758 = tpu.vector_load %arg11[%get3A_756, %get3A_757] {strides = array<i32>} : memref<128x64xf32, #tpu.memory_space<vmem>>, vector<1x16xf32>,
        %get3A_759 = vector.shape_cast %get3A_758 : vector<1x16xf32> to vector<16xf32>
        %mul3A_760 = vector.broadcast %squeeze3A_755 : f32 to vector<16xf32>
        %mul3A_761 = arith.mulf %get3A_759, %mul3A_760 : vector<16xf32>
        %swap3A_762 = arith.index_cast %add3A_753 : i32 to index
        %swap3A_763 = arith.constant 0 : index
        %swap3A_764 = tpu.vector_load %arg13[%swap3A_762, %swap3A_763] {strides = array<i32>} : memref<128x64xf32, #tpu.memory_space<vmem>>, vector<1x16xf32>,
        %swap3A_765 = vector.shape_cast %swap3A_764 : vector<1x16xf32> to vector<16xf32>
        %swap3A_766 = vector.shape_cast %mul3A_761 : vector<16xf32> to vector<1x16xf32>
        tpu.vector_store %arg13[%swap3A_762, %swap3A_763], %swap3A_766 {strides = array<i32>} : memref<128x64xf32, #tpu.memory_space<vmem>>, vector<1x16xf32>,
        %get3A_767 = arith.index_cast %add3A_753 : i32 to index
        %get3A_768 = arith.constant 16 : index
        %get3A_769 = tpu.vector_load %arg11[%get3A_767, %get3A_768] {strides = array<i32>} : memref<128x64xf32, #tpu.memory_space<vmem>>, vector<1x16xf32>,
        %get3A_770 = vector.shape_cast %get3A_769 : vector<1x16xf32> to vector<16xf32>
        %mul3A_771 = vector.broadcast %squeeze3A_755 : f32 to vector<16xf32>
        %mul3A_772 = arith.mulf %get3A_770, %mul3A_771 : vector<16xf32>
        %swap3A_773 = arith.index_cast %add3A_753 : i32 to index
        %swap3A_774 = arith.constant 16 : index
        %swap3A_775 = tpu.vector_load %arg13[%swap3A_773, %swap3A_774] {strides = array<i32>} : memref<128x64xf32, #tpu.memory_space<vmem>>, vector<1x16xf32>,
        %swap3A_776 = vector.shape_cast %swap3A_775 : vector<1x16xf32> to vector<16xf32>
        %swap3A_777 = vector.shape_cast %mul3A_772 : vector<16xf32> to vector<1x16xf32>
        tpu.vector_store %arg13[%swap3A_773, %swap3A_774], %swap3A_777 {strides = array<i32>} : memref<128x64xf32, #tpu.memory_space<vmem>>, vector<1x16xf32>,
        %get3A_778 = arith.index_cast %add3A_753 : i32 to index
        %get3A_779 = arith.constant 32 : index
        %get3A_780 = tpu.vector_load %arg11[%get3A_778, %get3A_779] {strides = array<i32>} : memref<128x64xf32, #tpu.memory_space<vmem>>, vector<1x16xf32>,
        %get3A_781 = vector.shape_cast %get3A_780 : vector<1x16xf32> to vector<16xf32>
        %mul3A_782 = vector.broadcast %squeeze3A_755 : f32 to vector<16xf32>
        %mul3A_783 = arith.mulf %get3A_781, %mul3A_782 : vector<16xf32>
        %swap3A_784 = arith.index_cast %add3A_753 : i32 to index
        %swap3A_785 = arith.constant 32 : index
        %swap3A_786 = tpu.vector_load %arg13[%swap3A_784, %swap3A_785] {strides = array<i32>} : memref<128x64xf32, #tpu.memory_space<vmem>>, vector<1x16xf32>,
        %swap3A_787 = vector.shape_cast %swap3A_786 : vector<1x16xf32> to vector<16xf32>
        %swap3A_788 = vector.shape_cast %mul3A_783 : vector<16xf32> to vector<1x16xf32>
        tpu.vector_store %arg13[%swap3A_784, %swap3A_785], %swap3A_788 {strides = array<i32>} : memref<128x64xf32, #tpu.memory_space<vmem>>, vector<1x16xf32>,
        %get3A_789 = arith.index_cast %add3A_753 : i32 to index
        %get3A_790 = arith.constant 48 : index
        %get3A_791 = tpu.vector_load %arg11[%get3A_789, %get3A_790] {strides = array<i32>} : memref<128x64xf32, #tpu.memory_space<vmem>>, vector<1x16xf32>,
        %get3A_792 = vector.shape_cast %get3A_791 : vector<1x16xf32> to vector<16xf32>
        %mul3A_793 = vector.broadcast %squeeze3A_755 : f32 to vector<16xf32>
        %mul3A_794 = arith.mulf %get3A_792, %mul3A_793 : vector<16xf32>
        %swap3A_795 = arith.index_cast %add3A_753 : i32 to index
        %swap3A_796 = arith.constant 48 : index
        %swap3A_797 = tpu.vector_load %arg13[%swap3A_795, %swap3A_796] {strides = array<i32>} : memref<128x64xf32, #tpu.memory_space<vmem>>, vector<1x16xf32>,
        %swap3A_798 = vector.shape_cast %swap3A_797 : vector<1x16xf32> to vector<16xf32>
        %swap3A_799 = vector.shape_cast %mul3A_794 : vector<16xf32> to vector<1x16xf32>
        tpu.vector_store %arg13[%swap3A_795, %swap3A_796], %swap3A_799 {strides = array<i32>} : memref<128x64xf32, #tpu.memory_space<vmem>>, vector<1x16xf32>,
        %mul3A_800 = arith.constant 16 : i32
        %mul3A_801 = arith.muli %scan3A_196, %mul3A_800 : i32
        %add3A_802 = arith.constant 12 : i32
        %add3A_803 = arith.addi %mul3A_801, %add3A_802 : i32
        %slice3A_804 = vector.extract_strided_slice %get3A_202 {offsets = [12], sizes = [1], strides = [1]} : vector<16xf32> to vector<1xf32>
        %squeeze3A_805 = vector.extract %slice3A_804[0] : f32 from vector<1xf32>
        %get3A_806 = arith.index_cast %add3A_803 : i32 to index
        %get3A_807 = arith.constant 0 : index
        %get3A_808 = tpu.vector_load %arg11[%get3A_806, %get3A_807] {strides = array<i32>} : memref<128x64xf32, #tpu.memory_space<vmem>>, vector<1x16xf32>,
        %get3A_809 = vector.shape_cast %get3A_808 : vector<1x16xf32> to vector<16xf32>
        %mul3A_810 = vector.broadcast %squeeze3A_805 : f32 to vector<16xf32>
        %mul3A_811 = arith.mulf %get3A_809, %mul3A_810 : vector<16xf32>
        %swap3A_812 = arith.index_cast %add3A_803 : i32 to index
        %swap3A_813 = arith.constant 0 : index
        %swap3A_814 = tpu.vector_load %arg13[%swap3A_812, %swap3A_813] {strides = array<i32>} : memref<128x64xf32, #tpu.memory_space<vmem>>, vector<1x16xf32>,
        %swap3A_815 = vector.shape_cast %swap3A_814 : vector<1x16xf32> to vector<16xf32>
        %swap3A_816 = vector.shape_cast %mul3A_811 : vector<16xf32> to vector<1x16xf32>
        tpu.vector_store %arg13[%swap3A_812, %swap3A_813], %swap3A_816 {strides = array<i32>} : memref<128x64xf32, #tpu.memory_space<vmem>>, vector<1x16xf32>,
        %get3A_817 = arith.index_cast %add3A_803 : i32 to index
        %get3A_818 = arith.constant 16 : index
        %get3A_819 = tpu.vector_load %arg11[%get3A_817, %get3A_818] {strides = array<i32>} : memref<128x64xf32, #tpu.memory_space<vmem>>, vector<1x16xf32>,
        %get3A_820 = vector.shape_cast %get3A_819 : vector<1x16xf32> to vector<16xf32>
        %mul3A_821 = vector.broadcast %squeeze3A_805 : f32 to vector<16xf32>
        %mul3A_822 = arith.mulf %get3A_820, %mul3A_821 : vector<16xf32>
        %swap3A_823 = arith.index_cast %add3A_803 : i32 to index
        %swap3A_824 = arith.constant 16 : index
        %swap3A_825 = tpu.vector_load %arg13[%swap3A_823, %swap3A_824] {strides = array<i32>} : memref<128x64xf32, #tpu.memory_space<vmem>>, vector<1x16xf32>,
        %swap3A_826 = vector.shape_cast %swap3A_825 : vector<1x16xf32> to vector<16xf32>
        %swap3A_827 = vector.shape_cast %mul3A_822 : vector<16xf32> to vector<1x16xf32>
        tpu.vector_store %arg13[%swap3A_823, %swap3A_824], %swap3A_827 {strides = array<i32>} : memref<128x64xf32, #tpu.memory_space<vmem>>, vector<1x16xf32>,
        %get3A_828 = arith.index_cast %add3A_803 : i32 to index
        %get3A_829 = arith.constant 32 : index
        %get3A_830 = tpu.vector_load %arg11[%get3A_828, %get3A_829] {strides = array<i32>} : memref<128x64xf32, #tpu.memory_space<vmem>>, vector<1x16xf32>,
        %get3A_831 = vector.shape_cast %get3A_830 : vector<1x16xf32> to vector<16xf32>
        %mul3A_832 = vector.broadcast %squeeze3A_805 : f32 to vector<16xf32>
        %mul3A_833 = arith.mulf %get3A_831, %mul3A_832 : vector<16xf32>
        %swap3A_834 = arith.index_cast %add3A_803 : i32 to index
        %swap3A_835 = arith.constant 32 : index
        %swap3A_836 = tpu.vector_load %arg13[%swap3A_834, %swap3A_835] {strides = array<i32>} : memref<128x64xf32, #tpu.memory_space<vmem>>, vector<1x16xf32>,
        %swap3A_837 = vector.shape_cast %swap3A_836 : vector<1x16xf32> to vector<16xf32>
        %swap3A_838 = vector.shape_cast %mul3A_833 : vector<16xf32> to vector<1x16xf32>
        tpu.vector_store %arg13[%swap3A_834, %swap3A_835], %swap3A_838 {strides = array<i32>} : memref<128x64xf32, #tpu.memory_space<vmem>>, vector<1x16xf32>,
        %get3A_839 = arith.index_cast %add3A_803 : i32 to index
        %get3A_840 = arith.constant 48 : index
        %get3A_841 = tpu.vector_load %arg11[%get3A_839, %get3A_840] {strides = array<i32>} : memref<128x64xf32, #tpu.memory_space<vmem>>, vector<1x16xf32>,
        %get3A_842 = vector.shape_cast %get3A_841 : vector<1x16xf32> to vector<16xf32>
        %mul3A_843 = vector.broadcast %squeeze3A_805 : f32 to vector<16xf32>
        %mul3A_844 = arith.mulf %get3A_842, %mul3A_843 : vector<16xf32>
        %swap3A_845 = arith.index_cast %add3A_803 : i32 to index
        %swap3A_846 = arith.constant 48 : index
        %swap3A_847 = tpu.vector_load %arg13[%swap3A_845, %swap3A_846] {strides = array<i32>} : memref<128x64xf32, #tpu.memory_space<vmem>>, vector<1x16xf32>,
        %swap3A_848 = vector.shape_cast %swap3A_847 : vector<1x16xf32> to vector<16xf32>
        %swap3A_849 = vector.shape_cast %mul3A_844 : vector<16xf32> to vector<1x16xf32>
        tpu.vector_store %arg13[%swap3A_845, %swap3A_846], %swap3A_849 {strides = array<i32>} : memref<128x64xf32, #tpu.memory_space<vmem>>, vector<1x16xf32>,
        %mul3A_850 = arith.constant 16 : i32
        %mul3A_851 = arith.muli %scan3A_196, %mul3A_850 : i32
        %add3A_852 = arith.constant 13 : i32
        %add3A_853 = arith.addi %mul3A_851, %add3A_852 : i32
        %slice3A_854 = vector.extract_strided_slice %get3A_202 {offsets = [13], sizes = [1], strides = [1]} : vector<16xf32> to vector<1xf32>
        %squeeze3A_855 = vector.extract %slice3A_854[0] : f32 from vector<1xf32>
        %get3A_856 = arith.index_cast %add3A_853 : i32 to index
        %get3A_857 = arith.constant 0 : index
        %get3A_858 = tpu.vector_load %arg11[%get3A_856, %get3A_857] {strides = array<i32>} : memref<128x64xf32, #tpu.memory_space<vmem>>, vector<1x16xf32>,
        %get3A_859 = vector.shape_cast %get3A_858 : vector<1x16xf32> to vector<16xf32>
        %mul3A_860 = vector.broadcast %squeeze3A_855 : f32 to vector<16xf32>
        %mul3A_861 = arith.mulf %get3A_859, %mul3A_860 : vector<16xf32>
        %swap3A_862 = arith.index_cast %add3A_853 : i32 to index
        %swap3A_863 = arith.constant 0 : index
        %swap3A_864 = tpu.vector_load %arg13[%swap3A_862, %swap3A_863] {strides = array<i32>} : memref<128x64xf32, #tpu.memory_space<vmem>>, vector<1x16xf32>,
        %swap3A_865 = vector.shape_cast %swap3A_864 : vector<1x16xf32> to vector<16xf32>
        %swap3A_866 = vector.shape_cast %mul3A_861 : vector<16xf32> to vector<1x16xf32>
        tpu.vector_store %arg13[%swap3A_862, %swap3A_863], %swap3A_866 {strides = array<i32>} : memref<128x64xf32, #tpu.memory_space<vmem>>, vector<1x16xf32>,
        %get3A_867 = arith.index_cast %add3A_853 : i32 to index
        %get3A_868 = arith.constant 16 : index
        %get3A_869 = tpu.vector_load %arg11[%get3A_867, %get3A_868] {strides = array<i32>} : memref<128x64xf32, #tpu.memory_space<vmem>>, vector<1x16xf32>,
        %get3A_870 = vector.shape_cast %get3A_869 : vector<1x16xf32> to vector<16xf32>
        %mul3A_871 = vector.broadcast %squeeze3A_855 : f32 to vector<16xf32>
        %mul3A_872 = arith.mulf %get3A_870, %mul3A_871 : vector<16xf32>
        %swap3A_873 = arith.index_cast %add3A_853 : i32 to index
        %swap3A_874 = arith.constant 16 : index
        %swap3A_875 = tpu.vector_load %arg13[%swap3A_873, %swap3A_874] {strides = array<i32>} : memref<128x64xf32, #tpu.memory_space<vmem>>, vector<1x16xf32>,
        %swap3A_876 = vector.shape_cast %swap3A_875 : vector<1x16xf32> to vector<16xf32>
        %swap3A_877 = vector.shape_cast %mul3A_872 : vector<16xf32> to vector<1x16xf32>
        tpu.vector_store %arg13[%swap3A_873, %swap3A_874], %swap3A_877 {strides = array<i32>} : memref<128x64xf32, #tpu.memory_space<vmem>>, vector<1x16xf32>,
        %get3A_878 = arith.index_cast %add3A_853 : i32 to index
        %get3A_879 = arith.constant 32 : index
        %get3A_880 = tpu.vector_load %arg11[%get3A_878, %get3A_879] {strides = array<i32>} : memref<128x64xf32, #tpu.memory_space<vmem>>, vector<1x16xf32>,
        %get3A_881 = vector.shape_cast %get3A_880 : vector<1x16xf32> to vector<16xf32>
        %mul3A_882 = vector.broadcast %squeeze3A_855 : f32 to vector<16xf32>
        %mul3A_883 = arith.mulf %get3A_881, %mul3A_882 : vector<16xf32>
        %swap3A_884 = arith.index_cast %add3A_853 : i32 to index
        %swap3A_885 = arith.constant 32 : index
        %swap3A_886 = tpu.vector_load %arg13[%swap3A_884, %swap3A_885] {strides = array<i32>} : memref<128x64xf32, #tpu.memory_space<vmem>>, vector<1x16xf32>,
        %swap3A_887 = vector.shape_cast %swap3A_886 : vector<1x16xf32> to vector<16xf32>
        %swap3A_888 = vector.shape_cast %mul3A_883 : vector<16xf32> to vector<1x16xf32>
        tpu.vector_store %arg13[%swap3A_884, %swap3A_885], %swap3A_888 {strides = array<i32>} : memref<128x64xf32, #tpu.memory_space<vmem>>, vector<1x16xf32>,
        %get3A_889 = arith.index_cast %add3A_853 : i32 to index
        %get3A_890 = arith.constant 48 : index
        %get3A_891 = tpu.vector_load %arg11[%get3A_889, %get3A_890] {strides = array<i32>} : memref<128x64xf32, #tpu.memory_space<vmem>>, vector<1x16xf32>,
        %get3A_892 = vector.shape_cast %get3A_891 : vector<1x16xf32> to vector<16xf32>
        %mul3A_893 = vector.broadcast %squeeze3A_855 : f32 to vector<16xf32>
        %mul3A_894 = arith.mulf %get3A_892, %mul3A_893 : vector<16xf32>
        %swap3A_895 = arith.index_cast %add3A_853 : i32 to index
        %swap3A_896 = arith.constant 48 : index
        %swap3A_897 = tpu.vector_load %arg13[%swap3A_895, %swap3A_896] {strides = array<i32>} : memref<128x64xf32, #tpu.memory_space<vmem>>, vector<1x16xf32>,
        %swap3A_898 = vector.shape_cast %swap3A_897 : vector<1x16xf32> to vector<16xf32>
        %swap3A_899 = vector.shape_cast %mul3A_894 : vector<16xf32> to vector<1x16xf32>
        tpu.vector_store %arg13[%swap3A_895, %swap3A_896], %swap3A_899 {strides = array<i32>} : memref<128x64xf32, #tpu.memory_space<vmem>>, vector<1x16xf32>,
        %mul3A_900 = arith.constant 16 : i32
        %mul3A_901 = arith.muli %scan3A_196, %mul3A_900 : i32
        %add3A_902 = arith.constant 14 : i32
        %add3A_903 = arith.addi %mul3A_901, %add3A_902 : i32
        %slice3A_904 = vector.extract_strided_slice %get3A_202 {offsets = [14], sizes = [1], strides = [1]} : vector<16xf32> to vector<1xf32>
        %squeeze3A_905 = vector.extract %slice3A_904[0] : f32 from vector<1xf32>
        %get3A_906 = arith.index_cast %add3A_903 : i32 to index
        %get3A_907 = arith.constant 0 : index
        %get3A_908 = tpu.vector_load %arg11[%get3A_906, %get3A_907] {strides = array<i32>} : memref<128x64xf32, #tpu.memory_space<vmem>>, vector<1x16xf32>,
        %get3A_909 = vector.shape_cast %get3A_908 : vector<1x16xf32> to vector<16xf32>
        %mul3A_910 = vector.broadcast %squeeze3A_905 : f32 to vector<16xf32>
        %mul3A_911 = arith.mulf %get3A_909, %mul3A_910 : vector<16xf32>
        %swap3A_912 = arith.index_cast %add3A_903 : i32 to index
        %swap3A_913 = arith.constant 0 : index
        %swap3A_914 = tpu.vector_load %arg13[%swap3A_912, %swap3A_913] {strides = array<i32>} : memref<128x64xf32, #tpu.memory_space<vmem>>, vector<1x16xf32>,
        %swap3A_915 = vector.shape_cast %swap3A_914 : vector<1x16xf32> to vector<16xf32>
        %swap3A_916 = vector.shape_cast %mul3A_911 : vector<16xf32> to vector<1x16xf32>
        tpu.vector_store %arg13[%swap3A_912, %swap3A_913], %swap3A_916 {strides = array<i32>} : memref<128x64xf32, #tpu.memory_space<vmem>>, vector<1x16xf32>,
        %get3A_917 = arith.index_cast %add3A_903 : i32 to index
        %get3A_918 = arith.constant 16 : index
        %get3A_919 = tpu.vector_load %arg11[%get3A_917, %get3A_918] {strides = array<i32>} : memref<128x64xf32, #tpu.memory_space<vmem>>, vector<1x16xf32>,
        %get3A_920 = vector.shape_cast %get3A_919 : vector<1x16xf32> to vector<16xf32>
        %mul3A_921 = vector.broadcast %squeeze3A_905 : f32 to vector<16xf32>
        %mul3A_922 = arith.mulf %get3A_920, %mul3A_921 : vector<16xf32>
        %swap3A_923 = arith.index_cast %add3A_903 : i32 to index
        %swap3A_924 = arith.constant 16 : index
        %swap3A_925 = tpu.vector_load %arg13[%swap3A_923, %swap3A_924] {strides = array<i32>} : memref<128x64xf32, #tpu.memory_space<vmem>>, vector<1x16xf32>,
        %swap3A_926 = vector.shape_cast %swap3A_925 : vector<1x16xf32> to vector<16xf32>
        %swap3A_927 = vector.shape_cast %mul3A_922 : vector<16xf32> to vector<1x16xf32>
        tpu.vector_store %arg13[%swap3A_923, %swap3A_924], %swap3A_927 {strides = array<i32>} : memref<128x64xf32, #tpu.memory_space<vmem>>, vector<1x16xf32>,
        %get3A_928 = arith.index_cast %add3A_903 : i32 to index
        %get3A_929 = arith.constant 32 : index
        %get3A_930 = tpu.vector_load %arg11[%get3A_928, %get3A_929] {strides = array<i32>} : memref<128x64xf32, #tpu.memory_space<vmem>>, vector<1x16xf32>,
        %get3A_931 = vector.shape_cast %get3A_930 : vector<1x16xf32> to vector<16xf32>
        %mul3A_932 = vector.broadcast %squeeze3A_905 : f32 to vector<16xf32>
        %mul3A_933 = arith.mulf %get3A_931, %mul3A_932 : vector<16xf32>
        %swap3A_934 = arith.index_cast %add3A_903 : i32 to index
        %swap3A_935 = arith.constant 32 : index
        %swap3A_936 = tpu.vector_load %arg13[%swap3A_934, %swap3A_935] {strides = array<i32>} : memref<128x64xf32, #tpu.memory_space<vmem>>, vector<1x16xf32>,
        %swap3A_937 = vector.shape_cast %swap3A_936 : vector<1x16xf32> to vector<16xf32>
        %swap3A_938 = vector.shape_cast %mul3A_933 : vector<16xf32> to vector<1x16xf32>
        tpu.vector_store %arg13[%swap3A_934, %swap3A_935], %swap3A_938 {strides = array<i32>} : memref<128x64xf32, #tpu.memory_space<vmem>>, vector<1x16xf32>,
        %get3A_939 = arith.index_cast %add3A_903 : i32 to index
        %get3A_940 = arith.constant 48 : index
        %get3A_941 = tpu.vector_load %arg11[%get3A_939, %get3A_940] {strides = array<i32>} : memref<128x64xf32, #tpu.memory_space<vmem>>, vector<1x16xf32>,
        %get3A_942 = vector.shape_cast %get3A_941 : vector<1x16xf32> to vector<16xf32>
        %mul3A_943 = vector.broadcast %squeeze3A_905 : f32 to vector<16xf32>
        %mul3A_944 = arith.mulf %get3A_942, %mul3A_943 : vector<16xf32>
        %swap3A_945 = arith.index_cast %add3A_903 : i32 to index
        %swap3A_946 = arith.constant 48 : index
        %swap3A_947 = tpu.vector_load %arg13[%swap3A_945, %swap3A_946] {strides = array<i32>} : memref<128x64xf32, #tpu.memory_space<vmem>>, vector<1x16xf32>,
        %swap3A_948 = vector.shape_cast %swap3A_947 : vector<1x16xf32> to vector<16xf32>
        %swap3A_949 = vector.shape_cast %mul3A_944 : vector<16xf32> to vector<1x16xf32>
        tpu.vector_store %arg13[%swap3A_945, %swap3A_946], %swap3A_949 {strides = array<i32>} : memref<128x64xf32, #tpu.memory_space<vmem>>, vector<1x16xf32>,
        %mul3A_950 = arith.constant 16 : i32
        %mul3A_951 = arith.muli %scan3A_196, %mul3A_950 : i32
        %add3A_952 = arith.constant 15 : i32
        %add3A_953 = arith.addi %mul3A_951, %add3A_952 : i32
        %slice3A_954 = vector.extract_strided_slice %get3A_202 {offsets = [15], sizes = [1], strides = [1]} : vector<16xf32> to vector<1xf32>
        %squeeze3A_955 = vector.extract %slice3A_954[0] : f32 from vector<1xf32>
        %get3A_956 = arith.index_cast %add3A_953 : i32 to index
        %get3A_957 = arith.constant 0 : index
        %get3A_958 = tpu.vector_load %arg11[%get3A_956, %get3A_957] {strides = array<i32>} : memref<128x64xf32, #tpu.memory_space<vmem>>, vector<1x16xf32>,
        %get3A_959 = vector.shape_cast %get3A_958 : vector<1x16xf32> to vector<16xf32>
        %mul3A_960 = vector.broadcast %squeeze3A_955 : f32 to vector<16xf32>
        %mul3A_961 = arith.mulf %get3A_959, %mul3A_960 : vector<16xf32>
        %swap3A_962 = arith.index_cast %add3A_953 : i32 to index
        %swap3A_963 = arith.constant 0 : index
        %swap3A_964 = tpu.vector_load %arg13[%swap3A_962, %swap3A_963] {strides = array<i32>} : memref<128x64xf32, #tpu.memory_space<vmem>>, vector<1x16xf32>,
        %swap3A_965 = vector.shape_cast %swap3A_964 : vector<1x16xf32> to vector<16xf32>
        %swap3A_966 = vector.shape_cast %mul3A_961 : vector<16xf32> to vector<1x16xf32>
        tpu.vector_store %arg13[%swap3A_962, %swap3A_963], %swap3A_966 {strides = array<i32>} : memref<128x64xf32, #tpu.memory_space<vmem>>, vector<1x16xf32>,
        %get3A_967 = arith.index_cast %add3A_953 : i32 to index
        %get3A_968 = arith.constant 16 : index
        %get3A_969 = tpu.vector_load %arg11[%get3A_967, %get3A_968] {strides = array<i32>} : memref<128x64xf32, #tpu.memory_space<vmem>>, vector<1x16xf32>,
        %get3A_970 = vector.shape_cast %get3A_969 : vector<1x16xf32> to vector<16xf32>
        %mul3A_971 = vector.broadcast %squeeze3A_955 : f32 to vector<16xf32>
        %mul3A_972 = arith.mulf %get3A_970, %mul3A_971 : vector<16xf32>
        %swap3A_973 = arith.index_cast %add3A_953 : i32 to index
        %swap3A_974 = arith.constant 16 : index
        %swap3A_975 = tpu.vector_load %arg13[%swap3A_973, %swap3A_974] {strides = array<i32>} : memref<128x64xf32, #tpu.memory_space<vmem>>, vector<1x16xf32>,
        %swap3A_976 = vector.shape_cast %swap3A_975 : vector<1x16xf32> to vector<16xf32>
        %swap3A_977 = vector.shape_cast %mul3A_972 : vector<16xf32> to vector<1x16xf32>
        tpu.vector_store %arg13[%swap3A_973, %swap3A_974], %swap3A_977 {strides = array<i32>} : memref<128x64xf32, #tpu.memory_space<vmem>>, vector<1x16xf32>,
        %get3A_978 = arith.index_cast %add3A_953 : i32 to index
        %get3A_979 = arith.constant 32 : index
        %get3A_980 = tpu.vector_load %arg11[%get3A_978, %get3A_979] {strides = array<i32>} : memref<128x64xf32, #tpu.memory_space<vmem>>, vector<1x16xf32>,
        %get3A_981 = vector.shape_cast %get3A_980 : vector<1x16xf32> to vector<16xf32>
        %mul3A_982 = vector.broadcast %squeeze3A_955 : f32 to vector<16xf32>
        %mul3A_983 = arith.mulf %get3A_981, %mul3A_982 : vector<16xf32>
        %swap3A_984 = arith.index_cast %add3A_953 : i32 to index
        %swap3A_985 = arith.constant 32 : index
        %swap3A_986 = tpu.vector_load %arg13[%swap3A_984, %swap3A_985] {strides = array<i32>} : memref<128x64xf32, #tpu.memory_space<vmem>>, vector<1x16xf32>,
        %swap3A_987 = vector.shape_cast %swap3A_986 : vector<1x16xf32> to vector<16xf32>
        %swap3A_988 = vector.shape_cast %mul3A_983 : vector<16xf32> to vector<1x16xf32>
        tpu.vector_store %arg13[%swap3A_984, %swap3A_985], %swap3A_988 {strides = array<i32>} : memref<128x64xf32, #tpu.memory_space<vmem>>, vector<1x16xf32>,
        %get3A_989 = arith.index_cast %add3A_953 : i32 to index
        %get3A_990 = arith.constant 48 : index
        %get3A_991 = tpu.vector_load %arg11[%get3A_989, %get3A_990] {strides = array<i32>} : memref<128x64xf32, #tpu.memory_space<vmem>>, vector<1x16xf32>,
        %get3A_992 = vector.shape_cast %get3A_991 : vector<1x16xf32> to vector<16xf32>
        %mul3A_993 = vector.broadcast %squeeze3A_955 : f32 to vector<16xf32>
        %mul3A_994 = arith.mulf %get3A_992, %mul3A_993 : vector<16xf32>
        %swap3A_995 = arith.index_cast %add3A_953 : i32 to index
        %swap3A_996 = arith.constant 48 : index
        %swap3A_997 = tpu.vector_load %arg13[%swap3A_995, %swap3A_996] {strides = array<i32>} : memref<128x64xf32, #tpu.memory_space<vmem>>, vector<1x16xf32>,
        %swap3A_998 = vector.shape_cast %swap3A_997 : vector<1x16xf32> to vector<16xf32>
        %swap3A_999 = vector.shape_cast %mul3A_994 : vector<16xf32> to vector<1x16xf32>
        tpu.vector_store %arg13[%swap3A_995, %swap3A_996], %swap3A_999 {strides = array<i32>} : memref<128x64xf32, #tpu.memory_space<vmem>>, vector<1x16xf32>,
        %scan3A_1000 = arith.constant 0 : i32
        scf.yield %scan3A_1000 : i32
      }
      %scan3A_146 = arith.constant 8 : i32
      %add3A_147 = arith.constant 2 : i32
      %add3A_148 = arith.addi %add3A_129, %add3A_147 : i32
      %lt3A_149 = arith.constant 80 : i32
      %lt3A_150 = arith.cmpi slt, %add3A_148, %lt3A_149 : i32
      %convert_element_type3A_151 = arith.extui %lt3A_150 : i1 to i32
      %cond3A_152 = arith.constant 0 : i32
      %cond3A_153 = arith.cmpi ne, %convert_element_type3A_151, %cond3A_152 : i32
      scf.if %cond3A_153 {
        %add3A_196 = arith.constant 2 : i32
        %add3A_197 = arith.addi %add3A_129, %add3A_196 : i32
        %dma_start3A_198 = arith.constant 0 : i32
        %dma_start3A_199 = tpu.memref_slice %arg8[%add3A_197, %dma_start3A_198] : memref<80x128xi32, #tpu.memory_space<vmem>> -> memref<1x128xi32, #tpu.memory_space<vmem>>
        %dma_start3A_200 = tpu.memref_squeeze %dma_start3A_199 : memref<1x128xi32, #tpu.memory_space<vmem>> -> memref<128xi32, #tpu.memory_space<vmem>>
        %dma_start3A_201 = arith.constant 0 : i32
        %dma_start3A_202 = arith.constant 0 : i32
        %dma_start3A_203 = tpu.memref_slice %arg5[%dma_start3A_201, %dma_start3A_202] : memref<10000x64xf32, #tpu.memory_space<hbm>> -> memref<10000x64xf32, #tpu.memory_space<hbm>>
        tpu.enqueue_indirect_dma source(%dma_start3A_203 : memref<10000x64xf32, #tpu.memory_space<hbm>>) target(%arg11 : memref<128x64xf32, #tpu.memory_space<vmem>>) offsets(%dma_start3A_200 : memref<128xi32, #tpu.memory_space<vmem>>) semaphore(%arg16 : memref<!tpu.dma_semaphore, #tpu.memory_space<semaphore_mem>>)
      } else {
      }
      %dma_start3A_154 = arith.constant 0 : i32
      %dma_start3A_155 = tpu.memref_slice %arg9[%add3A_129, %dma_start3A_154] : memref<80x128xi32, #tpu.memory_space<vmem>> -> memref<1x128xi32, #tpu.memory_space<vmem>>
      %dma_start3A_156 = tpu.memref_squeeze %dma_start3A_155 : memref<1x128xi32, #tpu.memory_space<vmem>> -> memref<128xi32, #tpu.memory_space<vmem>>
      %dma_start3A_157 = arith.constant 0 : i32
      %dma_start3A_158 = arith.constant 0 : i32
      %dma_start3A_159 = tpu.memref_slice %arg15[%dma_start3A_157, %dma_start3A_158] : memref<10000x64xf32, #tpu.memory_space<vmem_shared>> -> memref<10000x64xf32, #tpu.memory_space<vmem_shared>>
      tpu.enqueue_indirect_dma source(%arg13 : memref<128x64xf32, #tpu.memory_space<vmem>>) target(%dma_start3A_159 : memref<10000x64xf32, #tpu.memory_space<vmem_shared>>) offsets(%dma_start3A_156 : memref<128xi32, #tpu.memory_space<vmem>>) semaphore(%arg18 : memref<!tpu.dma_semaphore, #tpu.memory_space<semaphore_mem>>) {add = true}
      %mul3A_160 = arith.constant 2 : i32
      %mul3A_161 = arith.muli %mul3A_160, %scan3A_124 : i32
      %add3A_162 = arith.constant 1 : i32
      %add3A_163 = arith.addi %mul3A_161, %add3A_162 : i32
      %dma_wait3A_164 = arith.constant 0 : i32
      %dma_wait3A_165 = tpu.memref_slice %arg8[%add3A_163, %dma_wait3A_164] : memref<80x128xi32, #tpu.memory_space<vmem>> -> memref<1x128xi32, #tpu.memory_space<vmem>>
      %dma_wait3A_166 = tpu.memref_squeeze %dma_wait3A_165 : memref<1x128xi32, #tpu.memory_space<vmem>> -> memref<128xi32, #tpu.memory_space<vmem>>
      %dma_wait3A_167 = arith.constant 0 : i32
      %dma_wait3A_168 = arith.constant 0 : i32
      %dma_wait3A_169 = tpu.memref_slice %arg5[%dma_wait3A_167, %dma_wait3A_168] : memref<10000x64xf32, #tpu.memory_space<hbm>> -> memref<10000x64xf32, #tpu.memory_space<hbm>>
      tpu.wait_indirect_dma semaphore(%arg17 : memref<!tpu.dma_semaphore, #tpu.memory_space<semaphore_mem>>) src(%dma_wait3A_169 : memref<10000x64xf32, #tpu.memory_space<hbm>>) dst(%arg12 : memref<128x64xf32, #tpu.memory_space<vmem>>)
      %ge3A_170 = arith.constant 2 : i32
      %ge3A_171 = arith.cmpi sge, %add3A_163, %ge3A_170 : i32
      %convert_element_type3A_172 = arith.extui %ge3A_171 : i1 to i32
      %cond3A_173 = arith.constant 0 : i32
      %cond3A_174 = arith.cmpi ne, %convert_element_type3A_172, %cond3A_173 : i32
      scf.if %cond3A_174 {
        %dma_wait3A_196 = arith.constant 0 : i32
        %dma_wait3A_197 = tpu.memref_slice %arg9[%add3A_163, %dma_wait3A_196] : memref<80x128xi32, #tpu.memory_space<vmem>> -> memref<1x128xi32, #tpu.memory_space<vmem>>
        %dma_wait3A_198 = tpu.memref_squeeze %dma_wait3A_197 : memref<1x128xi32, #tpu.memory_space<vmem>> -> memref<128xi32, #tpu.memory_space<vmem>>
        %dma_wait3A_199 = arith.constant 0 : i32
        %dma_wait3A_200 = arith.constant 0 : i32
        %dma_wait3A_201 = tpu.memref_slice %arg15[%dma_wait3A_199, %dma_wait3A_200] : memref<10000x64xf32, #tpu.memory_space<vmem_shared>> -> memref<10000x64xf32, #tpu.memory_space<vmem_shared>>
        tpu.wait_indirect_dma semaphore(%arg19 : memref<!tpu.dma_semaphore, #tpu.memory_space<semaphore_mem>>) src(%arg14 : memref<128x64xf32, #tpu.memory_space<vmem>>) dst(%dma_wait3A_201 : memref<10000x64xf32, #tpu.memory_space<vmem_shared>>)
      } else {
      }
      %scan3A_175 = arith.constant 0 : i32
      %scan3A_176 = arith.constant 0 : i32
      %scan3A_177 = arith.constant 8 : i32
      %scan3A_178 = arith.addi %scan3A_176, %scan3A_177 : i32
      %scan3A_179 = arith.constant 1 : i32
      %scan3A_180 = scf.for %scan3A_196 = %scan3A_176 to %scan3A_178 step %scan3A_179 iter_args(%scan3A_197 = %scan3A_175) -> (i32)  : i32 {
        %mul3A_198 = arith.constant 16 : i32
        %mul3A_199 = arith.muli %scan3A_196, %mul3A_198 : i32
        %get3A = arith.index_cast %add3A_163 : i32 to index
        %get3A_200 = arith.index_cast %mul3A_199 : i32 to index
        %get3A_201 = tpu.vector_load %arg10[%get3A, %get3A_200] {strides = array<i32>} : memref<80x128xf32, #tpu.memory_space<vmem>>, vector<1x16xf32>,
        %get3A_202 = vector.shape_cast %get3A_201 : vector<1x16xf32> to vector<16xf32>
        %mul3A_203 = arith.constant 16 : i32
        %mul3A_204 = arith.muli %scan3A_196, %mul3A_203 : i32
        %add3A_205 = arith.constant 0 : i32
        %add3A_206 = arith.addi %mul3A_204, %add3A_205 : i32
        %slice3A = vector.extract_strided_slice %get3A_202 {offsets = [0], sizes = [1], strides = [1]} : vector<16xf32> to vector<1xf32>
        %squeeze3A = vector.extract %slice3A[0] : f32 from vector<1xf32>
        %get3A_207 = arith.index_cast %add3A_206 : i32 to index
        %get3A_208 = arith.constant 0 : index
        %get3A_209 = tpu.vector_load %arg12[%get3A_207, %get3A_208] {strides = array<i32>} : memref<128x64xf32, #tpu.memory_space<vmem>>, vector<1x16xf32>,
        %get3A_210 = vector.shape_cast %get3A_209 : vector<1x16xf32> to vector<16xf32>
        %mul3A_211 = vector.broadcast %squeeze3A : f32 to vector<16xf32>
        %mul3A_212 = arith.mulf %get3A_210, %mul3A_211 : vector<16xf32>
        %swap3A = arith.index_cast %add3A_206 : i32 to index
        %swap3A_213 = arith.constant 0 : index
        %swap3A_214 = tpu.vector_load %arg14[%swap3A, %swap3A_213] {strides = array<i32>} : memref<128x64xf32, #tpu.memory_space<vmem>>, vector<1x16xf32>,
        %swap3A_215 = vector.shape_cast %swap3A_214 : vector<1x16xf32> to vector<16xf32>
        %swap3A_216 = vector.shape_cast %mul3A_212 : vector<16xf32> to vector<1x16xf32>
        tpu.vector_store %arg14[%swap3A, %swap3A_213], %swap3A_216 {strides = array<i32>} : memref<128x64xf32, #tpu.memory_space<vmem>>, vector<1x16xf32>,
        %get3A_217 = arith.index_cast %add3A_206 : i32 to index
        %get3A_218 = arith.constant 16 : index
        %get3A_219 = tpu.vector_load %arg12[%get3A_217, %get3A_218] {strides = array<i32>} : memref<128x64xf32, #tpu.memory_space<vmem>>, vector<1x16xf32>,
        %get3A_220 = vector.shape_cast %get3A_219 : vector<1x16xf32> to vector<16xf32>
        %mul3A_221 = vector.broadcast %squeeze3A : f32 to vector<16xf32>
        %mul3A_222 = arith.mulf %get3A_220, %mul3A_221 : vector<16xf32>
        %swap3A_223 = arith.index_cast %add3A_206 : i32 to index
        %swap3A_224 = arith.constant 16 : index
        %swap3A_225 = tpu.vector_load %arg14[%swap3A_223, %swap3A_224] {strides = array<i32>} : memref<128x64xf32, #tpu.memory_space<vmem>>, vector<1x16xf32>,
        %swap3A_226 = vector.shape_cast %swap3A_225 : vector<1x16xf32> to vector<16xf32>
        %swap3A_227 = vector.shape_cast %mul3A_222 : vector<16xf32> to vector<1x16xf32>
        tpu.vector_store %arg14[%swap3A_223, %swap3A_224], %swap3A_227 {strides = array<i32>} : memref<128x64xf32, #tpu.memory_space<vmem>>, vector<1x16xf32>,
        %get3A_228 = arith.index_cast %add3A_206 : i32 to index
        %get3A_229 = arith.constant 32 : index
        %get3A_230 = tpu.vector_load %arg12[%get3A_228, %get3A_229] {strides = array<i32>} : memref<128x64xf32, #tpu.memory_space<vmem>>, vector<1x16xf32>,
        %get3A_231 = vector.shape_cast %get3A_230 : vector<1x16xf32> to vector<16xf32>
        %mul3A_232 = vector.broadcast %squeeze3A : f32 to vector<16xf32>
        %mul3A_233 = arith.mulf %get3A_231, %mul3A_232 : vector<16xf32>
        %swap3A_234 = arith.index_cast %add3A_206 : i32 to index
        %swap3A_235 = arith.constant 32 : index
        %swap3A_236 = tpu.vector_load %arg14[%swap3A_234, %swap3A_235] {strides = array<i32>} : memref<128x64xf32, #tpu.memory_space<vmem>>, vector<1x16xf32>,
        %swap3A_237 = vector.shape_cast %swap3A_236 : vector<1x16xf32> to vector<16xf32>
        %swap3A_238 = vector.shape_cast %mul3A_233 : vector<16xf32> to vector<1x16xf32>
        tpu.vector_store %arg14[%swap3A_234, %swap3A_235], %swap3A_238 {strides = array<i32>} : memref<128x64xf32, #tpu.memory_space<vmem>>, vector<1x16xf32>,
        %get3A_239 = arith.index_cast %add3A_206 : i32 to index
        %get3A_240 = arith.constant 48 : index
        %get3A_241 = tpu.vector_load %arg12[%get3A_239, %get3A_240] {strides = array<i32>} : memref<128x64xf32, #tpu.memory_space<vmem>>, vector<1x16xf32>,
        %get3A_242 = vector.shape_cast %get3A_241 : vector<1x16xf32> to vector<16xf32>
        %mul3A_243 = vector.broadcast %squeeze3A : f32 to vector<16xf32>
        %mul3A_244 = arith.mulf %get3A_242, %mul3A_243 : vector<16xf32>
        %swap3A_245 = arith.index_cast %add3A_206 : i32 to index
        %swap3A_246 = arith.constant 48 : index
        %swap3A_247 = tpu.vector_load %arg14[%swap3A_245, %swap3A_246] {strides = array<i32>} : memref<128x64xf32, #tpu.memory_space<vmem>>, vector<1x16xf32>,
        %swap3A_248 = vector.shape_cast %swap3A_247 : vector<1x16xf32> to vector<16xf32>
        %swap3A_249 = vector.shape_cast %mul3A_244 : vector<16xf32> to vector<1x16xf32>
        tpu.vector_store %arg14[%swap3A_245, %swap3A_246], %swap3A_249 {strides = array<i32>} : memref<128x64xf32, #tpu.memory_space<vmem>>, vector<1x16xf32>,
        %mul3A_250 = arith.constant 16 : i32
        %mul3A_251 = arith.muli %scan3A_196, %mul3A_250 : i32
        %add3A_252 = arith.constant 1 : i32
        %add3A_253 = arith.addi %mul3A_251, %add3A_252 : i32
        %slice3A_254 = vector.extract_strided_slice %get3A_202 {offsets = [1], sizes = [1], strides = [1]} : vector<16xf32> to vector<1xf32>
        %squeeze3A_255 = vector.extract %slice3A_254[0] : f32 from vector<1xf32>
        %get3A_256 = arith.index_cast %add3A_253 : i32 to index
        %get3A_257 = arith.constant 0 : index
        %get3A_258 = tpu.vector_load %arg12[%get3A_256, %get3A_257] {strides = array<i32>} : memref<128x64xf32, #tpu.memory_space<vmem>>, vector<1x16xf32>,
        %get3A_259 = vector.shape_cast %get3A_258 : vector<1x16xf32> to vector<16xf32>
        %mul3A_260 = vector.broadcast %squeeze3A_255 : f32 to vector<16xf32>
        %mul3A_261 = arith.mulf %get3A_259, %mul3A_260 : vector<16xf32>
        %swap3A_262 = arith.index_cast %add3A_253 : i32 to index
        %swap3A_263 = arith.constant 0 : index
        %swap3A_264 = tpu.vector_load %arg14[%swap3A_262, %swap3A_263] {strides = array<i32>} : memref<128x64xf32, #tpu.memory_space<vmem>>, vector<1x16xf32>,
        %swap3A_265 = vector.shape_cast %swap3A_264 : vector<1x16xf32> to vector<16xf32>
        %swap3A_266 = vector.shape_cast %mul3A_261 : vector<16xf32> to vector<1x16xf32>
        tpu.vector_store %arg14[%swap3A_262, %swap3A_263], %swap3A_266 {strides = array<i32>} : memref<128x64xf32, #tpu.memory_space<vmem>>, vector<1x16xf32>,
        %get3A_267 = arith.index_cast %add3A_253 : i32 to index
        %get3A_268 = arith.constant 16 : index
        %get3A_269 = tpu.vector_load %arg12[%get3A_267, %get3A_268] {strides = array<i32>} : memref<128x64xf32, #tpu.memory_space<vmem>>, vector<1x16xf32>,
        %get3A_270 = vector.shape_cast %get3A_269 : vector<1x16xf32> to vector<16xf32>
        %mul3A_271 = vector.broadcast %squeeze3A_255 : f32 to vector<16xf32>
        %mul3A_272 = arith.mulf %get3A_270, %mul3A_271 : vector<16xf32>
        %swap3A_273 = arith.index_cast %add3A_253 : i32 to index
        %swap3A_274 = arith.constant 16 : index
        %swap3A_275 = tpu.vector_load %arg14[%swap3A_273, %swap3A_274] {strides = array<i32>} : memref<128x64xf32, #tpu.memory_space<vmem>>, vector<1x16xf32>,
        %swap3A_276 = vector.shape_cast %swap3A_275 : vector<1x16xf32> to vector<16xf32>
        %swap3A_277 = vector.shape_cast %mul3A_272 : vector<16xf32> to vector<1x16xf32>
        tpu.vector_store %arg14[%swap3A_273, %swap3A_274], %swap3A_277 {strides = array<i32>} : memref<128x64xf32, #tpu.memory_space<vmem>>, vector<1x16xf32>,
        %get3A_278 = arith.index_cast %add3A_253 : i32 to index
        %get3A_279 = arith.constant 32 : index
        %get3A_280 = tpu.vector_load %arg12[%get3A_278, %get3A_279] {strides = array<i32>} : memref<128x64xf32, #tpu.memory_space<vmem>>, vector<1x16xf32>,
        %get3A_281 = vector.shape_cast %get3A_280 : vector<1x16xf32> to vector<16xf32>
        %mul3A_282 = vector.broadcast %squeeze3A_255 : f32 to vector<16xf32>
        %mul3A_283 = arith.mulf %get3A_281, %mul3A_282 : vector<16xf32>
        %swap3A_284 = arith.index_cast %add3A_253 : i32 to index
        %swap3A_285 = arith.constant 32 : index
        %swap3A_286 = tpu.vector_load %arg14[%swap3A_284, %swap3A_285] {strides = array<i32>} : memref<128x64xf32, #tpu.memory_space<vmem>>, vector<1x16xf32>,
        %swap3A_287 = vector.shape_cast %swap3A_286 : vector<1x16xf32> to vector<16xf32>
        %swap3A_288 = vector.shape_cast %mul3A_283 : vector<16xf32> to vector<1x16xf32>
        tpu.vector_store %arg14[%swap3A_284, %swap3A_285], %swap3A_288 {strides = array<i32>} : memref<128x64xf32, #tpu.memory_space<vmem>>, vector<1x16xf32>,
        %get3A_289 = arith.index_cast %add3A_253 : i32 to index
        %get3A_290 = arith.constant 48 : index
        %get3A_291 = tpu.vector_load %arg12[%get3A_289, %get3A_290] {strides = array<i32>} : memref<128x64xf32, #tpu.memory_space<vmem>>, vector<1x16xf32>,
        %get3A_292 = vector.shape_cast %get3A_291 : vector<1x16xf32> to vector<16xf32>
        %mul3A_293 = vector.broadcast %squeeze3A_255 : f32 to vector<16xf32>
        %mul3A_294 = arith.mulf %get3A_292, %mul3A_293 : vector<16xf32>
        %swap3A_295 = arith.index_cast %add3A_253 : i32 to index
        %swap3A_296 = arith.constant 48 : index
        %swap3A_297 = tpu.vector_load %arg14[%swap3A_295, %swap3A_296] {strides = array<i32>} : memref<128x64xf32, #tpu.memory_space<vmem>>, vector<1x16xf32>,
        %swap3A_298 = vector.shape_cast %swap3A_297 : vector<1x16xf32> to vector<16xf32>
        %swap3A_299 = vector.shape_cast %mul3A_294 : vector<16xf32> to vector<1x16xf32>
        tpu.vector_store %arg14[%swap3A_295, %swap3A_296], %swap3A_299 {strides = array<i32>} : memref<128x64xf32, #tpu.memory_space<vmem>>, vector<1x16xf32>,
        %mul3A_300 = arith.constant 16 : i32
        %mul3A_301 = arith.muli %scan3A_196, %mul3A_300 : i32
        %add3A_302 = arith.constant 2 : i32
        %add3A_303 = arith.addi %mul3A_301, %add3A_302 : i32
        %slice3A_304 = vector.extract_strided_slice %get3A_202 {offsets = [2], sizes = [1], strides = [1]} : vector<16xf32> to vector<1xf32>
        %squeeze3A_305 = vector.extract %slice3A_304[0] : f32 from vector<1xf32>
        %get3A_306 = arith.index_cast %add3A_303 : i32 to index
        %get3A_307 = arith.constant 0 : index
        %get3A_308 = tpu.vector_load %arg12[%get3A_306, %get3A_307] {strides = array<i32>} : memref<128x64xf32, #tpu.memory_space<vmem>>, vector<1x16xf32>,
        %get3A_309 = vector.shape_cast %get3A_308 : vector<1x16xf32> to vector<16xf32>
        %mul3A_310 = vector.broadcast %squeeze3A_305 : f32 to vector<16xf32>
        %mul3A_311 = arith.mulf %get3A_309, %mul3A_310 : vector<16xf32>
        %swap3A_312 = arith.index_cast %add3A_303 : i32 to index
        %swap3A_313 = arith.constant 0 : index
        %swap3A_314 = tpu.vector_load %arg14[%swap3A_312, %swap3A_313] {strides = array<i32>} : memref<128x64xf32, #tpu.memory_space<vmem>>, vector<1x16xf32>,
        %swap3A_315 = vector.shape_cast %swap3A_314 : vector<1x16xf32> to vector<16xf32>
        %swap3A_316 = vector.shape_cast %mul3A_311 : vector<16xf32> to vector<1x16xf32>
        tpu.vector_store %arg14[%swap3A_312, %swap3A_313], %swap3A_316 {strides = array<i32>} : memref<128x64xf32, #tpu.memory_space<vmem>>, vector<1x16xf32>,
        %get3A_317 = arith.index_cast %add3A_303 : i32 to index
        %get3A_318 = arith.constant 16 : index
        %get3A_319 = tpu.vector_load %arg12[%get3A_317, %get3A_318] {strides = array<i32>} : memref<128x64xf32, #tpu.memory_space<vmem>>, vector<1x16xf32>,
        %get3A_320 = vector.shape_cast %get3A_319 : vector<1x16xf32> to vector<16xf32>
        %mul3A_321 = vector.broadcast %squeeze3A_305 : f32 to vector<16xf32>
        %mul3A_322 = arith.mulf %get3A_320, %mul3A_321 : vector<16xf32>
        %swap3A_323 = arith.index_cast %add3A_303 : i32 to index
        %swap3A_324 = arith.constant 16 : index
        %swap3A_325 = tpu.vector_load %arg14[%swap3A_323, %swap3A_324] {strides = array<i32>} : memref<128x64xf32, #tpu.memory_space<vmem>>, vector<1x16xf32>,
        %swap3A_326 = vector.shape_cast %swap3A_325 : vector<1x16xf32> to vector<16xf32>
        %swap3A_327 = vector.shape_cast %mul3A_322 : vector<16xf32> to vector<1x16xf32>
        tpu.vector_store %arg14[%swap3A_323, %swap3A_324], %swap3A_327 {strides = array<i32>} : memref<128x64xf32, #tpu.memory_space<vmem>>, vector<1x16xf32>,
        %get3A_328 = arith.index_cast %add3A_303 : i32 to index
        %get3A_329 = arith.constant 32 : index
        %get3A_330 = tpu.vector_load %arg12[%get3A_328, %get3A_329] {strides = array<i32>} : memref<128x64xf32, #tpu.memory_space<vmem>>, vector<1x16xf32>,
        %get3A_331 = vector.shape_cast %get3A_330 : vector<1x16xf32> to vector<16xf32>
        %mul3A_332 = vector.broadcast %squeeze3A_305 : f32 to vector<16xf32>
        %mul3A_333 = arith.mulf %get3A_331, %mul3A_332 : vector<16xf32>
        %swap3A_334 = arith.index_cast %add3A_303 : i32 to index
        %swap3A_335 = arith.constant 32 : index
        %swap3A_336 = tpu.vector_load %arg14[%swap3A_334, %swap3A_335] {strides = array<i32>} : memref<128x64xf32, #tpu.memory_space<vmem>>, vector<1x16xf32>,
        %swap3A_337 = vector.shape_cast %swap3A_336 : vector<1x16xf32> to vector<16xf32>
        %swap3A_338 = vector.shape_cast %mul3A_333 : vector<16xf32> to vector<1x16xf32>
        tpu.vector_store %arg14[%swap3A_334, %swap3A_335], %swap3A_338 {strides = array<i32>} : memref<128x64xf32, #tpu.memory_space<vmem>>, vector<1x16xf32>,
        %get3A_339 = arith.index_cast %add3A_303 : i32 to index
        %get3A_340 = arith.constant 48 : index
        %get3A_341 = tpu.vector_load %arg12[%get3A_339, %get3A_340] {strides = array<i32>} : memref<128x64xf32, #tpu.memory_space<vmem>>, vector<1x16xf32>,
        %get3A_342 = vector.shape_cast %get3A_341 : vector<1x16xf32> to vector<16xf32>
        %mul3A_343 = vector.broadcast %squeeze3A_305 : f32 to vector<16xf32>
        %mul3A_344 = arith.mulf %get3A_342, %mul3A_343 : vector<16xf32>
        %swap3A_345 = arith.index_cast %add3A_303 : i32 to index
        %swap3A_346 = arith.constant 48 : index
        %swap3A_347 = tpu.vector_load %arg14[%swap3A_345, %swap3A_346] {strides = array<i32>} : memref<128x64xf32, #tpu.memory_space<vmem>>, vector<1x16xf32>,
        %swap3A_348 = vector.shape_cast %swap3A_347 : vector<1x16xf32> to vector<16xf32>
        %swap3A_349 = vector.shape_cast %mul3A_344 : vector<16xf32> to vector<1x16xf32>
        tpu.vector_store %arg14[%swap3A_345, %swap3A_346], %swap3A_349 {strides = array<i32>} : memref<128x64xf32, #tpu.memory_space<vmem>>, vector<1x16xf32>,
        %mul3A_350 = arith.constant 16 : i32
        %mul3A_351 = arith.muli %scan3A_196, %mul3A_350 : i32
        %add3A_352 = arith.constant 3 : i32
        %add3A_353 = arith.addi %mul3A_351, %add3A_352 : i32
        %slice3A_354 = vector.extract_strided_slice %get3A_202 {offsets = [3], sizes = [1], strides = [1]} : vector<16xf32> to vector<1xf32>
        %squeeze3A_355 = vector.extract %slice3A_354[0] : f32 from vector<1xf32>
        %get3A_356 = arith.index_cast %add3A_353 : i32 to index
        %get3A_357 = arith.constant 0 : index
        %get3A_358 = tpu.vector_load %arg12[%get3A_356, %get3A_357] {strides = array<i32>} : memref<128x64xf32, #tpu.memory_space<vmem>>, vector<1x16xf32>,
        %get3A_359 = vector.shape_cast %get3A_358 : vector<1x16xf32> to vector<16xf32>
        %mul3A_360 = vector.broadcast %squeeze3A_355 : f32 to vector<16xf32>
        %mul3A_361 = arith.mulf %get3A_359, %mul3A_360 : vector<16xf32>
        %swap3A_362 = arith.index_cast %add3A_353 : i32 to index
        %swap3A_363 = arith.constant 0 : index
        %swap3A_364 = tpu.vector_load %arg14[%swap3A_362, %swap3A_363] {strides = array<i32>} : memref<128x64xf32, #tpu.memory_space<vmem>>, vector<1x16xf32>,
        %swap3A_365 = vector.shape_cast %swap3A_364 : vector<1x16xf32> to vector<16xf32>
        %swap3A_366 = vector.shape_cast %mul3A_361 : vector<16xf32> to vector<1x16xf32>
        tpu.vector_store %arg14[%swap3A_362, %swap3A_363], %swap3A_366 {strides = array<i32>} : memref<128x64xf32, #tpu.memory_space<vmem>>, vector<1x16xf32>,
        %get3A_367 = arith.index_cast %add3A_353 : i32 to index
        %get3A_368 = arith.constant 16 : index
        %get3A_369 = tpu.vector_load %arg12[%get3A_367, %get3A_368] {strides = array<i32>} : memref<128x64xf32, #tpu.memory_space<vmem>>, vector<1x16xf32>,
        %get3A_370 = vector.shape_cast %get3A_369 : vector<1x16xf32> to vector<16xf32>
        %mul3A_371 = vector.broadcast %squeeze3A_355 : f32 to vector<16xf32>
        %mul3A_372 = arith.mulf %get3A_370, %mul3A_371 : vector<16xf32>
        %swap3A_373 = arith.index_cast %add3A_353 : i32 to index
        %swap3A_374 = arith.constant 16 : index
        %swap3A_375 = tpu.vector_load %arg14[%swap3A_373, %swap3A_374] {strides = array<i32>} : memref<128x64xf32, #tpu.memory_space<vmem>>, vector<1x16xf32>,
        %swap3A_376 = vector.shape_cast %swap3A_375 : vector<1x16xf32> to vector<16xf32>
        %swap3A_377 = vector.shape_cast %mul3A_372 : vector<16xf32> to vector<1x16xf32>
        tpu.vector_store %arg14[%swap3A_373, %swap3A_374], %swap3A_377 {strides = array<i32>} : memref<128x64xf32, #tpu.memory_space<vmem>>, vector<1x16xf32>,
        %get3A_378 = arith.index_cast %add3A_353 : i32 to index
        %get3A_379 = arith.constant 32 : index
        %get3A_380 = tpu.vector_load %arg12[%get3A_378, %get3A_379] {strides = array<i32>} : memref<128x64xf32, #tpu.memory_space<vmem>>, vector<1x16xf32>,
        %get3A_381 = vector.shape_cast %get3A_380 : vector<1x16xf32> to vector<16xf32>
        %mul3A_382 = vector.broadcast %squeeze3A_355 : f32 to vector<16xf32>
        %mul3A_383 = arith.mulf %get3A_381, %mul3A_382 : vector<16xf32>
        %swap3A_384 = arith.index_cast %add3A_353 : i32 to index
        %swap3A_385 = arith.constant 32 : index
        %swap3A_386 = tpu.vector_load %arg14[%swap3A_384, %swap3A_385] {strides = array<i32>} : memref<128x64xf32, #tpu.memory_space<vmem>>, vector<1x16xf32>,
        %swap3A_387 = vector.shape_cast %swap3A_386 : vector<1x16xf32> to vector<16xf32>
        %swap3A_388 = vector.shape_cast %mul3A_383 : vector<16xf32> to vector<1x16xf32>
        tpu.vector_store %arg14[%swap3A_384, %swap3A_385], %swap3A_388 {strides = array<i32>} : memref<128x64xf32, #tpu.memory_space<vmem>>, vector<1x16xf32>,
        %get3A_389 = arith.index_cast %add3A_353 : i32 to index
        %get3A_390 = arith.constant 48 : index
        %get3A_391 = tpu.vector_load %arg12[%get3A_389, %get3A_390] {strides = array<i32>} : memref<128x64xf32, #tpu.memory_space<vmem>>, vector<1x16xf32>,
        %get3A_392 = vector.shape_cast %get3A_391 : vector<1x16xf32> to vector<16xf32>
        %mul3A_393 = vector.broadcast %squeeze3A_355 : f32 to vector<16xf32>
        %mul3A_394 = arith.mulf %get3A_392, %mul3A_393 : vector<16xf32>
        %swap3A_395 = arith.index_cast %add3A_353 : i32 to index
        %swap3A_396 = arith.constant 48 : index
        %swap3A_397 = tpu.vector_load %arg14[%swap3A_395, %swap3A_396] {strides = array<i32>} : memref<128x64xf32, #tpu.memory_space<vmem>>, vector<1x16xf32>,
        %swap3A_398 = vector.shape_cast %swap3A_397 : vector<1x16xf32> to vector<16xf32>
        %swap3A_399 = vector.shape_cast %mul3A_394 : vector<16xf32> to vector<1x16xf32>
        tpu.vector_store %arg14[%swap3A_395, %swap3A_396], %swap3A_399 {strides = array<i32>} : memref<128x64xf32, #tpu.memory_space<vmem>>, vector<1x16xf32>,
        %mul3A_400 = arith.constant 16 : i32
        %mul3A_401 = arith.muli %scan3A_196, %mul3A_400 : i32
        %add3A_402 = arith.constant 4 : i32
        %add3A_403 = arith.addi %mul3A_401, %add3A_402 : i32
        %slice3A_404 = vector.extract_strided_slice %get3A_202 {offsets = [4], sizes = [1], strides = [1]} : vector<16xf32> to vector<1xf32>
        %squeeze3A_405 = vector.extract %slice3A_404[0] : f32 from vector<1xf32>
        %get3A_406 = arith.index_cast %add3A_403 : i32 to index
        %get3A_407 = arith.constant 0 : index
        %get3A_408 = tpu.vector_load %arg12[%get3A_406, %get3A_407] {strides = array<i32>} : memref<128x64xf32, #tpu.memory_space<vmem>>, vector<1x16xf32>,
        %get3A_409 = vector.shape_cast %get3A_408 : vector<1x16xf32> to vector<16xf32>
        %mul3A_410 = vector.broadcast %squeeze3A_405 : f32 to vector<16xf32>
        %mul3A_411 = arith.mulf %get3A_409, %mul3A_410 : vector<16xf32>
        %swap3A_412 = arith.index_cast %add3A_403 : i32 to index
        %swap3A_413 = arith.constant 0 : index
        %swap3A_414 = tpu.vector_load %arg14[%swap3A_412, %swap3A_413] {strides = array<i32>} : memref<128x64xf32, #tpu.memory_space<vmem>>, vector<1x16xf32>,
        %swap3A_415 = vector.shape_cast %swap3A_414 : vector<1x16xf32> to vector<16xf32>
        %swap3A_416 = vector.shape_cast %mul3A_411 : vector<16xf32> to vector<1x16xf32>
        tpu.vector_store %arg14[%swap3A_412, %swap3A_413], %swap3A_416 {strides = array<i32>} : memref<128x64xf32, #tpu.memory_space<vmem>>, vector<1x16xf32>,
        %get3A_417 = arith.index_cast %add3A_403 : i32 to index
        %get3A_418 = arith.constant 16 : index
        %get3A_419 = tpu.vector_load %arg12[%get3A_417, %get3A_418] {strides = array<i32>} : memref<128x64xf32, #tpu.memory_space<vmem>>, vector<1x16xf32>,
        %get3A_420 = vector.shape_cast %get3A_419 : vector<1x16xf32> to vector<16xf32>
        %mul3A_421 = vector.broadcast %squeeze3A_405 : f32 to vector<16xf32>
        %mul3A_422 = arith.mulf %get3A_420, %mul3A_421 : vector<16xf32>
        %swap3A_423 = arith.index_cast %add3A_403 : i32 to index
        %swap3A_424 = arith.constant 16 : index
        %swap3A_425 = tpu.vector_load %arg14[%swap3A_423, %swap3A_424] {strides = array<i32>} : memref<128x64xf32, #tpu.memory_space<vmem>>, vector<1x16xf32>,
        %swap3A_426 = vector.shape_cast %swap3A_425 : vector<1x16xf32> to vector<16xf32>
        %swap3A_427 = vector.shape_cast %mul3A_422 : vector<16xf32> to vector<1x16xf32>
        tpu.vector_store %arg14[%swap3A_423, %swap3A_424], %swap3A_427 {strides = array<i32>} : memref<128x64xf32, #tpu.memory_space<vmem>>, vector<1x16xf32>,
        %get3A_428 = arith.index_cast %add3A_403 : i32 to index
        %get3A_429 = arith.constant 32 : index
        %get3A_430 = tpu.vector_load %arg12[%get3A_428, %get3A_429] {strides = array<i32>} : memref<128x64xf32, #tpu.memory_space<vmem>>, vector<1x16xf32>,
        %get3A_431 = vector.shape_cast %get3A_430 : vector<1x16xf32> to vector<16xf32>
        %mul3A_432 = vector.broadcast %squeeze3A_405 : f32 to vector<16xf32>
        %mul3A_433 = arith.mulf %get3A_431, %mul3A_432 : vector<16xf32>
        %swap3A_434 = arith.index_cast %add3A_403 : i32 to index
        %swap3A_435 = arith.constant 32 : index
        %swap3A_436 = tpu.vector_load %arg14[%swap3A_434, %swap3A_435] {strides = array<i32>} : memref<128x64xf32, #tpu.memory_space<vmem>>, vector<1x16xf32>,
        %swap3A_437 = vector.shape_cast %swap3A_436 : vector<1x16xf32> to vector<16xf32>
        %swap3A_438 = vector.shape_cast %mul3A_433 : vector<16xf32> to vector<1x16xf32>
        tpu.vector_store %arg14[%swap3A_434, %swap3A_435], %swap3A_438 {strides = array<i32>} : memref<128x64xf32, #tpu.memory_space<vmem>>, vector<1x16xf32>,
        %get3A_439 = arith.index_cast %add3A_403 : i32 to index
        %get3A_440 = arith.constant 48 : index
        %get3A_441 = tpu.vector_load %arg12[%get3A_439, %get3A_440] {strides = array<i32>} : memref<128x64xf32, #tpu.memory_space<vmem>>, vector<1x16xf32>,
        %get3A_442 = vector.shape_cast %get3A_441 : vector<1x16xf32> to vector<16xf32>
        %mul3A_443 = vector.broadcast %squeeze3A_405 : f32 to vector<16xf32>
        %mul3A_444 = arith.mulf %get3A_442, %mul3A_443 : vector<16xf32>
        %swap3A_445 = arith.index_cast %add3A_403 : i32 to index
        %swap3A_446 = arith.constant 48 : index
        %swap3A_447 = tpu.vector_load %arg14[%swap3A_445, %swap3A_446] {strides = array<i32>} : memref<128x64xf32, #tpu.memory_space<vmem>>, vector<1x16xf32>,
        %swap3A_448 = vector.shape_cast %swap3A_447 : vector<1x16xf32> to vector<16xf32>
        %swap3A_449 = vector.shape_cast %mul3A_444 : vector<16xf32> to vector<1x16xf32>
        tpu.vector_store %arg14[%swap3A_445, %swap3A_446], %swap3A_449 {strides = array<i32>} : memref<128x64xf32, #tpu.memory_space<vmem>>, vector<1x16xf32>,
        %mul3A_450 = arith.constant 16 : i32
        %mul3A_451 = arith.muli %scan3A_196, %mul3A_450 : i32
        %add3A_452 = arith.constant 5 : i32
        %add3A_453 = arith.addi %mul3A_451, %add3A_452 : i32
        %slice3A_454 = vector.extract_strided_slice %get3A_202 {offsets = [5], sizes = [1], strides = [1]} : vector<16xf32> to vector<1xf32>
        %squeeze3A_455 = vector.extract %slice3A_454[0] : f32 from vector<1xf32>
        %get3A_456 = arith.index_cast %add3A_453 : i32 to index
        %get3A_457 = arith.constant 0 : index
        %get3A_458 = tpu.vector_load %arg12[%get3A_456, %get3A_457] {strides = array<i32>} : memref<128x64xf32, #tpu.memory_space<vmem>>, vector<1x16xf32>,
        %get3A_459 = vector.shape_cast %get3A_458 : vector<1x16xf32> to vector<16xf32>
        %mul3A_460 = vector.broadcast %squeeze3A_455 : f32 to vector<16xf32>
        %mul3A_461 = arith.mulf %get3A_459, %mul3A_460 : vector<16xf32>
        %swap3A_462 = arith.index_cast %add3A_453 : i32 to index
        %swap3A_463 = arith.constant 0 : index
        %swap3A_464 = tpu.vector_load %arg14[%swap3A_462, %swap3A_463] {strides = array<i32>} : memref<128x64xf32, #tpu.memory_space<vmem>>, vector<1x16xf32>,
        %swap3A_465 = vector.shape_cast %swap3A_464 : vector<1x16xf32> to vector<16xf32>
        %swap3A_466 = vector.shape_cast %mul3A_461 : vector<16xf32> to vector<1x16xf32>
        tpu.vector_store %arg14[%swap3A_462, %swap3A_463], %swap3A_466 {strides = array<i32>} : memref<128x64xf32, #tpu.memory_space<vmem>>, vector<1x16xf32>,
        %get3A_467 = arith.index_cast %add3A_453 : i32 to index
        %get3A_468 = arith.constant 16 : index
        %get3A_469 = tpu.vector_load %arg12[%get3A_467, %get3A_468] {strides = array<i32>} : memref<128x64xf32, #tpu.memory_space<vmem>>, vector<1x16xf32>,
        %get3A_470 = vector.shape_cast %get3A_469 : vector<1x16xf32> to vector<16xf32>
        %mul3A_471 = vector.broadcast %squeeze3A_455 : f32 to vector<16xf32>
        %mul3A_472 = arith.mulf %get3A_470, %mul3A_471 : vector<16xf32>
        %swap3A_473 = arith.index_cast %add3A_453 : i32 to index
        %swap3A_474 = arith.constant 16 : index
        %swap3A_475 = tpu.vector_load %arg14[%swap3A_473, %swap3A_474] {strides = array<i32>} : memref<128x64xf32, #tpu.memory_space<vmem>>, vector<1x16xf32>,
        %swap3A_476 = vector.shape_cast %swap3A_475 : vector<1x16xf32> to vector<16xf32>
        %swap3A_477 = vector.shape_cast %mul3A_472 : vector<16xf32> to vector<1x16xf32>
        tpu.vector_store %arg14[%swap3A_473, %swap3A_474], %swap3A_477 {strides = array<i32>} : memref<128x64xf32, #tpu.memory_space<vmem>>, vector<1x16xf32>,
        %get3A_478 = arith.index_cast %add3A_453 : i32 to index
        %get3A_479 = arith.constant 32 : index
        %get3A_480 = tpu.vector_load %arg12[%get3A_478, %get3A_479] {strides = array<i32>} : memref<128x64xf32, #tpu.memory_space<vmem>>, vector<1x16xf32>,
        %get3A_481 = vector.shape_cast %get3A_480 : vector<1x16xf32> to vector<16xf32>
        %mul3A_482 = vector.broadcast %squeeze3A_455 : f32 to vector<16xf32>
        %mul3A_483 = arith.mulf %get3A_481, %mul3A_482 : vector<16xf32>
        %swap3A_484 = arith.index_cast %add3A_453 : i32 to index
        %swap3A_485 = arith.constant 32 : index
        %swap3A_486 = tpu.vector_load %arg14[%swap3A_484, %swap3A_485] {strides = array<i32>} : memref<128x64xf32, #tpu.memory_space<vmem>>, vector<1x16xf32>,
        %swap3A_487 = vector.shape_cast %swap3A_486 : vector<1x16xf32> to vector<16xf32>
        %swap3A_488 = vector.shape_cast %mul3A_483 : vector<16xf32> to vector<1x16xf32>
        tpu.vector_store %arg14[%swap3A_484, %swap3A_485], %swap3A_488 {strides = array<i32>} : memref<128x64xf32, #tpu.memory_space<vmem>>, vector<1x16xf32>,
        %get3A_489 = arith.index_cast %add3A_453 : i32 to index
        %get3A_490 = arith.constant 48 : index
        %get3A_491 = tpu.vector_load %arg12[%get3A_489, %get3A_490] {strides = array<i32>} : memref<128x64xf32, #tpu.memory_space<vmem>>, vector<1x16xf32>,
        %get3A_492 = vector.shape_cast %get3A_491 : vector<1x16xf32> to vector<16xf32>
        %mul3A_493 = vector.broadcast %squeeze3A_455 : f32 to vector<16xf32>
        %mul3A_494 = arith.mulf %get3A_492, %mul3A_493 : vector<16xf32>
        %swap3A_495 = arith.index_cast %add3A_453 : i32 to index
        %swap3A_496 = arith.constant 48 : index
        %swap3A_497 = tpu.vector_load %arg14[%swap3A_495, %swap3A_496] {strides = array<i32>} : memref<128x64xf32, #tpu.memory_space<vmem>>, vector<1x16xf32>,
        %swap3A_498 = vector.shape_cast %swap3A_497 : vector<1x16xf32> to vector<16xf32>
        %swap3A_499 = vector.shape_cast %mul3A_494 : vector<16xf32> to vector<1x16xf32>
        tpu.vector_store %arg14[%swap3A_495, %swap3A_496], %swap3A_499 {strides = array<i32>} : memref<128x64xf32, #tpu.memory_space<vmem>>, vector<1x16xf32>,
        %mul3A_500 = arith.constant 16 : i32
        %mul3A_501 = arith.muli %scan3A_196, %mul3A_500 : i32
        %add3A_502 = arith.constant 6 : i32
        %add3A_503 = arith.addi %mul3A_501, %add3A_502 : i32
        %slice3A_504 = vector.extract_strided_slice %get3A_202 {offsets = [6], sizes = [1], strides = [1]} : vector<16xf32> to vector<1xf32>
        %squeeze3A_505 = vector.extract %slice3A_504[0] : f32 from vector<1xf32>
        %get3A_506 = arith.index_cast %add3A_503 : i32 to index
        %get3A_507 = arith.constant 0 : index
        %get3A_508 = tpu.vector_load %arg12[%get3A_506, %get3A_507] {strides = array<i32>} : memref<128x64xf32, #tpu.memory_space<vmem>>, vector<1x16xf32>,
        %get3A_509 = vector.shape_cast %get3A_508 : vector<1x16xf32> to vector<16xf32>
        %mul3A_510 = vector.broadcast %squeeze3A_505 : f32 to vector<16xf32>
        %mul3A_511 = arith.mulf %get3A_509, %mul3A_510 : vector<16xf32>
        %swap3A_512 = arith.index_cast %add3A_503 : i32 to index
        %swap3A_513 = arith.constant 0 : index
        %swap3A_514 = tpu.vector_load %arg14[%swap3A_512, %swap3A_513] {strides = array<i32>} : memref<128x64xf32, #tpu.memory_space<vmem>>, vector<1x16xf32>,
        %swap3A_515 = vector.shape_cast %swap3A_514 : vector<1x16xf32> to vector<16xf32>
        %swap3A_516 = vector.shape_cast %mul3A_511 : vector<16xf32> to vector<1x16xf32>
        tpu.vector_store %arg14[%swap3A_512, %swap3A_513], %swap3A_516 {strides = array<i32>} : memref<128x64xf32, #tpu.memory_space<vmem>>, vector<1x16xf32>,
        %get3A_517 = arith.index_cast %add3A_503 : i32 to index
        %get3A_518 = arith.constant 16 : index
        %get3A_519 = tpu.vector_load %arg12[%get3A_517, %get3A_518] {strides = array<i32>} : memref<128x64xf32, #tpu.memory_space<vmem>>, vector<1x16xf32>,
        %get3A_520 = vector.shape_cast %get3A_519 : vector<1x16xf32> to vector<16xf32>
        %mul3A_521 = vector.broadcast %squeeze3A_505 : f32 to vector<16xf32>
        %mul3A_522 = arith.mulf %get3A_520, %mul3A_521 : vector<16xf32>
        %swap3A_523 = arith.index_cast %add3A_503 : i32 to index
        %swap3A_524 = arith.constant 16 : index
        %swap3A_525 = tpu.vector_load %arg14[%swap3A_523, %swap3A_524] {strides = array<i32>} : memref<128x64xf32, #tpu.memory_space<vmem>>, vector<1x16xf32>,
        %swap3A_526 = vector.shape_cast %swap3A_525 : vector<1x16xf32> to vector<16xf32>
        %swap3A_527 = vector.shape_cast %mul3A_522 : vector<16xf32> to vector<1x16xf32>
        tpu.vector_store %arg14[%swap3A_523, %swap3A_524], %swap3A_527 {strides = array<i32>} : memref<128x64xf32, #tpu.memory_space<vmem>>, vector<1x16xf32>,
        %get3A_528 = arith.index_cast %add3A_503 : i32 to index
        %get3A_529 = arith.constant 32 : index
        %get3A_530 = tpu.vector_load %arg12[%get3A_528, %get3A_529] {strides = array<i32>} : memref<128x64xf32, #tpu.memory_space<vmem>>, vector<1x16xf32>,
        %get3A_531 = vector.shape_cast %get3A_530 : vector<1x16xf32> to vector<16xf32>
        %mul3A_532 = vector.broadcast %squeeze3A_505 : f32 to vector<16xf32>
        %mul3A_533 = arith.mulf %get3A_531, %mul3A_532 : vector<16xf32>
        %swap3A_534 = arith.index_cast %add3A_503 : i32 to index
        %swap3A_535 = arith.constant 32 : index
        %swap3A_536 = tpu.vector_load %arg14[%swap3A_534, %swap3A_535] {strides = array<i32>} : memref<128x64xf32, #tpu.memory_space<vmem>>, vector<1x16xf32>,
        %swap3A_537 = vector.shape_cast %swap3A_536 : vector<1x16xf32> to vector<16xf32>
        %swap3A_538 = vector.shape_cast %mul3A_533 : vector<16xf32> to vector<1x16xf32>
        tpu.vector_store %arg14[%swap3A_534, %swap3A_535], %swap3A_538 {strides = array<i32>} : memref<128x64xf32, #tpu.memory_space<vmem>>, vector<1x16xf32>,
        %get3A_539 = arith.index_cast %add3A_503 : i32 to index
        %get3A_540 = arith.constant 48 : index
        %get3A_541 = tpu.vector_load %arg12[%get3A_539, %get3A_540] {strides = array<i32>} : memref<128x64xf32, #tpu.memory_space<vmem>>, vector<1x16xf32>,
        %get3A_542 = vector.shape_cast %get3A_541 : vector<1x16xf32> to vector<16xf32>
        %mul3A_543 = vector.broadcast %squeeze3A_505 : f32 to vector<16xf32>
        %mul3A_544 = arith.mulf %get3A_542, %mul3A_543 : vector<16xf32>
        %swap3A_545 = arith.index_cast %add3A_503 : i32 to index
        %swap3A_546 = arith.constant 48 : index
        %swap3A_547 = tpu.vector_load %arg14[%swap3A_545, %swap3A_546] {strides = array<i32>} : memref<128x64xf32, #tpu.memory_space<vmem>>, vector<1x16xf32>,
        %swap3A_548 = vector.shape_cast %swap3A_547 : vector<1x16xf32> to vector<16xf32>
        %swap3A_549 = vector.shape_cast %mul3A_544 : vector<16xf32> to vector<1x16xf32>
        tpu.vector_store %arg14[%swap3A_545, %swap3A_546], %swap3A_549 {strides = array<i32>} : memref<128x64xf32, #tpu.memory_space<vmem>>, vector<1x16xf32>,
        %mul3A_550 = arith.constant 16 : i32
        %mul3A_551 = arith.muli %scan3A_196, %mul3A_550 : i32
        %add3A_552 = arith.constant 7 : i32
        %add3A_553 = arith.addi %mul3A_551, %add3A_552 : i32
        %slice3A_554 = vector.extract_strided_slice %get3A_202 {offsets = [7], sizes = [1], strides = [1]} : vector<16xf32> to vector<1xf32>
        %squeeze3A_555 = vector.extract %slice3A_554[0] : f32 from vector<1xf32>
        %get3A_556 = arith.index_cast %add3A_553 : i32 to index
        %get3A_557 = arith.constant 0 : index
        %get3A_558 = tpu.vector_load %arg12[%get3A_556, %get3A_557] {strides = array<i32>} : memref<128x64xf32, #tpu.memory_space<vmem>>, vector<1x16xf32>,
        %get3A_559 = vector.shape_cast %get3A_558 : vector<1x16xf32> to vector<16xf32>
        %mul3A_560 = vector.broadcast %squeeze3A_555 : f32 to vector<16xf32>
        %mul3A_561 = arith.mulf %get3A_559, %mul3A_560 : vector<16xf32>
        %swap3A_562 = arith.index_cast %add3A_553 : i32 to index
        %swap3A_563 = arith.constant 0 : index
        %swap3A_564 = tpu.vector_load %arg14[%swap3A_562, %swap3A_563] {strides = array<i32>} : memref<128x64xf32, #tpu.memory_space<vmem>>, vector<1x16xf32>,
        %swap3A_565 = vector.shape_cast %swap3A_564 : vector<1x16xf32> to vector<16xf32>
        %swap3A_566 = vector.shape_cast %mul3A_561 : vector<16xf32> to vector<1x16xf32>
        tpu.vector_store %arg14[%swap3A_562, %swap3A_563], %swap3A_566 {strides = array<i32>} : memref<128x64xf32, #tpu.memory_space<vmem>>, vector<1x16xf32>,
        %get3A_567 = arith.index_cast %add3A_553 : i32 to index
        %get3A_568 = arith.constant 16 : index
        %get3A_569 = tpu.vector_load %arg12[%get3A_567, %get3A_568] {strides = array<i32>} : memref<128x64xf32, #tpu.memory_space<vmem>>, vector<1x16xf32>,
        %get3A_570 = vector.shape_cast %get3A_569 : vector<1x16xf32> to vector<16xf32>
        %mul3A_571 = vector.broadcast %squeeze3A_555 : f32 to vector<16xf32>
        %mul3A_572 = arith.mulf %get3A_570, %mul3A_571 : vector<16xf32>
        %swap3A_573 = arith.index_cast %add3A_553 : i32 to index
        %swap3A_574 = arith.constant 16 : index
        %swap3A_575 = tpu.vector_load %arg14[%swap3A_573, %swap3A_574] {strides = array<i32>} : memref<128x64xf32, #tpu.memory_space<vmem>>, vector<1x16xf32>,
        %swap3A_576 = vector.shape_cast %swap3A_575 : vector<1x16xf32> to vector<16xf32>
        %swap3A_577 = vector.shape_cast %mul3A_572 : vector<16xf32> to vector<1x16xf32>
        tpu.vector_store %arg14[%swap3A_573, %swap3A_574], %swap3A_577 {strides = array<i32>} : memref<128x64xf32, #tpu.memory_space<vmem>>, vector<1x16xf32>,
        %get3A_578 = arith.index_cast %add3A_553 : i32 to index
        %get3A_579 = arith.constant 32 : index
        %get3A_580 = tpu.vector_load %arg12[%get3A_578, %get3A_579] {strides = array<i32>} : memref<128x64xf32, #tpu.memory_space<vmem>>, vector<1x16xf32>,
        %get3A_581 = vector.shape_cast %get3A_580 : vector<1x16xf32> to vector<16xf32>
        %mul3A_582 = vector.broadcast %squeeze3A_555 : f32 to vector<16xf32>
        %mul3A_583 = arith.mulf %get3A_581, %mul3A_582 : vector<16xf32>
        %swap3A_584 = arith.index_cast %add3A_553 : i32 to index
        %swap3A_585 = arith.constant 32 : index
        %swap3A_586 = tpu.vector_load %arg14[%swap3A_584, %swap3A_585] {strides = array<i32>} : memref<128x64xf32, #tpu.memory_space<vmem>>, vector<1x16xf32>,
        %swap3A_587 = vector.shape_cast %swap3A_586 : vector<1x16xf32> to vector<16xf32>
        %swap3A_588 = vector.shape_cast %mul3A_583 : vector<16xf32> to vector<1x16xf32>
        tpu.vector_store %arg14[%swap3A_584, %swap3A_585], %swap3A_588 {strides = array<i32>} : memref<128x64xf32, #tpu.memory_space<vmem>>, vector<1x16xf32>,
        %get3A_589 = arith.index_cast %add3A_553 : i32 to index
        %get3A_590 = arith.constant 48 : index
        %get3A_591 = tpu.vector_load %arg12[%get3A_589, %get3A_590] {strides = array<i32>} : memref<128x64xf32, #tpu.memory_space<vmem>>, vector<1x16xf32>,
        %get3A_592 = vector.shape_cast %get3A_591 : vector<1x16xf32> to vector<16xf32>
        %mul3A_593 = vector.broadcast %squeeze3A_555 : f32 to vector<16xf32>
        %mul3A_594 = arith.mulf %get3A_592, %mul3A_593 : vector<16xf32>
        %swap3A_595 = arith.index_cast %add3A_553 : i32 to index
        %swap3A_596 = arith.constant 48 : index
        %swap3A_597 = tpu.vector_load %arg14[%swap3A_595, %swap3A_596] {strides = array<i32>} : memref<128x64xf32, #tpu.memory_space<vmem>>, vector<1x16xf32>,
        %swap3A_598 = vector.shape_cast %swap3A_597 : vector<1x16xf32> to vector<16xf32>
        %swap3A_599 = vector.shape_cast %mul3A_594 : vector<16xf32> to vector<1x16xf32>
        tpu.vector_store %arg14[%swap3A_595, %swap3A_596], %swap3A_599 {strides = array<i32>} : memref<128x64xf32, #tpu.memory_space<vmem>>, vector<1x16xf32>,
        %mul3A_600 = arith.constant 16 : i32
        %mul3A_601 = arith.muli %scan3A_196, %mul3A_600 : i32
        %add3A_602 = arith.constant 8 : i32
        %add3A_603 = arith.addi %mul3A_601, %add3A_602 : i32
        %slice3A_604 = vector.extract_strided_slice %get3A_202 {offsets = [8], sizes = [1], strides = [1]} : vector<16xf32> to vector<1xf32>
        %squeeze3A_605 = vector.extract %slice3A_604[0] : f32 from vector<1xf32>
        %get3A_606 = arith.index_cast %add3A_603 : i32 to index
        %get3A_607 = arith.constant 0 : index
        %get3A_608 = tpu.vector_load %arg12[%get3A_606, %get3A_607] {strides = array<i32>} : memref<128x64xf32, #tpu.memory_space<vmem>>, vector<1x16xf32>,
        %get3A_609 = vector.shape_cast %get3A_608 : vector<1x16xf32> to vector<16xf32>
        %mul3A_610 = vector.broadcast %squeeze3A_605 : f32 to vector<16xf32>
        %mul3A_611 = arith.mulf %get3A_609, %mul3A_610 : vector<16xf32>
        %swap3A_612 = arith.index_cast %add3A_603 : i32 to index
        %swap3A_613 = arith.constant 0 : index
        %swap3A_614 = tpu.vector_load %arg14[%swap3A_612, %swap3A_613] {strides = array<i32>} : memref<128x64xf32, #tpu.memory_space<vmem>>, vector<1x16xf32>,
        %swap3A_615 = vector.shape_cast %swap3A_614 : vector<1x16xf32> to vector<16xf32>
        %swap3A_616 = vector.shape_cast %mul3A_611 : vector<16xf32> to vector<1x16xf32>
        tpu.vector_store %arg14[%swap3A_612, %swap3A_613], %swap3A_616 {strides = array<i32>} : memref<128x64xf32, #tpu.memory_space<vmem>>, vector<1x16xf32>,
        %get3A_617 = arith.index_cast %add3A_603 : i32 to index
        %get3A_618 = arith.constant 16 : index
        %get3A_619 = tpu.vector_load %arg12[%get3A_617, %get3A_618] {strides = array<i32>} : memref<128x64xf32, #tpu.memory_space<vmem>>, vector<1x16xf32>,
        %get3A_620 = vector.shape_cast %get3A_619 : vector<1x16xf32> to vector<16xf32>
        %mul3A_621 = vector.broadcast %squeeze3A_605 : f32 to vector<16xf32>
        %mul3A_622 = arith.mulf %get3A_620, %mul3A_621 : vector<16xf32>
        %swap3A_623 = arith.index_cast %add3A_603 : i32 to index
        %swap3A_624 = arith.constant 16 : index
        %swap3A_625 = tpu.vector_load %arg14[%swap3A_623, %swap3A_624] {strides = array<i32>} : memref<128x64xf32, #tpu.memory_space<vmem>>, vector<1x16xf32>,
        %swap3A_626 = vector.shape_cast %swap3A_625 : vector<1x16xf32> to vector<16xf32>
        %swap3A_627 = vector.shape_cast %mul3A_622 : vector<16xf32> to vector<1x16xf32>
        tpu.vector_store %arg14[%swap3A_623, %swap3A_624], %swap3A_627 {strides = array<i32>} : memref<128x64xf32, #tpu.memory_space<vmem>>, vector<1x16xf32>,
        %get3A_628 = arith.index_cast %add3A_603 : i32 to index
        %get3A_629 = arith.constant 32 : index
        %get3A_630 = tpu.vector_load %arg12[%get3A_628, %get3A_629] {strides = array<i32>} : memref<128x64xf32, #tpu.memory_space<vmem>>, vector<1x16xf32>,
        %get3A_631 = vector.shape_cast %get3A_630 : vector<1x16xf32> to vector<16xf32>
        %mul3A_632 = vector.broadcast %squeeze3A_605 : f32 to vector<16xf32>
        %mul3A_633 = arith.mulf %get3A_631, %mul3A_632 : vector<16xf32>
        %swap3A_634 = arith.index_cast %add3A_603 : i32 to index
        %swap3A_635 = arith.constant 32 : index
        %swap3A_636 = tpu.vector_load %arg14[%swap3A_634, %swap3A_635] {strides = array<i32>} : memref<128x64xf32, #tpu.memory_space<vmem>>, vector<1x16xf32>,
        %swap3A_637 = vector.shape_cast %swap3A_636 : vector<1x16xf32> to vector<16xf32>
        %swap3A_638 = vector.shape_cast %mul3A_633 : vector<16xf32> to vector<1x16xf32>
        tpu.vector_store %arg14[%swap3A_634, %swap3A_635], %swap3A_638 {strides = array<i32>} : memref<128x64xf32, #tpu.memory_space<vmem>>, vector<1x16xf32>,
        %get3A_639 = arith.index_cast %add3A_603 : i32 to index
        %get3A_640 = arith.constant 48 : index
        %get3A_641 = tpu.vector_load %arg12[%get3A_639, %get3A_640] {strides = array<i32>} : memref<128x64xf32, #tpu.memory_space<vmem>>, vector<1x16xf32>,
        %get3A_642 = vector.shape_cast %get3A_641 : vector<1x16xf32> to vector<16xf32>
        %mul3A_643 = vector.broadcast %squeeze3A_605 : f32 to vector<16xf32>
        %mul3A_644 = arith.mulf %get3A_642, %mul3A_643 : vector<16xf32>
        %swap3A_645 = arith.index_cast %add3A_603 : i32 to index
        %swap3A_646 = arith.constant 48 : index
        %swap3A_647 = tpu.vector_load %arg14[%swap3A_645, %swap3A_646] {strides = array<i32>} : memref<128x64xf32, #tpu.memory_space<vmem>>, vector<1x16xf32>,
        %swap3A_648 = vector.shape_cast %swap3A_647 : vector<1x16xf32> to vector<16xf32>
        %swap3A_649 = vector.shape_cast %mul3A_644 : vector<16xf32> to vector<1x16xf32>
        tpu.vector_store %arg14[%swap3A_645, %swap3A_646], %swap3A_649 {strides = array<i32>} : memref<128x64xf32, #tpu.memory_space<vmem>>, vector<1x16xf32>,
        %mul3A_650 = arith.constant 16 : i32
        %mul3A_651 = arith.muli %scan3A_196, %mul3A_650 : i32
        %add3A_652 = arith.constant 9 : i32
        %add3A_653 = arith.addi %mul3A_651, %add3A_652 : i32
        %slice3A_654 = vector.extract_strided_slice %get3A_202 {offsets = [9], sizes = [1], strides = [1]} : vector<16xf32> to vector<1xf32>
        %squeeze3A_655 = vector.extract %slice3A_654[0] : f32 from vector<1xf32>
        %get3A_656 = arith.index_cast %add3A_653 : i32 to index
        %get3A_657 = arith.constant 0 : index
        %get3A_658 = tpu.vector_load %arg12[%get3A_656, %get3A_657] {strides = array<i32>} : memref<128x64xf32, #tpu.memory_space<vmem>>, vector<1x16xf32>,
        %get3A_659 = vector.shape_cast %get3A_658 : vector<1x16xf32> to vector<16xf32>
        %mul3A_660 = vector.broadcast %squeeze3A_655 : f32 to vector<16xf32>
        %mul3A_661 = arith.mulf %get3A_659, %mul3A_660 : vector<16xf32>
        %swap3A_662 = arith.index_cast %add3A_653 : i32 to index
        %swap3A_663 = arith.constant 0 : index
        %swap3A_664 = tpu.vector_load %arg14[%swap3A_662, %swap3A_663] {strides = array<i32>} : memref<128x64xf32, #tpu.memory_space<vmem>>, vector<1x16xf32>,
        %swap3A_665 = vector.shape_cast %swap3A_664 : vector<1x16xf32> to vector<16xf32>
        %swap3A_666 = vector.shape_cast %mul3A_661 : vector<16xf32> to vector<1x16xf32>
        tpu.vector_store %arg14[%swap3A_662, %swap3A_663], %swap3A_666 {strides = array<i32>} : memref<128x64xf32, #tpu.memory_space<vmem>>, vector<1x16xf32>,
        %get3A_667 = arith.index_cast %add3A_653 : i32 to index
        %get3A_668 = arith.constant 16 : index
        %get3A_669 = tpu.vector_load %arg12[%get3A_667, %get3A_668] {strides = array<i32>} : memref<128x64xf32, #tpu.memory_space<vmem>>, vector<1x16xf32>,
        %get3A_670 = vector.shape_cast %get3A_669 : vector<1x16xf32> to vector<16xf32>
        %mul3A_671 = vector.broadcast %squeeze3A_655 : f32 to vector<16xf32>
        %mul3A_672 = arith.mulf %get3A_670, %mul3A_671 : vector<16xf32>
        %swap3A_673 = arith.index_cast %add3A_653 : i32 to index
        %swap3A_674 = arith.constant 16 : index
        %swap3A_675 = tpu.vector_load %arg14[%swap3A_673, %swap3A_674] {strides = array<i32>} : memref<128x64xf32, #tpu.memory_space<vmem>>, vector<1x16xf32>,
        %swap3A_676 = vector.shape_cast %swap3A_675 : vector<1x16xf32> to vector<16xf32>
        %swap3A_677 = vector.shape_cast %mul3A_672 : vector<16xf32> to vector<1x16xf32>
        tpu.vector_store %arg14[%swap3A_673, %swap3A_674], %swap3A_677 {strides = array<i32>} : memref<128x64xf32, #tpu.memory_space<vmem>>, vector<1x16xf32>,
        %get3A_678 = arith.index_cast %add3A_653 : i32 to index
        %get3A_679 = arith.constant 32 : index
        %get3A_680 = tpu.vector_load %arg12[%get3A_678, %get3A_679] {strides = array<i32>} : memref<128x64xf32, #tpu.memory_space<vmem>>, vector<1x16xf32>,
        %get3A_681 = vector.shape_cast %get3A_680 : vector<1x16xf32> to vector<16xf32>
        %mul3A_682 = vector.broadcast %squeeze3A_655 : f32 to vector<16xf32>
        %mul3A_683 = arith.mulf %get3A_681, %mul3A_682 : vector<16xf32>
        %swap3A_684 = arith.index_cast %add3A_653 : i32 to index
        %swap3A_685 = arith.constant 32 : index
        %swap3A_686 = tpu.vector_load %arg14[%swap3A_684, %swap3A_685] {strides = array<i32>} : memref<128x64xf32, #tpu.memory_space<vmem>>, vector<1x16xf32>,
        %swap3A_687 = vector.shape_cast %swap3A_686 : vector<1x16xf32> to vector<16xf32>
        %swap3A_688 = vector.shape_cast %mul3A_683 : vector<16xf32> to vector<1x16xf32>
        tpu.vector_store %arg14[%swap3A_684, %swap3A_685], %swap3A_688 {strides = array<i32>} : memref<128x64xf32, #tpu.memory_space<vmem>>, vector<1x16xf32>,
        %get3A_689 = arith.index_cast %add3A_653 : i32 to index
        %get3A_690 = arith.constant 48 : index
        %get3A_691 = tpu.vector_load %arg12[%get3A_689, %get3A_690] {strides = array<i32>} : memref<128x64xf32, #tpu.memory_space<vmem>>, vector<1x16xf32>,
        %get3A_692 = vector.shape_cast %get3A_691 : vector<1x16xf32> to vector<16xf32>
        %mul3A_693 = vector.broadcast %squeeze3A_655 : f32 to vector<16xf32>
        %mul3A_694 = arith.mulf %get3A_692, %mul3A_693 : vector<16xf32>
        %swap3A_695 = arith.index_cast %add3A_653 : i32 to index
        %swap3A_696 = arith.constant 48 : index
        %swap3A_697 = tpu.vector_load %arg14[%swap3A_695, %swap3A_696] {strides = array<i32>} : memref<128x64xf32, #tpu.memory_space<vmem>>, vector<1x16xf32>,
        %swap3A_698 = vector.shape_cast %swap3A_697 : vector<1x16xf32> to vector<16xf32>
        %swap3A_699 = vector.shape_cast %mul3A_694 : vector<16xf32> to vector<1x16xf32>
        tpu.vector_store %arg14[%swap3A_695, %swap3A_696], %swap3A_699 {strides = array<i32>} : memref<128x64xf32, #tpu.memory_space<vmem>>, vector<1x16xf32>,
        %mul3A_700 = arith.constant 16 : i32
        %mul3A_701 = arith.muli %scan3A_196, %mul3A_700 : i32
        %add3A_702 = arith.constant 10 : i32
        %add3A_703 = arith.addi %mul3A_701, %add3A_702 : i32
        %slice3A_704 = vector.extract_strided_slice %get3A_202 {offsets = [10], sizes = [1], strides = [1]} : vector<16xf32> to vector<1xf32>
        %squeeze3A_705 = vector.extract %slice3A_704[0] : f32 from vector<1xf32>
        %get3A_706 = arith.index_cast %add3A_703 : i32 to index
        %get3A_707 = arith.constant 0 : index
        %get3A_708 = tpu.vector_load %arg12[%get3A_706, %get3A_707] {strides = array<i32>} : memref<128x64xf32, #tpu.memory_space<vmem>>, vector<1x16xf32>,
        %get3A_709 = vector.shape_cast %get3A_708 : vector<1x16xf32> to vector<16xf32>
        %mul3A_710 = vector.broadcast %squeeze3A_705 : f32 to vector<16xf32>
        %mul3A_711 = arith.mulf %get3A_709, %mul3A_710 : vector<16xf32>
        %swap3A_712 = arith.index_cast %add3A_703 : i32 to index
        %swap3A_713 = arith.constant 0 : index
        %swap3A_714 = tpu.vector_load %arg14[%swap3A_712, %swap3A_713] {strides = array<i32>} : memref<128x64xf32, #tpu.memory_space<vmem>>, vector<1x16xf32>,
        %swap3A_715 = vector.shape_cast %swap3A_714 : vector<1x16xf32> to vector<16xf32>
        %swap3A_716 = vector.shape_cast %mul3A_711 : vector<16xf32> to vector<1x16xf32>
        tpu.vector_store %arg14[%swap3A_712, %swap3A_713], %swap3A_716 {strides = array<i32>} : memref<128x64xf32, #tpu.memory_space<vmem>>, vector<1x16xf32>,
        %get3A_717 = arith.index_cast %add3A_703 : i32 to index
        %get3A_718 = arith.constant 16 : index
        %get3A_719 = tpu.vector_load %arg12[%get3A_717, %get3A_718] {strides = array<i32>} : memref<128x64xf32, #tpu.memory_space<vmem>>, vector<1x16xf32>,
        %get3A_720 = vector.shape_cast %get3A_719 : vector<1x16xf32> to vector<16xf32>
        %mul3A_721 = vector.broadcast %squeeze3A_705 : f32 to vector<16xf32>
        %mul3A_722 = arith.mulf %get3A_720, %mul3A_721 : vector<16xf32>
        %swap3A_723 = arith.index_cast %add3A_703 : i32 to index
        %swap3A_724 = arith.constant 16 : index
        %swap3A_725 = tpu.vector_load %arg14[%swap3A_723, %swap3A_724] {strides = array<i32>} : memref<128x64xf32, #tpu.memory_space<vmem>>, vector<1x16xf32>,
        %swap3A_726 = vector.shape_cast %swap3A_725 : vector<1x16xf32> to vector<16xf32>
        %swap3A_727 = vector.shape_cast %mul3A_722 : vector<16xf32> to vector<1x16xf32>
        tpu.vector_store %arg14[%swap3A_723, %swap3A_724], %swap3A_727 {strides = array<i32>} : memref<128x64xf32, #tpu.memory_space<vmem>>, vector<1x16xf32>,
        %get3A_728 = arith.index_cast %add3A_703 : i32 to index
        %get3A_729 = arith.constant 32 : index
        %get3A_730 = tpu.vector_load %arg12[%get3A_728, %get3A_729] {strides = array<i32>} : memref<128x64xf32, #tpu.memory_space<vmem>>, vector<1x16xf32>,
        %get3A_731 = vector.shape_cast %get3A_730 : vector<1x16xf32> to vector<16xf32>
        %mul3A_732 = vector.broadcast %squeeze3A_705 : f32 to vector<16xf32>
        %mul3A_733 = arith.mulf %get3A_731, %mul3A_732 : vector<16xf32>
        %swap3A_734 = arith.index_cast %add3A_703 : i32 to index
        %swap3A_735 = arith.constant 32 : index
        %swap3A_736 = tpu.vector_load %arg14[%swap3A_734, %swap3A_735] {strides = array<i32>} : memref<128x64xf32, #tpu.memory_space<vmem>>, vector<1x16xf32>,
        %swap3A_737 = vector.shape_cast %swap3A_736 : vector<1x16xf32> to vector<16xf32>
        %swap3A_738 = vector.shape_cast %mul3A_733 : vector<16xf32> to vector<1x16xf32>
        tpu.vector_store %arg14[%swap3A_734, %swap3A_735], %swap3A_738 {strides = array<i32>} : memref<128x64xf32, #tpu.memory_space<vmem>>, vector<1x16xf32>,
        %get3A_739 = arith.index_cast %add3A_703 : i32 to index
        %get3A_740 = arith.constant 48 : index
        %get3A_741 = tpu.vector_load %arg12[%get3A_739, %get3A_740] {strides = array<i32>} : memref<128x64xf32, #tpu.memory_space<vmem>>, vector<1x16xf32>,
        %get3A_742 = vector.shape_cast %get3A_741 : vector<1x16xf32> to vector<16xf32>
        %mul3A_743 = vector.broadcast %squeeze3A_705 : f32 to vector<16xf32>
        %mul3A_744 = arith.mulf %get3A_742, %mul3A_743 : vector<16xf32>
        %swap3A_745 = arith.index_cast %add3A_703 : i32 to index
        %swap3A_746 = arith.constant 48 : index
        %swap3A_747 = tpu.vector_load %arg14[%swap3A_745, %swap3A_746] {strides = array<i32>} : memref<128x64xf32, #tpu.memory_space<vmem>>, vector<1x16xf32>,
        %swap3A_748 = vector.shape_cast %swap3A_747 : vector<1x16xf32> to vector<16xf32>
        %swap3A_749 = vector.shape_cast %mul3A_744 : vector<16xf32> to vector<1x16xf32>
        tpu.vector_store %arg14[%swap3A_745, %swap3A_746], %swap3A_749 {strides = array<i32>} : memref<128x64xf32, #tpu.memory_space<vmem>>, vector<1x16xf32>,
        %mul3A_750 = arith.constant 16 : i32
        %mul3A_751 = arith.muli %scan3A_196, %mul3A_750 : i32
        %add3A_752 = arith.constant 11 : i32
        %add3A_753 = arith.addi %mul3A_751, %add3A_752 : i32
        %slice3A_754 = vector.extract_strided_slice %get3A_202 {offsets = [11], sizes = [1], strides = [1]} : vector<16xf32> to vector<1xf32>
        %squeeze3A_755 = vector.extract %slice3A_754[0] : f32 from vector<1xf32>
        %get3A_756 = arith.index_cast %add3A_753 : i32 to index
        %get3A_757 = arith.constant 0 : index
        %get3A_758 = tpu.vector_load %arg12[%get3A_756, %get3A_757] {strides = array<i32>} : memref<128x64xf32, #tpu.memory_space<vmem>>, vector<1x16xf32>,
        %get3A_759 = vector.shape_cast %get3A_758 : vector<1x16xf32> to vector<16xf32>
        %mul3A_760 = vector.broadcast %squeeze3A_755 : f32 to vector<16xf32>
        %mul3A_761 = arith.mulf %get3A_759, %mul3A_760 : vector<16xf32>
        %swap3A_762 = arith.index_cast %add3A_753 : i32 to index
        %swap3A_763 = arith.constant 0 : index
        %swap3A_764 = tpu.vector_load %arg14[%swap3A_762, %swap3A_763] {strides = array<i32>} : memref<128x64xf32, #tpu.memory_space<vmem>>, vector<1x16xf32>,
        %swap3A_765 = vector.shape_cast %swap3A_764 : vector<1x16xf32> to vector<16xf32>
        %swap3A_766 = vector.shape_cast %mul3A_761 : vector<16xf32> to vector<1x16xf32>
        tpu.vector_store %arg14[%swap3A_762, %swap3A_763], %swap3A_766 {strides = array<i32>} : memref<128x64xf32, #tpu.memory_space<vmem>>, vector<1x16xf32>,
        %get3A_767 = arith.index_cast %add3A_753 : i32 to index
        %get3A_768 = arith.constant 16 : index
        %get3A_769 = tpu.vector_load %arg12[%get3A_767, %get3A_768] {strides = array<i32>} : memref<128x64xf32, #tpu.memory_space<vmem>>, vector<1x16xf32>,
        %get3A_770 = vector.shape_cast %get3A_769 : vector<1x16xf32> to vector<16xf32>
        %mul3A_771 = vector.broadcast %squeeze3A_755 : f32 to vector<16xf32>
        %mul3A_772 = arith.mulf %get3A_770, %mul3A_771 : vector<16xf32>
        %swap3A_773 = arith.index_cast %add3A_753 : i32 to index
        %swap3A_774 = arith.constant 16 : index
        %swap3A_775 = tpu.vector_load %arg14[%swap3A_773, %swap3A_774] {strides = array<i32>} : memref<128x64xf32, #tpu.memory_space<vmem>>, vector<1x16xf32>,
        %swap3A_776 = vector.shape_cast %swap3A_775 : vector<1x16xf32> to vector<16xf32>
        %swap3A_777 = vector.shape_cast %mul3A_772 : vector<16xf32> to vector<1x16xf32>
        tpu.vector_store %arg14[%swap3A_773, %swap3A_774], %swap3A_777 {strides = array<i32>} : memref<128x64xf32, #tpu.memory_space<vmem>>, vector<1x16xf32>,
        %get3A_778 = arith.index_cast %add3A_753 : i32 to index
        %get3A_779 = arith.constant 32 : index
        %get3A_780 = tpu.vector_load %arg12[%get3A_778, %get3A_779] {strides = array<i32>} : memref<128x64xf32, #tpu.memory_space<vmem>>, vector<1x16xf32>,
        %get3A_781 = vector.shape_cast %get3A_780 : vector<1x16xf32> to vector<16xf32>
        %mul3A_782 = vector.broadcast %squeeze3A_755 : f32 to vector<16xf32>
        %mul3A_783 = arith.mulf %get3A_781, %mul3A_782 : vector<16xf32>
        %swap3A_784 = arith.index_cast %add3A_753 : i32 to index
        %swap3A_785 = arith.constant 32 : index
        %swap3A_786 = tpu.vector_load %arg14[%swap3A_784, %swap3A_785] {strides = array<i32>} : memref<128x64xf32, #tpu.memory_space<vmem>>, vector<1x16xf32>,
        %swap3A_787 = vector.shape_cast %swap3A_786 : vector<1x16xf32> to vector<16xf32>
        %swap3A_788 = vector.shape_cast %mul3A_783 : vector<16xf32> to vector<1x16xf32>
        tpu.vector_store %arg14[%swap3A_784, %swap3A_785], %swap3A_788 {strides = array<i32>} : memref<128x64xf32, #tpu.memory_space<vmem>>, vector<1x16xf32>,
        %get3A_789 = arith.index_cast %add3A_753 : i32 to index
        %get3A_790 = arith.constant 48 : index
        %get3A_791 = tpu.vector_load %arg12[%get3A_789, %get3A_790] {strides = array<i32>} : memref<128x64xf32, #tpu.memory_space<vmem>>, vector<1x16xf32>,
        %get3A_792 = vector.shape_cast %get3A_791 : vector<1x16xf32> to vector<16xf32>
        %mul3A_793 = vector.broadcast %squeeze3A_755 : f32 to vector<16xf32>
        %mul3A_794 = arith.mulf %get3A_792, %mul3A_793 : vector<16xf32>
        %swap3A_795 = arith.index_cast %add3A_753 : i32 to index
        %swap3A_796 = arith.constant 48 : index
        %swap3A_797 = tpu.vector_load %arg14[%swap3A_795, %swap3A_796] {strides = array<i32>} : memref<128x64xf32, #tpu.memory_space<vmem>>, vector<1x16xf32>,
        %swap3A_798 = vector.shape_cast %swap3A_797 : vector<1x16xf32> to vector<16xf32>
        %swap3A_799 = vector.shape_cast %mul3A_794 : vector<16xf32> to vector<1x16xf32>
        tpu.vector_store %arg14[%swap3A_795, %swap3A_796], %swap3A_799 {strides = array<i32>} : memref<128x64xf32, #tpu.memory_space<vmem>>, vector<1x16xf32>,
        %mul3A_800 = arith.constant 16 : i32
        %mul3A_801 = arith.muli %scan3A_196, %mul3A_800 : i32
        %add3A_802 = arith.constant 12 : i32
        %add3A_803 = arith.addi %mul3A_801, %add3A_802 : i32
        %slice3A_804 = vector.extract_strided_slice %get3A_202 {offsets = [12], sizes = [1], strides = [1]} : vector<16xf32> to vector<1xf32>
        %squeeze3A_805 = vector.extract %slice3A_804[0] : f32 from vector<1xf32>
        %get3A_806 = arith.index_cast %add3A_803 : i32 to index
        %get3A_807 = arith.constant 0 : index
        %get3A_808 = tpu.vector_load %arg12[%get3A_806, %get3A_807] {strides = array<i32>} : memref<128x64xf32, #tpu.memory_space<vmem>>, vector<1x16xf32>,
        %get3A_809 = vector.shape_cast %get3A_808 : vector<1x16xf32> to vector<16xf32>
        %mul3A_810 = vector.broadcast %squeeze3A_805 : f32 to vector<16xf32>
        %mul3A_811 = arith.mulf %get3A_809, %mul3A_810 : vector<16xf32>
        %swap3A_812 = arith.index_cast %add3A_803 : i32 to index
        %swap3A_813 = arith.constant 0 : index
        %swap3A_814 = tpu.vector_load %arg14[%swap3A_812, %swap3A_813] {strides = array<i32>} : memref<128x64xf32, #tpu.memory_space<vmem>>, vector<1x16xf32>,
        %swap3A_815 = vector.shape_cast %swap3A_814 : vector<1x16xf32> to vector<16xf32>
        %swap3A_816 = vector.shape_cast %mul3A_811 : vector<16xf32> to vector<1x16xf32>
        tpu.vector_store %arg14[%swap3A_812, %swap3A_813], %swap3A_816 {strides = array<i32>} : memref<128x64xf32, #tpu.memory_space<vmem>>, vector<1x16xf32>,
        %get3A_817 = arith.index_cast %add3A_803 : i32 to index
        %get3A_818 = arith.constant 16 : index
        %get3A_819 = tpu.vector_load %arg12[%get3A_817, %get3A_818] {strides = array<i32>} : memref<128x64xf32, #tpu.memory_space<vmem>>, vector<1x16xf32>,
        %get3A_820 = vector.shape_cast %get3A_819 : vector<1x16xf32> to vector<16xf32>
        %mul3A_821 = vector.broadcast %squeeze3A_805 : f32 to vector<16xf32>
        %mul3A_822 = arith.mulf %get3A_820, %mul3A_821 : vector<16xf32>
        %swap3A_823 = arith.index_cast %add3A_803 : i32 to index
        %swap3A_824 = arith.constant 16 : index
        %swap3A_825 = tpu.vector_load %arg14[%swap3A_823, %swap3A_824] {strides = array<i32>} : memref<128x64xf32, #tpu.memory_space<vmem>>, vector<1x16xf32>,
        %swap3A_826 = vector.shape_cast %swap3A_825 : vector<1x16xf32> to vector<16xf32>
        %swap3A_827 = vector.shape_cast %mul3A_822 : vector<16xf32> to vector<1x16xf32>
        tpu.vector_store %arg14[%swap3A_823, %swap3A_824], %swap3A_827 {strides = array<i32>} : memref<128x64xf32, #tpu.memory_space<vmem>>, vector<1x16xf32>,
        %get3A_828 = arith.index_cast %add3A_803 : i32 to index
        %get3A_829 = arith.constant 32 : index
        %get3A_830 = tpu.vector_load %arg12[%get3A_828, %get3A_829] {strides = array<i32>} : memref<128x64xf32, #tpu.memory_space<vmem>>, vector<1x16xf32>,
        %get3A_831 = vector.shape_cast %get3A_830 : vector<1x16xf32> to vector<16xf32>
        %mul3A_832 = vector.broadcast %squeeze3A_805 : f32 to vector<16xf32>
        %mul3A_833 = arith.mulf %get3A_831, %mul3A_832 : vector<16xf32>
        %swap3A_834 = arith.index_cast %add3A_803 : i32 to index
        %swap3A_835 = arith.constant 32 : index
        %swap3A_836 = tpu.vector_load %arg14[%swap3A_834, %swap3A_835] {strides = array<i32>} : memref<128x64xf32, #tpu.memory_space<vmem>>, vector<1x16xf32>,
        %swap3A_837 = vector.shape_cast %swap3A_836 : vector<1x16xf32> to vector<16xf32>
        %swap3A_838 = vector.shape_cast %mul3A_833 : vector<16xf32> to vector<1x16xf32>
        tpu.vector_store %arg14[%swap3A_834, %swap3A_835], %swap3A_838 {strides = array<i32>} : memref<128x64xf32, #tpu.memory_space<vmem>>, vector<1x16xf32>,
        %get3A_839 = arith.index_cast %add3A_803 : i32 to index
        %get3A_840 = arith.constant 48 : index
        %get3A_841 = tpu.vector_load %arg12[%get3A_839, %get3A_840] {strides = array<i32>} : memref<128x64xf32, #tpu.memory_space<vmem>>, vector<1x16xf32>,
        %get3A_842 = vector.shape_cast %get3A_841 : vector<1x16xf32> to vector<16xf32>
        %mul3A_843 = vector.broadcast %squeeze3A_805 : f32 to vector<16xf32>
        %mul3A_844 = arith.mulf %get3A_842, %mul3A_843 : vector<16xf32>
        %swap3A_845 = arith.index_cast %add3A_803 : i32 to index
        %swap3A_846 = arith.constant 48 : index
        %swap3A_847 = tpu.vector_load %arg14[%swap3A_845, %swap3A_846] {strides = array<i32>} : memref<128x64xf32, #tpu.memory_space<vmem>>, vector<1x16xf32>,
        %swap3A_848 = vector.shape_cast %swap3A_847 : vector<1x16xf32> to vector<16xf32>
        %swap3A_849 = vector.shape_cast %mul3A_844 : vector<16xf32> to vector<1x16xf32>
        tpu.vector_store %arg14[%swap3A_845, %swap3A_846], %swap3A_849 {strides = array<i32>} : memref<128x64xf32, #tpu.memory_space<vmem>>, vector<1x16xf32>,
        %mul3A_850 = arith.constant 16 : i32
        %mul3A_851 = arith.muli %scan3A_196, %mul3A_850 : i32
        %add3A_852 = arith.constant 13 : i32
        %add3A_853 = arith.addi %mul3A_851, %add3A_852 : i32
        %slice3A_854 = vector.extract_strided_slice %get3A_202 {offsets = [13], sizes = [1], strides = [1]} : vector<16xf32> to vector<1xf32>
        %squeeze3A_855 = vector.extract %slice3A_854[0] : f32 from vector<1xf32>
        %get3A_856 = arith.index_cast %add3A_853 : i32 to index
        %get3A_857 = arith.constant 0 : index
        %get3A_858 = tpu.vector_load %arg12[%get3A_856, %get3A_857] {strides = array<i32>} : memref<128x64xf32, #tpu.memory_space<vmem>>, vector<1x16xf32>,
        %get3A_859 = vector.shape_cast %get3A_858 : vector<1x16xf32> to vector<16xf32>
        %mul3A_860 = vector.broadcast %squeeze3A_855 : f32 to vector<16xf32>
        %mul3A_861 = arith.mulf %get3A_859, %mul3A_860 : vector<16xf32>
        %swap3A_862 = arith.index_cast %add3A_853 : i32 to index
        %swap3A_863 = arith.constant 0 : index
        %swap3A_864 = tpu.vector_load %arg14[%swap3A_862, %swap3A_863] {strides = array<i32>} : memref<128x64xf32, #tpu.memory_space<vmem>>, vector<1x16xf32>,
        %swap3A_865 = vector.shape_cast %swap3A_864 : vector<1x16xf32> to vector<16xf32>
        %swap3A_866 = vector.shape_cast %mul3A_861 : vector<16xf32> to vector<1x16xf32>
        tpu.vector_store %arg14[%swap3A_862, %swap3A_863], %swap3A_866 {strides = array<i32>} : memref<128x64xf32, #tpu.memory_space<vmem>>, vector<1x16xf32>,
        %get3A_867 = arith.index_cast %add3A_853 : i32 to index
        %get3A_868 = arith.constant 16 : index
        %get3A_869 = tpu.vector_load %arg12[%get3A_867, %get3A_868] {strides = array<i32>} : memref<128x64xf32, #tpu.memory_space<vmem>>, vector<1x16xf32>,
        %get3A_870 = vector.shape_cast %get3A_869 : vector<1x16xf32> to vector<16xf32>
        %mul3A_871 = vector.broadcast %squeeze3A_855 : f32 to vector<16xf32>
        %mul3A_872 = arith.mulf %get3A_870, %mul3A_871 : vector<16xf32>
        %swap3A_873 = arith.index_cast %add3A_853 : i32 to index
        %swap3A_874 = arith.constant 16 : index
        %swap3A_875 = tpu.vector_load %arg14[%swap3A_873, %swap3A_874] {strides = array<i32>} : memref<128x64xf32, #tpu.memory_space<vmem>>, vector<1x16xf32>,
        %swap3A_876 = vector.shape_cast %swap3A_875 : vector<1x16xf32> to vector<16xf32>
        %swap3A_877 = vector.shape_cast %mul3A_872 : vector<16xf32> to vector<1x16xf32>
        tpu.vector_store %arg14[%swap3A_873, %swap3A_874], %swap3A_877 {strides = array<i32>} : memref<128x64xf32, #tpu.memory_space<vmem>>, vector<1x16xf32>,
        %get3A_878 = arith.index_cast %add3A_853 : i32 to index
        %get3A_879 = arith.constant 32 : index
        %get3A_880 = tpu.vector_load %arg12[%get3A_878, %get3A_879] {strides = array<i32>} : memref<128x64xf32, #tpu.memory_space<vmem>>, vector<1x16xf32>,
        %get3A_881 = vector.shape_cast %get3A_880 : vector<1x16xf32> to vector<16xf32>
        %mul3A_882 = vector.broadcast %squeeze3A_855 : f32 to vector<16xf32>
        %mul3A_883 = arith.mulf %get3A_881, %mul3A_882 : vector<16xf32>
        %swap3A_884 = arith.index_cast %add3A_853 : i32 to index
        %swap3A_885 = arith.constant 32 : index
        %swap3A_886 = tpu.vector_load %arg14[%swap3A_884, %swap3A_885] {strides = array<i32>} : memref<128x64xf32, #tpu.memory_space<vmem>>, vector<1x16xf32>,
        %swap3A_887 = vector.shape_cast %swap3A_886 : vector<1x16xf32> to vector<16xf32>
        %swap3A_888 = vector.shape_cast %mul3A_883 : vector<16xf32> to vector<1x16xf32>
        tpu.vector_store %arg14[%swap3A_884, %swap3A_885], %swap3A_888 {strides = array<i32>} : memref<128x64xf32, #tpu.memory_space<vmem>>, vector<1x16xf32>,
        %get3A_889 = arith.index_cast %add3A_853 : i32 to index
        %get3A_890 = arith.constant 48 : index
        %get3A_891 = tpu.vector_load %arg12[%get3A_889, %get3A_890] {strides = array<i32>} : memref<128x64xf32, #tpu.memory_space<vmem>>, vector<1x16xf32>,
        %get3A_892 = vector.shape_cast %get3A_891 : vector<1x16xf32> to vector<16xf32>
        %mul3A_893 = vector.broadcast %squeeze3A_855 : f32 to vector<16xf32>
        %mul3A_894 = arith.mulf %get3A_892, %mul3A_893 : vector<16xf32>
        %swap3A_895 = arith.index_cast %add3A_853 : i32 to index
        %swap3A_896 = arith.constant 48 : index
        %swap3A_897 = tpu.vector_load %arg14[%swap3A_895, %swap3A_896] {strides = array<i32>} : memref<128x64xf32, #tpu.memory_space<vmem>>, vector<1x16xf32>,
        %swap3A_898 = vector.shape_cast %swap3A_897 : vector<1x16xf32> to vector<16xf32>
        %swap3A_899 = vector.shape_cast %mul3A_894 : vector<16xf32> to vector<1x16xf32>
        tpu.vector_store %arg14[%swap3A_895, %swap3A_896], %swap3A_899 {strides = array<i32>} : memref<128x64xf32, #tpu.memory_space<vmem>>, vector<1x16xf32>,
        %mul3A_900 = arith.constant 16 : i32
        %mul3A_901 = arith.muli %scan3A_196, %mul3A_900 : i32
        %add3A_902 = arith.constant 14 : i32
        %add3A_903 = arith.addi %mul3A_901, %add3A_902 : i32
        %slice3A_904 = vector.extract_strided_slice %get3A_202 {offsets = [14], sizes = [1], strides = [1]} : vector<16xf32> to vector<1xf32>
        %squeeze3A_905 = vector.extract %slice3A_904[0] : f32 from vector<1xf32>
        %get3A_906 = arith.index_cast %add3A_903 : i32 to index
        %get3A_907 = arith.constant 0 : index
        %get3A_908 = tpu.vector_load %arg12[%get3A_906, %get3A_907] {strides = array<i32>} : memref<128x64xf32, #tpu.memory_space<vmem>>, vector<1x16xf32>,
        %get3A_909 = vector.shape_cast %get3A_908 : vector<1x16xf32> to vector<16xf32>
        %mul3A_910 = vector.broadcast %squeeze3A_905 : f32 to vector<16xf32>
        %mul3A_911 = arith.mulf %get3A_909, %mul3A_910 : vector<16xf32>
        %swap3A_912 = arith.index_cast %add3A_903 : i32 to index
        %swap3A_913 = arith.constant 0 : index
        %swap3A_914 = tpu.vector_load %arg14[%swap3A_912, %swap3A_913] {strides = array<i32>} : memref<128x64xf32, #tpu.memory_space<vmem>>, vector<1x16xf32>,
        %swap3A_915 = vector.shape_cast %swap3A_914 : vector<1x16xf32> to vector<16xf32>
        %swap3A_916 = vector.shape_cast %mul3A_911 : vector<16xf32> to vector<1x16xf32>
        tpu.vector_store %arg14[%swap3A_912, %swap3A_913], %swap3A_916 {strides = array<i32>} : memref<128x64xf32, #tpu.memory_space<vmem>>, vector<1x16xf32>,
        %get3A_917 = arith.index_cast %add3A_903 : i32 to index
        %get3A_918 = arith.constant 16 : index
        %get3A_919 = tpu.vector_load %arg12[%get3A_917, %get3A_918] {strides = array<i32>} : memref<128x64xf32, #tpu.memory_space<vmem>>, vector<1x16xf32>,
        %get3A_920 = vector.shape_cast %get3A_919 : vector<1x16xf32> to vector<16xf32>
        %mul3A_921 = vector.broadcast %squeeze3A_905 : f32 to vector<16xf32>
        %mul3A_922 = arith.mulf %get3A_920, %mul3A_921 : vector<16xf32>
        %swap3A_923 = arith.index_cast %add3A_903 : i32 to index
        %swap3A_924 = arith.constant 16 : index
        %swap3A_925 = tpu.vector_load %arg14[%swap3A_923, %swap3A_924] {strides = array<i32>} : memref<128x64xf32, #tpu.memory_space<vmem>>, vector<1x16xf32>,
        %swap3A_926 = vector.shape_cast %swap3A_925 : vector<1x16xf32> to vector<16xf32>
        %swap3A_927 = vector.shape_cast %mul3A_922 : vector<16xf32> to vector<1x16xf32>
        tpu.vector_store %arg14[%swap3A_923, %swap3A_924], %swap3A_927 {strides = array<i32>} : memref<128x64xf32, #tpu.memory_space<vmem>>, vector<1x16xf32>,
        %get3A_928 = arith.index_cast %add3A_903 : i32 to index
        %get3A_929 = arith.constant 32 : index
        %get3A_930 = tpu.vector_load %arg12[%get3A_928, %get3A_929] {strides = array<i32>} : memref<128x64xf32, #tpu.memory_space<vmem>>, vector<1x16xf32>,
        %get3A_931 = vector.shape_cast %get3A_930 : vector<1x16xf32> to vector<16xf32>
        %mul3A_932 = vector.broadcast %squeeze3A_905 : f32 to vector<16xf32>
        %mul3A_933 = arith.mulf %get3A_931, %mul3A_932 : vector<16xf32>
        %swap3A_934 = arith.index_cast %add3A_903 : i32 to index
        %swap3A_935 = arith.constant 32 : index
        %swap3A_936 = tpu.vector_load %arg14[%swap3A_934, %swap3A_935] {strides = array<i32>} : memref<128x64xf32, #tpu.memory_space<vmem>>, vector<1x16xf32>,
        %swap3A_937 = vector.shape_cast %swap3A_936 : vector<1x16xf32> to vector<16xf32>
        %swap3A_938 = vector.shape_cast %mul3A_933 : vector<16xf32> to vector<1x16xf32>
        tpu.vector_store %arg14[%swap3A_934, %swap3A_935], %swap3A_938 {strides = array<i32>} : memref<128x64xf32, #tpu.memory_space<vmem>>, vector<1x16xf32>,
        %get3A_939 = arith.index_cast %add3A_903 : i32 to index
        %get3A_940 = arith.constant 48 : index
        %get3A_941 = tpu.vector_load %arg12[%get3A_939, %get3A_940] {strides = array<i32>} : memref<128x64xf32, #tpu.memory_space<vmem>>, vector<1x16xf32>,
        %get3A_942 = vector.shape_cast %get3A_941 : vector<1x16xf32> to vector<16xf32>
        %mul3A_943 = vector.broadcast %squeeze3A_905 : f32 to vector<16xf32>
        %mul3A_944 = arith.mulf %get3A_942, %mul3A_943 : vector<16xf32>
        %swap3A_945 = arith.index_cast %add3A_903 : i32 to index
        %swap3A_946 = arith.constant 48 : index
        %swap3A_947 = tpu.vector_load %arg14[%swap3A_945, %swap3A_946] {strides = array<i32>} : memref<128x64xf32, #tpu.memory_space<vmem>>, vector<1x16xf32>,
        %swap3A_948 = vector.shape_cast %swap3A_947 : vector<1x16xf32> to vector<16xf32>
        %swap3A_949 = vector.shape_cast %mul3A_944 : vector<16xf32> to vector<1x16xf32>
        tpu.vector_store %arg14[%swap3A_945, %swap3A_946], %swap3A_949 {strides = array<i32>} : memref<128x64xf32, #tpu.memory_space<vmem>>, vector<1x16xf32>,
        %mul3A_950 = arith.constant 16 : i32
        %mul3A_951 = arith.muli %scan3A_196, %mul3A_950 : i32
        %add3A_952 = arith.constant 15 : i32
        %add3A_953 = arith.addi %mul3A_951, %add3A_952 : i32
        %slice3A_954 = vector.extract_strided_slice %get3A_202 {offsets = [15], sizes = [1], strides = [1]} : vector<16xf32> to vector<1xf32>
        %squeeze3A_955 = vector.extract %slice3A_954[0] : f32 from vector<1xf32>
        %get3A_956 = arith.index_cast %add3A_953 : i32 to index
        %get3A_957 = arith.constant 0 : index
        %get3A_958 = tpu.vector_load %arg12[%get3A_956, %get3A_957] {strides = array<i32>} : memref<128x64xf32, #tpu.memory_space<vmem>>, vector<1x16xf32>,
        %get3A_959 = vector.shape_cast %get3A_958 : vector<1x16xf32> to vector<16xf32>
        %mul3A_960 = vector.broadcast %squeeze3A_955 : f32 to vector<16xf32>
        %mul3A_961 = arith.mulf %get3A_959, %mul3A_960 : vector<16xf32>
        %swap3A_962 = arith.index_cast %add3A_953 : i32 to index
        %swap3A_963 = arith.constant 0 : index
        %swap3A_964 = tpu.vector_load %arg14[%swap3A_962, %swap3A_963] {strides = array<i32>} : memref<128x64xf32, #tpu.memory_space<vmem>>, vector<1x16xf32>,
        %swap3A_965 = vector.shape_cast %swap3A_964 : vector<1x16xf32> to vector<16xf32>
        %swap3A_966 = vector.shape_cast %mul3A_961 : vector<16xf32> to vector<1x16xf32>
        tpu.vector_store %arg14[%swap3A_962, %swap3A_963], %swap3A_966 {strides = array<i32>} : memref<128x64xf32, #tpu.memory_space<vmem>>, vector<1x16xf32>,
        %get3A_967 = arith.index_cast %add3A_953 : i32 to index
        %get3A_968 = arith.constant 16 : index
        %get3A_969 = tpu.vector_load %arg12[%get3A_967, %get3A_968] {strides = array<i32>} : memref<128x64xf32, #tpu.memory_space<vmem>>, vector<1x16xf32>,
        %get3A_970 = vector.shape_cast %get3A_969 : vector<1x16xf32> to vector<16xf32>
        %mul3A_971 = vector.broadcast %squeeze3A_955 : f32 to vector<16xf32>
        %mul3A_972 = arith.mulf %get3A_970, %mul3A_971 : vector<16xf32>
        %swap3A_973 = arith.index_cast %add3A_953 : i32 to index
        %swap3A_974 = arith.constant 16 : index
        %swap3A_975 = tpu.vector_load %arg14[%swap3A_973, %swap3A_974] {strides = array<i32>} : memref<128x64xf32, #tpu.memory_space<vmem>>, vector<1x16xf32>,
        %swap3A_976 = vector.shape_cast %swap3A_975 : vector<1x16xf32> to vector<16xf32>
        %swap3A_977 = vector.shape_cast %mul3A_972 : vector<16xf32> to vector<1x16xf32>
        tpu.vector_store %arg14[%swap3A_973, %swap3A_974], %swap3A_977 {strides = array<i32>} : memref<128x64xf32, #tpu.memory_space<vmem>>, vector<1x16xf32>,
        %get3A_978 = arith.index_cast %add3A_953 : i32 to index
        %get3A_979 = arith.constant 32 : index
        %get3A_980 = tpu.vector_load %arg12[%get3A_978, %get3A_979] {strides = array<i32>} : memref<128x64xf32, #tpu.memory_space<vmem>>, vector<1x16xf32>,
        %get3A_981 = vector.shape_cast %get3A_980 : vector<1x16xf32> to vector<16xf32>
        %mul3A_982 = vector.broadcast %squeeze3A_955 : f32 to vector<16xf32>
        %mul3A_983 = arith.mulf %get3A_981, %mul3A_982 : vector<16xf32>
        %swap3A_984 = arith.index_cast %add3A_953 : i32 to index
        %swap3A_985 = arith.constant 32 : index
        %swap3A_986 = tpu.vector_load %arg14[%swap3A_984, %swap3A_985] {strides = array<i32>} : memref<128x64xf32, #tpu.memory_space<vmem>>, vector<1x16xf32>,
        %swap3A_987 = vector.shape_cast %swap3A_986 : vector<1x16xf32> to vector<16xf32>
        %swap3A_988 = vector.shape_cast %mul3A_983 : vector<16xf32> to vector<1x16xf32>
        tpu.vector_store %arg14[%swap3A_984, %swap3A_985], %swap3A_988 {strides = array<i32>} : memref<128x64xf32, #tpu.memory_space<vmem>>, vector<1x16xf32>,
        %get3A_989 = arith.index_cast %add3A_953 : i32 to index
        %get3A_990 = arith.constant 48 : index
        %get3A_991 = tpu.vector_load %arg12[%get3A_989, %get3A_990] {strides = array<i32>} : memref<128x64xf32, #tpu.memory_space<vmem>>, vector<1x16xf32>,
        %get3A_992 = vector.shape_cast %get3A_991 : vector<1x16xf32> to vector<16xf32>
        %mul3A_993 = vector.broadcast %squeeze3A_955 : f32 to vector<16xf32>
        %mul3A_994 = arith.mulf %get3A_992, %mul3A_993 : vector<16xf32>
        %swap3A_995 = arith.index_cast %add3A_953 : i32 to index
        %swap3A_996 = arith.constant 48 : index
        %swap3A_997 = tpu.vector_load %arg14[%swap3A_995, %swap3A_996] {strides = array<i32>} : memref<128x64xf32, #tpu.memory_space<vmem>>, vector<1x16xf32>,
        %swap3A_998 = vector.shape_cast %swap3A_997 : vector<1x16xf32> to vector<16xf32>
        %swap3A_999 = vector.shape_cast %mul3A_994 : vector<16xf32> to vector<1x16xf32>
        tpu.vector_store %arg14[%swap3A_995, %swap3A_996], %swap3A_999 {strides = array<i32>} : memref<128x64xf32, #tpu.memory_space<vmem>>, vector<1x16xf32>,
        %scan3A_1000 = arith.constant 0 : i32
        scf.yield %scan3A_1000 : i32
      }
      %scan3A_181 = arith.constant 8 : i32
      %add3A_182 = arith.constant 2 : i32
      %add3A_183 = arith.addi %add3A_163, %add3A_182 : i32
      %lt3A_184 = arith.constant 80 : i32
      %lt3A_185 = arith.cmpi slt, %add3A_183, %lt3A_184 : i32
      %convert_element_type3A_186 = arith.extui %lt3A_185 : i1 to i32
      %cond3A_187 = arith.constant 0 : i32
      %cond3A_188 = arith.cmpi ne, %convert_element_type3A_186, %cond3A_187 : i32
      scf.if %cond3A_188 {
        %add3A_196 = arith.constant 2 : i32
        %add3A_197 = arith.addi %add3A_163, %add3A_196 : i32
        %dma_start3A_198 = arith.constant 0 : i32
        %dma_start3A_199 = tpu.memref_slice %arg8[%add3A_197, %dma_start3A_198] : memref<80x128xi32, #tpu.memory_space<vmem>> -> memref<1x128xi32, #tpu.memory_space<vmem>>
        %dma_start3A_200 = tpu.memref_squeeze %dma_start3A_199 : memref<1x128xi32, #tpu.memory_space<vmem>> -> memref<128xi32, #tpu.memory_space<vmem>>
        %dma_start3A_201 = arith.constant 0 : i32
        %dma_start3A_202 = arith.constant 0 : i32
        %dma_start3A_203 = tpu.memref_slice %arg5[%dma_start3A_201, %dma_start3A_202] : memref<10000x64xf32, #tpu.memory_space<hbm>> -> memref<10000x64xf32, #tpu.memory_space<hbm>>
        tpu.enqueue_indirect_dma source(%dma_start3A_203 : memref<10000x64xf32, #tpu.memory_space<hbm>>) target(%arg12 : memref<128x64xf32, #tpu.memory_space<vmem>>) offsets(%dma_start3A_200 : memref<128xi32, #tpu.memory_space<vmem>>) semaphore(%arg17 : memref<!tpu.dma_semaphore, #tpu.memory_space<semaphore_mem>>)
      } else {
      }
      %dma_start3A_189 = arith.constant 0 : i32
      %dma_start3A_190 = tpu.memref_slice %arg9[%add3A_163, %dma_start3A_189] : memref<80x128xi32, #tpu.memory_space<vmem>> -> memref<1x128xi32, #tpu.memory_space<vmem>>
      %dma_start3A_191 = tpu.memref_squeeze %dma_start3A_190 : memref<1x128xi32, #tpu.memory_space<vmem>> -> memref<128xi32, #tpu.memory_space<vmem>>
      %dma_start3A_192 = arith.constant 0 : i32
      %dma_start3A_193 = arith.constant 0 : i32
      %dma_start3A_194 = tpu.memref_slice %arg15[%dma_start3A_192, %dma_start3A_193] : memref<10000x64xf32, #tpu.memory_space<vmem_shared>> -> memref<10000x64xf32, #tpu.memory_space<vmem_shared>>
      tpu.enqueue_indirect_dma source(%arg14 : memref<128x64xf32, #tpu.memory_space<vmem>>) target(%dma_start3A_194 : memref<10000x64xf32, #tpu.memory_space<vmem_shared>>) offsets(%dma_start3A_191 : memref<128xi32, #tpu.memory_space<vmem>>) semaphore(%arg19 : memref<!tpu.dma_semaphore, #tpu.memory_space<semaphore_mem>>) {add = true}
      %scan3A_195 = arith.constant 0 : i32
      scf.yield %scan3A_195 : i32
    }
    %scan3A_34 = arith.constant 40 : i32
    %dma_wait3A = arith.constant 0 : i32
    %dma_wait3A_35 = arith.constant 0 : i32
    %dma_wait3A_36 = tpu.memref_slice %arg9[%dma_wait3A, %dma_wait3A_35] : memref<80x128xi32, #tpu.memory_space<vmem>> -> memref<1x128xi32, #tpu.memory_space<vmem>>
    %dma_wait3A_37 = tpu.memref_squeeze %dma_wait3A_36 : memref<1x128xi32, #tpu.memory_space<vmem>> -> memref<128xi32, #tpu.memory_space<vmem>>
    %dma_wait3A_38 = arith.constant 0 : i32
    %dma_wait3A_39 = arith.constant 0 : i32
    %dma_wait3A_40 = tpu.memref_slice %arg15[%dma_wait3A_38, %dma_wait3A_39] : memref<10000x64xf32, #tpu.memory_space<vmem_shared>> -> memref<10000x64xf32, #tpu.memory_space<vmem_shared>>
    tpu.wait_indirect_dma semaphore(%arg18 : memref<!tpu.dma_semaphore, #tpu.memory_space<semaphore_mem>>) src(%arg13 : memref<128x64xf32, #tpu.memory_space<vmem>>) dst(%dma_wait3A_40 : memref<10000x64xf32, #tpu.memory_space<vmem_shared>>)
    %dma_wait3A_41 = arith.constant 0 : i32
    %dma_wait3A_42 = arith.constant 0 : i32
    %dma_wait3A_43 = tpu.memref_slice %arg9[%dma_wait3A_41, %dma_wait3A_42] : memref<80x128xi32, #tpu.memory_space<vmem>> -> memref<1x128xi32, #tpu.memory_space<vmem>>
    %dma_wait3A_44 = tpu.memref_squeeze %dma_wait3A_43 : memref<1x128xi32, #tpu.memory_space<vmem>> -> memref<128xi32, #tpu.memory_space<vmem>>
    %dma_wait3A_45 = arith.constant 0 : i32
    %dma_wait3A_46 = arith.constant 0 : i32
    %dma_wait3A_47 = tpu.memref_slice %arg15[%dma_wait3A_45, %dma_wait3A_46] : memref<10000x64xf32, #tpu.memory_space<vmem_shared>> -> memref<10000x64xf32, #tpu.memory_space<vmem_shared>>
    tpu.wait_indirect_dma semaphore(%arg19 : memref<!tpu.dma_semaphore, #tpu.memory_space<semaphore_mem>>) src(%arg14 : memref<128x64xf32, #tpu.memory_space<vmem>>) dst(%dma_wait3A_47 : memref<10000x64xf32, #tpu.memory_space<vmem_shared>>)
    %barrier3A_48 = arith.constant 0 : index
    tpu.barrier barrier_id(%barrier3A_48)
    %lt3A_49 = arith.constant 15 : i32
    %lt3A_50 = arith.cmpi slt, %arg1, %lt3A_49 : i32
    %convert_element_type3A_51 = arith.extui %lt3A_50 : i1 to i32
    %cond3A_52 = arith.constant 0 : i32
    %cond3A_53 = arith.cmpi ne, %convert_element_type3A_51, %cond3A_52 : i32
    scf.if %cond3A_53 {
      %run_scoped3A = arith.constant 0 : i32
      "tpu.region"() ({
        %run_scoped3A_124 = tpu.sem_alloc : memref<!tpu.dma_semaphore, #tpu.memory_space<semaphore_mem>>
        %dma_start3A_125 = arith.constant 0 : i32
        %dma_start3A_126 = tpu.memref_slice %arg7[%arg0, %run_scoped3A, %mul3A_2, %dma_start3A_125] : memref<2x2x10000x64xf32, #tpu.memory_space<hbm>> -> memref<1x1x632x64xf32, #tpu.memory_space<hbm>>
        %dma_start3A_127 = tpu.memref_squeeze %dma_start3A_126 : memref<1x1x632x64xf32, #tpu.memory_space<hbm>> -> memref<632x64xf32, #tpu.memory_space<hbm>>
        %dma_start3A_128 = arith.constant 0 : i32
        %dma_start3A_129 = tpu.memref_slice %arg15[%mul3A_2, %dma_start3A_128] : memref<10000x64xf32, #tpu.memory_space<vmem_shared>> -> memref<632x64xf32, #tpu.memory_space<vmem_shared>>
        tpu.enqueue_dma source(%dma_start3A_129 : memref<632x64xf32, #tpu.memory_space<vmem_shared>>) target(%dma_start3A_127 : memref<632x64xf32, #tpu.memory_space<hbm>>) target_semaphore(%run_scoped3A_124 : memref<!tpu.dma_semaphore, #tpu.memory_space<semaphore_mem>>)
        %dma_wait3A_130 = arith.constant 0 : i32
        %dma_wait3A_131 = tpu.memref_slice %arg7[%arg0, %run_scoped3A, %mul3A_2, %dma_wait3A_130] : memref<2x2x10000x64xf32, #tpu.memory_space<hbm>> -> memref<1x1x632x64xf32, #tpu.memory_space<hbm>>
        %dma_wait3A_132 = tpu.memref_squeeze %dma_wait3A_131 : memref<1x1x632x64xf32, #tpu.memory_space<hbm>> -> memref<632x64xf32, #tpu.memory_space<hbm>>
        %dma_wait3A_133 = arith.constant 0 : i32
        %dma_wait3A_134 = tpu.memref_slice %arg15[%mul3A_2, %dma_wait3A_133] : memref<10000x64xf32, #tpu.memory_space<vmem_shared>> -> memref<632x64xf32, #tpu.memory_space<vmem_shared>>
        tpu.wait_dma2 semaphore(%run_scoped3A_124 : memref<!tpu.dma_semaphore, #tpu.memory_space<semaphore_mem>>) src(%dma_wait3A_134 : memref<632x64xf32, #tpu.memory_space<vmem_shared>>) dst(%dma_wait3A_132 : memref<632x64xf32, #tpu.memory_space<hbm>>)
        tpu.yield
      }) : () -> ()
    } else {
    }
    %eq3A_54 = arith.constant 15 : i32
    %eq3A_55 = arith.cmpi eq, %arg1, %eq3A_54 : i32
    %convert_element_type3A_56 = arith.extui %eq3A_55 : i1 to i32
    %cond3A_57 = arith.constant 0 : i32
    %cond3A_58 = arith.cmpi ne, %convert_element_type3A_56, %cond3A_57 : i32
    scf.if %cond3A_58 {
      %run_scoped3A = arith.constant 0 : i32
      "tpu.region"() ({
        %run_scoped3A_124 = tpu.sem_alloc : memref<!tpu.dma_semaphore, #tpu.memory_space<semaphore_mem>>
        %dma_start3A_125 = arith.constant 0 : i32
        %dma_start3A_126 = tpu.memref_slice %arg7[%arg0, %run_scoped3A, %mul3A_2, %dma_start3A_125] : memref<2x2x10000x64xf32, #tpu.memory_space<hbm>> -> memref<1x1x520x64xf32, #tpu.memory_space<hbm>>
        %dma_start3A_127 = tpu.memref_squeeze %dma_start3A_126 : memref<1x1x520x64xf32, #tpu.memory_space<hbm>> -> memref<520x64xf32, #tpu.memory_space<hbm>>
        %dma_start3A_128 = arith.constant 0 : i32
        %dma_start3A_129 = tpu.memref_slice %arg15[%mul3A_2, %dma_start3A_128] : memref<10000x64xf32, #tpu.memory_space<vmem_shared>> -> memref<520x64xf32, #tpu.memory_space<vmem_shared>>
        tpu.enqueue_dma source(%dma_start3A_129 : memref<520x64xf32, #tpu.memory_space<vmem_shared>>) target(%dma_start3A_127 : memref<520x64xf32, #tpu.memory_space<hbm>>) target_semaphore(%run_scoped3A_124 : memref<!tpu.dma_semaphore, #tpu.memory_space<semaphore_mem>>)
        %dma_wait3A_130 = arith.constant 0 : i32
        %dma_wait3A_131 = tpu.memref_slice %arg7[%arg0, %run_scoped3A, %mul3A_2, %dma_wait3A_130] : memref<2x2x10000x64xf32, #tpu.memory_space<hbm>> -> memref<1x1x520x64xf32, #tpu.memory_space<hbm>>
        %dma_wait3A_132 = tpu.memref_squeeze %dma_wait3A_131 : memref<1x1x520x64xf32, #tpu.memory_space<hbm>> -> memref<520x64xf32, #tpu.memory_space<hbm>>
        %dma_wait3A_133 = arith.constant 0 : i32
        %dma_wait3A_134 = tpu.memref_slice %arg15[%mul3A_2, %dma_wait3A_133] : memref<10000x64xf32, #tpu.memory_space<vmem_shared>> -> memref<520x64xf32, #tpu.memory_space<vmem_shared>>
        tpu.wait_dma2 semaphore(%run_scoped3A_124 : memref<!tpu.dma_semaphore, #tpu.memory_space<semaphore_mem>>) src(%dma_wait3A_134 : memref<520x64xf32, #tpu.memory_space<vmem_shared>>) dst(%dma_wait3A_132 : memref<520x64xf32, #tpu.memory_space<hbm>>)
        tpu.yield
      }) : () -> ()
    } else {
    }
    %barrier3A_59 = arith.constant 0 : index
    tpu.barrier barrier_id(%barrier3A_59)
    %scan3A_60 = arith.constant 0 : i32
    %scan3A_61 = arith.constant 0 : i32
    %scan3A_62 = arith.constant 128 : i32
    %scan3A_63 = arith.addi %scan3A_61, %scan3A_62 : i32
    %scan3A_64 = arith.constant 1 : i32
    %scan3A_65 = scf.for %scan3A_124 = %scan3A_61 to %scan3A_63 step %scan3A_64 iter_args(%scan3A_125 = %scan3A_60) -> (i32)  : i32 {
      %broadcast_in_dim3A = arith.constant 0.000000e+00 : f32
      %broadcast_in_dim3A_126 = vector.broadcast %broadcast_in_dim3A : f32 to vector<16xf32>
      %swap3A = arith.index_cast %scan3A_124 : i32 to index
      %swap3A_127 = arith.constant 0 : index
      %swap3A_128 = tpu.vector_load %arg11[%swap3A, %swap3A_127] {strides = array<i32>} : memref<128x64xf32, #tpu.memory_space<vmem>>, vector<1x16xf32>,
      %swap3A_129 = vector.shape_cast %swap3A_128 : vector<1x16xf32> to vector<16xf32>
      %swap3A_130 = vector.shape_cast %broadcast_in_dim3A_126 : vector<16xf32> to vector<1x16xf32>
      tpu.vector_store %arg11[%swap3A, %swap3A_127], %swap3A_130 {strides = array<i32>} : memref<128x64xf32, #tpu.memory_space<vmem>>, vector<1x16xf32>,
      %broadcast_in_dim3A_131 = arith.constant 0.000000e+00 : f32
      %broadcast_in_dim3A_132 = vector.broadcast %broadcast_in_dim3A_131 : f32 to vector<16xf32>
      %swap3A_133 = arith.index_cast %scan3A_124 : i32 to index
      %swap3A_134 = arith.constant 16 : index
      %swap3A_135 = tpu.vector_load %arg11[%swap3A_133, %swap3A_134] {strides = array<i32>} : memref<128x64xf32, #tpu.memory_space<vmem>>, vector<1x16xf32>,
      %swap3A_136 = vector.shape_cast %swap3A_135 : vector<1x16xf32> to vector<16xf32>
      %swap3A_137 = vector.shape_cast %broadcast_in_dim3A_132 : vector<16xf32> to vector<1x16xf32>
      tpu.vector_store %arg11[%swap3A_133, %swap3A_134], %swap3A_137 {strides = array<i32>} : memref<128x64xf32, #tpu.memory_space<vmem>>, vector<1x16xf32>,
      %broadcast_in_dim3A_138 = arith.constant 0.000000e+00 : f32
      %broadcast_in_dim3A_139 = vector.broadcast %broadcast_in_dim3A_138 : f32 to vector<16xf32>
      %swap3A_140 = arith.index_cast %scan3A_124 : i32 to index
      %swap3A_141 = arith.constant 32 : index
      %swap3A_142 = tpu.vector_load %arg11[%swap3A_140, %swap3A_141] {strides = array<i32>} : memref<128x64xf32, #tpu.memory_space<vmem>>, vector<1x16xf32>,
      %swap3A_143 = vector.shape_cast %swap3A_142 : vector<1x16xf32> to vector<16xf32>
      %swap3A_144 = vector.shape_cast %broadcast_in_dim3A_139 : vector<16xf32> to vector<1x16xf32>
      tpu.vector_store %arg11[%swap3A_140, %swap3A_141], %swap3A_144 {strides = array<i32>} : memref<128x64xf32, #tpu.memory_space<vmem>>, vector<1x16xf32>,
      %broadcast_in_dim3A_145 = arith.constant 0.000000e+00 : f32
      %broadcast_in_dim3A_146 = vector.broadcast %broadcast_in_dim3A_145 : f32 to vector<16xf32>
      %swap3A_147 = arith.index_cast %scan3A_124 : i32 to index
      %swap3A_148 = arith.constant 48 : index
      %swap3A_149 = tpu.vector_load %arg11[%swap3A_147, %swap3A_148] {strides = array<i32>} : memref<128x64xf32, #tpu.memory_space<vmem>>, vector<1x16xf32>,
      %swap3A_150 = vector.shape_cast %swap3A_149 : vector<1x16xf32> to vector<16xf32>
      %swap3A_151 = vector.shape_cast %broadcast_in_dim3A_146 : vector<16xf32> to vector<1x16xf32>
      tpu.vector_store %arg11[%swap3A_147, %swap3A_148], %swap3A_151 {strides = array<i32>} : memref<128x64xf32, #tpu.memory_space<vmem>>, vector<1x16xf32>,
      %scan3A_152 = arith.constant 0 : i32
      scf.yield %scan3A_152 : i32
    }
    %scan3A_66 = arith.constant 128 : i32
    %lt3A_67 = arith.constant 15 : i32
    %lt3A_68 = arith.cmpi slt, %arg1, %lt3A_67 : i32
    %convert_element_type3A_69 = arith.extui %lt3A_68 : i1 to i32
    %cond3A_70 = arith.constant 0 : i32
    %cond3A_71 = arith.cmpi ne, %convert_element_type3A_69, %cond3A_70 : i32
    scf.if %cond3A_71 {
      %add3A_124 = arith.constant 0 : i32
      %add3A_125 = arith.addi %mul3A_2, %add3A_124 : i32
      "tpu.region"() ({
        %run_scoped3A = tpu.sem_alloc : memref<!tpu.dma_semaphore, #tpu.memory_space<semaphore_mem>>
        %dma_start3A_134 = arith.constant 0 : i32
        %dma_start3A_135 = tpu.memref_slice %arg15[%add3A_125, %dma_start3A_134] : memref<10000x64xf32, #tpu.memory_space<vmem_shared>> -> memref<128x64xf32, #tpu.memory_space<vmem_shared>>
        %dma_start3A_136 = arith.constant 0 : i32
        %dma_start3A_137 = tpu.memref_slice %arg15[%add3A_125, %dma_start3A_136] : memref<10000x64xf32, #tpu.memory_space<vmem_shared>> -> memref<128x64xf32, #tpu.memory_space<vmem_shared>>
        tpu.enqueue_dma source(%arg11 : memref<128x64xf32, #tpu.memory_space<vmem>>) target(%dma_start3A_137 : memref<128x64xf32, #tpu.memory_space<vmem_shared>>) target_semaphore(%run_scoped3A : memref<!tpu.dma_semaphore, #tpu.memory_space<semaphore_mem>>)
        %dma_wait3A_138 = arith.constant 0 : i32
        %dma_wait3A_139 = tpu.memref_slice %arg15[%add3A_125, %dma_wait3A_138] : memref<10000x64xf32, #tpu.memory_space<vmem_shared>> -> memref<128x64xf32, #tpu.memory_space<vmem_shared>>
        %dma_wait3A_140 = arith.constant 0 : i32
        %dma_wait3A_141 = tpu.memref_slice %arg15[%add3A_125, %dma_wait3A_140] : memref<10000x64xf32, #tpu.memory_space<vmem_shared>> -> memref<128x64xf32, #tpu.memory_space<vmem_shared>>
        tpu.wait_dma2 semaphore(%run_scoped3A : memref<!tpu.dma_semaphore, #tpu.memory_space<semaphore_mem>>) src(%arg11 : memref<128x64xf32, #tpu.memory_space<vmem>>) dst(%dma_wait3A_141 : memref<128x64xf32, #tpu.memory_space<vmem_shared>>)
        tpu.yield
      }) : () -> ()
      %add3A_126 = arith.constant 128 : i32
      %add3A_127 = arith.addi %mul3A_2, %add3A_126 : i32
      "tpu.region"() ({
        %run_scoped3A = tpu.sem_alloc : memref<!tpu.dma_semaphore, #tpu.memory_space<semaphore_mem>>
        %dma_start3A_134 = arith.constant 0 : i32
        %dma_start3A_135 = tpu.memref_slice %arg15[%add3A_127, %dma_start3A_134] : memref<10000x64xf32, #tpu.memory_space<vmem_shared>> -> memref<128x64xf32, #tpu.memory_space<vmem_shared>>
        %dma_start3A_136 = arith.constant 0 : i32
        %dma_start3A_137 = tpu.memref_slice %arg15[%add3A_127, %dma_start3A_136] : memref<10000x64xf32, #tpu.memory_space<vmem_shared>> -> memref<128x64xf32, #tpu.memory_space<vmem_shared>>
        tpu.enqueue_dma source(%arg11 : memref<128x64xf32, #tpu.memory_space<vmem>>) target(%dma_start3A_137 : memref<128x64xf32, #tpu.memory_space<vmem_shared>>) target_semaphore(%run_scoped3A : memref<!tpu.dma_semaphore, #tpu.memory_space<semaphore_mem>>)
        %dma_wait3A_138 = arith.constant 0 : i32
        %dma_wait3A_139 = tpu.memref_slice %arg15[%add3A_127, %dma_wait3A_138] : memref<10000x64xf32, #tpu.memory_space<vmem_shared>> -> memref<128x64xf32, #tpu.memory_space<vmem_shared>>
        %dma_wait3A_140 = arith.constant 0 : i32
        %dma_wait3A_141 = tpu.memref_slice %arg15[%add3A_127, %dma_wait3A_140] : memref<10000x64xf32, #tpu.memory_space<vmem_shared>> -> memref<128x64xf32, #tpu.memory_space<vmem_shared>>
        tpu.wait_dma2 semaphore(%run_scoped3A : memref<!tpu.dma_semaphore, #tpu.memory_space<semaphore_mem>>) src(%arg11 : memref<128x64xf32, #tpu.memory_space<vmem>>) dst(%dma_wait3A_141 : memref<128x64xf32, #tpu.memory_space<vmem_shared>>)
        tpu.yield
      }) : () -> ()
      %add3A_128 = arith.constant 256 : i32
      %add3A_129 = arith.addi %mul3A_2, %add3A_128 : i32
      "tpu.region"() ({
        %run_scoped3A = tpu.sem_alloc : memref<!tpu.dma_semaphore, #tpu.memory_space<semaphore_mem>>
        %dma_start3A_134 = arith.constant 0 : i32
        %dma_start3A_135 = tpu.memref_slice %arg15[%add3A_129, %dma_start3A_134] : memref<10000x64xf32, #tpu.memory_space<vmem_shared>> -> memref<128x64xf32, #tpu.memory_space<vmem_shared>>
        %dma_start3A_136 = arith.constant 0 : i32
        %dma_start3A_137 = tpu.memref_slice %arg15[%add3A_129, %dma_start3A_136] : memref<10000x64xf32, #tpu.memory_space<vmem_shared>> -> memref<128x64xf32, #tpu.memory_space<vmem_shared>>
        tpu.enqueue_dma source(%arg11 : memref<128x64xf32, #tpu.memory_space<vmem>>) target(%dma_start3A_137 : memref<128x64xf32, #tpu.memory_space<vmem_shared>>) target_semaphore(%run_scoped3A : memref<!tpu.dma_semaphore, #tpu.memory_space<semaphore_mem>>)
        %dma_wait3A_138 = arith.constant 0 : i32
        %dma_wait3A_139 = tpu.memref_slice %arg15[%add3A_129, %dma_wait3A_138] : memref<10000x64xf32, #tpu.memory_space<vmem_shared>> -> memref<128x64xf32, #tpu.memory_space<vmem_shared>>
        %dma_wait3A_140 = arith.constant 0 : i32
        %dma_wait3A_141 = tpu.memref_slice %arg15[%add3A_129, %dma_wait3A_140] : memref<10000x64xf32, #tpu.memory_space<vmem_shared>> -> memref<128x64xf32, #tpu.memory_space<vmem_shared>>
        tpu.wait_dma2 semaphore(%run_scoped3A : memref<!tpu.dma_semaphore, #tpu.memory_space<semaphore_mem>>) src(%arg11 : memref<128x64xf32, #tpu.memory_space<vmem>>) dst(%dma_wait3A_141 : memref<128x64xf32, #tpu.memory_space<vmem_shared>>)
        tpu.yield
      }) : () -> ()
      %add3A_130 = arith.constant 384 : i32
      %add3A_131 = arith.addi %mul3A_2, %add3A_130 : i32
      "tpu.region"() ({
        %run_scoped3A = tpu.sem_alloc : memref<!tpu.dma_semaphore, #tpu.memory_space<semaphore_mem>>
        %dma_start3A_134 = arith.constant 0 : i32
        %dma_start3A_135 = tpu.memref_slice %arg15[%add3A_131, %dma_start3A_134] : memref<10000x64xf32, #tpu.memory_space<vmem_shared>> -> memref<128x64xf32, #tpu.memory_space<vmem_shared>>
        %dma_start3A_136 = arith.constant 0 : i32
        %dma_start3A_137 = tpu.memref_slice %arg15[%add3A_131, %dma_start3A_136] : memref<10000x64xf32, #tpu.memory_space<vmem_shared>> -> memref<128x64xf32, #tpu.memory_space<vmem_shared>>
        tpu.enqueue_dma source(%arg11 : memref<128x64xf32, #tpu.memory_space<vmem>>) target(%dma_start3A_137 : memref<128x64xf32, #tpu.memory_space<vmem_shared>>) target_semaphore(%run_scoped3A : memref<!tpu.dma_semaphore, #tpu.memory_space<semaphore_mem>>)
        %dma_wait3A_138 = arith.constant 0 : i32
        %dma_wait3A_139 = tpu.memref_slice %arg15[%add3A_131, %dma_wait3A_138] : memref<10000x64xf32, #tpu.memory_space<vmem_shared>> -> memref<128x64xf32, #tpu.memory_space<vmem_shared>>
        %dma_wait3A_140 = arith.constant 0 : i32
        %dma_wait3A_141 = tpu.memref_slice %arg15[%add3A_131, %dma_wait3A_140] : memref<10000x64xf32, #tpu.memory_space<vmem_shared>> -> memref<128x64xf32, #tpu.memory_space<vmem_shared>>
        tpu.wait_dma2 semaphore(%run_scoped3A : memref<!tpu.dma_semaphore, #tpu.memory_space<semaphore_mem>>) src(%arg11 : memref<128x64xf32, #tpu.memory_space<vmem>>) dst(%dma_wait3A_141 : memref<128x64xf32, #tpu.memory_space<vmem_shared>>)
        tpu.yield
      }) : () -> ()
      %add3A_132 = arith.constant 512 : i32
      %add3A_133 = arith.addi %mul3A_2, %add3A_132 : i32
      "tpu.region"() ({
        %run_scoped3A = tpu.sem_alloc : memref<!tpu.dma_semaphore, #tpu.memory_space<semaphore_mem>>
        %dma_start3A_134 = arith.constant 0 : i32
        %dma_start3A_135 = arith.constant 0 : i32
        %dma_start3A_136 = tpu.memref_slice %arg11[%dma_start3A_134, %dma_start3A_135] : memref<128x64xf32, #tpu.memory_space<vmem>> -> memref<120x64xf32, #tpu.memory_space<vmem>>
        %dma_start3A_137 = arith.constant 0 : i32
        %dma_start3A_138 = tpu.memref_slice %arg15[%add3A_133, %dma_start3A_137] : memref<10000x64xf32, #tpu.memory_space<vmem_shared>> -> memref<120x64xf32, #tpu.memory_space<vmem_shared>>
        %dma_start3A_139 = arith.constant 0 : i32
        %dma_start3A_140 = tpu.memref_slice %arg15[%add3A_133, %dma_start3A_139] : memref<10000x64xf32, #tpu.memory_space<vmem_shared>> -> memref<120x64xf32, #tpu.memory_space<vmem_shared>>
        %dma_start3A_141 = arith.constant 0 : i32
        %dma_start3A_142 = arith.constant 0 : i32
        %dma_start3A_143 = tpu.memref_slice %arg11[%dma_start3A_141, %dma_start3A_142] : memref<128x64xf32, #tpu.memory_space<vmem>> -> memref<120x64xf32, #tpu.memory_space<vmem>>
        tpu.enqueue_dma source(%dma_start3A_143 : memref<120x64xf32, #tpu.memory_space<vmem>>) target(%dma_start3A_140 : memref<120x64xf32, #tpu.memory_space<vmem_shared>>) target_semaphore(%run_scoped3A : memref<!tpu.dma_semaphore, #tpu.memory_space<semaphore_mem>>)
        %dma_wait3A_144 = arith.constant 0 : i32
        %dma_wait3A_145 = arith.constant 0 : i32
        %dma_wait3A_146 = tpu.memref_slice %arg11[%dma_wait3A_144, %dma_wait3A_145] : memref<128x64xf32, #tpu.memory_space<vmem>> -> memref<120x64xf32, #tpu.memory_space<vmem>>
        %dma_wait3A_147 = arith.constant 0 : i32
        %dma_wait3A_148 = tpu.memref_slice %arg15[%add3A_133, %dma_wait3A_147] : memref<10000x64xf32, #tpu.memory_space<vmem_shared>> -> memref<120x64xf32, #tpu.memory_space<vmem_shared>>
        %dma_wait3A_149 = arith.constant 0 : i32
        %dma_wait3A_150 = tpu.memref_slice %arg15[%add3A_133, %dma_wait3A_149] : memref<10000x64xf32, #tpu.memory_space<vmem_shared>> -> memref<120x64xf32, #tpu.memory_space<vmem_shared>>
        %dma_wait3A_151 = arith.constant 0 : i32
        %dma_wait3A_152 = arith.constant 0 : i32
        %dma_wait3A_153 = tpu.memref_slice %arg11[%dma_wait3A_151, %dma_wait3A_152] : memref<128x64xf32, #tpu.memory_space<vmem>> -> memref<120x64xf32, #tpu.memory_space<vmem>>
        tpu.wait_dma2 semaphore(%run_scoped3A : memref<!tpu.dma_semaphore, #tpu.memory_space<semaphore_mem>>) src(%dma_wait3A_153 : memref<120x64xf32, #tpu.memory_space<vmem>>) dst(%dma_wait3A_150 : memref<120x64xf32, #tpu.memory_space<vmem_shared>>)
        tpu.yield
      }) : () -> ()
    } else {
    }
    %eq3A_72 = arith.constant 15 : i32
    %eq3A_73 = arith.cmpi eq, %arg1, %eq3A_72 : i32
    %convert_element_type3A_74 = arith.extui %eq3A_73 : i1 to i32
    %cond3A_75 = arith.constant 0 : i32
    %cond3A_76 = arith.cmpi ne, %convert_element_type3A_74, %cond3A_75 : i32
    scf.if %cond3A_76 {
      %add3A_124 = arith.constant 0 : i32
      %add3A_125 = arith.addi %mul3A_2, %add3A_124 : i32
      "tpu.region"() ({
        %run_scoped3A = tpu.sem_alloc : memref<!tpu.dma_semaphore, #tpu.memory_space<semaphore_mem>>
        %dma_start3A_134 = arith.constant 0 : i32
        %dma_start3A_135 = tpu.memref_slice %arg15[%add3A_125, %dma_start3A_134] : memref<10000x64xf32, #tpu.memory_space<vmem_shared>> -> memref<128x64xf32, #tpu.memory_space<vmem_shared>>
        %dma_start3A_136 = arith.constant 0 : i32
        %dma_start3A_137 = tpu.memref_slice %arg15[%add3A_125, %dma_start3A_136] : memref<10000x64xf32, #tpu.memory_space<vmem_shared>> -> memref<128x64xf32, #tpu.memory_space<vmem_shared>>
        tpu.enqueue_dma source(%arg11 : memref<128x64xf32, #tpu.memory_space<vmem>>) target(%dma_start3A_137 : memref<128x64xf32, #tpu.memory_space<vmem_shared>>) target_semaphore(%run_scoped3A : memref<!tpu.dma_semaphore, #tpu.memory_space<semaphore_mem>>)
        %dma_wait3A_138 = arith.constant 0 : i32
        %dma_wait3A_139 = tpu.memref_slice %arg15[%add3A_125, %dma_wait3A_138] : memref<10000x64xf32, #tpu.memory_space<vmem_shared>> -> memref<128x64xf32, #tpu.memory_space<vmem_shared>>
        %dma_wait3A_140 = arith.constant 0 : i32
        %dma_wait3A_141 = tpu.memref_slice %arg15[%add3A_125, %dma_wait3A_140] : memref<10000x64xf32, #tpu.memory_space<vmem_shared>> -> memref<128x64xf32, #tpu.memory_space<vmem_shared>>
        tpu.wait_dma2 semaphore(%run_scoped3A : memref<!tpu.dma_semaphore, #tpu.memory_space<semaphore_mem>>) src(%arg11 : memref<128x64xf32, #tpu.memory_space<vmem>>) dst(%dma_wait3A_141 : memref<128x64xf32, #tpu.memory_space<vmem_shared>>)
        tpu.yield
      }) : () -> ()
      %add3A_126 = arith.constant 128 : i32
      %add3A_127 = arith.addi %mul3A_2, %add3A_126 : i32
      "tpu.region"() ({
        %run_scoped3A = tpu.sem_alloc : memref<!tpu.dma_semaphore, #tpu.memory_space<semaphore_mem>>
        %dma_start3A_134 = arith.constant 0 : i32
        %dma_start3A_135 = tpu.memref_slice %arg15[%add3A_127, %dma_start3A_134] : memref<10000x64xf32, #tpu.memory_space<vmem_shared>> -> memref<128x64xf32, #tpu.memory_space<vmem_shared>>
        %dma_start3A_136 = arith.constant 0 : i32
        %dma_start3A_137 = tpu.memref_slice %arg15[%add3A_127, %dma_start3A_136] : memref<10000x64xf32, #tpu.memory_space<vmem_shared>> -> memref<128x64xf32, #tpu.memory_space<vmem_shared>>
        tpu.enqueue_dma source(%arg11 : memref<128x64xf32, #tpu.memory_space<vmem>>) target(%dma_start3A_137 : memref<128x64xf32, #tpu.memory_space<vmem_shared>>) target_semaphore(%run_scoped3A : memref<!tpu.dma_semaphore, #tpu.memory_space<semaphore_mem>>)
        %dma_wait3A_138 = arith.constant 0 : i32
        %dma_wait3A_139 = tpu.memref_slice %arg15[%add3A_127, %dma_wait3A_138] : memref<10000x64xf32, #tpu.memory_space<vmem_shared>> -> memref<128x64xf32, #tpu.memory_space<vmem_shared>>
        %dma_wait3A_140 = arith.constant 0 : i32
        %dma_wait3A_141 = tpu.memref_slice %arg15[%add3A_127, %dma_wait3A_140] : memref<10000x64xf32, #tpu.memory_space<vmem_shared>> -> memref<128x64xf32, #tpu.memory_space<vmem_shared>>
        tpu.wait_dma2 semaphore(%run_scoped3A : memref<!tpu.dma_semaphore, #tpu.memory_space<semaphore_mem>>) src(%arg11 : memref<128x64xf32, #tpu.memory_space<vmem>>) dst(%dma_wait3A_141 : memref<128x64xf32, #tpu.memory_space<vmem_shared>>)
        tpu.yield
      }) : () -> ()
      %add3A_128 = arith.constant 256 : i32
      %add3A_129 = arith.addi %mul3A_2, %add3A_128 : i32
      "tpu.region"() ({
        %run_scoped3A = tpu.sem_alloc : memref<!tpu.dma_semaphore, #tpu.memory_space<semaphore_mem>>
        %dma_start3A_134 = arith.constant 0 : i32
        %dma_start3A_135 = tpu.memref_slice %arg15[%add3A_129, %dma_start3A_134] : memref<10000x64xf32, #tpu.memory_space<vmem_shared>> -> memref<128x64xf32, #tpu.memory_space<vmem_shared>>
        %dma_start3A_136 = arith.constant 0 : i32
        %dma_start3A_137 = tpu.memref_slice %arg15[%add3A_129, %dma_start3A_136] : memref<10000x64xf32, #tpu.memory_space<vmem_shared>> -> memref<128x64xf32, #tpu.memory_space<vmem_shared>>
        tpu.enqueue_dma source(%arg11 : memref<128x64xf32, #tpu.memory_space<vmem>>) target(%dma_start3A_137 : memref<128x64xf32, #tpu.memory_space<vmem_shared>>) target_semaphore(%run_scoped3A : memref<!tpu.dma_semaphore, #tpu.memory_space<semaphore_mem>>)
        %dma_wait3A_138 = arith.constant 0 : i32
        %dma_wait3A_139 = tpu.memref_slice %arg15[%add3A_129, %dma_wait3A_138] : memref<10000x64xf32, #tpu.memory_space<vmem_shared>> -> memref<128x64xf32, #tpu.memory_space<vmem_shared>>
        %dma_wait3A_140 = arith.constant 0 : i32
        %dma_wait3A_141 = tpu.memref_slice %arg15[%add3A_129, %dma_wait3A_140] : memref<10000x64xf32, #tpu.memory_space<vmem_shared>> -> memref<128x64xf32, #tpu.memory_space<vmem_shared>>
        tpu.wait_dma2 semaphore(%run_scoped3A : memref<!tpu.dma_semaphore, #tpu.memory_space<semaphore_mem>>) src(%arg11 : memref<128x64xf32, #tpu.memory_space<vmem>>) dst(%dma_wait3A_141 : memref<128x64xf32, #tpu.memory_space<vmem_shared>>)
        tpu.yield
      }) : () -> ()
      %add3A_130 = arith.constant 384 : i32
      %add3A_131 = arith.addi %mul3A_2, %add3A_130 : i32
      "tpu.region"() ({
        %run_scoped3A = tpu.sem_alloc : memref<!tpu.dma_semaphore, #tpu.memory_space<semaphore_mem>>
        %dma_start3A_134 = arith.constant 0 : i32
        %dma_start3A_135 = tpu.memref_slice %arg15[%add3A_131, %dma_start3A_134] : memref<10000x64xf32, #tpu.memory_space<vmem_shared>> -> memref<128x64xf32, #tpu.memory_space<vmem_shared>>
        %dma_start3A_136 = arith.constant 0 : i32
        %dma_start3A_137 = tpu.memref_slice %arg15[%add3A_131, %dma_start3A_136] : memref<10000x64xf32, #tpu.memory_space<vmem_shared>> -> memref<128x64xf32, #tpu.memory_space<vmem_shared>>
        tpu.enqueue_dma source(%arg11 : memref<128x64xf32, #tpu.memory_space<vmem>>) target(%dma_start3A_137 : memref<128x64xf32, #tpu.memory_space<vmem_shared>>) target_semaphore(%run_scoped3A : memref<!tpu.dma_semaphore, #tpu.memory_space<semaphore_mem>>)
        %dma_wait3A_138 = arith.constant 0 : i32
        %dma_wait3A_139 = tpu.memref_slice %arg15[%add3A_131, %dma_wait3A_138] : memref<10000x64xf32, #tpu.memory_space<vmem_shared>> -> memref<128x64xf32, #tpu.memory_space<vmem_shared>>
        %dma_wait3A_140 = arith.constant 0 : i32
        %dma_wait3A_141 = tpu.memref_slice %arg15[%add3A_131, %dma_wait3A_140] : memref<10000x64xf32, #tpu.memory_space<vmem_shared>> -> memref<128x64xf32, #tpu.memory_space<vmem_shared>>
        tpu.wait_dma2 semaphore(%run_scoped3A : memref<!tpu.dma_semaphore, #tpu.memory_space<semaphore_mem>>) src(%arg11 : memref<128x64xf32, #tpu.memory_space<vmem>>) dst(%dma_wait3A_141 : memref<128x64xf32, #tpu.memory_space<vmem_shared>>)
        tpu.yield
      }) : () -> ()
      %add3A_132 = arith.constant 512 : i32
      %add3A_133 = arith.addi %mul3A_2, %add3A_132 : i32
      "tpu.region"() ({
        %run_scoped3A = tpu.sem_alloc : memref<!tpu.dma_semaphore, #tpu.memory_space<semaphore_mem>>
        %dma_start3A_134 = arith.constant 0 : i32
        %dma_start3A_135 = arith.constant 0 : i32
        %dma_start3A_136 = tpu.memref_slice %arg11[%dma_start3A_134, %dma_start3A_135] : memref<128x64xf32, #tpu.memory_space<vmem>> -> memref<8x64xf32, #tpu.memory_space<vmem>>
        %dma_start3A_137 = arith.constant 0 : i32
        %dma_start3A_138 = tpu.memref_slice %arg15[%add3A_133, %dma_start3A_137] : memref<10000x64xf32, #tpu.memory_space<vmem_shared>> -> memref<8x64xf32, #tpu.memory_space<vmem_shared>>
        %dma_start3A_139 = arith.constant 0 : i32
        %dma_start3A_140 = tpu.memref_slice %arg15[%add3A_133, %dma_start3A_139] : memref<10000x64xf32, #tpu.memory_space<vmem_shared>> -> memref<8x64xf32, #tpu.memory_space<vmem_shared>>
        %dma_start3A_141 = arith.constant 0 : i32
        %dma_start3A_142 = arith.constant 0 : i32
        %dma_start3A_143 = tpu.memref_slice %arg11[%dma_start3A_141, %dma_start3A_142] : memref<128x64xf32, #tpu.memory_space<vmem>> -> memref<8x64xf32, #tpu.memory_space<vmem>>
        tpu.enqueue_dma source(%dma_start3A_143 : memref<8x64xf32, #tpu.memory_space<vmem>>) target(%dma_start3A_140 : memref<8x64xf32, #tpu.memory_space<vmem_shared>>) target_semaphore(%run_scoped3A : memref<!tpu.dma_semaphore, #tpu.memory_space<semaphore_mem>>)
        %dma_wait3A_144 = arith.constant 0 : i32
        %dma_wait3A_145 = arith.constant 0 : i32
        %dma_wait3A_146 = tpu.memref_slice %arg11[%dma_wait3A_144, %dma_wait3A_145] : memref<128x64xf32, #tpu.memory_space<vmem>> -> memref<8x64xf32, #tpu.memory_space<vmem>>
        %dma_wait3A_147 = arith.constant 0 : i32
        %dma_wait3A_148 = tpu.memref_slice %arg15[%add3A_133, %dma_wait3A_147] : memref<10000x64xf32, #tpu.memory_space<vmem_shared>> -> memref<8x64xf32, #tpu.memory_space<vmem_shared>>
        %dma_wait3A_149 = arith.constant 0 : i32
        %dma_wait3A_150 = tpu.memref_slice %arg15[%add3A_133, %dma_wait3A_149] : memref<10000x64xf32, #tpu.memory_space<vmem_shared>> -> memref<8x64xf32, #tpu.memory_space<vmem_shared>>
        %dma_wait3A_151 = arith.constant 0 : i32
        %dma_wait3A_152 = arith.constant 0 : i32
        %dma_wait3A_153 = tpu.memref_slice %arg11[%dma_wait3A_151, %dma_wait3A_152] : memref<128x64xf32, #tpu.memory_space<vmem>> -> memref<8x64xf32, #tpu.memory_space<vmem>>
        tpu.wait_dma2 semaphore(%run_scoped3A : memref<!tpu.dma_semaphore, #tpu.memory_space<semaphore_mem>>) src(%dma_wait3A_153 : memref<8x64xf32, #tpu.memory_space<vmem>>) dst(%dma_wait3A_150 : memref<8x64xf32, #tpu.memory_space<vmem_shared>>)
        tpu.yield
      }) : () -> ()
    } else {
    }
    %barrier3A_77 = arith.constant 0 : index
    tpu.barrier barrier_id(%barrier3A_77)
    %dma_start3A_78 = arith.constant 0 : i32
    %dma_start3A_79 = arith.constant 0 : i32
    %dma_start3A_80 = tpu.memref_slice %arg8[%dma_start3A_78, %dma_start3A_79] : memref<80x128xi32, #tpu.memory_space<vmem>> -> memref<1x128xi32, #tpu.memory_space<vmem>>
    %dma_start3A_81 = tpu.memref_squeeze %dma_start3A_80 : memref<1x128xi32, #tpu.memory_space<vmem>> -> memref<128xi32, #tpu.memory_space<vmem>>
    %dma_start3A_82 = arith.constant 0 : i32
    %dma_start3A_83 = arith.constant 0 : i32
    %dma_start3A_84 = tpu.memref_slice %arg6[%dma_start3A_82, %dma_start3A_83] : memref<10000x64xf32, #tpu.memory_space<hbm>> -> memref<10000x64xf32, #tpu.memory_space<hbm>>
    tpu.enqueue_indirect_dma source(%dma_start3A_84 : memref<10000x64xf32, #tpu.memory_space<hbm>>) target(%arg11 : memref<128x64xf32, #tpu.memory_space<vmem>>) offsets(%dma_start3A_81 : memref<128xi32, #tpu.memory_space<vmem>>) semaphore(%arg16 : memref<!tpu.dma_semaphore, #tpu.memory_space<semaphore_mem>>)
    %dma_start3A_85 = arith.constant 1 : i32
    %dma_start3A_86 = arith.constant 0 : i32
    %dma_start3A_87 = tpu.memref_slice %arg8[%dma_start3A_85, %dma_start3A_86] : memref<80x128xi32, #tpu.memory_space<vmem>> -> memref<1x128xi32, #tpu.memory_space<vmem>>
    %dma_start3A_88 = tpu.memref_squeeze %dma_start3A_87 : memref<1x128xi32, #tpu.memory_space<vmem>> -> memref<128xi32, #tpu.memory_space<vmem>>
    %dma_start3A_89 = arith.constant 0 : i32
    %dma_start3A_90 = arith.constant 0 : i32
    %dma_start3A_91 = tpu.memref_slice %arg6[%dma_start3A_89, %dma_start3A_90] : memref<10000x64xf32, #tpu.memory_space<hbm>> -> memref<10000x64xf32, #tpu.memory_space<hbm>>
    tpu.enqueue_indirect_dma source(%dma_start3A_91 : memref<10000x64xf32, #tpu.memory_space<hbm>>) target(%arg12 : memref<128x64xf32, #tpu.memory_space<vmem>>) offsets(%dma_start3A_88 : memref<128xi32, #tpu.memory_space<vmem>>) semaphore(%arg17 : memref<!tpu.dma_semaphore, #tpu.memory_space<semaphore_mem>>)
    %scan3A_92 = arith.constant 0 : i32
    %scan3A_93 = arith.constant 0 : i32
    %scan3A_94 = arith.constant 40 : i32
    %scan3A_95 = arith.addi %scan3A_93, %scan3A_94 : i32
    %scan3A_96 = arith.constant 1 : i32
    %scan3A_97 = scf.for %scan3A_124 = %scan3A_93 to %scan3A_95 step %scan3A_96 iter_args(%scan3A_125 = %scan3A_92) -> (i32)  : i32 {
      %mul3A_126 = arith.constant 2 : i32
      %mul3A_127 = arith.muli %mul3A_126, %scan3A_124 : i32
      %add3A_128 = arith.constant 0 : i32
      %add3A_129 = arith.addi %mul3A_127, %add3A_128 : i32
      %dma_wait3A_130 = arith.constant 0 : i32
      %dma_wait3A_131 = tpu.memref_slice %arg8[%add3A_129, %dma_wait3A_130] : memref<80x128xi32, #tpu.memory_space<vmem>> -> memref<1x128xi32, #tpu.memory_space<vmem>>
      %dma_wait3A_132 = tpu.memref_squeeze %dma_wait3A_131 : memref<1x128xi32, #tpu.memory_space<vmem>> -> memref<128xi32, #tpu.memory_space<vmem>>
      %dma_wait3A_133 = arith.constant 0 : i32
      %dma_wait3A_134 = arith.constant 0 : i32
      %dma_wait3A_135 = tpu.memref_slice %arg6[%dma_wait3A_133, %dma_wait3A_134] : memref<10000x64xf32, #tpu.memory_space<hbm>> -> memref<10000x64xf32, #tpu.memory_space<hbm>>
      tpu.wait_indirect_dma semaphore(%arg16 : memref<!tpu.dma_semaphore, #tpu.memory_space<semaphore_mem>>) src(%dma_wait3A_135 : memref<10000x64xf32, #tpu.memory_space<hbm>>) dst(%arg11 : memref<128x64xf32, #tpu.memory_space<vmem>>)
      %ge3A = arith.constant 2 : i32
      %ge3A_136 = arith.cmpi sge, %add3A_129, %ge3A : i32
      %convert_element_type3A_137 = arith.extui %ge3A_136 : i1 to i32
      %cond3A_138 = arith.constant 0 : i32
      %cond3A_139 = arith.cmpi ne, %convert_element_type3A_137, %cond3A_138 : i32
      scf.if %cond3A_139 {
        %dma_wait3A_196 = arith.constant 0 : i32
        %dma_wait3A_197 = tpu.memref_slice %arg9[%add3A_129, %dma_wait3A_196] : memref<80x128xi32, #tpu.memory_space<vmem>> -> memref<1x128xi32, #tpu.memory_space<vmem>>
        %dma_wait3A_198 = tpu.memref_squeeze %dma_wait3A_197 : memref<1x128xi32, #tpu.memory_space<vmem>> -> memref<128xi32, #tpu.memory_space<vmem>>
        %dma_wait3A_199 = arith.constant 0 : i32
        %dma_wait3A_200 = arith.constant 0 : i32
        %dma_wait3A_201 = tpu.memref_slice %arg15[%dma_wait3A_199, %dma_wait3A_200] : memref<10000x64xf32, #tpu.memory_space<vmem_shared>> -> memref<10000x64xf32, #tpu.memory_space<vmem_shared>>
        tpu.wait_indirect_dma semaphore(%arg18 : memref<!tpu.dma_semaphore, #tpu.memory_space<semaphore_mem>>) src(%arg13 : memref<128x64xf32, #tpu.memory_space<vmem>>) dst(%dma_wait3A_201 : memref<10000x64xf32, #tpu.memory_space<vmem_shared>>)
      } else {
      }
      %scan3A_140 = arith.constant 0 : i32
      %scan3A_141 = arith.constant 0 : i32
      %scan3A_142 = arith.constant 8 : i32
      %scan3A_143 = arith.addi %scan3A_141, %scan3A_142 : i32
      %scan3A_144 = arith.constant 1 : i32
      %scan3A_145 = scf.for %scan3A_196 = %scan3A_141 to %scan3A_143 step %scan3A_144 iter_args(%scan3A_197 = %scan3A_140) -> (i32)  : i32 {
        %mul3A_198 = arith.constant 16 : i32
        %mul3A_199 = arith.muli %scan3A_196, %mul3A_198 : i32
        %get3A = arith.index_cast %add3A_129 : i32 to index
        %get3A_200 = arith.index_cast %mul3A_199 : i32 to index
        %get3A_201 = tpu.vector_load %arg10[%get3A, %get3A_200] {strides = array<i32>} : memref<80x128xf32, #tpu.memory_space<vmem>>, vector<1x16xf32>,
        %get3A_202 = vector.shape_cast %get3A_201 : vector<1x16xf32> to vector<16xf32>
        %mul3A_203 = arith.constant 16 : i32
        %mul3A_204 = arith.muli %scan3A_196, %mul3A_203 : i32
        %add3A_205 = arith.constant 0 : i32
        %add3A_206 = arith.addi %mul3A_204, %add3A_205 : i32
        %slice3A = vector.extract_strided_slice %get3A_202 {offsets = [0], sizes = [1], strides = [1]} : vector<16xf32> to vector<1xf32>
        %squeeze3A = vector.extract %slice3A[0] : f32 from vector<1xf32>
        %get3A_207 = arith.index_cast %add3A_206 : i32 to index
        %get3A_208 = arith.constant 0 : index
        %get3A_209 = tpu.vector_load %arg11[%get3A_207, %get3A_208] {strides = array<i32>} : memref<128x64xf32, #tpu.memory_space<vmem>>, vector<1x16xf32>,
        %get3A_210 = vector.shape_cast %get3A_209 : vector<1x16xf32> to vector<16xf32>
        %mul3A_211 = vector.broadcast %squeeze3A : f32 to vector<16xf32>
        %mul3A_212 = arith.mulf %get3A_210, %mul3A_211 : vector<16xf32>
        %swap3A = arith.index_cast %add3A_206 : i32 to index
        %swap3A_213 = arith.constant 0 : index
        %swap3A_214 = tpu.vector_load %arg13[%swap3A, %swap3A_213] {strides = array<i32>} : memref<128x64xf32, #tpu.memory_space<vmem>>, vector<1x16xf32>,
        %swap3A_215 = vector.shape_cast %swap3A_214 : vector<1x16xf32> to vector<16xf32>
        %swap3A_216 = vector.shape_cast %mul3A_212 : vector<16xf32> to vector<1x16xf32>
        tpu.vector_store %arg13[%swap3A, %swap3A_213], %swap3A_216 {strides = array<i32>} : memref<128x64xf32, #tpu.memory_space<vmem>>, vector<1x16xf32>,
        %get3A_217 = arith.index_cast %add3A_206 : i32 to index
        %get3A_218 = arith.constant 16 : index
        %get3A_219 = tpu.vector_load %arg11[%get3A_217, %get3A_218] {strides = array<i32>} : memref<128x64xf32, #tpu.memory_space<vmem>>, vector<1x16xf32>,
        %get3A_220 = vector.shape_cast %get3A_219 : vector<1x16xf32> to vector<16xf32>
        %mul3A_221 = vector.broadcast %squeeze3A : f32 to vector<16xf32>
        %mul3A_222 = arith.mulf %get3A_220, %mul3A_221 : vector<16xf32>
        %swap3A_223 = arith.index_cast %add3A_206 : i32 to index
        %swap3A_224 = arith.constant 16 : index
        %swap3A_225 = tpu.vector_load %arg13[%swap3A_223, %swap3A_224] {strides = array<i32>} : memref<128x64xf32, #tpu.memory_space<vmem>>, vector<1x16xf32>,
        %swap3A_226 = vector.shape_cast %swap3A_225 : vector<1x16xf32> to vector<16xf32>
        %swap3A_227 = vector.shape_cast %mul3A_222 : vector<16xf32> to vector<1x16xf32>
        tpu.vector_store %arg13[%swap3A_223, %swap3A_224], %swap3A_227 {strides = array<i32>} : memref<128x64xf32, #tpu.memory_space<vmem>>, vector<1x16xf32>,
        %get3A_228 = arith.index_cast %add3A_206 : i32 to index
        %get3A_229 = arith.constant 32 : index
        %get3A_230 = tpu.vector_load %arg11[%get3A_228, %get3A_229] {strides = array<i32>} : memref<128x64xf32, #tpu.memory_space<vmem>>, vector<1x16xf32>,
        %get3A_231 = vector.shape_cast %get3A_230 : vector<1x16xf32> to vector<16xf32>
        %mul3A_232 = vector.broadcast %squeeze3A : f32 to vector<16xf32>
        %mul3A_233 = arith.mulf %get3A_231, %mul3A_232 : vector<16xf32>
        %swap3A_234 = arith.index_cast %add3A_206 : i32 to index
        %swap3A_235 = arith.constant 32 : index
        %swap3A_236 = tpu.vector_load %arg13[%swap3A_234, %swap3A_235] {strides = array<i32>} : memref<128x64xf32, #tpu.memory_space<vmem>>, vector<1x16xf32>,
        %swap3A_237 = vector.shape_cast %swap3A_236 : vector<1x16xf32> to vector<16xf32>
        %swap3A_238 = vector.shape_cast %mul3A_233 : vector<16xf32> to vector<1x16xf32>
        tpu.vector_store %arg13[%swap3A_234, %swap3A_235], %swap3A_238 {strides = array<i32>} : memref<128x64xf32, #tpu.memory_space<vmem>>, vector<1x16xf32>,
        %get3A_239 = arith.index_cast %add3A_206 : i32 to index
        %get3A_240 = arith.constant 48 : index
        %get3A_241 = tpu.vector_load %arg11[%get3A_239, %get3A_240] {strides = array<i32>} : memref<128x64xf32, #tpu.memory_space<vmem>>, vector<1x16xf32>,
        %get3A_242 = vector.shape_cast %get3A_241 : vector<1x16xf32> to vector<16xf32>
        %mul3A_243 = vector.broadcast %squeeze3A : f32 to vector<16xf32>
        %mul3A_244 = arith.mulf %get3A_242, %mul3A_243 : vector<16xf32>
        %swap3A_245 = arith.index_cast %add3A_206 : i32 to index
        %swap3A_246 = arith.constant 48 : index
        %swap3A_247 = tpu.vector_load %arg13[%swap3A_245, %swap3A_246] {strides = array<i32>} : memref<128x64xf32, #tpu.memory_space<vmem>>, vector<1x16xf32>,
        %swap3A_248 = vector.shape_cast %swap3A_247 : vector<1x16xf32> to vector<16xf32>
        %swap3A_249 = vector.shape_cast %mul3A_244 : vector<16xf32> to vector<1x16xf32>
        tpu.vector_store %arg13[%swap3A_245, %swap3A_246], %swap3A_249 {strides = array<i32>} : memref<128x64xf32, #tpu.memory_space<vmem>>, vector<1x16xf32>,
        %mul3A_250 = arith.constant 16 : i32
        %mul3A_251 = arith.muli %scan3A_196, %mul3A_250 : i32
        %add3A_252 = arith.constant 1 : i32
        %add3A_253 = arith.addi %mul3A_251, %add3A_252 : i32
        %slice3A_254 = vector.extract_strided_slice %get3A_202 {offsets = [1], sizes = [1], strides = [1]} : vector<16xf32> to vector<1xf32>
        %squeeze3A_255 = vector.extract %slice3A_254[0] : f32 from vector<1xf32>
        %get3A_256 = arith.index_cast %add3A_253 : i32 to index
        %get3A_257 = arith.constant 0 : index
        %get3A_258 = tpu.vector_load %arg11[%get3A_256, %get3A_257] {strides = array<i32>} : memref<128x64xf32, #tpu.memory_space<vmem>>, vector<1x16xf32>,
        %get3A_259 = vector.shape_cast %get3A_258 : vector<1x16xf32> to vector<16xf32>
        %mul3A_260 = vector.broadcast %squeeze3A_255 : f32 to vector<16xf32>
        %mul3A_261 = arith.mulf %get3A_259, %mul3A_260 : vector<16xf32>
        %swap3A_262 = arith.index_cast %add3A_253 : i32 to index
        %swap3A_263 = arith.constant 0 : index
        %swap3A_264 = tpu.vector_load %arg13[%swap3A_262, %swap3A_263] {strides = array<i32>} : memref<128x64xf32, #tpu.memory_space<vmem>>, vector<1x16xf32>,
        %swap3A_265 = vector.shape_cast %swap3A_264 : vector<1x16xf32> to vector<16xf32>
        %swap3A_266 = vector.shape_cast %mul3A_261 : vector<16xf32> to vector<1x16xf32>
        tpu.vector_store %arg13[%swap3A_262, %swap3A_263], %swap3A_266 {strides = array<i32>} : memref<128x64xf32, #tpu.memory_space<vmem>>, vector<1x16xf32>,
        %get3A_267 = arith.index_cast %add3A_253 : i32 to index
        %get3A_268 = arith.constant 16 : index
        %get3A_269 = tpu.vector_load %arg11[%get3A_267, %get3A_268] {strides = array<i32>} : memref<128x64xf32, #tpu.memory_space<vmem>>, vector<1x16xf32>,
        %get3A_270 = vector.shape_cast %get3A_269 : vector<1x16xf32> to vector<16xf32>
        %mul3A_271 = vector.broadcast %squeeze3A_255 : f32 to vector<16xf32>
        %mul3A_272 = arith.mulf %get3A_270, %mul3A_271 : vector<16xf32>
        %swap3A_273 = arith.index_cast %add3A_253 : i32 to index
        %swap3A_274 = arith.constant 16 : index
        %swap3A_275 = tpu.vector_load %arg13[%swap3A_273, %swap3A_274] {strides = array<i32>} : memref<128x64xf32, #tpu.memory_space<vmem>>, vector<1x16xf32>,
        %swap3A_276 = vector.shape_cast %swap3A_275 : vector<1x16xf32> to vector<16xf32>
        %swap3A_277 = vector.shape_cast %mul3A_272 : vector<16xf32> to vector<1x16xf32>
        tpu.vector_store %arg13[%swap3A_273, %swap3A_274], %swap3A_277 {strides = array<i32>} : memref<128x64xf32, #tpu.memory_space<vmem>>, vector<1x16xf32>,
        %get3A_278 = arith.index_cast %add3A_253 : i32 to index
        %get3A_279 = arith.constant 32 : index
        %get3A_280 = tpu.vector_load %arg11[%get3A_278, %get3A_279] {strides = array<i32>} : memref<128x64xf32, #tpu.memory_space<vmem>>, vector<1x16xf32>,
        %get3A_281 = vector.shape_cast %get3A_280 : vector<1x16xf32> to vector<16xf32>
        %mul3A_282 = vector.broadcast %squeeze3A_255 : f32 to vector<16xf32>
        %mul3A_283 = arith.mulf %get3A_281, %mul3A_282 : vector<16xf32>
        %swap3A_284 = arith.index_cast %add3A_253 : i32 to index
        %swap3A_285 = arith.constant 32 : index
        %swap3A_286 = tpu.vector_load %arg13[%swap3A_284, %swap3A_285] {strides = array<i32>} : memref<128x64xf32, #tpu.memory_space<vmem>>, vector<1x16xf32>,
        %swap3A_287 = vector.shape_cast %swap3A_286 : vector<1x16xf32> to vector<16xf32>
        %swap3A_288 = vector.shape_cast %mul3A_283 : vector<16xf32> to vector<1x16xf32>
        tpu.vector_store %arg13[%swap3A_284, %swap3A_285], %swap3A_288 {strides = array<i32>} : memref<128x64xf32, #tpu.memory_space<vmem>>, vector<1x16xf32>,
        %get3A_289 = arith.index_cast %add3A_253 : i32 to index
        %get3A_290 = arith.constant 48 : index
        %get3A_291 = tpu.vector_load %arg11[%get3A_289, %get3A_290] {strides = array<i32>} : memref<128x64xf32, #tpu.memory_space<vmem>>, vector<1x16xf32>,
        %get3A_292 = vector.shape_cast %get3A_291 : vector<1x16xf32> to vector<16xf32>
        %mul3A_293 = vector.broadcast %squeeze3A_255 : f32 to vector<16xf32>
        %mul3A_294 = arith.mulf %get3A_292, %mul3A_293 : vector<16xf32>
        %swap3A_295 = arith.index_cast %add3A_253 : i32 to index
        %swap3A_296 = arith.constant 48 : index
        %swap3A_297 = tpu.vector_load %arg13[%swap3A_295, %swap3A_296] {strides = array<i32>} : memref<128x64xf32, #tpu.memory_space<vmem>>, vector<1x16xf32>,
        %swap3A_298 = vector.shape_cast %swap3A_297 : vector<1x16xf32> to vector<16xf32>
        %swap3A_299 = vector.shape_cast %mul3A_294 : vector<16xf32> to vector<1x16xf32>
        tpu.vector_store %arg13[%swap3A_295, %swap3A_296], %swap3A_299 {strides = array<i32>} : memref<128x64xf32, #tpu.memory_space<vmem>>, vector<1x16xf32>,
        %mul3A_300 = arith.constant 16 : i32
        %mul3A_301 = arith.muli %scan3A_196, %mul3A_300 : i32
        %add3A_302 = arith.constant 2 : i32
        %add3A_303 = arith.addi %mul3A_301, %add3A_302 : i32
        %slice3A_304 = vector.extract_strided_slice %get3A_202 {offsets = [2], sizes = [1], strides = [1]} : vector<16xf32> to vector<1xf32>
        %squeeze3A_305 = vector.extract %slice3A_304[0] : f32 from vector<1xf32>
        %get3A_306 = arith.index_cast %add3A_303 : i32 to index
        %get3A_307 = arith.constant 0 : index
        %get3A_308 = tpu.vector_load %arg11[%get3A_306, %get3A_307] {strides = array<i32>} : memref<128x64xf32, #tpu.memory_space<vmem>>, vector<1x16xf32>,
        %get3A_309 = vector.shape_cast %get3A_308 : vector<1x16xf32> to vector<16xf32>
        %mul3A_310 = vector.broadcast %squeeze3A_305 : f32 to vector<16xf32>
        %mul3A_311 = arith.mulf %get3A_309, %mul3A_310 : vector<16xf32>
        %swap3A_312 = arith.index_cast %add3A_303 : i32 to index
        %swap3A_313 = arith.constant 0 : index
        %swap3A_314 = tpu.vector_load %arg13[%swap3A_312, %swap3A_313] {strides = array<i32>} : memref<128x64xf32, #tpu.memory_space<vmem>>, vector<1x16xf32>,
        %swap3A_315 = vector.shape_cast %swap3A_314 : vector<1x16xf32> to vector<16xf32>
        %swap3A_316 = vector.shape_cast %mul3A_311 : vector<16xf32> to vector<1x16xf32>
        tpu.vector_store %arg13[%swap3A_312, %swap3A_313], %swap3A_316 {strides = array<i32>} : memref<128x64xf32, #tpu.memory_space<vmem>>, vector<1x16xf32>,
        %get3A_317 = arith.index_cast %add3A_303 : i32 to index
        %get3A_318 = arith.constant 16 : index
        %get3A_319 = tpu.vector_load %arg11[%get3A_317, %get3A_318] {strides = array<i32>} : memref<128x64xf32, #tpu.memory_space<vmem>>, vector<1x16xf32>,
        %get3A_320 = vector.shape_cast %get3A_319 : vector<1x16xf32> to vector<16xf32>
        %mul3A_321 = vector.broadcast %squeeze3A_305 : f32 to vector<16xf32>
        %mul3A_322 = arith.mulf %get3A_320, %mul3A_321 : vector<16xf32>
        %swap3A_323 = arith.index_cast %add3A_303 : i32 to index
        %swap3A_324 = arith.constant 16 : index
        %swap3A_325 = tpu.vector_load %arg13[%swap3A_323, %swap3A_324] {strides = array<i32>} : memref<128x64xf32, #tpu.memory_space<vmem>>, vector<1x16xf32>,
        %swap3A_326 = vector.shape_cast %swap3A_325 : vector<1x16xf32> to vector<16xf32>
        %swap3A_327 = vector.shape_cast %mul3A_322 : vector<16xf32> to vector<1x16xf32>
        tpu.vector_store %arg13[%swap3A_323, %swap3A_324], %swap3A_327 {strides = array<i32>} : memref<128x64xf32, #tpu.memory_space<vmem>>, vector<1x16xf32>,
        %get3A_328 = arith.index_cast %add3A_303 : i32 to index
        %get3A_329 = arith.constant 32 : index
        %get3A_330 = tpu.vector_load %arg11[%get3A_328, %get3A_329] {strides = array<i32>} : memref<128x64xf32, #tpu.memory_space<vmem>>, vector<1x16xf32>,
        %get3A_331 = vector.shape_cast %get3A_330 : vector<1x16xf32> to vector<16xf32>
        %mul3A_332 = vector.broadcast %squeeze3A_305 : f32 to vector<16xf32>
        %mul3A_333 = arith.mulf %get3A_331, %mul3A_332 : vector<16xf32>
        %swap3A_334 = arith.index_cast %add3A_303 : i32 to index
        %swap3A_335 = arith.constant 32 : index
        %swap3A_336 = tpu.vector_load %arg13[%swap3A_334, %swap3A_335] {strides = array<i32>} : memref<128x64xf32, #tpu.memory_space<vmem>>, vector<1x16xf32>,
        %swap3A_337 = vector.shape_cast %swap3A_336 : vector<1x16xf32> to vector<16xf32>
        %swap3A_338 = vector.shape_cast %mul3A_333 : vector<16xf32> to vector<1x16xf32>
        tpu.vector_store %arg13[%swap3A_334, %swap3A_335], %swap3A_338 {strides = array<i32>} : memref<128x64xf32, #tpu.memory_space<vmem>>, vector<1x16xf32>,
        %get3A_339 = arith.index_cast %add3A_303 : i32 to index
        %get3A_340 = arith.constant 48 : index
        %get3A_341 = tpu.vector_load %arg11[%get3A_339, %get3A_340] {strides = array<i32>} : memref<128x64xf32, #tpu.memory_space<vmem>>, vector<1x16xf32>,
        %get3A_342 = vector.shape_cast %get3A_341 : vector<1x16xf32> to vector<16xf32>
        %mul3A_343 = vector.broadcast %squeeze3A_305 : f32 to vector<16xf32>
        %mul3A_344 = arith.mulf %get3A_342, %mul3A_343 : vector<16xf32>
        %swap3A_345 = arith.index_cast %add3A_303 : i32 to index
        %swap3A_346 = arith.constant 48 : index
        %swap3A_347 = tpu.vector_load %arg13[%swap3A_345, %swap3A_346] {strides = array<i32>} : memref<128x64xf32, #tpu.memory_space<vmem>>, vector<1x16xf32>,
        %swap3A_348 = vector.shape_cast %swap3A_347 : vector<1x16xf32> to vector<16xf32>
        %swap3A_349 = vector.shape_cast %mul3A_344 : vector<16xf32> to vector<1x16xf32>
        tpu.vector_store %arg13[%swap3A_345, %swap3A_346], %swap3A_349 {strides = array<i32>} : memref<128x64xf32, #tpu.memory_space<vmem>>, vector<1x16xf32>,
        %mul3A_350 = arith.constant 16 : i32
        %mul3A_351 = arith.muli %scan3A_196, %mul3A_350 : i32
        %add3A_352 = arith.constant 3 : i32
        %add3A_353 = arith.addi %mul3A_351, %add3A_352 : i32
        %slice3A_354 = vector.extract_strided_slice %get3A_202 {offsets = [3], sizes = [1], strides = [1]} : vector<16xf32> to vector<1xf32>
        %squeeze3A_355 = vector.extract %slice3A_354[0] : f32 from vector<1xf32>
        %get3A_356 = arith.index_cast %add3A_353 : i32 to index
        %get3A_357 = arith.constant 0 : index
        %get3A_358 = tpu.vector_load %arg11[%get3A_356, %get3A_357] {strides = array<i32>} : memref<128x64xf32, #tpu.memory_space<vmem>>, vector<1x16xf32>,
        %get3A_359 = vector.shape_cast %get3A_358 : vector<1x16xf32> to vector<16xf32>
        %mul3A_360 = vector.broadcast %squeeze3A_355 : f32 to vector<16xf32>
        %mul3A_361 = arith.mulf %get3A_359, %mul3A_360 : vector<16xf32>
        %swap3A_362 = arith.index_cast %add3A_353 : i32 to index
        %swap3A_363 = arith.constant 0 : index
        %swap3A_364 = tpu.vector_load %arg13[%swap3A_362, %swap3A_363] {strides = array<i32>} : memref<128x64xf32, #tpu.memory_space<vmem>>, vector<1x16xf32>,
        %swap3A_365 = vector.shape_cast %swap3A_364 : vector<1x16xf32> to vector<16xf32>
        %swap3A_366 = vector.shape_cast %mul3A_361 : vector<16xf32> to vector<1x16xf32>
        tpu.vector_store %arg13[%swap3A_362, %swap3A_363], %swap3A_366 {strides = array<i32>} : memref<128x64xf32, #tpu.memory_space<vmem>>, vector<1x16xf32>,
        %get3A_367 = arith.index_cast %add3A_353 : i32 to index
        %get3A_368 = arith.constant 16 : index
        %get3A_369 = tpu.vector_load %arg11[%get3A_367, %get3A_368] {strides = array<i32>} : memref<128x64xf32, #tpu.memory_space<vmem>>, vector<1x16xf32>,
        %get3A_370 = vector.shape_cast %get3A_369 : vector<1x16xf32> to vector<16xf32>
        %mul3A_371 = vector.broadcast %squeeze3A_355 : f32 to vector<16xf32>
        %mul3A_372 = arith.mulf %get3A_370, %mul3A_371 : vector<16xf32>
        %swap3A_373 = arith.index_cast %add3A_353 : i32 to index
        %swap3A_374 = arith.constant 16 : index
        %swap3A_375 = tpu.vector_load %arg13[%swap3A_373, %swap3A_374] {strides = array<i32>} : memref<128x64xf32, #tpu.memory_space<vmem>>, vector<1x16xf32>,
        %swap3A_376 = vector.shape_cast %swap3A_375 : vector<1x16xf32> to vector<16xf32>
        %swap3A_377 = vector.shape_cast %mul3A_372 : vector<16xf32> to vector<1x16xf32>
        tpu.vector_store %arg13[%swap3A_373, %swap3A_374], %swap3A_377 {strides = array<i32>} : memref<128x64xf32, #tpu.memory_space<vmem>>, vector<1x16xf32>,
        %get3A_378 = arith.index_cast %add3A_353 : i32 to index
        %get3A_379 = arith.constant 32 : index
        %get3A_380 = tpu.vector_load %arg11[%get3A_378, %get3A_379] {strides = array<i32>} : memref<128x64xf32, #tpu.memory_space<vmem>>, vector<1x16xf32>,
        %get3A_381 = vector.shape_cast %get3A_380 : vector<1x16xf32> to vector<16xf32>
        %mul3A_382 = vector.broadcast %squeeze3A_355 : f32 to vector<16xf32>
        %mul3A_383 = arith.mulf %get3A_381, %mul3A_382 : vector<16xf32>
        %swap3A_384 = arith.index_cast %add3A_353 : i32 to index
        %swap3A_385 = arith.constant 32 : index
        %swap3A_386 = tpu.vector_load %arg13[%swap3A_384, %swap3A_385] {strides = array<i32>} : memref<128x64xf32, #tpu.memory_space<vmem>>, vector<1x16xf32>,
        %swap3A_387 = vector.shape_cast %swap3A_386 : vector<1x16xf32> to vector<16xf32>
        %swap3A_388 = vector.shape_cast %mul3A_383 : vector<16xf32> to vector<1x16xf32>
        tpu.vector_store %arg13[%swap3A_384, %swap3A_385], %swap3A_388 {strides = array<i32>} : memref<128x64xf32, #tpu.memory_space<vmem>>, vector<1x16xf32>,
        %get3A_389 = arith.index_cast %add3A_353 : i32 to index
        %get3A_390 = arith.constant 48 : index
        %get3A_391 = tpu.vector_load %arg11[%get3A_389, %get3A_390] {strides = array<i32>} : memref<128x64xf32, #tpu.memory_space<vmem>>, vector<1x16xf32>,
        %get3A_392 = vector.shape_cast %get3A_391 : vector<1x16xf32> to vector<16xf32>
        %mul3A_393 = vector.broadcast %squeeze3A_355 : f32 to vector<16xf32>
        %mul3A_394 = arith.mulf %get3A_392, %mul3A_393 : vector<16xf32>
        %swap3A_395 = arith.index_cast %add3A_353 : i32 to index
        %swap3A_396 = arith.constant 48 : index
        %swap3A_397 = tpu.vector_load %arg13[%swap3A_395, %swap3A_396] {strides = array<i32>} : memref<128x64xf32, #tpu.memory_space<vmem>>, vector<1x16xf32>,
        %swap3A_398 = vector.shape_cast %swap3A_397 : vector<1x16xf32> to vector<16xf32>
        %swap3A_399 = vector.shape_cast %mul3A_394 : vector<16xf32> to vector<1x16xf32>
        tpu.vector_store %arg13[%swap3A_395, %swap3A_396], %swap3A_399 {strides = array<i32>} : memref<128x64xf32, #tpu.memory_space<vmem>>, vector<1x16xf32>,
        %mul3A_400 = arith.constant 16 : i32
        %mul3A_401 = arith.muli %scan3A_196, %mul3A_400 : i32
        %add3A_402 = arith.constant 4 : i32
        %add3A_403 = arith.addi %mul3A_401, %add3A_402 : i32
        %slice3A_404 = vector.extract_strided_slice %get3A_202 {offsets = [4], sizes = [1], strides = [1]} : vector<16xf32> to vector<1xf32>
        %squeeze3A_405 = vector.extract %slice3A_404[0] : f32 from vector<1xf32>
        %get3A_406 = arith.index_cast %add3A_403 : i32 to index
        %get3A_407 = arith.constant 0 : index
        %get3A_408 = tpu.vector_load %arg11[%get3A_406, %get3A_407] {strides = array<i32>} : memref<128x64xf32, #tpu.memory_space<vmem>>, vector<1x16xf32>,
        %get3A_409 = vector.shape_cast %get3A_408 : vector<1x16xf32> to vector<16xf32>
        %mul3A_410 = vector.broadcast %squeeze3A_405 : f32 to vector<16xf32>
        %mul3A_411 = arith.mulf %get3A_409, %mul3A_410 : vector<16xf32>
        %swap3A_412 = arith.index_cast %add3A_403 : i32 to index
        %swap3A_413 = arith.constant 0 : index
        %swap3A_414 = tpu.vector_load %arg13[%swap3A_412, %swap3A_413] {strides = array<i32>} : memref<128x64xf32, #tpu.memory_space<vmem>>, vector<1x16xf32>,
        %swap3A_415 = vector.shape_cast %swap3A_414 : vector<1x16xf32> to vector<16xf32>
        %swap3A_416 = vector.shape_cast %mul3A_411 : vector<16xf32> to vector<1x16xf32>
        tpu.vector_store %arg13[%swap3A_412, %swap3A_413], %swap3A_416 {strides = array<i32>} : memref<128x64xf32, #tpu.memory_space<vmem>>, vector<1x16xf32>,
        %get3A_417 = arith.index_cast %add3A_403 : i32 to index
        %get3A_418 = arith.constant 16 : index
        %get3A_419 = tpu.vector_load %arg11[%get3A_417, %get3A_418] {strides = array<i32>} : memref<128x64xf32, #tpu.memory_space<vmem>>, vector<1x16xf32>,
        %get3A_420 = vector.shape_cast %get3A_419 : vector<1x16xf32> to vector<16xf32>
        %mul3A_421 = vector.broadcast %squeeze3A_405 : f32 to vector<16xf32>
        %mul3A_422 = arith.mulf %get3A_420, %mul3A_421 : vector<16xf32>
        %swap3A_423 = arith.index_cast %add3A_403 : i32 to index
        %swap3A_424 = arith.constant 16 : index
        %swap3A_425 = tpu.vector_load %arg13[%swap3A_423, %swap3A_424] {strides = array<i32>} : memref<128x64xf32, #tpu.memory_space<vmem>>, vector<1x16xf32>,
        %swap3A_426 = vector.shape_cast %swap3A_425 : vector<1x16xf32> to vector<16xf32>
        %swap3A_427 = vector.shape_cast %mul3A_422 : vector<16xf32> to vector<1x16xf32>
        tpu.vector_store %arg13[%swap3A_423, %swap3A_424], %swap3A_427 {strides = array<i32>} : memref<128x64xf32, #tpu.memory_space<vmem>>, vector<1x16xf32>,
        %get3A_428 = arith.index_cast %add3A_403 : i32 to index
        %get3A_429 = arith.constant 32 : index
        %get3A_430 = tpu.vector_load %arg11[%get3A_428, %get3A_429] {strides = array<i32>} : memref<128x64xf32, #tpu.memory_space<vmem>>, vector<1x16xf32>,
        %get3A_431 = vector.shape_cast %get3A_430 : vector<1x16xf32> to vector<16xf32>
        %mul3A_432 = vector.broadcast %squeeze3A_405 : f32 to vector<16xf32>
        %mul3A_433 = arith.mulf %get3A_431, %mul3A_432 : vector<16xf32>
        %swap3A_434 = arith.index_cast %add3A_403 : i32 to index
        %swap3A_435 = arith.constant 32 : index
        %swap3A_436 = tpu.vector_load %arg13[%swap3A_434, %swap3A_435] {strides = array<i32>} : memref<128x64xf32, #tpu.memory_space<vmem>>, vector<1x16xf32>,
        %swap3A_437 = vector.shape_cast %swap3A_436 : vector<1x16xf32> to vector<16xf32>
        %swap3A_438 = vector.shape_cast %mul3A_433 : vector<16xf32> to vector<1x16xf32>
        tpu.vector_store %arg13[%swap3A_434, %swap3A_435], %swap3A_438 {strides = array<i32>} : memref<128x64xf32, #tpu.memory_space<vmem>>, vector<1x16xf32>,
        %get3A_439 = arith.index_cast %add3A_403 : i32 to index
        %get3A_440 = arith.constant 48 : index
        %get3A_441 = tpu.vector_load %arg11[%get3A_439, %get3A_440] {strides = array<i32>} : memref<128x64xf32, #tpu.memory_space<vmem>>, vector<1x16xf32>,
        %get3A_442 = vector.shape_cast %get3A_441 : vector<1x16xf32> to vector<16xf32>
        %mul3A_443 = vector.broadcast %squeeze3A_405 : f32 to vector<16xf32>
        %mul3A_444 = arith.mulf %get3A_442, %mul3A_443 : vector<16xf32>
        %swap3A_445 = arith.index_cast %add3A_403 : i32 to index
        %swap3A_446 = arith.constant 48 : index
        %swap3A_447 = tpu.vector_load %arg13[%swap3A_445, %swap3A_446] {strides = array<i32>} : memref<128x64xf32, #tpu.memory_space<vmem>>, vector<1x16xf32>,
        %swap3A_448 = vector.shape_cast %swap3A_447 : vector<1x16xf32> to vector<16xf32>
        %swap3A_449 = vector.shape_cast %mul3A_444 : vector<16xf32> to vector<1x16xf32>
        tpu.vector_store %arg13[%swap3A_445, %swap3A_446], %swap3A_449 {strides = array<i32>} : memref<128x64xf32, #tpu.memory_space<vmem>>, vector<1x16xf32>,
        %mul3A_450 = arith.constant 16 : i32
        %mul3A_451 = arith.muli %scan3A_196, %mul3A_450 : i32
        %add3A_452 = arith.constant 5 : i32
        %add3A_453 = arith.addi %mul3A_451, %add3A_452 : i32
        %slice3A_454 = vector.extract_strided_slice %get3A_202 {offsets = [5], sizes = [1], strides = [1]} : vector<16xf32> to vector<1xf32>
        %squeeze3A_455 = vector.extract %slice3A_454[0] : f32 from vector<1xf32>
        %get3A_456 = arith.index_cast %add3A_453 : i32 to index
        %get3A_457 = arith.constant 0 : index
        %get3A_458 = tpu.vector_load %arg11[%get3A_456, %get3A_457] {strides = array<i32>} : memref<128x64xf32, #tpu.memory_space<vmem>>, vector<1x16xf32>,
        %get3A_459 = vector.shape_cast %get3A_458 : vector<1x16xf32> to vector<16xf32>
        %mul3A_460 = vector.broadcast %squeeze3A_455 : f32 to vector<16xf32>
        %mul3A_461 = arith.mulf %get3A_459, %mul3A_460 : vector<16xf32>
        %swap3A_462 = arith.index_cast %add3A_453 : i32 to index
        %swap3A_463 = arith.constant 0 : index
        %swap3A_464 = tpu.vector_load %arg13[%swap3A_462, %swap3A_463] {strides = array<i32>} : memref<128x64xf32, #tpu.memory_space<vmem>>, vector<1x16xf32>,
        %swap3A_465 = vector.shape_cast %swap3A_464 : vector<1x16xf32> to vector<16xf32>
        %swap3A_466 = vector.shape_cast %mul3A_461 : vector<16xf32> to vector<1x16xf32>
        tpu.vector_store %arg13[%swap3A_462, %swap3A_463], %swap3A_466 {strides = array<i32>} : memref<128x64xf32, #tpu.memory_space<vmem>>, vector<1x16xf32>,
        %get3A_467 = arith.index_cast %add3A_453 : i32 to index
        %get3A_468 = arith.constant 16 : index
        %get3A_469 = tpu.vector_load %arg11[%get3A_467, %get3A_468] {strides = array<i32>} : memref<128x64xf32, #tpu.memory_space<vmem>>, vector<1x16xf32>,
        %get3A_470 = vector.shape_cast %get3A_469 : vector<1x16xf32> to vector<16xf32>
        %mul3A_471 = vector.broadcast %squeeze3A_455 : f32 to vector<16xf32>
        %mul3A_472 = arith.mulf %get3A_470, %mul3A_471 : vector<16xf32>
        %swap3A_473 = arith.index_cast %add3A_453 : i32 to index
        %swap3A_474 = arith.constant 16 : index
        %swap3A_475 = tpu.vector_load %arg13[%swap3A_473, %swap3A_474] {strides = array<i32>} : memref<128x64xf32, #tpu.memory_space<vmem>>, vector<1x16xf32>,
        %swap3A_476 = vector.shape_cast %swap3A_475 : vector<1x16xf32> to vector<16xf32>
        %swap3A_477 = vector.shape_cast %mul3A_472 : vector<16xf32> to vector<1x16xf32>
        tpu.vector_store %arg13[%swap3A_473, %swap3A_474], %swap3A_477 {strides = array<i32>} : memref<128x64xf32, #tpu.memory_space<vmem>>, vector<1x16xf32>,
        %get3A_478 = arith.index_cast %add3A_453 : i32 to index
        %get3A_479 = arith.constant 32 : index
        %get3A_480 = tpu.vector_load %arg11[%get3A_478, %get3A_479] {strides = array<i32>} : memref<128x64xf32, #tpu.memory_space<vmem>>, vector<1x16xf32>,
        %get3A_481 = vector.shape_cast %get3A_480 : vector<1x16xf32> to vector<16xf32>
        %mul3A_482 = vector.broadcast %squeeze3A_455 : f32 to vector<16xf32>
        %mul3A_483 = arith.mulf %get3A_481, %mul3A_482 : vector<16xf32>
        %swap3A_484 = arith.index_cast %add3A_453 : i32 to index
        %swap3A_485 = arith.constant 32 : index
        %swap3A_486 = tpu.vector_load %arg13[%swap3A_484, %swap3A_485] {strides = array<i32>} : memref<128x64xf32, #tpu.memory_space<vmem>>, vector<1x16xf32>,
        %swap3A_487 = vector.shape_cast %swap3A_486 : vector<1x16xf32> to vector<16xf32>
        %swap3A_488 = vector.shape_cast %mul3A_483 : vector<16xf32> to vector<1x16xf32>
        tpu.vector_store %arg13[%swap3A_484, %swap3A_485], %swap3A_488 {strides = array<i32>} : memref<128x64xf32, #tpu.memory_space<vmem>>, vector<1x16xf32>,
        %get3A_489 = arith.index_cast %add3A_453 : i32 to index
        %get3A_490 = arith.constant 48 : index
        %get3A_491 = tpu.vector_load %arg11[%get3A_489, %get3A_490] {strides = array<i32>} : memref<128x64xf32, #tpu.memory_space<vmem>>, vector<1x16xf32>,
        %get3A_492 = vector.shape_cast %get3A_491 : vector<1x16xf32> to vector<16xf32>
        %mul3A_493 = vector.broadcast %squeeze3A_455 : f32 to vector<16xf32>
        %mul3A_494 = arith.mulf %get3A_492, %mul3A_493 : vector<16xf32>
        %swap3A_495 = arith.index_cast %add3A_453 : i32 to index
        %swap3A_496 = arith.constant 48 : index
        %swap3A_497 = tpu.vector_load %arg13[%swap3A_495, %swap3A_496] {strides = array<i32>} : memref<128x64xf32, #tpu.memory_space<vmem>>, vector<1x16xf32>,
        %swap3A_498 = vector.shape_cast %swap3A_497 : vector<1x16xf32> to vector<16xf32>
        %swap3A_499 = vector.shape_cast %mul3A_494 : vector<16xf32> to vector<1x16xf32>
        tpu.vector_store %arg13[%swap3A_495, %swap3A_496], %swap3A_499 {strides = array<i32>} : memref<128x64xf32, #tpu.memory_space<vmem>>, vector<1x16xf32>,
        %mul3A_500 = arith.constant 16 : i32
        %mul3A_501 = arith.muli %scan3A_196, %mul3A_500 : i32
        %add3A_502 = arith.constant 6 : i32
        %add3A_503 = arith.addi %mul3A_501, %add3A_502 : i32
        %slice3A_504 = vector.extract_strided_slice %get3A_202 {offsets = [6], sizes = [1], strides = [1]} : vector<16xf32> to vector<1xf32>
        %squeeze3A_505 = vector.extract %slice3A_504[0] : f32 from vector<1xf32>
        %get3A_506 = arith.index_cast %add3A_503 : i32 to index
        %get3A_507 = arith.constant 0 : index
        %get3A_508 = tpu.vector_load %arg11[%get3A_506, %get3A_507] {strides = array<i32>} : memref<128x64xf32, #tpu.memory_space<vmem>>, vector<1x16xf32>,
        %get3A_509 = vector.shape_cast %get3A_508 : vector<1x16xf32> to vector<16xf32>
        %mul3A_510 = vector.broadcast %squeeze3A_505 : f32 to vector<16xf32>
        %mul3A_511 = arith.mulf %get3A_509, %mul3A_510 : vector<16xf32>
        %swap3A_512 = arith.index_cast %add3A_503 : i32 to index
        %swap3A_513 = arith.constant 0 : index
        %swap3A_514 = tpu.vector_load %arg13[%swap3A_512, %swap3A_513] {strides = array<i32>} : memref<128x64xf32, #tpu.memory_space<vmem>>, vector<1x16xf32>,
        %swap3A_515 = vector.shape_cast %swap3A_514 : vector<1x16xf32> to vector<16xf32>
        %swap3A_516 = vector.shape_cast %mul3A_511 : vector<16xf32> to vector<1x16xf32>
        tpu.vector_store %arg13[%swap3A_512, %swap3A_513], %swap3A_516 {strides = array<i32>} : memref<128x64xf32, #tpu.memory_space<vmem>>, vector<1x16xf32>,
        %get3A_517 = arith.index_cast %add3A_503 : i32 to index
        %get3A_518 = arith.constant 16 : index
        %get3A_519 = tpu.vector_load %arg11[%get3A_517, %get3A_518] {strides = array<i32>} : memref<128x64xf32, #tpu.memory_space<vmem>>, vector<1x16xf32>,
        %get3A_520 = vector.shape_cast %get3A_519 : vector<1x16xf32> to vector<16xf32>
        %mul3A_521 = vector.broadcast %squeeze3A_505 : f32 to vector<16xf32>
        %mul3A_522 = arith.mulf %get3A_520, %mul3A_521 : vector<16xf32>
        %swap3A_523 = arith.index_cast %add3A_503 : i32 to index
        %swap3A_524 = arith.constant 16 : index
        %swap3A_525 = tpu.vector_load %arg13[%swap3A_523, %swap3A_524] {strides = array<i32>} : memref<128x64xf32, #tpu.memory_space<vmem>>, vector<1x16xf32>,
        %swap3A_526 = vector.shape_cast %swap3A_525 : vector<1x16xf32> to vector<16xf32>
        %swap3A_527 = vector.shape_cast %mul3A_522 : vector<16xf32> to vector<1x16xf32>
        tpu.vector_store %arg13[%swap3A_523, %swap3A_524], %swap3A_527 {strides = array<i32>} : memref<128x64xf32, #tpu.memory_space<vmem>>, vector<1x16xf32>,
        %get3A_528 = arith.index_cast %add3A_503 : i32 to index
        %get3A_529 = arith.constant 32 : index
        %get3A_530 = tpu.vector_load %arg11[%get3A_528, %get3A_529] {strides = array<i32>} : memref<128x64xf32, #tpu.memory_space<vmem>>, vector<1x16xf32>,
        %get3A_531 = vector.shape_cast %get3A_530 : vector<1x16xf32> to vector<16xf32>
        %mul3A_532 = vector.broadcast %squeeze3A_505 : f32 to vector<16xf32>
        %mul3A_533 = arith.mulf %get3A_531, %mul3A_532 : vector<16xf32>
        %swap3A_534 = arith.index_cast %add3A_503 : i32 to index
        %swap3A_535 = arith.constant 32 : index
        %swap3A_536 = tpu.vector_load %arg13[%swap3A_534, %swap3A_535] {strides = array<i32>} : memref<128x64xf32, #tpu.memory_space<vmem>>, vector<1x16xf32>,
        %swap3A_537 = vector.shape_cast %swap3A_536 : vector<1x16xf32> to vector<16xf32>
        %swap3A_538 = vector.shape_cast %mul3A_533 : vector<16xf32> to vector<1x16xf32>
        tpu.vector_store %arg13[%swap3A_534, %swap3A_535], %swap3A_538 {strides = array<i32>} : memref<128x64xf32, #tpu.memory_space<vmem>>, vector<1x16xf32>,
        %get3A_539 = arith.index_cast %add3A_503 : i32 to index
        %get3A_540 = arith.constant 48 : index
        %get3A_541 = tpu.vector_load %arg11[%get3A_539, %get3A_540] {strides = array<i32>} : memref<128x64xf32, #tpu.memory_space<vmem>>, vector<1x16xf32>,
        %get3A_542 = vector.shape_cast %get3A_541 : vector<1x16xf32> to vector<16xf32>
        %mul3A_543 = vector.broadcast %squeeze3A_505 : f32 to vector<16xf32>
        %mul3A_544 = arith.mulf %get3A_542, %mul3A_543 : vector<16xf32>
        %swap3A_545 = arith.index_cast %add3A_503 : i32 to index
        %swap3A_546 = arith.constant 48 : index
        %swap3A_547 = tpu.vector_load %arg13[%swap3A_545, %swap3A_546] {strides = array<i32>} : memref<128x64xf32, #tpu.memory_space<vmem>>, vector<1x16xf32>,
        %swap3A_548 = vector.shape_cast %swap3A_547 : vector<1x16xf32> to vector<16xf32>
        %swap3A_549 = vector.shape_cast %mul3A_544 : vector<16xf32> to vector<1x16xf32>
        tpu.vector_store %arg13[%swap3A_545, %swap3A_546], %swap3A_549 {strides = array<i32>} : memref<128x64xf32, #tpu.memory_space<vmem>>, vector<1x16xf32>,
        %mul3A_550 = arith.constant 16 : i32
        %mul3A_551 = arith.muli %scan3A_196, %mul3A_550 : i32
        %add3A_552 = arith.constant 7 : i32
        %add3A_553 = arith.addi %mul3A_551, %add3A_552 : i32
        %slice3A_554 = vector.extract_strided_slice %get3A_202 {offsets = [7], sizes = [1], strides = [1]} : vector<16xf32> to vector<1xf32>
        %squeeze3A_555 = vector.extract %slice3A_554[0] : f32 from vector<1xf32>
        %get3A_556 = arith.index_cast %add3A_553 : i32 to index
        %get3A_557 = arith.constant 0 : index
        %get3A_558 = tpu.vector_load %arg11[%get3A_556, %get3A_557] {strides = array<i32>} : memref<128x64xf32, #tpu.memory_space<vmem>>, vector<1x16xf32>,
        %get3A_559 = vector.shape_cast %get3A_558 : vector<1x16xf32> to vector<16xf32>
        %mul3A_560 = vector.broadcast %squeeze3A_555 : f32 to vector<16xf32>
        %mul3A_561 = arith.mulf %get3A_559, %mul3A_560 : vector<16xf32>
        %swap3A_562 = arith.index_cast %add3A_553 : i32 to index
        %swap3A_563 = arith.constant 0 : index
        %swap3A_564 = tpu.vector_load %arg13[%swap3A_562, %swap3A_563] {strides = array<i32>} : memref<128x64xf32, #tpu.memory_space<vmem>>, vector<1x16xf32>,
        %swap3A_565 = vector.shape_cast %swap3A_564 : vector<1x16xf32> to vector<16xf32>
        %swap3A_566 = vector.shape_cast %mul3A_561 : vector<16xf32> to vector<1x16xf32>
        tpu.vector_store %arg13[%swap3A_562, %swap3A_563], %swap3A_566 {strides = array<i32>} : memref<128x64xf32, #tpu.memory_space<vmem>>, vector<1x16xf32>,
        %get3A_567 = arith.index_cast %add3A_553 : i32 to index
        %get3A_568 = arith.constant 16 : index
        %get3A_569 = tpu.vector_load %arg11[%get3A_567, %get3A_568] {strides = array<i32>} : memref<128x64xf32, #tpu.memory_space<vmem>>, vector<1x16xf32>,
        %get3A_570 = vector.shape_cast %get3A_569 : vector<1x16xf32> to vector<16xf32>
        %mul3A_571 = vector.broadcast %squeeze3A_555 : f32 to vector<16xf32>
        %mul3A_572 = arith.mulf %get3A_570, %mul3A_571 : vector<16xf32>
        %swap3A_573 = arith.index_cast %add3A_553 : i32 to index
        %swap3A_574 = arith.constant 16 : index
        %swap3A_575 = tpu.vector_load %arg13[%swap3A_573, %swap3A_574] {strides = array<i32>} : memref<128x64xf32, #tpu.memory_space<vmem>>, vector<1x16xf32>,
        %swap3A_576 = vector.shape_cast %swap3A_575 : vector<1x16xf32> to vector<16xf32>
        %swap3A_577 = vector.shape_cast %mul3A_572 : vector<16xf32> to vector<1x16xf32>
        tpu.vector_store %arg13[%swap3A_573, %swap3A_574], %swap3A_577 {strides = array<i32>} : memref<128x64xf32, #tpu.memory_space<vmem>>, vector<1x16xf32>,
        %get3A_578 = arith.index_cast %add3A_553 : i32 to index
        %get3A_579 = arith.constant 32 : index
        %get3A_580 = tpu.vector_load %arg11[%get3A_578, %get3A_579] {strides = array<i32>} : memref<128x64xf32, #tpu.memory_space<vmem>>, vector<1x16xf32>,
        %get3A_581 = vector.shape_cast %get3A_580 : vector<1x16xf32> to vector<16xf32>
        %mul3A_582 = vector.broadcast %squeeze3A_555 : f32 to vector<16xf32>
        %mul3A_583 = arith.mulf %get3A_581, %mul3A_582 : vector<16xf32>
        %swap3A_584 = arith.index_cast %add3A_553 : i32 to index
        %swap3A_585 = arith.constant 32 : index
        %swap3A_586 = tpu.vector_load %arg13[%swap3A_584, %swap3A_585] {strides = array<i32>} : memref<128x64xf32, #tpu.memory_space<vmem>>, vector<1x16xf32>,
        %swap3A_587 = vector.shape_cast %swap3A_586 : vector<1x16xf32> to vector<16xf32>
        %swap3A_588 = vector.shape_cast %mul3A_583 : vector<16xf32> to vector<1x16xf32>
        tpu.vector_store %arg13[%swap3A_584, %swap3A_585], %swap3A_588 {strides = array<i32>} : memref<128x64xf32, #tpu.memory_space<vmem>>, vector<1x16xf32>,
        %get3A_589 = arith.index_cast %add3A_553 : i32 to index
        %get3A_590 = arith.constant 48 : index
        %get3A_591 = tpu.vector_load %arg11[%get3A_589, %get3A_590] {strides = array<i32>} : memref<128x64xf32, #tpu.memory_space<vmem>>, vector<1x16xf32>,
        %get3A_592 = vector.shape_cast %get3A_591 : vector<1x16xf32> to vector<16xf32>
        %mul3A_593 = vector.broadcast %squeeze3A_555 : f32 to vector<16xf32>
        %mul3A_594 = arith.mulf %get3A_592, %mul3A_593 : vector<16xf32>
        %swap3A_595 = arith.index_cast %add3A_553 : i32 to index
        %swap3A_596 = arith.constant 48 : index
        %swap3A_597 = tpu.vector_load %arg13[%swap3A_595, %swap3A_596] {strides = array<i32>} : memref<128x64xf32, #tpu.memory_space<vmem>>, vector<1x16xf32>,
        %swap3A_598 = vector.shape_cast %swap3A_597 : vector<1x16xf32> to vector<16xf32>
        %swap3A_599 = vector.shape_cast %mul3A_594 : vector<16xf32> to vector<1x16xf32>
        tpu.vector_store %arg13[%swap3A_595, %swap3A_596], %swap3A_599 {strides = array<i32>} : memref<128x64xf32, #tpu.memory_space<vmem>>, vector<1x16xf32>,
        %mul3A_600 = arith.constant 16 : i32
        %mul3A_601 = arith.muli %scan3A_196, %mul3A_600 : i32
        %add3A_602 = arith.constant 8 : i32
        %add3A_603 = arith.addi %mul3A_601, %add3A_602 : i32
        %slice3A_604 = vector.extract_strided_slice %get3A_202 {offsets = [8], sizes = [1], strides = [1]} : vector<16xf32> to vector<1xf32>
        %squeeze3A_605 = vector.extract %slice3A_604[0] : f32 from vector<1xf32>
        %get3A_606 = arith.index_cast %add3A_603 : i32 to index
        %get3A_607 = arith.constant 0 : index
        %get3A_608 = tpu.vector_load %arg11[%get3A_606, %get3A_607] {strides = array<i32>} : memref<128x64xf32, #tpu.memory_space<vmem>>, vector<1x16xf32>,
        %get3A_609 = vector.shape_cast %get3A_608 : vector<1x16xf32> to vector<16xf32>
        %mul3A_610 = vector.broadcast %squeeze3A_605 : f32 to vector<16xf32>
        %mul3A_611 = arith.mulf %get3A_609, %mul3A_610 : vector<16xf32>
        %swap3A_612 = arith.index_cast %add3A_603 : i32 to index
        %swap3A_613 = arith.constant 0 : index
        %swap3A_614 = tpu.vector_load %arg13[%swap3A_612, %swap3A_613] {strides = array<i32>} : memref<128x64xf32, #tpu.memory_space<vmem>>, vector<1x16xf32>,
        %swap3A_615 = vector.shape_cast %swap3A_614 : vector<1x16xf32> to vector<16xf32>
        %swap3A_616 = vector.shape_cast %mul3A_611 : vector<16xf32> to vector<1x16xf32>
        tpu.vector_store %arg13[%swap3A_612, %swap3A_613], %swap3A_616 {strides = array<i32>} : memref<128x64xf32, #tpu.memory_space<vmem>>, vector<1x16xf32>,
        %get3A_617 = arith.index_cast %add3A_603 : i32 to index
        %get3A_618 = arith.constant 16 : index
        %get3A_619 = tpu.vector_load %arg11[%get3A_617, %get3A_618] {strides = array<i32>} : memref<128x64xf32, #tpu.memory_space<vmem>>, vector<1x16xf32>,
        %get3A_620 = vector.shape_cast %get3A_619 : vector<1x16xf32> to vector<16xf32>
        %mul3A_621 = vector.broadcast %squeeze3A_605 : f32 to vector<16xf32>
        %mul3A_622 = arith.mulf %get3A_620, %mul3A_621 : vector<16xf32>
        %swap3A_623 = arith.index_cast %add3A_603 : i32 to index
        %swap3A_624 = arith.constant 16 : index
        %swap3A_625 = tpu.vector_load %arg13[%swap3A_623, %swap3A_624] {strides = array<i32>} : memref<128x64xf32, #tpu.memory_space<vmem>>, vector<1x16xf32>,
        %swap3A_626 = vector.shape_cast %swap3A_625 : vector<1x16xf32> to vector<16xf32>
        %swap3A_627 = vector.shape_cast %mul3A_622 : vector<16xf32> to vector<1x16xf32>
        tpu.vector_store %arg13[%swap3A_623, %swap3A_624], %swap3A_627 {strides = array<i32>} : memref<128x64xf32, #tpu.memory_space<vmem>>, vector<1x16xf32>,
        %get3A_628 = arith.index_cast %add3A_603 : i32 to index
        %get3A_629 = arith.constant 32 : index
        %get3A_630 = tpu.vector_load %arg11[%get3A_628, %get3A_629] {strides = array<i32>} : memref<128x64xf32, #tpu.memory_space<vmem>>, vector<1x16xf32>,
        %get3A_631 = vector.shape_cast %get3A_630 : vector<1x16xf32> to vector<16xf32>
        %mul3A_632 = vector.broadcast %squeeze3A_605 : f32 to vector<16xf32>
        %mul3A_633 = arith.mulf %get3A_631, %mul3A_632 : vector<16xf32>
        %swap3A_634 = arith.index_cast %add3A_603 : i32 to index
        %swap3A_635 = arith.constant 32 : index
        %swap3A_636 = tpu.vector_load %arg13[%swap3A_634, %swap3A_635] {strides = array<i32>} : memref<128x64xf32, #tpu.memory_space<vmem>>, vector<1x16xf32>,
        %swap3A_637 = vector.shape_cast %swap3A_636 : vector<1x16xf32> to vector<16xf32>
        %swap3A_638 = vector.shape_cast %mul3A_633 : vector<16xf32> to vector<1x16xf32>
        tpu.vector_store %arg13[%swap3A_634, %swap3A_635], %swap3A_638 {strides = array<i32>} : memref<128x64xf32, #tpu.memory_space<vmem>>, vector<1x16xf32>,
        %get3A_639 = arith.index_cast %add3A_603 : i32 to index
        %get3A_640 = arith.constant 48 : index
        %get3A_641 = tpu.vector_load %arg11[%get3A_639, %get3A_640] {strides = array<i32>} : memref<128x64xf32, #tpu.memory_space<vmem>>, vector<1x16xf32>,
        %get3A_642 = vector.shape_cast %get3A_641 : vector<1x16xf32> to vector<16xf32>
        %mul3A_643 = vector.broadcast %squeeze3A_605 : f32 to vector<16xf32>
        %mul3A_644 = arith.mulf %get3A_642, %mul3A_643 : vector<16xf32>
        %swap3A_645 = arith.index_cast %add3A_603 : i32 to index
        %swap3A_646 = arith.constant 48 : index
        %swap3A_647 = tpu.vector_load %arg13[%swap3A_645, %swap3A_646] {strides = array<i32>} : memref<128x64xf32, #tpu.memory_space<vmem>>, vector<1x16xf32>,
        %swap3A_648 = vector.shape_cast %swap3A_647 : vector<1x16xf32> to vector<16xf32>
        %swap3A_649 = vector.shape_cast %mul3A_644 : vector<16xf32> to vector<1x16xf32>
        tpu.vector_store %arg13[%swap3A_645, %swap3A_646], %swap3A_649 {strides = array<i32>} : memref<128x64xf32, #tpu.memory_space<vmem>>, vector<1x16xf32>,
        %mul3A_650 = arith.constant 16 : i32
        %mul3A_651 = arith.muli %scan3A_196, %mul3A_650 : i32
        %add3A_652 = arith.constant 9 : i32
        %add3A_653 = arith.addi %mul3A_651, %add3A_652 : i32
        %slice3A_654 = vector.extract_strided_slice %get3A_202 {offsets = [9], sizes = [1], strides = [1]} : vector<16xf32> to vector<1xf32>
        %squeeze3A_655 = vector.extract %slice3A_654[0] : f32 from vector<1xf32>
        %get3A_656 = arith.index_cast %add3A_653 : i32 to index
        %get3A_657 = arith.constant 0 : index
        %get3A_658 = tpu.vector_load %arg11[%get3A_656, %get3A_657] {strides = array<i32>} : memref<128x64xf32, #tpu.memory_space<vmem>>, vector<1x16xf32>,
        %get3A_659 = vector.shape_cast %get3A_658 : vector<1x16xf32> to vector<16xf32>
        %mul3A_660 = vector.broadcast %squeeze3A_655 : f32 to vector<16xf32>
        %mul3A_661 = arith.mulf %get3A_659, %mul3A_660 : vector<16xf32>
        %swap3A_662 = arith.index_cast %add3A_653 : i32 to index
        %swap3A_663 = arith.constant 0 : index
        %swap3A_664 = tpu.vector_load %arg13[%swap3A_662, %swap3A_663] {strides = array<i32>} : memref<128x64xf32, #tpu.memory_space<vmem>>, vector<1x16xf32>,
        %swap3A_665 = vector.shape_cast %swap3A_664 : vector<1x16xf32> to vector<16xf32>
        %swap3A_666 = vector.shape_cast %mul3A_661 : vector<16xf32> to vector<1x16xf32>
        tpu.vector_store %arg13[%swap3A_662, %swap3A_663], %swap3A_666 {strides = array<i32>} : memref<128x64xf32, #tpu.memory_space<vmem>>, vector<1x16xf32>,
        %get3A_667 = arith.index_cast %add3A_653 : i32 to index
        %get3A_668 = arith.constant 16 : index
        %get3A_669 = tpu.vector_load %arg11[%get3A_667, %get3A_668] {strides = array<i32>} : memref<128x64xf32, #tpu.memory_space<vmem>>, vector<1x16xf32>,
        %get3A_670 = vector.shape_cast %get3A_669 : vector<1x16xf32> to vector<16xf32>
        %mul3A_671 = vector.broadcast %squeeze3A_655 : f32 to vector<16xf32>
        %mul3A_672 = arith.mulf %get3A_670, %mul3A_671 : vector<16xf32>
        %swap3A_673 = arith.index_cast %add3A_653 : i32 to index
        %swap3A_674 = arith.constant 16 : index
        %swap3A_675 = tpu.vector_load %arg13[%swap3A_673, %swap3A_674] {strides = array<i32>} : memref<128x64xf32, #tpu.memory_space<vmem>>, vector<1x16xf32>,
        %swap3A_676 = vector.shape_cast %swap3A_675 : vector<1x16xf32> to vector<16xf32>
        %swap3A_677 = vector.shape_cast %mul3A_672 : vector<16xf32> to vector<1x16xf32>
        tpu.vector_store %arg13[%swap3A_673, %swap3A_674], %swap3A_677 {strides = array<i32>} : memref<128x64xf32, #tpu.memory_space<vmem>>, vector<1x16xf32>,
        %get3A_678 = arith.index_cast %add3A_653 : i32 to index
        %get3A_679 = arith.constant 32 : index
        %get3A_680 = tpu.vector_load %arg11[%get3A_678, %get3A_679] {strides = array<i32>} : memref<128x64xf32, #tpu.memory_space<vmem>>, vector<1x16xf32>,
        %get3A_681 = vector.shape_cast %get3A_680 : vector<1x16xf32> to vector<16xf32>
        %mul3A_682 = vector.broadcast %squeeze3A_655 : f32 to vector<16xf32>
        %mul3A_683 = arith.mulf %get3A_681, %mul3A_682 : vector<16xf32>
        %swap3A_684 = arith.index_cast %add3A_653 : i32 to index
        %swap3A_685 = arith.constant 32 : index
        %swap3A_686 = tpu.vector_load %arg13[%swap3A_684, %swap3A_685] {strides = array<i32>} : memref<128x64xf32, #tpu.memory_space<vmem>>, vector<1x16xf32>,
        %swap3A_687 = vector.shape_cast %swap3A_686 : vector<1x16xf32> to vector<16xf32>
        %swap3A_688 = vector.shape_cast %mul3A_683 : vector<16xf32> to vector<1x16xf32>
        tpu.vector_store %arg13[%swap3A_684, %swap3A_685], %swap3A_688 {strides = array<i32>} : memref<128x64xf32, #tpu.memory_space<vmem>>, vector<1x16xf32>,
        %get3A_689 = arith.index_cast %add3A_653 : i32 to index
        %get3A_690 = arith.constant 48 : index
        %get3A_691 = tpu.vector_load %arg11[%get3A_689, %get3A_690] {strides = array<i32>} : memref<128x64xf32, #tpu.memory_space<vmem>>, vector<1x16xf32>,
        %get3A_692 = vector.shape_cast %get3A_691 : vector<1x16xf32> to vector<16xf32>
        %mul3A_693 = vector.broadcast %squeeze3A_655 : f32 to vector<16xf32>
        %mul3A_694 = arith.mulf %get3A_692, %mul3A_693 : vector<16xf32>
        %swap3A_695 = arith.index_cast %add3A_653 : i32 to index
        %swap3A_696 = arith.constant 48 : index
        %swap3A_697 = tpu.vector_load %arg13[%swap3A_695, %swap3A_696] {strides = array<i32>} : memref<128x64xf32, #tpu.memory_space<vmem>>, vector<1x16xf32>,
        %swap3A_698 = vector.shape_cast %swap3A_697 : vector<1x16xf32> to vector<16xf32>
        %swap3A_699 = vector.shape_cast %mul3A_694 : vector<16xf32> to vector<1x16xf32>
        tpu.vector_store %arg13[%swap3A_695, %swap3A_696], %swap3A_699 {strides = array<i32>} : memref<128x64xf32, #tpu.memory_space<vmem>>, vector<1x16xf32>,
        %mul3A_700 = arith.constant 16 : i32
        %mul3A_701 = arith.muli %scan3A_196, %mul3A_700 : i32
        %add3A_702 = arith.constant 10 : i32
        %add3A_703 = arith.addi %mul3A_701, %add3A_702 : i32
        %slice3A_704 = vector.extract_strided_slice %get3A_202 {offsets = [10], sizes = [1], strides = [1]} : vector<16xf32> to vector<1xf32>
        %squeeze3A_705 = vector.extract %slice3A_704[0] : f32 from vector<1xf32>
        %get3A_706 = arith.index_cast %add3A_703 : i32 to index
        %get3A_707 = arith.constant 0 : index
        %get3A_708 = tpu.vector_load %arg11[%get3A_706, %get3A_707] {strides = array<i32>} : memref<128x64xf32, #tpu.memory_space<vmem>>, vector<1x16xf32>,
        %get3A_709 = vector.shape_cast %get3A_708 : vector<1x16xf32> to vector<16xf32>
        %mul3A_710 = vector.broadcast %squeeze3A_705 : f32 to vector<16xf32>
        %mul3A_711 = arith.mulf %get3A_709, %mul3A_710 : vector<16xf32>
        %swap3A_712 = arith.index_cast %add3A_703 : i32 to index
        %swap3A_713 = arith.constant 0 : index
        %swap3A_714 = tpu.vector_load %arg13[%swap3A_712, %swap3A_713] {strides = array<i32>} : memref<128x64xf32, #tpu.memory_space<vmem>>, vector<1x16xf32>,
        %swap3A_715 = vector.shape_cast %swap3A_714 : vector<1x16xf32> to vector<16xf32>
        %swap3A_716 = vector.shape_cast %mul3A_711 : vector<16xf32> to vector<1x16xf32>
        tpu.vector_store %arg13[%swap3A_712, %swap3A_713], %swap3A_716 {strides = array<i32>} : memref<128x64xf32, #tpu.memory_space<vmem>>, vector<1x16xf32>,
        %get3A_717 = arith.index_cast %add3A_703 : i32 to index
        %get3A_718 = arith.constant 16 : index
        %get3A_719 = tpu.vector_load %arg11[%get3A_717, %get3A_718] {strides = array<i32>} : memref<128x64xf32, #tpu.memory_space<vmem>>, vector<1x16xf32>,
        %get3A_720 = vector.shape_cast %get3A_719 : vector<1x16xf32> to vector<16xf32>
        %mul3A_721 = vector.broadcast %squeeze3A_705 : f32 to vector<16xf32>
        %mul3A_722 = arith.mulf %get3A_720, %mul3A_721 : vector<16xf32>
        %swap3A_723 = arith.index_cast %add3A_703 : i32 to index
        %swap3A_724 = arith.constant 16 : index
        %swap3A_725 = tpu.vector_load %arg13[%swap3A_723, %swap3A_724] {strides = array<i32>} : memref<128x64xf32, #tpu.memory_space<vmem>>, vector<1x16xf32>,
        %swap3A_726 = vector.shape_cast %swap3A_725 : vector<1x16xf32> to vector<16xf32>
        %swap3A_727 = vector.shape_cast %mul3A_722 : vector<16xf32> to vector<1x16xf32>
        tpu.vector_store %arg13[%swap3A_723, %swap3A_724], %swap3A_727 {strides = array<i32>} : memref<128x64xf32, #tpu.memory_space<vmem>>, vector<1x16xf32>,
        %get3A_728 = arith.index_cast %add3A_703 : i32 to index
        %get3A_729 = arith.constant 32 : index
        %get3A_730 = tpu.vector_load %arg11[%get3A_728, %get3A_729] {strides = array<i32>} : memref<128x64xf32, #tpu.memory_space<vmem>>, vector<1x16xf32>,
        %get3A_731 = vector.shape_cast %get3A_730 : vector<1x16xf32> to vector<16xf32>
        %mul3A_732 = vector.broadcast %squeeze3A_705 : f32 to vector<16xf32>
        %mul3A_733 = arith.mulf %get3A_731, %mul3A_732 : vector<16xf32>
        %swap3A_734 = arith.index_cast %add3A_703 : i32 to index
        %swap3A_735 = arith.constant 32 : index
        %swap3A_736 = tpu.vector_load %arg13[%swap3A_734, %swap3A_735] {strides = array<i32>} : memref<128x64xf32, #tpu.memory_space<vmem>>, vector<1x16xf32>,
        %swap3A_737 = vector.shape_cast %swap3A_736 : vector<1x16xf32> to vector<16xf32>
        %swap3A_738 = vector.shape_cast %mul3A_733 : vector<16xf32> to vector<1x16xf32>
        tpu.vector_store %arg13[%swap3A_734, %swap3A_735], %swap3A_738 {strides = array<i32>} : memref<128x64xf32, #tpu.memory_space<vmem>>, vector<1x16xf32>,
        %get3A_739 = arith.index_cast %add3A_703 : i32 to index
        %get3A_740 = arith.constant 48 : index
        %get3A_741 = tpu.vector_load %arg11[%get3A_739, %get3A_740] {strides = array<i32>} : memref<128x64xf32, #tpu.memory_space<vmem>>, vector<1x16xf32>,
        %get3A_742 = vector.shape_cast %get3A_741 : vector<1x16xf32> to vector<16xf32>
        %mul3A_743 = vector.broadcast %squeeze3A_705 : f32 to vector<16xf32>
        %mul3A_744 = arith.mulf %get3A_742, %mul3A_743 : vector<16xf32>
        %swap3A_745 = arith.index_cast %add3A_703 : i32 to index
        %swap3A_746 = arith.constant 48 : index
        %swap3A_747 = tpu.vector_load %arg13[%swap3A_745, %swap3A_746] {strides = array<i32>} : memref<128x64xf32, #tpu.memory_space<vmem>>, vector<1x16xf32>,
        %swap3A_748 = vector.shape_cast %swap3A_747 : vector<1x16xf32> to vector<16xf32>
        %swap3A_749 = vector.shape_cast %mul3A_744 : vector<16xf32> to vector<1x16xf32>
        tpu.vector_store %arg13[%swap3A_745, %swap3A_746], %swap3A_749 {strides = array<i32>} : memref<128x64xf32, #tpu.memory_space<vmem>>, vector<1x16xf32>,
        %mul3A_750 = arith.constant 16 : i32
        %mul3A_751 = arith.muli %scan3A_196, %mul3A_750 : i32
        %add3A_752 = arith.constant 11 : i32
        %add3A_753 = arith.addi %mul3A_751, %add3A_752 : i32
        %slice3A_754 = vector.extract_strided_slice %get3A_202 {offsets = [11], sizes = [1], strides = [1]} : vector<16xf32> to vector<1xf32>
        %squeeze3A_755 = vector.extract %slice3A_754[0] : f32 from vector<1xf32>
        %get3A_756 = arith.index_cast %add3A_753 : i32 to index
        %get3A_757 = arith.constant 0 : index
        %get3A_758 = tpu.vector_load %arg11[%get3A_756, %get3A_757] {strides = array<i32>} : memref<128x64xf32, #tpu.memory_space<vmem>>, vector<1x16xf32>,
        %get3A_759 = vector.shape_cast %get3A_758 : vector<1x16xf32> to vector<16xf32>
        %mul3A_760 = vector.broadcast %squeeze3A_755 : f32 to vector<16xf32>
        %mul3A_761 = arith.mulf %get3A_759, %mul3A_760 : vector<16xf32>
        %swap3A_762 = arith.index_cast %add3A_753 : i32 to index
        %swap3A_763 = arith.constant 0 : index
        %swap3A_764 = tpu.vector_load %arg13[%swap3A_762, %swap3A_763] {strides = array<i32>} : memref<128x64xf32, #tpu.memory_space<vmem>>, vector<1x16xf32>,
        %swap3A_765 = vector.shape_cast %swap3A_764 : vector<1x16xf32> to vector<16xf32>
        %swap3A_766 = vector.shape_cast %mul3A_761 : vector<16xf32> to vector<1x16xf32>
        tpu.vector_store %arg13[%swap3A_762, %swap3A_763], %swap3A_766 {strides = array<i32>} : memref<128x64xf32, #tpu.memory_space<vmem>>, vector<1x16xf32>,
        %get3A_767 = arith.index_cast %add3A_753 : i32 to index
        %get3A_768 = arith.constant 16 : index
        %get3A_769 = tpu.vector_load %arg11[%get3A_767, %get3A_768] {strides = array<i32>} : memref<128x64xf32, #tpu.memory_space<vmem>>, vector<1x16xf32>,
        %get3A_770 = vector.shape_cast %get3A_769 : vector<1x16xf32> to vector<16xf32>
        %mul3A_771 = vector.broadcast %squeeze3A_755 : f32 to vector<16xf32>
        %mul3A_772 = arith.mulf %get3A_770, %mul3A_771 : vector<16xf32>
        %swap3A_773 = arith.index_cast %add3A_753 : i32 to index
        %swap3A_774 = arith.constant 16 : index
        %swap3A_775 = tpu.vector_load %arg13[%swap3A_773, %swap3A_774] {strides = array<i32>} : memref<128x64xf32, #tpu.memory_space<vmem>>, vector<1x16xf32>,
        %swap3A_776 = vector.shape_cast %swap3A_775 : vector<1x16xf32> to vector<16xf32>
        %swap3A_777 = vector.shape_cast %mul3A_772 : vector<16xf32> to vector<1x16xf32>
        tpu.vector_store %arg13[%swap3A_773, %swap3A_774], %swap3A_777 {strides = array<i32>} : memref<128x64xf32, #tpu.memory_space<vmem>>, vector<1x16xf32>,
        %get3A_778 = arith.index_cast %add3A_753 : i32 to index
        %get3A_779 = arith.constant 32 : index
        %get3A_780 = tpu.vector_load %arg11[%get3A_778, %get3A_779] {strides = array<i32>} : memref<128x64xf32, #tpu.memory_space<vmem>>, vector<1x16xf32>,
        %get3A_781 = vector.shape_cast %get3A_780 : vector<1x16xf32> to vector<16xf32>
        %mul3A_782 = vector.broadcast %squeeze3A_755 : f32 to vector<16xf32>
        %mul3A_783 = arith.mulf %get3A_781, %mul3A_782 : vector<16xf32>
        %swap3A_784 = arith.index_cast %add3A_753 : i32 to index
        %swap3A_785 = arith.constant 32 : index
        %swap3A_786 = tpu.vector_load %arg13[%swap3A_784, %swap3A_785] {strides = array<i32>} : memref<128x64xf32, #tpu.memory_space<vmem>>, vector<1x16xf32>,
        %swap3A_787 = vector.shape_cast %swap3A_786 : vector<1x16xf32> to vector<16xf32>
        %swap3A_788 = vector.shape_cast %mul3A_783 : vector<16xf32> to vector<1x16xf32>
        tpu.vector_store %arg13[%swap3A_784, %swap3A_785], %swap3A_788 {strides = array<i32>} : memref<128x64xf32, #tpu.memory_space<vmem>>, vector<1x16xf32>,
        %get3A_789 = arith.index_cast %add3A_753 : i32 to index
        %get3A_790 = arith.constant 48 : index
        %get3A_791 = tpu.vector_load %arg11[%get3A_789, %get3A_790] {strides = array<i32>} : memref<128x64xf32, #tpu.memory_space<vmem>>, vector<1x16xf32>,
        %get3A_792 = vector.shape_cast %get3A_791 : vector<1x16xf32> to vector<16xf32>
        %mul3A_793 = vector.broadcast %squeeze3A_755 : f32 to vector<16xf32>
        %mul3A_794 = arith.mulf %get3A_792, %mul3A_793 : vector<16xf32>
        %swap3A_795 = arith.index_cast %add3A_753 : i32 to index
        %swap3A_796 = arith.constant 48 : index
        %swap3A_797 = tpu.vector_load %arg13[%swap3A_795, %swap3A_796] {strides = array<i32>} : memref<128x64xf32, #tpu.memory_space<vmem>>, vector<1x16xf32>,
        %swap3A_798 = vector.shape_cast %swap3A_797 : vector<1x16xf32> to vector<16xf32>
        %swap3A_799 = vector.shape_cast %mul3A_794 : vector<16xf32> to vector<1x16xf32>
        tpu.vector_store %arg13[%swap3A_795, %swap3A_796], %swap3A_799 {strides = array<i32>} : memref<128x64xf32, #tpu.memory_space<vmem>>, vector<1x16xf32>,
        %mul3A_800 = arith.constant 16 : i32
        %mul3A_801 = arith.muli %scan3A_196, %mul3A_800 : i32
        %add3A_802 = arith.constant 12 : i32
        %add3A_803 = arith.addi %mul3A_801, %add3A_802 : i32
        %slice3A_804 = vector.extract_strided_slice %get3A_202 {offsets = [12], sizes = [1], strides = [1]} : vector<16xf32> to vector<1xf32>
        %squeeze3A_805 = vector.extract %slice3A_804[0] : f32 from vector<1xf32>
        %get3A_806 = arith.index_cast %add3A_803 : i32 to index
        %get3A_807 = arith.constant 0 : index
        %get3A_808 = tpu.vector_load %arg11[%get3A_806, %get3A_807] {strides = array<i32>} : memref<128x64xf32, #tpu.memory_space<vmem>>, vector<1x16xf32>,
        %get3A_809 = vector.shape_cast %get3A_808 : vector<1x16xf32> to vector<16xf32>
        %mul3A_810 = vector.broadcast %squeeze3A_805 : f32 to vector<16xf32>
        %mul3A_811 = arith.mulf %get3A_809, %mul3A_810 : vector<16xf32>
        %swap3A_812 = arith.index_cast %add3A_803 : i32 to index
        %swap3A_813 = arith.constant 0 : index
        %swap3A_814 = tpu.vector_load %arg13[%swap3A_812, %swap3A_813] {strides = array<i32>} : memref<128x64xf32, #tpu.memory_space<vmem>>, vector<1x16xf32>,
        %swap3A_815 = vector.shape_cast %swap3A_814 : vector<1x16xf32> to vector<16xf32>
        %swap3A_816 = vector.shape_cast %mul3A_811 : vector<16xf32> to vector<1x16xf32>
        tpu.vector_store %arg13[%swap3A_812, %swap3A_813], %swap3A_816 {strides = array<i32>} : memref<128x64xf32, #tpu.memory_space<vmem>>, vector<1x16xf32>,
        %get3A_817 = arith.index_cast %add3A_803 : i32 to index
        %get3A_818 = arith.constant 16 : index
        %get3A_819 = tpu.vector_load %arg11[%get3A_817, %get3A_818] {strides = array<i32>} : memref<128x64xf32, #tpu.memory_space<vmem>>, vector<1x16xf32>,
        %get3A_820 = vector.shape_cast %get3A_819 : vector<1x16xf32> to vector<16xf32>
        %mul3A_821 = vector.broadcast %squeeze3A_805 : f32 to vector<16xf32>
        %mul3A_822 = arith.mulf %get3A_820, %mul3A_821 : vector<16xf32>
        %swap3A_823 = arith.index_cast %add3A_803 : i32 to index
        %swap3A_824 = arith.constant 16 : index
        %swap3A_825 = tpu.vector_load %arg13[%swap3A_823, %swap3A_824] {strides = array<i32>} : memref<128x64xf32, #tpu.memory_space<vmem>>, vector<1x16xf32>,
        %swap3A_826 = vector.shape_cast %swap3A_825 : vector<1x16xf32> to vector<16xf32>
        %swap3A_827 = vector.shape_cast %mul3A_822 : vector<16xf32> to vector<1x16xf32>
        tpu.vector_store %arg13[%swap3A_823, %swap3A_824], %swap3A_827 {strides = array<i32>} : memref<128x64xf32, #tpu.memory_space<vmem>>, vector<1x16xf32>,
        %get3A_828 = arith.index_cast %add3A_803 : i32 to index
        %get3A_829 = arith.constant 32 : index
        %get3A_830 = tpu.vector_load %arg11[%get3A_828, %get3A_829] {strides = array<i32>} : memref<128x64xf32, #tpu.memory_space<vmem>>, vector<1x16xf32>,
        %get3A_831 = vector.shape_cast %get3A_830 : vector<1x16xf32> to vector<16xf32>
        %mul3A_832 = vector.broadcast %squeeze3A_805 : f32 to vector<16xf32>
        %mul3A_833 = arith.mulf %get3A_831, %mul3A_832 : vector<16xf32>
        %swap3A_834 = arith.index_cast %add3A_803 : i32 to index
        %swap3A_835 = arith.constant 32 : index
        %swap3A_836 = tpu.vector_load %arg13[%swap3A_834, %swap3A_835] {strides = array<i32>} : memref<128x64xf32, #tpu.memory_space<vmem>>, vector<1x16xf32>,
        %swap3A_837 = vector.shape_cast %swap3A_836 : vector<1x16xf32> to vector<16xf32>
        %swap3A_838 = vector.shape_cast %mul3A_833 : vector<16xf32> to vector<1x16xf32>
        tpu.vector_store %arg13[%swap3A_834, %swap3A_835], %swap3A_838 {strides = array<i32>} : memref<128x64xf32, #tpu.memory_space<vmem>>, vector<1x16xf32>,
        %get3A_839 = arith.index_cast %add3A_803 : i32 to index
        %get3A_840 = arith.constant 48 : index
        %get3A_841 = tpu.vector_load %arg11[%get3A_839, %get3A_840] {strides = array<i32>} : memref<128x64xf32, #tpu.memory_space<vmem>>, vector<1x16xf32>,
        %get3A_842 = vector.shape_cast %get3A_841 : vector<1x16xf32> to vector<16xf32>
        %mul3A_843 = vector.broadcast %squeeze3A_805 : f32 to vector<16xf32>
        %mul3A_844 = arith.mulf %get3A_842, %mul3A_843 : vector<16xf32>
        %swap3A_845 = arith.index_cast %add3A_803 : i32 to index
        %swap3A_846 = arith.constant 48 : index
        %swap3A_847 = tpu.vector_load %arg13[%swap3A_845, %swap3A_846] {strides = array<i32>} : memref<128x64xf32, #tpu.memory_space<vmem>>, vector<1x16xf32>,
        %swap3A_848 = vector.shape_cast %swap3A_847 : vector<1x16xf32> to vector<16xf32>
        %swap3A_849 = vector.shape_cast %mul3A_844 : vector<16xf32> to vector<1x16xf32>
        tpu.vector_store %arg13[%swap3A_845, %swap3A_846], %swap3A_849 {strides = array<i32>} : memref<128x64xf32, #tpu.memory_space<vmem>>, vector<1x16xf32>,
        %mul3A_850 = arith.constant 16 : i32
        %mul3A_851 = arith.muli %scan3A_196, %mul3A_850 : i32
        %add3A_852 = arith.constant 13 : i32
        %add3A_853 = arith.addi %mul3A_851, %add3A_852 : i32
        %slice3A_854 = vector.extract_strided_slice %get3A_202 {offsets = [13], sizes = [1], strides = [1]} : vector<16xf32> to vector<1xf32>
        %squeeze3A_855 = vector.extract %slice3A_854[0] : f32 from vector<1xf32>
        %get3A_856 = arith.index_cast %add3A_853 : i32 to index
        %get3A_857 = arith.constant 0 : index
        %get3A_858 = tpu.vector_load %arg11[%get3A_856, %get3A_857] {strides = array<i32>} : memref<128x64xf32, #tpu.memory_space<vmem>>, vector<1x16xf32>,
        %get3A_859 = vector.shape_cast %get3A_858 : vector<1x16xf32> to vector<16xf32>
        %mul3A_860 = vector.broadcast %squeeze3A_855 : f32 to vector<16xf32>
        %mul3A_861 = arith.mulf %get3A_859, %mul3A_860 : vector<16xf32>
        %swap3A_862 = arith.index_cast %add3A_853 : i32 to index
        %swap3A_863 = arith.constant 0 : index
        %swap3A_864 = tpu.vector_load %arg13[%swap3A_862, %swap3A_863] {strides = array<i32>} : memref<128x64xf32, #tpu.memory_space<vmem>>, vector<1x16xf32>,
        %swap3A_865 = vector.shape_cast %swap3A_864 : vector<1x16xf32> to vector<16xf32>
        %swap3A_866 = vector.shape_cast %mul3A_861 : vector<16xf32> to vector<1x16xf32>
        tpu.vector_store %arg13[%swap3A_862, %swap3A_863], %swap3A_866 {strides = array<i32>} : memref<128x64xf32, #tpu.memory_space<vmem>>, vector<1x16xf32>,
        %get3A_867 = arith.index_cast %add3A_853 : i32 to index
        %get3A_868 = arith.constant 16 : index
        %get3A_869 = tpu.vector_load %arg11[%get3A_867, %get3A_868] {strides = array<i32>} : memref<128x64xf32, #tpu.memory_space<vmem>>, vector<1x16xf32>,
        %get3A_870 = vector.shape_cast %get3A_869 : vector<1x16xf32> to vector<16xf32>
        %mul3A_871 = vector.broadcast %squeeze3A_855 : f32 to vector<16xf32>
        %mul3A_872 = arith.mulf %get3A_870, %mul3A_871 : vector<16xf32>
        %swap3A_873 = arith.index_cast %add3A_853 : i32 to index
        %swap3A_874 = arith.constant 16 : index
        %swap3A_875 = tpu.vector_load %arg13[%swap3A_873, %swap3A_874] {strides = array<i32>} : memref<128x64xf32, #tpu.memory_space<vmem>>, vector<1x16xf32>,
        %swap3A_876 = vector.shape_cast %swap3A_875 : vector<1x16xf32> to vector<16xf32>
        %swap3A_877 = vector.shape_cast %mul3A_872 : vector<16xf32> to vector<1x16xf32>
        tpu.vector_store %arg13[%swap3A_873, %swap3A_874], %swap3A_877 {strides = array<i32>} : memref<128x64xf32, #tpu.memory_space<vmem>>, vector<1x16xf32>,
        %get3A_878 = arith.index_cast %add3A_853 : i32 to index
        %get3A_879 = arith.constant 32 : index
        %get3A_880 = tpu.vector_load %arg11[%get3A_878, %get3A_879] {strides = array<i32>} : memref<128x64xf32, #tpu.memory_space<vmem>>, vector<1x16xf32>,
        %get3A_881 = vector.shape_cast %get3A_880 : vector<1x16xf32> to vector<16xf32>
        %mul3A_882 = vector.broadcast %squeeze3A_855 : f32 to vector<16xf32>
        %mul3A_883 = arith.mulf %get3A_881, %mul3A_882 : vector<16xf32>
        %swap3A_884 = arith.index_cast %add3A_853 : i32 to index
        %swap3A_885 = arith.constant 32 : index
        %swap3A_886 = tpu.vector_load %arg13[%swap3A_884, %swap3A_885] {strides = array<i32>} : memref<128x64xf32, #tpu.memory_space<vmem>>, vector<1x16xf32>,
        %swap3A_887 = vector.shape_cast %swap3A_886 : vector<1x16xf32> to vector<16xf32>
        %swap3A_888 = vector.shape_cast %mul3A_883 : vector<16xf32> to vector<1x16xf32>
        tpu.vector_store %arg13[%swap3A_884, %swap3A_885], %swap3A_888 {strides = array<i32>} : memref<128x64xf32, #tpu.memory_space<vmem>>, vector<1x16xf32>,
        %get3A_889 = arith.index_cast %add3A_853 : i32 to index
        %get3A_890 = arith.constant 48 : index
        %get3A_891 = tpu.vector_load %arg11[%get3A_889, %get3A_890] {strides = array<i32>} : memref<128x64xf32, #tpu.memory_space<vmem>>, vector<1x16xf32>,
        %get3A_892 = vector.shape_cast %get3A_891 : vector<1x16xf32> to vector<16xf32>
        %mul3A_893 = vector.broadcast %squeeze3A_855 : f32 to vector<16xf32>
        %mul3A_894 = arith.mulf %get3A_892, %mul3A_893 : vector<16xf32>
        %swap3A_895 = arith.index_cast %add3A_853 : i32 to index
        %swap3A_896 = arith.constant 48 : index
        %swap3A_897 = tpu.vector_load %arg13[%swap3A_895, %swap3A_896] {strides = array<i32>} : memref<128x64xf32, #tpu.memory_space<vmem>>, vector<1x16xf32>,
        %swap3A_898 = vector.shape_cast %swap3A_897 : vector<1x16xf32> to vector<16xf32>
        %swap3A_899 = vector.shape_cast %mul3A_894 : vector<16xf32> to vector<1x16xf32>
        tpu.vector_store %arg13[%swap3A_895, %swap3A_896], %swap3A_899 {strides = array<i32>} : memref<128x64xf32, #tpu.memory_space<vmem>>, vector<1x16xf32>,
        %mul3A_900 = arith.constant 16 : i32
        %mul3A_901 = arith.muli %scan3A_196, %mul3A_900 : i32
        %add3A_902 = arith.constant 14 : i32
        %add3A_903 = arith.addi %mul3A_901, %add3A_902 : i32
        %slice3A_904 = vector.extract_strided_slice %get3A_202 {offsets = [14], sizes = [1], strides = [1]} : vector<16xf32> to vector<1xf32>
        %squeeze3A_905 = vector.extract %slice3A_904[0] : f32 from vector<1xf32>
        %get3A_906 = arith.index_cast %add3A_903 : i32 to index
        %get3A_907 = arith.constant 0 : index
        %get3A_908 = tpu.vector_load %arg11[%get3A_906, %get3A_907] {strides = array<i32>} : memref<128x64xf32, #tpu.memory_space<vmem>>, vector<1x16xf32>,
        %get3A_909 = vector.shape_cast %get3A_908 : vector<1x16xf32> to vector<16xf32>
        %mul3A_910 = vector.broadcast %squeeze3A_905 : f32 to vector<16xf32>
        %mul3A_911 = arith.mulf %get3A_909, %mul3A_910 : vector<16xf32>
        %swap3A_912 = arith.index_cast %add3A_903 : i32 to index
        %swap3A_913 = arith.constant 0 : index
        %swap3A_914 = tpu.vector_load %arg13[%swap3A_912, %swap3A_913] {strides = array<i32>} : memref<128x64xf32, #tpu.memory_space<vmem>>, vector<1x16xf32>,
        %swap3A_915 = vector.shape_cast %swap3A_914 : vector<1x16xf32> to vector<16xf32>
        %swap3A_916 = vector.shape_cast %mul3A_911 : vector<16xf32> to vector<1x16xf32>
        tpu.vector_store %arg13[%swap3A_912, %swap3A_913], %swap3A_916 {strides = array<i32>} : memref<128x64xf32, #tpu.memory_space<vmem>>, vector<1x16xf32>,
        %get3A_917 = arith.index_cast %add3A_903 : i32 to index
        %get3A_918 = arith.constant 16 : index
        %get3A_919 = tpu.vector_load %arg11[%get3A_917, %get3A_918] {strides = array<i32>} : memref<128x64xf32, #tpu.memory_space<vmem>>, vector<1x16xf32>,
        %get3A_920 = vector.shape_cast %get3A_919 : vector<1x16xf32> to vector<16xf32>
        %mul3A_921 = vector.broadcast %squeeze3A_905 : f32 to vector<16xf32>
        %mul3A_922 = arith.mulf %get3A_920, %mul3A_921 : vector<16xf32>
        %swap3A_923 = arith.index_cast %add3A_903 : i32 to index
        %swap3A_924 = arith.constant 16 : index
        %swap3A_925 = tpu.vector_load %arg13[%swap3A_923, %swap3A_924] {strides = array<i32>} : memref<128x64xf32, #tpu.memory_space<vmem>>, vector<1x16xf32>,
        %swap3A_926 = vector.shape_cast %swap3A_925 : vector<1x16xf32> to vector<16xf32>
        %swap3A_927 = vector.shape_cast %mul3A_922 : vector<16xf32> to vector<1x16xf32>
        tpu.vector_store %arg13[%swap3A_923, %swap3A_924], %swap3A_927 {strides = array<i32>} : memref<128x64xf32, #tpu.memory_space<vmem>>, vector<1x16xf32>,
        %get3A_928 = arith.index_cast %add3A_903 : i32 to index
        %get3A_929 = arith.constant 32 : index
        %get3A_930 = tpu.vector_load %arg11[%get3A_928, %get3A_929] {strides = array<i32>} : memref<128x64xf32, #tpu.memory_space<vmem>>, vector<1x16xf32>,
        %get3A_931 = vector.shape_cast %get3A_930 : vector<1x16xf32> to vector<16xf32>
        %mul3A_932 = vector.broadcast %squeeze3A_905 : f32 to vector<16xf32>
        %mul3A_933 = arith.mulf %get3A_931, %mul3A_932 : vector<16xf32>
        %swap3A_934 = arith.index_cast %add3A_903 : i32 to index
        %swap3A_935 = arith.constant 32 : index
        %swap3A_936 = tpu.vector_load %arg13[%swap3A_934, %swap3A_935] {strides = array<i32>} : memref<128x64xf32, #tpu.memory_space<vmem>>, vector<1x16xf32>,
        %swap3A_937 = vector.shape_cast %swap3A_936 : vector<1x16xf32> to vector<16xf32>
        %swap3A_938 = vector.shape_cast %mul3A_933 : vector<16xf32> to vector<1x16xf32>
        tpu.vector_store %arg13[%swap3A_934, %swap3A_935], %swap3A_938 {strides = array<i32>} : memref<128x64xf32, #tpu.memory_space<vmem>>, vector<1x16xf32>,
        %get3A_939 = arith.index_cast %add3A_903 : i32 to index
        %get3A_940 = arith.constant 48 : index
        %get3A_941 = tpu.vector_load %arg11[%get3A_939, %get3A_940] {strides = array<i32>} : memref<128x64xf32, #tpu.memory_space<vmem>>, vector<1x16xf32>,
        %get3A_942 = vector.shape_cast %get3A_941 : vector<1x16xf32> to vector<16xf32>
        %mul3A_943 = vector.broadcast %squeeze3A_905 : f32 to vector<16xf32>
        %mul3A_944 = arith.mulf %get3A_942, %mul3A_943 : vector<16xf32>
        %swap3A_945 = arith.index_cast %add3A_903 : i32 to index
        %swap3A_946 = arith.constant 48 : index
        %swap3A_947 = tpu.vector_load %arg13[%swap3A_945, %swap3A_946] {strides = array<i32>} : memref<128x64xf32, #tpu.memory_space<vmem>>, vector<1x16xf32>,
        %swap3A_948 = vector.shape_cast %swap3A_947 : vector<1x16xf32> to vector<16xf32>
        %swap3A_949 = vector.shape_cast %mul3A_944 : vector<16xf32> to vector<1x16xf32>
        tpu.vector_store %arg13[%swap3A_945, %swap3A_946], %swap3A_949 {strides = array<i32>} : memref<128x64xf32, #tpu.memory_space<vmem>>, vector<1x16xf32>,
        %mul3A_950 = arith.constant 16 : i32
        %mul3A_951 = arith.muli %scan3A_196, %mul3A_950 : i32
        %add3A_952 = arith.constant 15 : i32
        %add3A_953 = arith.addi %mul3A_951, %add3A_952 : i32
        %slice3A_954 = vector.extract_strided_slice %get3A_202 {offsets = [15], sizes = [1], strides = [1]} : vector<16xf32> to vector<1xf32>
        %squeeze3A_955 = vector.extract %slice3A_954[0] : f32 from vector<1xf32>
        %get3A_956 = arith.index_cast %add3A_953 : i32 to index
        %get3A_957 = arith.constant 0 : index
        %get3A_958 = tpu.vector_load %arg11[%get3A_956, %get3A_957] {strides = array<i32>} : memref<128x64xf32, #tpu.memory_space<vmem>>, vector<1x16xf32>,
        %get3A_959 = vector.shape_cast %get3A_958 : vector<1x16xf32> to vector<16xf32>
        %mul3A_960 = vector.broadcast %squeeze3A_955 : f32 to vector<16xf32>
        %mul3A_961 = arith.mulf %get3A_959, %mul3A_960 : vector<16xf32>
        %swap3A_962 = arith.index_cast %add3A_953 : i32 to index
        %swap3A_963 = arith.constant 0 : index
        %swap3A_964 = tpu.vector_load %arg13[%swap3A_962, %swap3A_963] {strides = array<i32>} : memref<128x64xf32, #tpu.memory_space<vmem>>, vector<1x16xf32>,
        %swap3A_965 = vector.shape_cast %swap3A_964 : vector<1x16xf32> to vector<16xf32>
        %swap3A_966 = vector.shape_cast %mul3A_961 : vector<16xf32> to vector<1x16xf32>
        tpu.vector_store %arg13[%swap3A_962, %swap3A_963], %swap3A_966 {strides = array<i32>} : memref<128x64xf32, #tpu.memory_space<vmem>>, vector<1x16xf32>,
        %get3A_967 = arith.index_cast %add3A_953 : i32 to index
        %get3A_968 = arith.constant 16 : index
        %get3A_969 = tpu.vector_load %arg11[%get3A_967, %get3A_968] {strides = array<i32>} : memref<128x64xf32, #tpu.memory_space<vmem>>, vector<1x16xf32>,
        %get3A_970 = vector.shape_cast %get3A_969 : vector<1x16xf32> to vector<16xf32>
        %mul3A_971 = vector.broadcast %squeeze3A_955 : f32 to vector<16xf32>
        %mul3A_972 = arith.mulf %get3A_970, %mul3A_971 : vector<16xf32>
        %swap3A_973 = arith.index_cast %add3A_953 : i32 to index
        %swap3A_974 = arith.constant 16 : index
        %swap3A_975 = tpu.vector_load %arg13[%swap3A_973, %swap3A_974] {strides = array<i32>} : memref<128x64xf32, #tpu.memory_space<vmem>>, vector<1x16xf32>,
        %swap3A_976 = vector.shape_cast %swap3A_975 : vector<1x16xf32> to vector<16xf32>
        %swap3A_977 = vector.shape_cast %mul3A_972 : vector<16xf32> to vector<1x16xf32>
        tpu.vector_store %arg13[%swap3A_973, %swap3A_974], %swap3A_977 {strides = array<i32>} : memref<128x64xf32, #tpu.memory_space<vmem>>, vector<1x16xf32>,
        %get3A_978 = arith.index_cast %add3A_953 : i32 to index
        %get3A_979 = arith.constant 32 : index
        %get3A_980 = tpu.vector_load %arg11[%get3A_978, %get3A_979] {strides = array<i32>} : memref<128x64xf32, #tpu.memory_space<vmem>>, vector<1x16xf32>,
        %get3A_981 = vector.shape_cast %get3A_980 : vector<1x16xf32> to vector<16xf32>
        %mul3A_982 = vector.broadcast %squeeze3A_955 : f32 to vector<16xf32>
        %mul3A_983 = arith.mulf %get3A_981, %mul3A_982 : vector<16xf32>
        %swap3A_984 = arith.index_cast %add3A_953 : i32 to index
        %swap3A_985 = arith.constant 32 : index
        %swap3A_986 = tpu.vector_load %arg13[%swap3A_984, %swap3A_985] {strides = array<i32>} : memref<128x64xf32, #tpu.memory_space<vmem>>, vector<1x16xf32>,
        %swap3A_987 = vector.shape_cast %swap3A_986 : vector<1x16xf32> to vector<16xf32>
        %swap3A_988 = vector.shape_cast %mul3A_983 : vector<16xf32> to vector<1x16xf32>
        tpu.vector_store %arg13[%swap3A_984, %swap3A_985], %swap3A_988 {strides = array<i32>} : memref<128x64xf32, #tpu.memory_space<vmem>>, vector<1x16xf32>,
        %get3A_989 = arith.index_cast %add3A_953 : i32 to index
        %get3A_990 = arith.constant 48 : index
        %get3A_991 = tpu.vector_load %arg11[%get3A_989, %get3A_990] {strides = array<i32>} : memref<128x64xf32, #tpu.memory_space<vmem>>, vector<1x16xf32>,
        %get3A_992 = vector.shape_cast %get3A_991 : vector<1x16xf32> to vector<16xf32>
        %mul3A_993 = vector.broadcast %squeeze3A_955 : f32 to vector<16xf32>
        %mul3A_994 = arith.mulf %get3A_992, %mul3A_993 : vector<16xf32>
        %swap3A_995 = arith.index_cast %add3A_953 : i32 to index
        %swap3A_996 = arith.constant 48 : index
        %swap3A_997 = tpu.vector_load %arg13[%swap3A_995, %swap3A_996] {strides = array<i32>} : memref<128x64xf32, #tpu.memory_space<vmem>>, vector<1x16xf32>,
        %swap3A_998 = vector.shape_cast %swap3A_997 : vector<1x16xf32> to vector<16xf32>
        %swap3A_999 = vector.shape_cast %mul3A_994 : vector<16xf32> to vector<1x16xf32>
        tpu.vector_store %arg13[%swap3A_995, %swap3A_996], %swap3A_999 {strides = array<i32>} : memref<128x64xf32, #tpu.memory_space<vmem>>, vector<1x16xf32>,
        %scan3A_1000 = arith.constant 0 : i32
        scf.yield %scan3A_1000 : i32
      }
      %scan3A_146 = arith.constant 8 : i32
      %add3A_147 = arith.constant 2 : i32
      %add3A_148 = arith.addi %add3A_129, %add3A_147 : i32
      %lt3A_149 = arith.constant 80 : i32
      %lt3A_150 = arith.cmpi slt, %add3A_148, %lt3A_149 : i32
      %convert_element_type3A_151 = arith.extui %lt3A_150 : i1 to i32
      %cond3A_152 = arith.constant 0 : i32
      %cond3A_153 = arith.cmpi ne, %convert_element_type3A_151, %cond3A_152 : i32
      scf.if %cond3A_153 {
        %add3A_196 = arith.constant 2 : i32
        %add3A_197 = arith.addi %add3A_129, %add3A_196 : i32
        %dma_start3A_198 = arith.constant 0 : i32
        %dma_start3A_199 = tpu.memref_slice %arg8[%add3A_197, %dma_start3A_198] : memref<80x128xi32, #tpu.memory_space<vmem>> -> memref<1x128xi32, #tpu.memory_space<vmem>>
        %dma_start3A_200 = tpu.memref_squeeze %dma_start3A_199 : memref<1x128xi32, #tpu.memory_space<vmem>> -> memref<128xi32, #tpu.memory_space<vmem>>
        %dma_start3A_201 = arith.constant 0 : i32
        %dma_start3A_202 = arith.constant 0 : i32
        %dma_start3A_203 = tpu.memref_slice %arg6[%dma_start3A_201, %dma_start3A_202] : memref<10000x64xf32, #tpu.memory_space<hbm>> -> memref<10000x64xf32, #tpu.memory_space<hbm>>
        tpu.enqueue_indirect_dma source(%dma_start3A_203 : memref<10000x64xf32, #tpu.memory_space<hbm>>) target(%arg11 : memref<128x64xf32, #tpu.memory_space<vmem>>) offsets(%dma_start3A_200 : memref<128xi32, #tpu.memory_space<vmem>>) semaphore(%arg16 : memref<!tpu.dma_semaphore, #tpu.memory_space<semaphore_mem>>)
      } else {
      }
      %dma_start3A_154 = arith.constant 0 : i32
      %dma_start3A_155 = tpu.memref_slice %arg9[%add3A_129, %dma_start3A_154] : memref<80x128xi32, #tpu.memory_space<vmem>> -> memref<1x128xi32, #tpu.memory_space<vmem>>
      %dma_start3A_156 = tpu.memref_squeeze %dma_start3A_155 : memref<1x128xi32, #tpu.memory_space<vmem>> -> memref<128xi32, #tpu.memory_space<vmem>>
      %dma_start3A_157 = arith.constant 0 : i32
      %dma_start3A_158 = arith.constant 0 : i32
      %dma_start3A_159 = tpu.memref_slice %arg15[%dma_start3A_157, %dma_start3A_158] : memref<10000x64xf32, #tpu.memory_space<vmem_shared>> -> memref<10000x64xf32, #tpu.memory_space<vmem_shared>>
      tpu.enqueue_indirect_dma source(%arg13 : memref<128x64xf32, #tpu.memory_space<vmem>>) target(%dma_start3A_159 : memref<10000x64xf32, #tpu.memory_space<vmem_shared>>) offsets(%dma_start3A_156 : memref<128xi32, #tpu.memory_space<vmem>>) semaphore(%arg18 : memref<!tpu.dma_semaphore, #tpu.memory_space<semaphore_mem>>) {add = true}
      %mul3A_160 = arith.constant 2 : i32
      %mul3A_161 = arith.muli %mul3A_160, %scan3A_124 : i32
      %add3A_162 = arith.constant 1 : i32
      %add3A_163 = arith.addi %mul3A_161, %add3A_162 : i32
      %dma_wait3A_164 = arith.constant 0 : i32
      %dma_wait3A_165 = tpu.memref_slice %arg8[%add3A_163, %dma_wait3A_164] : memref<80x128xi32, #tpu.memory_space<vmem>> -> memref<1x128xi32, #tpu.memory_space<vmem>>
      %dma_wait3A_166 = tpu.memref_squeeze %dma_wait3A_165 : memref<1x128xi32, #tpu.memory_space<vmem>> -> memref<128xi32, #tpu.memory_space<vmem>>
      %dma_wait3A_167 = arith.constant 0 : i32
      %dma_wait3A_168 = arith.constant 0 : i32
      %dma_wait3A_169 = tpu.memref_slice %arg6[%dma_wait3A_167, %dma_wait3A_168] : memref<10000x64xf32, #tpu.memory_space<hbm>> -> memref<10000x64xf32, #tpu.memory_space<hbm>>
      tpu.wait_indirect_dma semaphore(%arg17 : memref<!tpu.dma_semaphore, #tpu.memory_space<semaphore_mem>>) src(%dma_wait3A_169 : memref<10000x64xf32, #tpu.memory_space<hbm>>) dst(%arg12 : memref<128x64xf32, #tpu.memory_space<vmem>>)
      %ge3A_170 = arith.constant 2 : i32
      %ge3A_171 = arith.cmpi sge, %add3A_163, %ge3A_170 : i32
      %convert_element_type3A_172 = arith.extui %ge3A_171 : i1 to i32
      %cond3A_173 = arith.constant 0 : i32
      %cond3A_174 = arith.cmpi ne, %convert_element_type3A_172, %cond3A_173 : i32
      scf.if %cond3A_174 {
        %dma_wait3A_196 = arith.constant 0 : i32
        %dma_wait3A_197 = tpu.memref_slice %arg9[%add3A_163, %dma_wait3A_196] : memref<80x128xi32, #tpu.memory_space<vmem>> -> memref<1x128xi32, #tpu.memory_space<vmem>>
        %dma_wait3A_198 = tpu.memref_squeeze %dma_wait3A_197 : memref<1x128xi32, #tpu.memory_space<vmem>> -> memref<128xi32, #tpu.memory_space<vmem>>
        %dma_wait3A_199 = arith.constant 0 : i32
        %dma_wait3A_200 = arith.constant 0 : i32
        %dma_wait3A_201 = tpu.memref_slice %arg15[%dma_wait3A_199, %dma_wait3A_200] : memref<10000x64xf32, #tpu.memory_space<vmem_shared>> -> memref<10000x64xf32, #tpu.memory_space<vmem_shared>>
        tpu.wait_indirect_dma semaphore(%arg19 : memref<!tpu.dma_semaphore, #tpu.memory_space<semaphore_mem>>) src(%arg14 : memref<128x64xf32, #tpu.memory_space<vmem>>) dst(%dma_wait3A_201 : memref<10000x64xf32, #tpu.memory_space<vmem_shared>>)
      } else {
      }
      %scan3A_175 = arith.constant 0 : i32
      %scan3A_176 = arith.constant 0 : i32
      %scan3A_177 = arith.constant 8 : i32
      %scan3A_178 = arith.addi %scan3A_176, %scan3A_177 : i32
      %scan3A_179 = arith.constant 1 : i32
      %scan3A_180 = scf.for %scan3A_196 = %scan3A_176 to %scan3A_178 step %scan3A_179 iter_args(%scan3A_197 = %scan3A_175) -> (i32)  : i32 {
        %mul3A_198 = arith.constant 16 : i32
        %mul3A_199 = arith.muli %scan3A_196, %mul3A_198 : i32
        %get3A = arith.index_cast %add3A_163 : i32 to index
        %get3A_200 = arith.index_cast %mul3A_199 : i32 to index
        %get3A_201 = tpu.vector_load %arg10[%get3A, %get3A_200] {strides = array<i32>} : memref<80x128xf32, #tpu.memory_space<vmem>>, vector<1x16xf32>,
        %get3A_202 = vector.shape_cast %get3A_201 : vector<1x16xf32> to vector<16xf32>
        %mul3A_203 = arith.constant 16 : i32
        %mul3A_204 = arith.muli %scan3A_196, %mul3A_203 : i32
        %add3A_205 = arith.constant 0 : i32
        %add3A_206 = arith.addi %mul3A_204, %add3A_205 : i32
        %slice3A = vector.extract_strided_slice %get3A_202 {offsets = [0], sizes = [1], strides = [1]} : vector<16xf32> to vector<1xf32>
        %squeeze3A = vector.extract %slice3A[0] : f32 from vector<1xf32>
        %get3A_207 = arith.index_cast %add3A_206 : i32 to index
        %get3A_208 = arith.constant 0 : index
        %get3A_209 = tpu.vector_load %arg12[%get3A_207, %get3A_208] {strides = array<i32>} : memref<128x64xf32, #tpu.memory_space<vmem>>, vector<1x16xf32>,
        %get3A_210 = vector.shape_cast %get3A_209 : vector<1x16xf32> to vector<16xf32>
        %mul3A_211 = vector.broadcast %squeeze3A : f32 to vector<16xf32>
        %mul3A_212 = arith.mulf %get3A_210, %mul3A_211 : vector<16xf32>
        %swap3A = arith.index_cast %add3A_206 : i32 to index
        %swap3A_213 = arith.constant 0 : index
        %swap3A_214 = tpu.vector_load %arg14[%swap3A, %swap3A_213] {strides = array<i32>} : memref<128x64xf32, #tpu.memory_space<vmem>>, vector<1x16xf32>,
        %swap3A_215 = vector.shape_cast %swap3A_214 : vector<1x16xf32> to vector<16xf32>
        %swap3A_216 = vector.shape_cast %mul3A_212 : vector<16xf32> to vector<1x16xf32>
        tpu.vector_store %arg14[%swap3A, %swap3A_213], %swap3A_216 {strides = array<i32>} : memref<128x64xf32, #tpu.memory_space<vmem>>, vector<1x16xf32>,
        %get3A_217 = arith.index_cast %add3A_206 : i32 to index
        %get3A_218 = arith.constant 16 : index
        %get3A_219 = tpu.vector_load %arg12[%get3A_217, %get3A_218] {strides = array<i32>} : memref<128x64xf32, #tpu.memory_space<vmem>>, vector<1x16xf32>,
        %get3A_220 = vector.shape_cast %get3A_219 : vector<1x16xf32> to vector<16xf32>
        %mul3A_221 = vector.broadcast %squeeze3A : f32 to vector<16xf32>
        %mul3A_222 = arith.mulf %get3A_220, %mul3A_221 : vector<16xf32>
        %swap3A_223 = arith.index_cast %add3A_206 : i32 to index
        %swap3A_224 = arith.constant 16 : index
        %swap3A_225 = tpu.vector_load %arg14[%swap3A_223, %swap3A_224] {strides = array<i32>} : memref<128x64xf32, #tpu.memory_space<vmem>>, vector<1x16xf32>,
        %swap3A_226 = vector.shape_cast %swap3A_225 : vector<1x16xf32> to vector<16xf32>
        %swap3A_227 = vector.shape_cast %mul3A_222 : vector<16xf32> to vector<1x16xf32>
        tpu.vector_store %arg14[%swap3A_223, %swap3A_224], %swap3A_227 {strides = array<i32>} : memref<128x64xf32, #tpu.memory_space<vmem>>, vector<1x16xf32>,
        %get3A_228 = arith.index_cast %add3A_206 : i32 to index
        %get3A_229 = arith.constant 32 : index
        %get3A_230 = tpu.vector_load %arg12[%get3A_228, %get3A_229] {strides = array<i32>} : memref<128x64xf32, #tpu.memory_space<vmem>>, vector<1x16xf32>,
        %get3A_231 = vector.shape_cast %get3A_230 : vector<1x16xf32> to vector<16xf32>
        %mul3A_232 = vector.broadcast %squeeze3A : f32 to vector<16xf32>
        %mul3A_233 = arith.mulf %get3A_231, %mul3A_232 : vector<16xf32>
        %swap3A_234 = arith.index_cast %add3A_206 : i32 to index
        %swap3A_235 = arith.constant 32 : index
        %swap3A_236 = tpu.vector_load %arg14[%swap3A_234, %swap3A_235] {strides = array<i32>} : memref<128x64xf32, #tpu.memory_space<vmem>>, vector<1x16xf32>,
        %swap3A_237 = vector.shape_cast %swap3A_236 : vector<1x16xf32> to vector<16xf32>
        %swap3A_238 = vector.shape_cast %mul3A_233 : vector<16xf32> to vector<1x16xf32>
        tpu.vector_store %arg14[%swap3A_234, %swap3A_235], %swap3A_238 {strides = array<i32>} : memref<128x64xf32, #tpu.memory_space<vmem>>, vector<1x16xf32>,
        %get3A_239 = arith.index_cast %add3A_206 : i32 to index
        %get3A_240 = arith.constant 48 : index
        %get3A_241 = tpu.vector_load %arg12[%get3A_239, %get3A_240] {strides = array<i32>} : memref<128x64xf32, #tpu.memory_space<vmem>>, vector<1x16xf32>,
        %get3A_242 = vector.shape_cast %get3A_241 : vector<1x16xf32> to vector<16xf32>
        %mul3A_243 = vector.broadcast %squeeze3A : f32 to vector<16xf32>
        %mul3A_244 = arith.mulf %get3A_242, %mul3A_243 : vector<16xf32>
        %swap3A_245 = arith.index_cast %add3A_206 : i32 to index
        %swap3A_246 = arith.constant 48 : index
        %swap3A_247 = tpu.vector_load %arg14[%swap3A_245, %swap3A_246] {strides = array<i32>} : memref<128x64xf32, #tpu.memory_space<vmem>>, vector<1x16xf32>,
        %swap3A_248 = vector.shape_cast %swap3A_247 : vector<1x16xf32> to vector<16xf32>
        %swap3A_249 = vector.shape_cast %mul3A_244 : vector<16xf32> to vector<1x16xf32>
        tpu.vector_store %arg14[%swap3A_245, %swap3A_246], %swap3A_249 {strides = array<i32>} : memref<128x64xf32, #tpu.memory_space<vmem>>, vector<1x16xf32>,
        %mul3A_250 = arith.constant 16 : i32
        %mul3A_251 = arith.muli %scan3A_196, %mul3A_250 : i32
        %add3A_252 = arith.constant 1 : i32
        %add3A_253 = arith.addi %mul3A_251, %add3A_252 : i32
        %slice3A_254 = vector.extract_strided_slice %get3A_202 {offsets = [1], sizes = [1], strides = [1]} : vector<16xf32> to vector<1xf32>
        %squeeze3A_255 = vector.extract %slice3A_254[0] : f32 from vector<1xf32>
        %get3A_256 = arith.index_cast %add3A_253 : i32 to index
        %get3A_257 = arith.constant 0 : index
        %get3A_258 = tpu.vector_load %arg12[%get3A_256, %get3A_257] {strides = array<i32>} : memref<128x64xf32, #tpu.memory_space<vmem>>, vector<1x16xf32>,
        %get3A_259 = vector.shape_cast %get3A_258 : vector<1x16xf32> to vector<16xf32>
        %mul3A_260 = vector.broadcast %squeeze3A_255 : f32 to vector<16xf32>
        %mul3A_261 = arith.mulf %get3A_259, %mul3A_260 : vector<16xf32>
        %swap3A_262 = arith.index_cast %add3A_253 : i32 to index
        %swap3A_263 = arith.constant 0 : index
        %swap3A_264 = tpu.vector_load %arg14[%swap3A_262, %swap3A_263] {strides = array<i32>} : memref<128x64xf32, #tpu.memory_space<vmem>>, vector<1x16xf32>,
        %swap3A_265 = vector.shape_cast %swap3A_264 : vector<1x16xf32> to vector<16xf32>
        %swap3A_266 = vector.shape_cast %mul3A_261 : vector<16xf32> to vector<1x16xf32>
        tpu.vector_store %arg14[%swap3A_262, %swap3A_263], %swap3A_266 {strides = array<i32>} : memref<128x64xf32, #tpu.memory_space<vmem>>, vector<1x16xf32>,
        %get3A_267 = arith.index_cast %add3A_253 : i32 to index
        %get3A_268 = arith.constant 16 : index
        %get3A_269 = tpu.vector_load %arg12[%get3A_267, %get3A_268] {strides = array<i32>} : memref<128x64xf32, #tpu.memory_space<vmem>>, vector<1x16xf32>,
        %get3A_270 = vector.shape_cast %get3A_269 : vector<1x16xf32> to vector<16xf32>
        %mul3A_271 = vector.broadcast %squeeze3A_255 : f32 to vector<16xf32>
        %mul3A_272 = arith.mulf %get3A_270, %mul3A_271 : vector<16xf32>
        %swap3A_273 = arith.index_cast %add3A_253 : i32 to index
        %swap3A_274 = arith.constant 16 : index
        %swap3A_275 = tpu.vector_load %arg14[%swap3A_273, %swap3A_274] {strides = array<i32>} : memref<128x64xf32, #tpu.memory_space<vmem>>, vector<1x16xf32>,
        %swap3A_276 = vector.shape_cast %swap3A_275 : vector<1x16xf32> to vector<16xf32>
        %swap3A_277 = vector.shape_cast %mul3A_272 : vector<16xf32> to vector<1x16xf32>
        tpu.vector_store %arg14[%swap3A_273, %swap3A_274], %swap3A_277 {strides = array<i32>} : memref<128x64xf32, #tpu.memory_space<vmem>>, vector<1x16xf32>,
        %get3A_278 = arith.index_cast %add3A_253 : i32 to index
        %get3A_279 = arith.constant 32 : index
        %get3A_280 = tpu.vector_load %arg12[%get3A_278, %get3A_279] {strides = array<i32>} : memref<128x64xf32, #tpu.memory_space<vmem>>, vector<1x16xf32>,
        %get3A_281 = vector.shape_cast %get3A_280 : vector<1x16xf32> to vector<16xf32>
        %mul3A_282 = vector.broadcast %squeeze3A_255 : f32 to vector<16xf32>
        %mul3A_283 = arith.mulf %get3A_281, %mul3A_282 : vector<16xf32>
        %swap3A_284 = arith.index_cast %add3A_253 : i32 to index
        %swap3A_285 = arith.constant 32 : index
        %swap3A_286 = tpu.vector_load %arg14[%swap3A_284, %swap3A_285] {strides = array<i32>} : memref<128x64xf32, #tpu.memory_space<vmem>>, vector<1x16xf32>,
        %swap3A_287 = vector.shape_cast %swap3A_286 : vector<1x16xf32> to vector<16xf32>
        %swap3A_288 = vector.shape_cast %mul3A_283 : vector<16xf32> to vector<1x16xf32>
        tpu.vector_store %arg14[%swap3A_284, %swap3A_285], %swap3A_288 {strides = array<i32>} : memref<128x64xf32, #tpu.memory_space<vmem>>, vector<1x16xf32>,
        %get3A_289 = arith.index_cast %add3A_253 : i32 to index
        %get3A_290 = arith.constant 48 : index
        %get3A_291 = tpu.vector_load %arg12[%get3A_289, %get3A_290] {strides = array<i32>} : memref<128x64xf32, #tpu.memory_space<vmem>>, vector<1x16xf32>,
        %get3A_292 = vector.shape_cast %get3A_291 : vector<1x16xf32> to vector<16xf32>
        %mul3A_293 = vector.broadcast %squeeze3A_255 : f32 to vector<16xf32>
        %mul3A_294 = arith.mulf %get3A_292, %mul3A_293 : vector<16xf32>
        %swap3A_295 = arith.index_cast %add3A_253 : i32 to index
        %swap3A_296 = arith.constant 48 : index
        %swap3A_297 = tpu.vector_load %arg14[%swap3A_295, %swap3A_296] {strides = array<i32>} : memref<128x64xf32, #tpu.memory_space<vmem>>, vector<1x16xf32>,
        %swap3A_298 = vector.shape_cast %swap3A_297 : vector<1x16xf32> to vector<16xf32>
        %swap3A_299 = vector.shape_cast %mul3A_294 : vector<16xf32> to vector<1x16xf32>
        tpu.vector_store %arg14[%swap3A_295, %swap3A_296], %swap3A_299 {strides = array<i32>} : memref<128x64xf32, #tpu.memory_space<vmem>>, vector<1x16xf32>,
        %mul3A_300 = arith.constant 16 : i32
        %mul3A_301 = arith.muli %scan3A_196, %mul3A_300 : i32
        %add3A_302 = arith.constant 2 : i32
        %add3A_303 = arith.addi %mul3A_301, %add3A_302 : i32
        %slice3A_304 = vector.extract_strided_slice %get3A_202 {offsets = [2], sizes = [1], strides = [1]} : vector<16xf32> to vector<1xf32>
        %squeeze3A_305 = vector.extract %slice3A_304[0] : f32 from vector<1xf32>
        %get3A_306 = arith.index_cast %add3A_303 : i32 to index
        %get3A_307 = arith.constant 0 : index
        %get3A_308 = tpu.vector_load %arg12[%get3A_306, %get3A_307] {strides = array<i32>} : memref<128x64xf32, #tpu.memory_space<vmem>>, vector<1x16xf32>,
        %get3A_309 = vector.shape_cast %get3A_308 : vector<1x16xf32> to vector<16xf32>
        %mul3A_310 = vector.broadcast %squeeze3A_305 : f32 to vector<16xf32>
        %mul3A_311 = arith.mulf %get3A_309, %mul3A_310 : vector<16xf32>
        %swap3A_312 = arith.index_cast %add3A_303 : i32 to index
        %swap3A_313 = arith.constant 0 : index
        %swap3A_314 = tpu.vector_load %arg14[%swap3A_312, %swap3A_313] {strides = array<i32>} : memref<128x64xf32, #tpu.memory_space<vmem>>, vector<1x16xf32>,
        %swap3A_315 = vector.shape_cast %swap3A_314 : vector<1x16xf32> to vector<16xf32>
        %swap3A_316 = vector.shape_cast %mul3A_311 : vector<16xf32> to vector<1x16xf32>
        tpu.vector_store %arg14[%swap3A_312, %swap3A_313], %swap3A_316 {strides = array<i32>} : memref<128x64xf32, #tpu.memory_space<vmem>>, vector<1x16xf32>,
        %get3A_317 = arith.index_cast %add3A_303 : i32 to index
        %get3A_318 = arith.constant 16 : index
        %get3A_319 = tpu.vector_load %arg12[%get3A_317, %get3A_318] {strides = array<i32>} : memref<128x64xf32, #tpu.memory_space<vmem>>, vector<1x16xf32>,
        %get3A_320 = vector.shape_cast %get3A_319 : vector<1x16xf32> to vector<16xf32>
        %mul3A_321 = vector.broadcast %squeeze3A_305 : f32 to vector<16xf32>
        %mul3A_322 = arith.mulf %get3A_320, %mul3A_321 : vector<16xf32>
        %swap3A_323 = arith.index_cast %add3A_303 : i32 to index
        %swap3A_324 = arith.constant 16 : index
        %swap3A_325 = tpu.vector_load %arg14[%swap3A_323, %swap3A_324] {strides = array<i32>} : memref<128x64xf32, #tpu.memory_space<vmem>>, vector<1x16xf32>,
        %swap3A_326 = vector.shape_cast %swap3A_325 : vector<1x16xf32> to vector<16xf32>
        %swap3A_327 = vector.shape_cast %mul3A_322 : vector<16xf32> to vector<1x16xf32>
        tpu.vector_store %arg14[%swap3A_323, %swap3A_324], %swap3A_327 {strides = array<i32>} : memref<128x64xf32, #tpu.memory_space<vmem>>, vector<1x16xf32>,
        %get3A_328 = arith.index_cast %add3A_303 : i32 to index
        %get3A_329 = arith.constant 32 : index
        %get3A_330 = tpu.vector_load %arg12[%get3A_328, %get3A_329] {strides = array<i32>} : memref<128x64xf32, #tpu.memory_space<vmem>>, vector<1x16xf32>,
        %get3A_331 = vector.shape_cast %get3A_330 : vector<1x16xf32> to vector<16xf32>
        %mul3A_332 = vector.broadcast %squeeze3A_305 : f32 to vector<16xf32>
        %mul3A_333 = arith.mulf %get3A_331, %mul3A_332 : vector<16xf32>
        %swap3A_334 = arith.index_cast %add3A_303 : i32 to index
        %swap3A_335 = arith.constant 32 : index
        %swap3A_336 = tpu.vector_load %arg14[%swap3A_334, %swap3A_335] {strides = array<i32>} : memref<128x64xf32, #tpu.memory_space<vmem>>, vector<1x16xf32>,
        %swap3A_337 = vector.shape_cast %swap3A_336 : vector<1x16xf32> to vector<16xf32>
        %swap3A_338 = vector.shape_cast %mul3A_333 : vector<16xf32> to vector<1x16xf32>
        tpu.vector_store %arg14[%swap3A_334, %swap3A_335], %swap3A_338 {strides = array<i32>} : memref<128x64xf32, #tpu.memory_space<vmem>>, vector<1x16xf32>,
        %get3A_339 = arith.index_cast %add3A_303 : i32 to index
        %get3A_340 = arith.constant 48 : index
        %get3A_341 = tpu.vector_load %arg12[%get3A_339, %get3A_340] {strides = array<i32>} : memref<128x64xf32, #tpu.memory_space<vmem>>, vector<1x16xf32>,
        %get3A_342 = vector.shape_cast %get3A_341 : vector<1x16xf32> to vector<16xf32>
        %mul3A_343 = vector.broadcast %squeeze3A_305 : f32 to vector<16xf32>
        %mul3A_344 = arith.mulf %get3A_342, %mul3A_343 : vector<16xf32>
        %swap3A_345 = arith.index_cast %add3A_303 : i32 to index
        %swap3A_346 = arith.constant 48 : index
        %swap3A_347 = tpu.vector_load %arg14[%swap3A_345, %swap3A_346] {strides = array<i32>} : memref<128x64xf32, #tpu.memory_space<vmem>>, vector<1x16xf32>,
        %swap3A_348 = vector.shape_cast %swap3A_347 : vector<1x16xf32> to vector<16xf32>
        %swap3A_349 = vector.shape_cast %mul3A_344 : vector<16xf32> to vector<1x16xf32>
        tpu.vector_store %arg14[%swap3A_345, %swap3A_346], %swap3A_349 {strides = array<i32>} : memref<128x64xf32, #tpu.memory_space<vmem>>, vector<1x16xf32>,
        %mul3A_350 = arith.constant 16 : i32
        %mul3A_351 = arith.muli %scan3A_196, %mul3A_350 : i32
        %add3A_352 = arith.constant 3 : i32
        %add3A_353 = arith.addi %mul3A_351, %add3A_352 : i32
        %slice3A_354 = vector.extract_strided_slice %get3A_202 {offsets = [3], sizes = [1], strides = [1]} : vector<16xf32> to vector<1xf32>
        %squeeze3A_355 = vector.extract %slice3A_354[0] : f32 from vector<1xf32>
        %get3A_356 = arith.index_cast %add3A_353 : i32 to index
        %get3A_357 = arith.constant 0 : index
        %get3A_358 = tpu.vector_load %arg12[%get3A_356, %get3A_357] {strides = array<i32>} : memref<128x64xf32, #tpu.memory_space<vmem>>, vector<1x16xf32>,
        %get3A_359 = vector.shape_cast %get3A_358 : vector<1x16xf32> to vector<16xf32>
        %mul3A_360 = vector.broadcast %squeeze3A_355 : f32 to vector<16xf32>
        %mul3A_361 = arith.mulf %get3A_359, %mul3A_360 : vector<16xf32>
        %swap3A_362 = arith.index_cast %add3A_353 : i32 to index
        %swap3A_363 = arith.constant 0 : index
        %swap3A_364 = tpu.vector_load %arg14[%swap3A_362, %swap3A_363] {strides = array<i32>} : memref<128x64xf32, #tpu.memory_space<vmem>>, vector<1x16xf32>,
        %swap3A_365 = vector.shape_cast %swap3A_364 : vector<1x16xf32> to vector<16xf32>
        %swap3A_366 = vector.shape_cast %mul3A_361 : vector<16xf32> to vector<1x16xf32>
        tpu.vector_store %arg14[%swap3A_362, %swap3A_363], %swap3A_366 {strides = array<i32>} : memref<128x64xf32, #tpu.memory_space<vmem>>, vector<1x16xf32>,
        %get3A_367 = arith.index_cast %add3A_353 : i32 to index
        %get3A_368 = arith.constant 16 : index
        %get3A_369 = tpu.vector_load %arg12[%get3A_367, %get3A_368] {strides = array<i32>} : memref<128x64xf32, #tpu.memory_space<vmem>>, vector<1x16xf32>,
        %get3A_370 = vector.shape_cast %get3A_369 : vector<1x16xf32> to vector<16xf32>
        %mul3A_371 = vector.broadcast %squeeze3A_355 : f32 to vector<16xf32>
        %mul3A_372 = arith.mulf %get3A_370, %mul3A_371 : vector<16xf32>
        %swap3A_373 = arith.index_cast %add3A_353 : i32 to index
        %swap3A_374 = arith.constant 16 : index
        %swap3A_375 = tpu.vector_load %arg14[%swap3A_373, %swap3A_374] {strides = array<i32>} : memref<128x64xf32, #tpu.memory_space<vmem>>, vector<1x16xf32>,
        %swap3A_376 = vector.shape_cast %swap3A_375 : vector<1x16xf32> to vector<16xf32>
        %swap3A_377 = vector.shape_cast %mul3A_372 : vector<16xf32> to vector<1x16xf32>
        tpu.vector_store %arg14[%swap3A_373, %swap3A_374], %swap3A_377 {strides = array<i32>} : memref<128x64xf32, #tpu.memory_space<vmem>>, vector<1x16xf32>,
        %get3A_378 = arith.index_cast %add3A_353 : i32 to index
        %get3A_379 = arith.constant 32 : index
        %get3A_380 = tpu.vector_load %arg12[%get3A_378, %get3A_379] {strides = array<i32>} : memref<128x64xf32, #tpu.memory_space<vmem>>, vector<1x16xf32>,
        %get3A_381 = vector.shape_cast %get3A_380 : vector<1x16xf32> to vector<16xf32>
        %mul3A_382 = vector.broadcast %squeeze3A_355 : f32 to vector<16xf32>
        %mul3A_383 = arith.mulf %get3A_381, %mul3A_382 : vector<16xf32>
        %swap3A_384 = arith.index_cast %add3A_353 : i32 to index
        %swap3A_385 = arith.constant 32 : index
        %swap3A_386 = tpu.vector_load %arg14[%swap3A_384, %swap3A_385] {strides = array<i32>} : memref<128x64xf32, #tpu.memory_space<vmem>>, vector<1x16xf32>,
        %swap3A_387 = vector.shape_cast %swap3A_386 : vector<1x16xf32> to vector<16xf32>
        %swap3A_388 = vector.shape_cast %mul3A_383 : vector<16xf32> to vector<1x16xf32>
        tpu.vector_store %arg14[%swap3A_384, %swap3A_385], %swap3A_388 {strides = array<i32>} : memref<128x64xf32, #tpu.memory_space<vmem>>, vector<1x16xf32>,
        %get3A_389 = arith.index_cast %add3A_353 : i32 to index
        %get3A_390 = arith.constant 48 : index
        %get3A_391 = tpu.vector_load %arg12[%get3A_389, %get3A_390] {strides = array<i32>} : memref<128x64xf32, #tpu.memory_space<vmem>>, vector<1x16xf32>,
        %get3A_392 = vector.shape_cast %get3A_391 : vector<1x16xf32> to vector<16xf32>
        %mul3A_393 = vector.broadcast %squeeze3A_355 : f32 to vector<16xf32>
        %mul3A_394 = arith.mulf %get3A_392, %mul3A_393 : vector<16xf32>
        %swap3A_395 = arith.index_cast %add3A_353 : i32 to index
        %swap3A_396 = arith.constant 48 : index
        %swap3A_397 = tpu.vector_load %arg14[%swap3A_395, %swap3A_396] {strides = array<i32>} : memref<128x64xf32, #tpu.memory_space<vmem>>, vector<1x16xf32>,
        %swap3A_398 = vector.shape_cast %swap3A_397 : vector<1x16xf32> to vector<16xf32>
        %swap3A_399 = vector.shape_cast %mul3A_394 : vector<16xf32> to vector<1x16xf32>
        tpu.vector_store %arg14[%swap3A_395, %swap3A_396], %swap3A_399 {strides = array<i32>} : memref<128x64xf32, #tpu.memory_space<vmem>>, vector<1x16xf32>,
        %mul3A_400 = arith.constant 16 : i32
        %mul3A_401 = arith.muli %scan3A_196, %mul3A_400 : i32
        %add3A_402 = arith.constant 4 : i32
        %add3A_403 = arith.addi %mul3A_401, %add3A_402 : i32
        %slice3A_404 = vector.extract_strided_slice %get3A_202 {offsets = [4], sizes = [1], strides = [1]} : vector<16xf32> to vector<1xf32>
        %squeeze3A_405 = vector.extract %slice3A_404[0] : f32 from vector<1xf32>
        %get3A_406 = arith.index_cast %add3A_403 : i32 to index
        %get3A_407 = arith.constant 0 : index
        %get3A_408 = tpu.vector_load %arg12[%get3A_406, %get3A_407] {strides = array<i32>} : memref<128x64xf32, #tpu.memory_space<vmem>>, vector<1x16xf32>,
        %get3A_409 = vector.shape_cast %get3A_408 : vector<1x16xf32> to vector<16xf32>
        %mul3A_410 = vector.broadcast %squeeze3A_405 : f32 to vector<16xf32>
        %mul3A_411 = arith.mulf %get3A_409, %mul3A_410 : vector<16xf32>
        %swap3A_412 = arith.index_cast %add3A_403 : i32 to index
        %swap3A_413 = arith.constant 0 : index
        %swap3A_414 = tpu.vector_load %arg14[%swap3A_412, %swap3A_413] {strides = array<i32>} : memref<128x64xf32, #tpu.memory_space<vmem>>, vector<1x16xf32>,
        %swap3A_415 = vector.shape_cast %swap3A_414 : vector<1x16xf32> to vector<16xf32>
        %swap3A_416 = vector.shape_cast %mul3A_411 : vector<16xf32> to vector<1x16xf32>
        tpu.vector_store %arg14[%swap3A_412, %swap3A_413], %swap3A_416 {strides = array<i32>} : memref<128x64xf32, #tpu.memory_space<vmem>>, vector<1x16xf32>,
        %get3A_417 = arith.index_cast %add3A_403 : i32 to index
        %get3A_418 = arith.constant 16 : index
        %get3A_419 = tpu.vector_load %arg12[%get3A_417, %get3A_418] {strides = array<i32>} : memref<128x64xf32, #tpu.memory_space<vmem>>, vector<1x16xf32>,
        %get3A_420 = vector.shape_cast %get3A_419 : vector<1x16xf32> to vector<16xf32>
        %mul3A_421 = vector.broadcast %squeeze3A_405 : f32 to vector<16xf32>
        %mul3A_422 = arith.mulf %get3A_420, %mul3A_421 : vector<16xf32>
        %swap3A_423 = arith.index_cast %add3A_403 : i32 to index
        %swap3A_424 = arith.constant 16 : index
        %swap3A_425 = tpu.vector_load %arg14[%swap3A_423, %swap3A_424] {strides = array<i32>} : memref<128x64xf32, #tpu.memory_space<vmem>>, vector<1x16xf32>,
        %swap3A_426 = vector.shape_cast %swap3A_425 : vector<1x16xf32> to vector<16xf32>
        %swap3A_427 = vector.shape_cast %mul3A_422 : vector<16xf32> to vector<1x16xf32>
        tpu.vector_store %arg14[%swap3A_423, %swap3A_424], %swap3A_427 {strides = array<i32>} : memref<128x64xf32, #tpu.memory_space<vmem>>, vector<1x16xf32>,
        %get3A_428 = arith.index_cast %add3A_403 : i32 to index
        %get3A_429 = arith.constant 32 : index
        %get3A_430 = tpu.vector_load %arg12[%get3A_428, %get3A_429] {strides = array<i32>} : memref<128x64xf32, #tpu.memory_space<vmem>>, vector<1x16xf32>,
        %get3A_431 = vector.shape_cast %get3A_430 : vector<1x16xf32> to vector<16xf32>
        %mul3A_432 = vector.broadcast %squeeze3A_405 : f32 to vector<16xf32>
        %mul3A_433 = arith.mulf %get3A_431, %mul3A_432 : vector<16xf32>
        %swap3A_434 = arith.index_cast %add3A_403 : i32 to index
        %swap3A_435 = arith.constant 32 : index
        %swap3A_436 = tpu.vector_load %arg14[%swap3A_434, %swap3A_435] {strides = array<i32>} : memref<128x64xf32, #tpu.memory_space<vmem>>, vector<1x16xf32>,
        %swap3A_437 = vector.shape_cast %swap3A_436 : vector<1x16xf32> to vector<16xf32>
        %swap3A_438 = vector.shape_cast %mul3A_433 : vector<16xf32> to vector<1x16xf32>
        tpu.vector_store %arg14[%swap3A_434, %swap3A_435], %swap3A_438 {strides = array<i32>} : memref<128x64xf32, #tpu.memory_space<vmem>>, vector<1x16xf32>,
        %get3A_439 = arith.index_cast %add3A_403 : i32 to index
        %get3A_440 = arith.constant 48 : index
        %get3A_441 = tpu.vector_load %arg12[%get3A_439, %get3A_440] {strides = array<i32>} : memref<128x64xf32, #tpu.memory_space<vmem>>, vector<1x16xf32>,
        %get3A_442 = vector.shape_cast %get3A_441 : vector<1x16xf32> to vector<16xf32>
        %mul3A_443 = vector.broadcast %squeeze3A_405 : f32 to vector<16xf32>
        %mul3A_444 = arith.mulf %get3A_442, %mul3A_443 : vector<16xf32>
        %swap3A_445 = arith.index_cast %add3A_403 : i32 to index
        %swap3A_446 = arith.constant 48 : index
        %swap3A_447 = tpu.vector_load %arg14[%swap3A_445, %swap3A_446] {strides = array<i32>} : memref<128x64xf32, #tpu.memory_space<vmem>>, vector<1x16xf32>,
        %swap3A_448 = vector.shape_cast %swap3A_447 : vector<1x16xf32> to vector<16xf32>
        %swap3A_449 = vector.shape_cast %mul3A_444 : vector<16xf32> to vector<1x16xf32>
        tpu.vector_store %arg14[%swap3A_445, %swap3A_446], %swap3A_449 {strides = array<i32>} : memref<128x64xf32, #tpu.memory_space<vmem>>, vector<1x16xf32>,
        %mul3A_450 = arith.constant 16 : i32
        %mul3A_451 = arith.muli %scan3A_196, %mul3A_450 : i32
        %add3A_452 = arith.constant 5 : i32
        %add3A_453 = arith.addi %mul3A_451, %add3A_452 : i32
        %slice3A_454 = vector.extract_strided_slice %get3A_202 {offsets = [5], sizes = [1], strides = [1]} : vector<16xf32> to vector<1xf32>
        %squeeze3A_455 = vector.extract %slice3A_454[0] : f32 from vector<1xf32>
        %get3A_456 = arith.index_cast %add3A_453 : i32 to index
        %get3A_457 = arith.constant 0 : index
        %get3A_458 = tpu.vector_load %arg12[%get3A_456, %get3A_457] {strides = array<i32>} : memref<128x64xf32, #tpu.memory_space<vmem>>, vector<1x16xf32>,
        %get3A_459 = vector.shape_cast %get3A_458 : vector<1x16xf32> to vector<16xf32>
        %mul3A_460 = vector.broadcast %squeeze3A_455 : f32 to vector<16xf32>
        %mul3A_461 = arith.mulf %get3A_459, %mul3A_460 : vector<16xf32>
        %swap3A_462 = arith.index_cast %add3A_453 : i32 to index
        %swap3A_463 = arith.constant 0 : index
        %swap3A_464 = tpu.vector_load %arg14[%swap3A_462, %swap3A_463] {strides = array<i32>} : memref<128x64xf32, #tpu.memory_space<vmem>>, vector<1x16xf32>,
        %swap3A_465 = vector.shape_cast %swap3A_464 : vector<1x16xf32> to vector<16xf32>
        %swap3A_466 = vector.shape_cast %mul3A_461 : vector<16xf32> to vector<1x16xf32>
        tpu.vector_store %arg14[%swap3A_462, %swap3A_463], %swap3A_466 {strides = array<i32>} : memref<128x64xf32, #tpu.memory_space<vmem>>, vector<1x16xf32>,
        %get3A_467 = arith.index_cast %add3A_453 : i32 to index
        %get3A_468 = arith.constant 16 : index
        %get3A_469 = tpu.vector_load %arg12[%get3A_467, %get3A_468] {strides = array<i32>} : memref<128x64xf32, #tpu.memory_space<vmem>>, vector<1x16xf32>,
        %get3A_470 = vector.shape_cast %get3A_469 : vector<1x16xf32> to vector<16xf32>
        %mul3A_471 = vector.broadcast %squeeze3A_455 : f32 to vector<16xf32>
        %mul3A_472 = arith.mulf %get3A_470, %mul3A_471 : vector<16xf32>
        %swap3A_473 = arith.index_cast %add3A_453 : i32 to index
        %swap3A_474 = arith.constant 16 : index
        %swap3A_475 = tpu.vector_load %arg14[%swap3A_473, %swap3A_474] {strides = array<i32>} : memref<128x64xf32, #tpu.memory_space<vmem>>, vector<1x16xf32>,
        %swap3A_476 = vector.shape_cast %swap3A_475 : vector<1x16xf32> to vector<16xf32>
        %swap3A_477 = vector.shape_cast %mul3A_472 : vector<16xf32> to vector<1x16xf32>
        tpu.vector_store %arg14[%swap3A_473, %swap3A_474], %swap3A_477 {strides = array<i32>} : memref<128x64xf32, #tpu.memory_space<vmem>>, vector<1x16xf32>,
        %get3A_478 = arith.index_cast %add3A_453 : i32 to index
        %get3A_479 = arith.constant 32 : index
        %get3A_480 = tpu.vector_load %arg12[%get3A_478, %get3A_479] {strides = array<i32>} : memref<128x64xf32, #tpu.memory_space<vmem>>, vector<1x16xf32>,
        %get3A_481 = vector.shape_cast %get3A_480 : vector<1x16xf32> to vector<16xf32>
        %mul3A_482 = vector.broadcast %squeeze3A_455 : f32 to vector<16xf32>
        %mul3A_483 = arith.mulf %get3A_481, %mul3A_482 : vector<16xf32>
        %swap3A_484 = arith.index_cast %add3A_453 : i32 to index
        %swap3A_485 = arith.constant 32 : index
        %swap3A_486 = tpu.vector_load %arg14[%swap3A_484, %swap3A_485] {strides = array<i32>} : memref<128x64xf32, #tpu.memory_space<vmem>>, vector<1x16xf32>,
        %swap3A_487 = vector.shape_cast %swap3A_486 : vector<1x16xf32> to vector<16xf32>
        %swap3A_488 = vector.shape_cast %mul3A_483 : vector<16xf32> to vector<1x16xf32>
        tpu.vector_store %arg14[%swap3A_484, %swap3A_485], %swap3A_488 {strides = array<i32>} : memref<128x64xf32, #tpu.memory_space<vmem>>, vector<1x16xf32>,
        %get3A_489 = arith.index_cast %add3A_453 : i32 to index
        %get3A_490 = arith.constant 48 : index
        %get3A_491 = tpu.vector_load %arg12[%get3A_489, %get3A_490] {strides = array<i32>} : memref<128x64xf32, #tpu.memory_space<vmem>>, vector<1x16xf32>,
        %get3A_492 = vector.shape_cast %get3A_491 : vector<1x16xf32> to vector<16xf32>
        %mul3A_493 = vector.broadcast %squeeze3A_455 : f32 to vector<16xf32>
        %mul3A_494 = arith.mulf %get3A_492, %mul3A_493 : vector<16xf32>
        %swap3A_495 = arith.index_cast %add3A_453 : i32 to index
        %swap3A_496 = arith.constant 48 : index
        %swap3A_497 = tpu.vector_load %arg14[%swap3A_495, %swap3A_496] {strides = array<i32>} : memref<128x64xf32, #tpu.memory_space<vmem>>, vector<1x16xf32>,
        %swap3A_498 = vector.shape_cast %swap3A_497 : vector<1x16xf32> to vector<16xf32>
        %swap3A_499 = vector.shape_cast %mul3A_494 : vector<16xf32> to vector<1x16xf32>
        tpu.vector_store %arg14[%swap3A_495, %swap3A_496], %swap3A_499 {strides = array<i32>} : memref<128x64xf32, #tpu.memory_space<vmem>>, vector<1x16xf32>,
        %mul3A_500 = arith.constant 16 : i32
        %mul3A_501 = arith.muli %scan3A_196, %mul3A_500 : i32
        %add3A_502 = arith.constant 6 : i32
        %add3A_503 = arith.addi %mul3A_501, %add3A_502 : i32
        %slice3A_504 = vector.extract_strided_slice %get3A_202 {offsets = [6], sizes = [1], strides = [1]} : vector<16xf32> to vector<1xf32>
        %squeeze3A_505 = vector.extract %slice3A_504[0] : f32 from vector<1xf32>
        %get3A_506 = arith.index_cast %add3A_503 : i32 to index
        %get3A_507 = arith.constant 0 : index
        %get3A_508 = tpu.vector_load %arg12[%get3A_506, %get3A_507] {strides = array<i32>} : memref<128x64xf32, #tpu.memory_space<vmem>>, vector<1x16xf32>,
        %get3A_509 = vector.shape_cast %get3A_508 : vector<1x16xf32> to vector<16xf32>
        %mul3A_510 = vector.broadcast %squeeze3A_505 : f32 to vector<16xf32>
        %mul3A_511 = arith.mulf %get3A_509, %mul3A_510 : vector<16xf32>
        %swap3A_512 = arith.index_cast %add3A_503 : i32 to index
        %swap3A_513 = arith.constant 0 : index
        %swap3A_514 = tpu.vector_load %arg14[%swap3A_512, %swap3A_513] {strides = array<i32>} : memref<128x64xf32, #tpu.memory_space<vmem>>, vector<1x16xf32>,
        %swap3A_515 = vector.shape_cast %swap3A_514 : vector<1x16xf32> to vector<16xf32>
        %swap3A_516 = vector.shape_cast %mul3A_511 : vector<16xf32> to vector<1x16xf32>
        tpu.vector_store %arg14[%swap3A_512, %swap3A_513], %swap3A_516 {strides = array<i32>} : memref<128x64xf32, #tpu.memory_space<vmem>>, vector<1x16xf32>,
        %get3A_517 = arith.index_cast %add3A_503 : i32 to index
        %get3A_518 = arith.constant 16 : index
        %get3A_519 = tpu.vector_load %arg12[%get3A_517, %get3A_518] {strides = array<i32>} : memref<128x64xf32, #tpu.memory_space<vmem>>, vector<1x16xf32>,
        %get3A_520 = vector.shape_cast %get3A_519 : vector<1x16xf32> to vector<16xf32>
        %mul3A_521 = vector.broadcast %squeeze3A_505 : f32 to vector<16xf32>
        %mul3A_522 = arith.mulf %get3A_520, %mul3A_521 : vector<16xf32>
        %swap3A_523 = arith.index_cast %add3A_503 : i32 to index
        %swap3A_524 = arith.constant 16 : index
        %swap3A_525 = tpu.vector_load %arg14[%swap3A_523, %swap3A_524] {strides = array<i32>} : memref<128x64xf32, #tpu.memory_space<vmem>>, vector<1x16xf32>,
        %swap3A_526 = vector.shape_cast %swap3A_525 : vector<1x16xf32> to vector<16xf32>
        %swap3A_527 = vector.shape_cast %mul3A_522 : vector<16xf32> to vector<1x16xf32>
        tpu.vector_store %arg14[%swap3A_523, %swap3A_524], %swap3A_527 {strides = array<i32>} : memref<128x64xf32, #tpu.memory_space<vmem>>, vector<1x16xf32>,
        %get3A_528 = arith.index_cast %add3A_503 : i32 to index
        %get3A_529 = arith.constant 32 : index
        %get3A_530 = tpu.vector_load %arg12[%get3A_528, %get3A_529] {strides = array<i32>} : memref<128x64xf32, #tpu.memory_space<vmem>>, vector<1x16xf32>,
        %get3A_531 = vector.shape_cast %get3A_530 : vector<1x16xf32> to vector<16xf32>
        %mul3A_532 = vector.broadcast %squeeze3A_505 : f32 to vector<16xf32>
        %mul3A_533 = arith.mulf %get3A_531, %mul3A_532 : vector<16xf32>
        %swap3A_534 = arith.index_cast %add3A_503 : i32 to index
        %swap3A_535 = arith.constant 32 : index
        %swap3A_536 = tpu.vector_load %arg14[%swap3A_534, %swap3A_535] {strides = array<i32>} : memref<128x64xf32, #tpu.memory_space<vmem>>, vector<1x16xf32>,
        %swap3A_537 = vector.shape_cast %swap3A_536 : vector<1x16xf32> to vector<16xf32>
        %swap3A_538 = vector.shape_cast %mul3A_533 : vector<16xf32> to vector<1x16xf32>
        tpu.vector_store %arg14[%swap3A_534, %swap3A_535], %swap3A_538 {strides = array<i32>} : memref<128x64xf32, #tpu.memory_space<vmem>>, vector<1x16xf32>,
        %get3A_539 = arith.index_cast %add3A_503 : i32 to index
        %get3A_540 = arith.constant 48 : index
        %get3A_541 = tpu.vector_load %arg12[%get3A_539, %get3A_540] {strides = array<i32>} : memref<128x64xf32, #tpu.memory_space<vmem>>, vector<1x16xf32>,
        %get3A_542 = vector.shape_cast %get3A_541 : vector<1x16xf32> to vector<16xf32>
        %mul3A_543 = vector.broadcast %squeeze3A_505 : f32 to vector<16xf32>
        %mul3A_544 = arith.mulf %get3A_542, %mul3A_543 : vector<16xf32>
        %swap3A_545 = arith.index_cast %add3A_503 : i32 to index
        %swap3A_546 = arith.constant 48 : index
        %swap3A_547 = tpu.vector_load %arg14[%swap3A_545, %swap3A_546] {strides = array<i32>} : memref<128x64xf32, #tpu.memory_space<vmem>>, vector<1x16xf32>,
        %swap3A_548 = vector.shape_cast %swap3A_547 : vector<1x16xf32> to vector<16xf32>
        %swap3A_549 = vector.shape_cast %mul3A_544 : vector<16xf32> to vector<1x16xf32>
        tpu.vector_store %arg14[%swap3A_545, %swap3A_546], %swap3A_549 {strides = array<i32>} : memref<128x64xf32, #tpu.memory_space<vmem>>, vector<1x16xf32>,
        %mul3A_550 = arith.constant 16 : i32
        %mul3A_551 = arith.muli %scan3A_196, %mul3A_550 : i32
        %add3A_552 = arith.constant 7 : i32
        %add3A_553 = arith.addi %mul3A_551, %add3A_552 : i32
        %slice3A_554 = vector.extract_strided_slice %get3A_202 {offsets = [7], sizes = [1], strides = [1]} : vector<16xf32> to vector<1xf32>
        %squeeze3A_555 = vector.extract %slice3A_554[0] : f32 from vector<1xf32>
        %get3A_556 = arith.index_cast %add3A_553 : i32 to index
        %get3A_557 = arith.constant 0 : index
        %get3A_558 = tpu.vector_load %arg12[%get3A_556, %get3A_557] {strides = array<i32>} : memref<128x64xf32, #tpu.memory_space<vmem>>, vector<1x16xf32>,
        %get3A_559 = vector.shape_cast %get3A_558 : vector<1x16xf32> to vector<16xf32>
        %mul3A_560 = vector.broadcast %squeeze3A_555 : f32 to vector<16xf32>
        %mul3A_561 = arith.mulf %get3A_559, %mul3A_560 : vector<16xf32>
        %swap3A_562 = arith.index_cast %add3A_553 : i32 to index
        %swap3A_563 = arith.constant 0 : index
        %swap3A_564 = tpu.vector_load %arg14[%swap3A_562, %swap3A_563] {strides = array<i32>} : memref<128x64xf32, #tpu.memory_space<vmem>>, vector<1x16xf32>,
        %swap3A_565 = vector.shape_cast %swap3A_564 : vector<1x16xf32> to vector<16xf32>
        %swap3A_566 = vector.shape_cast %mul3A_561 : vector<16xf32> to vector<1x16xf32>
        tpu.vector_store %arg14[%swap3A_562, %swap3A_563], %swap3A_566 {strides = array<i32>} : memref<128x64xf32, #tpu.memory_space<vmem>>, vector<1x16xf32>,
        %get3A_567 = arith.index_cast %add3A_553 : i32 to index
        %get3A_568 = arith.constant 16 : index
        %get3A_569 = tpu.vector_load %arg12[%get3A_567, %get3A_568] {strides = array<i32>} : memref<128x64xf32, #tpu.memory_space<vmem>>, vector<1x16xf32>,
        %get3A_570 = vector.shape_cast %get3A_569 : vector<1x16xf32> to vector<16xf32>
        %mul3A_571 = vector.broadcast %squeeze3A_555 : f32 to vector<16xf32>
        %mul3A_572 = arith.mulf %get3A_570, %mul3A_571 : vector<16xf32>
        %swap3A_573 = arith.index_cast %add3A_553 : i32 to index
        %swap3A_574 = arith.constant 16 : index
        %swap3A_575 = tpu.vector_load %arg14[%swap3A_573, %swap3A_574] {strides = array<i32>} : memref<128x64xf32, #tpu.memory_space<vmem>>, vector<1x16xf32>,
        %swap3A_576 = vector.shape_cast %swap3A_575 : vector<1x16xf32> to vector<16xf32>
        %swap3A_577 = vector.shape_cast %mul3A_572 : vector<16xf32> to vector<1x16xf32>
        tpu.vector_store %arg14[%swap3A_573, %swap3A_574], %swap3A_577 {strides = array<i32>} : memref<128x64xf32, #tpu.memory_space<vmem>>, vector<1x16xf32>,
        %get3A_578 = arith.index_cast %add3A_553 : i32 to index
        %get3A_579 = arith.constant 32 : index
        %get3A_580 = tpu.vector_load %arg12[%get3A_578, %get3A_579] {strides = array<i32>} : memref<128x64xf32, #tpu.memory_space<vmem>>, vector<1x16xf32>,
        %get3A_581 = vector.shape_cast %get3A_580 : vector<1x16xf32> to vector<16xf32>
        %mul3A_582 = vector.broadcast %squeeze3A_555 : f32 to vector<16xf32>
        %mul3A_583 = arith.mulf %get3A_581, %mul3A_582 : vector<16xf32>
        %swap3A_584 = arith.index_cast %add3A_553 : i32 to index
        %swap3A_585 = arith.constant 32 : index
        %swap3A_586 = tpu.vector_load %arg14[%swap3A_584, %swap3A_585] {strides = array<i32>} : memref<128x64xf32, #tpu.memory_space<vmem>>, vector<1x16xf32>,
        %swap3A_587 = vector.shape_cast %swap3A_586 : vector<1x16xf32> to vector<16xf32>
        %swap3A_588 = vector.shape_cast %mul3A_583 : vector<16xf32> to vector<1x16xf32>
        tpu.vector_store %arg14[%swap3A_584, %swap3A_585], %swap3A_588 {strides = array<i32>} : memref<128x64xf32, #tpu.memory_space<vmem>>, vector<1x16xf32>,
        %get3A_589 = arith.index_cast %add3A_553 : i32 to index
        %get3A_590 = arith.constant 48 : index
        %get3A_591 = tpu.vector_load %arg12[%get3A_589, %get3A_590] {strides = array<i32>} : memref<128x64xf32, #tpu.memory_space<vmem>>, vector<1x16xf32>,
        %get3A_592 = vector.shape_cast %get3A_591 : vector<1x16xf32> to vector<16xf32>
        %mul3A_593 = vector.broadcast %squeeze3A_555 : f32 to vector<16xf32>
        %mul3A_594 = arith.mulf %get3A_592, %mul3A_593 : vector<16xf32>
        %swap3A_595 = arith.index_cast %add3A_553 : i32 to index
        %swap3A_596 = arith.constant 48 : index
        %swap3A_597 = tpu.vector_load %arg14[%swap3A_595, %swap3A_596] {strides = array<i32>} : memref<128x64xf32, #tpu.memory_space<vmem>>, vector<1x16xf32>,
        %swap3A_598 = vector.shape_cast %swap3A_597 : vector<1x16xf32> to vector<16xf32>
        %swap3A_599 = vector.shape_cast %mul3A_594 : vector<16xf32> to vector<1x16xf32>
        tpu.vector_store %arg14[%swap3A_595, %swap3A_596], %swap3A_599 {strides = array<i32>} : memref<128x64xf32, #tpu.memory_space<vmem>>, vector<1x16xf32>,
        %mul3A_600 = arith.constant 16 : i32
        %mul3A_601 = arith.muli %scan3A_196, %mul3A_600 : i32
        %add3A_602 = arith.constant 8 : i32
        %add3A_603 = arith.addi %mul3A_601, %add3A_602 : i32
        %slice3A_604 = vector.extract_strided_slice %get3A_202 {offsets = [8], sizes = [1], strides = [1]} : vector<16xf32> to vector<1xf32>
        %squeeze3A_605 = vector.extract %slice3A_604[0] : f32 from vector<1xf32>
        %get3A_606 = arith.index_cast %add3A_603 : i32 to index
        %get3A_607 = arith.constant 0 : index
        %get3A_608 = tpu.vector_load %arg12[%get3A_606, %get3A_607] {strides = array<i32>} : memref<128x64xf32, #tpu.memory_space<vmem>>, vector<1x16xf32>,
        %get3A_609 = vector.shape_cast %get3A_608 : vector<1x16xf32> to vector<16xf32>
        %mul3A_610 = vector.broadcast %squeeze3A_605 : f32 to vector<16xf32>
        %mul3A_611 = arith.mulf %get3A_609, %mul3A_610 : vector<16xf32>
        %swap3A_612 = arith.index_cast %add3A_603 : i32 to index
        %swap3A_613 = arith.constant 0 : index
        %swap3A_614 = tpu.vector_load %arg14[%swap3A_612, %swap3A_613] {strides = array<i32>} : memref<128x64xf32, #tpu.memory_space<vmem>>, vector<1x16xf32>,
        %swap3A_615 = vector.shape_cast %swap3A_614 : vector<1x16xf32> to vector<16xf32>
        %swap3A_616 = vector.shape_cast %mul3A_611 : vector<16xf32> to vector<1x16xf32>
        tpu.vector_store %arg14[%swap3A_612, %swap3A_613], %swap3A_616 {strides = array<i32>} : memref<128x64xf32, #tpu.memory_space<vmem>>, vector<1x16xf32>,
        %get3A_617 = arith.index_cast %add3A_603 : i32 to index
        %get3A_618 = arith.constant 16 : index
        %get3A_619 = tpu.vector_load %arg12[%get3A_617, %get3A_618] {strides = array<i32>} : memref<128x64xf32, #tpu.memory_space<vmem>>, vector<1x16xf32>,
        %get3A_620 = vector.shape_cast %get3A_619 : vector<1x16xf32> to vector<16xf32>
        %mul3A_621 = vector.broadcast %squeeze3A_605 : f32 to vector<16xf32>
        %mul3A_622 = arith.mulf %get3A_620, %mul3A_621 : vector<16xf32>
        %swap3A_623 = arith.index_cast %add3A_603 : i32 to index
        %swap3A_624 = arith.constant 16 : index
        %swap3A_625 = tpu.vector_load %arg14[%swap3A_623, %swap3A_624] {strides = array<i32>} : memref<128x64xf32, #tpu.memory_space<vmem>>, vector<1x16xf32>,
        %swap3A_626 = vector.shape_cast %swap3A_625 : vector<1x16xf32> to vector<16xf32>
        %swap3A_627 = vector.shape_cast %mul3A_622 : vector<16xf32> to vector<1x16xf32>
        tpu.vector_store %arg14[%swap3A_623, %swap3A_624], %swap3A_627 {strides = array<i32>} : memref<128x64xf32, #tpu.memory_space<vmem>>, vector<1x16xf32>,
        %get3A_628 = arith.index_cast %add3A_603 : i32 to index
        %get3A_629 = arith.constant 32 : index
        %get3A_630 = tpu.vector_load %arg12[%get3A_628, %get3A_629] {strides = array<i32>} : memref<128x64xf32, #tpu.memory_space<vmem>>, vector<1x16xf32>,
        %get3A_631 = vector.shape_cast %get3A_630 : vector<1x16xf32> to vector<16xf32>
        %mul3A_632 = vector.broadcast %squeeze3A_605 : f32 to vector<16xf32>
        %mul3A_633 = arith.mulf %get3A_631, %mul3A_632 : vector<16xf32>
        %swap3A_634 = arith.index_cast %add3A_603 : i32 to index
        %swap3A_635 = arith.constant 32 : index
        %swap3A_636 = tpu.vector_load %arg14[%swap3A_634, %swap3A_635] {strides = array<i32>} : memref<128x64xf32, #tpu.memory_space<vmem>>, vector<1x16xf32>,
        %swap3A_637 = vector.shape_cast %swap3A_636 : vector<1x16xf32> to vector<16xf32>
        %swap3A_638 = vector.shape_cast %mul3A_633 : vector<16xf32> to vector<1x16xf32>
        tpu.vector_store %arg14[%swap3A_634, %swap3A_635], %swap3A_638 {strides = array<i32>} : memref<128x64xf32, #tpu.memory_space<vmem>>, vector<1x16xf32>,
        %get3A_639 = arith.index_cast %add3A_603 : i32 to index
        %get3A_640 = arith.constant 48 : index
        %get3A_641 = tpu.vector_load %arg12[%get3A_639, %get3A_640] {strides = array<i32>} : memref<128x64xf32, #tpu.memory_space<vmem>>, vector<1x16xf32>,
        %get3A_642 = vector.shape_cast %get3A_641 : vector<1x16xf32> to vector<16xf32>
        %mul3A_643 = vector.broadcast %squeeze3A_605 : f32 to vector<16xf32>
        %mul3A_644 = arith.mulf %get3A_642, %mul3A_643 : vector<16xf32>
        %swap3A_645 = arith.index_cast %add3A_603 : i32 to index
        %swap3A_646 = arith.constant 48 : index
        %swap3A_647 = tpu.vector_load %arg14[%swap3A_645, %swap3A_646] {strides = array<i32>} : memref<128x64xf32, #tpu.memory_space<vmem>>, vector<1x16xf32>,
        %swap3A_648 = vector.shape_cast %swap3A_647 : vector<1x16xf32> to vector<16xf32>
        %swap3A_649 = vector.shape_cast %mul3A_644 : vector<16xf32> to vector<1x16xf32>
        tpu.vector_store %arg14[%swap3A_645, %swap3A_646], %swap3A_649 {strides = array<i32>} : memref<128x64xf32, #tpu.memory_space<vmem>>, vector<1x16xf32>,
        %mul3A_650 = arith.constant 16 : i32
        %mul3A_651 = arith.muli %scan3A_196, %mul3A_650 : i32
        %add3A_652 = arith.constant 9 : i32
        %add3A_653 = arith.addi %mul3A_651, %add3A_652 : i32
        %slice3A_654 = vector.extract_strided_slice %get3A_202 {offsets = [9], sizes = [1], strides = [1]} : vector<16xf32> to vector<1xf32>
        %squeeze3A_655 = vector.extract %slice3A_654[0] : f32 from vector<1xf32>
        %get3A_656 = arith.index_cast %add3A_653 : i32 to index
        %get3A_657 = arith.constant 0 : index
        %get3A_658 = tpu.vector_load %arg12[%get3A_656, %get3A_657] {strides = array<i32>} : memref<128x64xf32, #tpu.memory_space<vmem>>, vector<1x16xf32>,
        %get3A_659 = vector.shape_cast %get3A_658 : vector<1x16xf32> to vector<16xf32>
        %mul3A_660 = vector.broadcast %squeeze3A_655 : f32 to vector<16xf32>
        %mul3A_661 = arith.mulf %get3A_659, %mul3A_660 : vector<16xf32>
        %swap3A_662 = arith.index_cast %add3A_653 : i32 to index
        %swap3A_663 = arith.constant 0 : index
        %swap3A_664 = tpu.vector_load %arg14[%swap3A_662, %swap3A_663] {strides = array<i32>} : memref<128x64xf32, #tpu.memory_space<vmem>>, vector<1x16xf32>,
        %swap3A_665 = vector.shape_cast %swap3A_664 : vector<1x16xf32> to vector<16xf32>
        %swap3A_666 = vector.shape_cast %mul3A_661 : vector<16xf32> to vector<1x16xf32>
        tpu.vector_store %arg14[%swap3A_662, %swap3A_663], %swap3A_666 {strides = array<i32>} : memref<128x64xf32, #tpu.memory_space<vmem>>, vector<1x16xf32>,
        %get3A_667 = arith.index_cast %add3A_653 : i32 to index
        %get3A_668 = arith.constant 16 : index
        %get3A_669 = tpu.vector_load %arg12[%get3A_667, %get3A_668] {strides = array<i32>} : memref<128x64xf32, #tpu.memory_space<vmem>>, vector<1x16xf32>,
        %get3A_670 = vector.shape_cast %get3A_669 : vector<1x16xf32> to vector<16xf32>
        %mul3A_671 = vector.broadcast %squeeze3A_655 : f32 to vector<16xf32>
        %mul3A_672 = arith.mulf %get3A_670, %mul3A_671 : vector<16xf32>
        %swap3A_673 = arith.index_cast %add3A_653 : i32 to index
        %swap3A_674 = arith.constant 16 : index
        %swap3A_675 = tpu.vector_load %arg14[%swap3A_673, %swap3A_674] {strides = array<i32>} : memref<128x64xf32, #tpu.memory_space<vmem>>, vector<1x16xf32>,
        %swap3A_676 = vector.shape_cast %swap3A_675 : vector<1x16xf32> to vector<16xf32>
        %swap3A_677 = vector.shape_cast %mul3A_672 : vector<16xf32> to vector<1x16xf32>
        tpu.vector_store %arg14[%swap3A_673, %swap3A_674], %swap3A_677 {strides = array<i32>} : memref<128x64xf32, #tpu.memory_space<vmem>>, vector<1x16xf32>,
        %get3A_678 = arith.index_cast %add3A_653 : i32 to index
        %get3A_679 = arith.constant 32 : index
        %get3A_680 = tpu.vector_load %arg12[%get3A_678, %get3A_679] {strides = array<i32>} : memref<128x64xf32, #tpu.memory_space<vmem>>, vector<1x16xf32>,
        %get3A_681 = vector.shape_cast %get3A_680 : vector<1x16xf32> to vector<16xf32>
        %mul3A_682 = vector.broadcast %squeeze3A_655 : f32 to vector<16xf32>
        %mul3A_683 = arith.mulf %get3A_681, %mul3A_682 : vector<16xf32>
        %swap3A_684 = arith.index_cast %add3A_653 : i32 to index
        %swap3A_685 = arith.constant 32 : index
        %swap3A_686 = tpu.vector_load %arg14[%swap3A_684, %swap3A_685] {strides = array<i32>} : memref<128x64xf32, #tpu.memory_space<vmem>>, vector<1x16xf32>,
        %swap3A_687 = vector.shape_cast %swap3A_686 : vector<1x16xf32> to vector<16xf32>
        %swap3A_688 = vector.shape_cast %mul3A_683 : vector<16xf32> to vector<1x16xf32>
        tpu.vector_store %arg14[%swap3A_684, %swap3A_685], %swap3A_688 {strides = array<i32>} : memref<128x64xf32, #tpu.memory_space<vmem>>, vector<1x16xf32>,
        %get3A_689 = arith.index_cast %add3A_653 : i32 to index
        %get3A_690 = arith.constant 48 : index
        %get3A_691 = tpu.vector_load %arg12[%get3A_689, %get3A_690] {strides = array<i32>} : memref<128x64xf32, #tpu.memory_space<vmem>>, vector<1x16xf32>,
        %get3A_692 = vector.shape_cast %get3A_691 : vector<1x16xf32> to vector<16xf32>
        %mul3A_693 = vector.broadcast %squeeze3A_655 : f32 to vector<16xf32>
        %mul3A_694 = arith.mulf %get3A_692, %mul3A_693 : vector<16xf32>
        %swap3A_695 = arith.index_cast %add3A_653 : i32 to index
        %swap3A_696 = arith.constant 48 : index
        %swap3A_697 = tpu.vector_load %arg14[%swap3A_695, %swap3A_696] {strides = array<i32>} : memref<128x64xf32, #tpu.memory_space<vmem>>, vector<1x16xf32>,
        %swap3A_698 = vector.shape_cast %swap3A_697 : vector<1x16xf32> to vector<16xf32>
        %swap3A_699 = vector.shape_cast %mul3A_694 : vector<16xf32> to vector<1x16xf32>
        tpu.vector_store %arg14[%swap3A_695, %swap3A_696], %swap3A_699 {strides = array<i32>} : memref<128x64xf32, #tpu.memory_space<vmem>>, vector<1x16xf32>,
        %mul3A_700 = arith.constant 16 : i32
        %mul3A_701 = arith.muli %scan3A_196, %mul3A_700 : i32
        %add3A_702 = arith.constant 10 : i32
        %add3A_703 = arith.addi %mul3A_701, %add3A_702 : i32
        %slice3A_704 = vector.extract_strided_slice %get3A_202 {offsets = [10], sizes = [1], strides = [1]} : vector<16xf32> to vector<1xf32>
        %squeeze3A_705 = vector.extract %slice3A_704[0] : f32 from vector<1xf32>
        %get3A_706 = arith.index_cast %add3A_703 : i32 to index
        %get3A_707 = arith.constant 0 : index
        %get3A_708 = tpu.vector_load %arg12[%get3A_706, %get3A_707] {strides = array<i32>} : memref<128x64xf32, #tpu.memory_space<vmem>>, vector<1x16xf32>,
        %get3A_709 = vector.shape_cast %get3A_708 : vector<1x16xf32> to vector<16xf32>
        %mul3A_710 = vector.broadcast %squeeze3A_705 : f32 to vector<16xf32>
        %mul3A_711 = arith.mulf %get3A_709, %mul3A_710 : vector<16xf32>
        %swap3A_712 = arith.index_cast %add3A_703 : i32 to index
        %swap3A_713 = arith.constant 0 : index
        %swap3A_714 = tpu.vector_load %arg14[%swap3A_712, %swap3A_713] {strides = array<i32>} : memref<128x64xf32, #tpu.memory_space<vmem>>, vector<1x16xf32>,
        %swap3A_715 = vector.shape_cast %swap3A_714 : vector<1x16xf32> to vector<16xf32>
        %swap3A_716 = vector.shape_cast %mul3A_711 : vector<16xf32> to vector<1x16xf32>
        tpu.vector_store %arg14[%swap3A_712, %swap3A_713], %swap3A_716 {strides = array<i32>} : memref<128x64xf32, #tpu.memory_space<vmem>>, vector<1x16xf32>,
        %get3A_717 = arith.index_cast %add3A_703 : i32 to index
        %get3A_718 = arith.constant 16 : index
        %get3A_719 = tpu.vector_load %arg12[%get3A_717, %get3A_718] {strides = array<i32>} : memref<128x64xf32, #tpu.memory_space<vmem>>, vector<1x16xf32>,
        %get3A_720 = vector.shape_cast %get3A_719 : vector<1x16xf32> to vector<16xf32>
        %mul3A_721 = vector.broadcast %squeeze3A_705 : f32 to vector<16xf32>
        %mul3A_722 = arith.mulf %get3A_720, %mul3A_721 : vector<16xf32>
        %swap3A_723 = arith.index_cast %add3A_703 : i32 to index
        %swap3A_724 = arith.constant 16 : index
        %swap3A_725 = tpu.vector_load %arg14[%swap3A_723, %swap3A_724] {strides = array<i32>} : memref<128x64xf32, #tpu.memory_space<vmem>>, vector<1x16xf32>,
        %swap3A_726 = vector.shape_cast %swap3A_725 : vector<1x16xf32> to vector<16xf32>
        %swap3A_727 = vector.shape_cast %mul3A_722 : vector<16xf32> to vector<1x16xf32>
        tpu.vector_store %arg14[%swap3A_723, %swap3A_724], %swap3A_727 {strides = array<i32>} : memref<128x64xf32, #tpu.memory_space<vmem>>, vector<1x16xf32>,
        %get3A_728 = arith.index_cast %add3A_703 : i32 to index
        %get3A_729 = arith.constant 32 : index
        %get3A_730 = tpu.vector_load %arg12[%get3A_728, %get3A_729] {strides = array<i32>} : memref<128x64xf32, #tpu.memory_space<vmem>>, vector<1x16xf32>,
        %get3A_731 = vector.shape_cast %get3A_730 : vector<1x16xf32> to vector<16xf32>
        %mul3A_732 = vector.broadcast %squeeze3A_705 : f32 to vector<16xf32>
        %mul3A_733 = arith.mulf %get3A_731, %mul3A_732 : vector<16xf32>
        %swap3A_734 = arith.index_cast %add3A_703 : i32 to index
        %swap3A_735 = arith.constant 32 : index
        %swap3A_736 = tpu.vector_load %arg14[%swap3A_734, %swap3A_735] {strides = array<i32>} : memref<128x64xf32, #tpu.memory_space<vmem>>, vector<1x16xf32>,
        %swap3A_737 = vector.shape_cast %swap3A_736 : vector<1x16xf32> to vector<16xf32>
        %swap3A_738 = vector.shape_cast %mul3A_733 : vector<16xf32> to vector<1x16xf32>
        tpu.vector_store %arg14[%swap3A_734, %swap3A_735], %swap3A_738 {strides = array<i32>} : memref<128x64xf32, #tpu.memory_space<vmem>>, vector<1x16xf32>,
        %get3A_739 = arith.index_cast %add3A_703 : i32 to index
        %get3A_740 = arith.constant 48 : index
        %get3A_741 = tpu.vector_load %arg12[%get3A_739, %get3A_740] {strides = array<i32>} : memref<128x64xf32, #tpu.memory_space<vmem>>, vector<1x16xf32>,
        %get3A_742 = vector.shape_cast %get3A_741 : vector<1x16xf32> to vector<16xf32>
        %mul3A_743 = vector.broadcast %squeeze3A_705 : f32 to vector<16xf32>
        %mul3A_744 = arith.mulf %get3A_742, %mul3A_743 : vector<16xf32>
        %swap3A_745 = arith.index_cast %add3A_703 : i32 to index
        %swap3A_746 = arith.constant 48 : index
        %swap3A_747 = tpu.vector_load %arg14[%swap3A_745, %swap3A_746] {strides = array<i32>} : memref<128x64xf32, #tpu.memory_space<vmem>>, vector<1x16xf32>,
        %swap3A_748 = vector.shape_cast %swap3A_747 : vector<1x16xf32> to vector<16xf32>
        %swap3A_749 = vector.shape_cast %mul3A_744 : vector<16xf32> to vector<1x16xf32>
        tpu.vector_store %arg14[%swap3A_745, %swap3A_746], %swap3A_749 {strides = array<i32>} : memref<128x64xf32, #tpu.memory_space<vmem>>, vector<1x16xf32>,
        %mul3A_750 = arith.constant 16 : i32
        %mul3A_751 = arith.muli %scan3A_196, %mul3A_750 : i32
        %add3A_752 = arith.constant 11 : i32
        %add3A_753 = arith.addi %mul3A_751, %add3A_752 : i32
        %slice3A_754 = vector.extract_strided_slice %get3A_202 {offsets = [11], sizes = [1], strides = [1]} : vector<16xf32> to vector<1xf32>
        %squeeze3A_755 = vector.extract %slice3A_754[0] : f32 from vector<1xf32>
        %get3A_756 = arith.index_cast %add3A_753 : i32 to index
        %get3A_757 = arith.constant 0 : index
        %get3A_758 = tpu.vector_load %arg12[%get3A_756, %get3A_757] {strides = array<i32>} : memref<128x64xf32, #tpu.memory_space<vmem>>, vector<1x16xf32>,
        %get3A_759 = vector.shape_cast %get3A_758 : vector<1x16xf32> to vector<16xf32>
        %mul3A_760 = vector.broadcast %squeeze3A_755 : f32 to vector<16xf32>
        %mul3A_761 = arith.mulf %get3A_759, %mul3A_760 : vector<16xf32>
        %swap3A_762 = arith.index_cast %add3A_753 : i32 to index
        %swap3A_763 = arith.constant 0 : index
        %swap3A_764 = tpu.vector_load %arg14[%swap3A_762, %swap3A_763] {strides = array<i32>} : memref<128x64xf32, #tpu.memory_space<vmem>>, vector<1x16xf32>,
        %swap3A_765 = vector.shape_cast %swap3A_764 : vector<1x16xf32> to vector<16xf32>
        %swap3A_766 = vector.shape_cast %mul3A_761 : vector<16xf32> to vector<1x16xf32>
        tpu.vector_store %arg14[%swap3A_762, %swap3A_763], %swap3A_766 {strides = array<i32>} : memref<128x64xf32, #tpu.memory_space<vmem>>, vector<1x16xf32>,
        %get3A_767 = arith.index_cast %add3A_753 : i32 to index
        %get3A_768 = arith.constant 16 : index
        %get3A_769 = tpu.vector_load %arg12[%get3A_767, %get3A_768] {strides = array<i32>} : memref<128x64xf32, #tpu.memory_space<vmem>>, vector<1x16xf32>,
        %get3A_770 = vector.shape_cast %get3A_769 : vector<1x16xf32> to vector<16xf32>
        %mul3A_771 = vector.broadcast %squeeze3A_755 : f32 to vector<16xf32>
        %mul3A_772 = arith.mulf %get3A_770, %mul3A_771 : vector<16xf32>
        %swap3A_773 = arith.index_cast %add3A_753 : i32 to index
        %swap3A_774 = arith.constant 16 : index
        %swap3A_775 = tpu.vector_load %arg14[%swap3A_773, %swap3A_774] {strides = array<i32>} : memref<128x64xf32, #tpu.memory_space<vmem>>, vector<1x16xf32>,
        %swap3A_776 = vector.shape_cast %swap3A_775 : vector<1x16xf32> to vector<16xf32>
        %swap3A_777 = vector.shape_cast %mul3A_772 : vector<16xf32> to vector<1x16xf32>
        tpu.vector_store %arg14[%swap3A_773, %swap3A_774], %swap3A_777 {strides = array<i32>} : memref<128x64xf32, #tpu.memory_space<vmem>>, vector<1x16xf32>,
        %get3A_778 = arith.index_cast %add3A_753 : i32 to index
        %get3A_779 = arith.constant 32 : index
        %get3A_780 = tpu.vector_load %arg12[%get3A_778, %get3A_779] {strides = array<i32>} : memref<128x64xf32, #tpu.memory_space<vmem>>, vector<1x16xf32>,
        %get3A_781 = vector.shape_cast %get3A_780 : vector<1x16xf32> to vector<16xf32>
        %mul3A_782 = vector.broadcast %squeeze3A_755 : f32 to vector<16xf32>
        %mul3A_783 = arith.mulf %get3A_781, %mul3A_782 : vector<16xf32>
        %swap3A_784 = arith.index_cast %add3A_753 : i32 to index
        %swap3A_785 = arith.constant 32 : index
        %swap3A_786 = tpu.vector_load %arg14[%swap3A_784, %swap3A_785] {strides = array<i32>} : memref<128x64xf32, #tpu.memory_space<vmem>>, vector<1x16xf32>,
        %swap3A_787 = vector.shape_cast %swap3A_786 : vector<1x16xf32> to vector<16xf32>
        %swap3A_788 = vector.shape_cast %mul3A_783 : vector<16xf32> to vector<1x16xf32>
        tpu.vector_store %arg14[%swap3A_784, %swap3A_785], %swap3A_788 {strides = array<i32>} : memref<128x64xf32, #tpu.memory_space<vmem>>, vector<1x16xf32>,
        %get3A_789 = arith.index_cast %add3A_753 : i32 to index
        %get3A_790 = arith.constant 48 : index
        %get3A_791 = tpu.vector_load %arg12[%get3A_789, %get3A_790] {strides = array<i32>} : memref<128x64xf32, #tpu.memory_space<vmem>>, vector<1x16xf32>,
        %get3A_792 = vector.shape_cast %get3A_791 : vector<1x16xf32> to vector<16xf32>
        %mul3A_793 = vector.broadcast %squeeze3A_755 : f32 to vector<16xf32>
        %mul3A_794 = arith.mulf %get3A_792, %mul3A_793 : vector<16xf32>
        %swap3A_795 = arith.index_cast %add3A_753 : i32 to index
        %swap3A_796 = arith.constant 48 : index
        %swap3A_797 = tpu.vector_load %arg14[%swap3A_795, %swap3A_796] {strides = array<i32>} : memref<128x64xf32, #tpu.memory_space<vmem>>, vector<1x16xf32>,
        %swap3A_798 = vector.shape_cast %swap3A_797 : vector<1x16xf32> to vector<16xf32>
        %swap3A_799 = vector.shape_cast %mul3A_794 : vector<16xf32> to vector<1x16xf32>
        tpu.vector_store %arg14[%swap3A_795, %swap3A_796], %swap3A_799 {strides = array<i32>} : memref<128x64xf32, #tpu.memory_space<vmem>>, vector<1x16xf32>,
        %mul3A_800 = arith.constant 16 : i32
        %mul3A_801 = arith.muli %scan3A_196, %mul3A_800 : i32
        %add3A_802 = arith.constant 12 : i32
        %add3A_803 = arith.addi %mul3A_801, %add3A_802 : i32
        %slice3A_804 = vector.extract_strided_slice %get3A_202 {offsets = [12], sizes = [1], strides = [1]} : vector<16xf32> to vector<1xf32>
        %squeeze3A_805 = vector.extract %slice3A_804[0] : f32 from vector<1xf32>
        %get3A_806 = arith.index_cast %add3A_803 : i32 to index
        %get3A_807 = arith.constant 0 : index
        %get3A_808 = tpu.vector_load %arg12[%get3A_806, %get3A_807] {strides = array<i32>} : memref<128x64xf32, #tpu.memory_space<vmem>>, vector<1x16xf32>,
        %get3A_809 = vector.shape_cast %get3A_808 : vector<1x16xf32> to vector<16xf32>
        %mul3A_810 = vector.broadcast %squeeze3A_805 : f32 to vector<16xf32>
        %mul3A_811 = arith.mulf %get3A_809, %mul3A_810 : vector<16xf32>
        %swap3A_812 = arith.index_cast %add3A_803 : i32 to index
        %swap3A_813 = arith.constant 0 : index
        %swap3A_814 = tpu.vector_load %arg14[%swap3A_812, %swap3A_813] {strides = array<i32>} : memref<128x64xf32, #tpu.memory_space<vmem>>, vector<1x16xf32>,
        %swap3A_815 = vector.shape_cast %swap3A_814 : vector<1x16xf32> to vector<16xf32>
        %swap3A_816 = vector.shape_cast %mul3A_811 : vector<16xf32> to vector<1x16xf32>
        tpu.vector_store %arg14[%swap3A_812, %swap3A_813], %swap3A_816 {strides = array<i32>} : memref<128x64xf32, #tpu.memory_space<vmem>>, vector<1x16xf32>,
        %get3A_817 = arith.index_cast %add3A_803 : i32 to index
        %get3A_818 = arith.constant 16 : index
        %get3A_819 = tpu.vector_load %arg12[%get3A_817, %get3A_818] {strides = array<i32>} : memref<128x64xf32, #tpu.memory_space<vmem>>, vector<1x16xf32>,
        %get3A_820 = vector.shape_cast %get3A_819 : vector<1x16xf32> to vector<16xf32>
        %mul3A_821 = vector.broadcast %squeeze3A_805 : f32 to vector<16xf32>
        %mul3A_822 = arith.mulf %get3A_820, %mul3A_821 : vector<16xf32>
        %swap3A_823 = arith.index_cast %add3A_803 : i32 to index
        %swap3A_824 = arith.constant 16 : index
        %swap3A_825 = tpu.vector_load %arg14[%swap3A_823, %swap3A_824] {strides = array<i32>} : memref<128x64xf32, #tpu.memory_space<vmem>>, vector<1x16xf32>,
        %swap3A_826 = vector.shape_cast %swap3A_825 : vector<1x16xf32> to vector<16xf32>
        %swap3A_827 = vector.shape_cast %mul3A_822 : vector<16xf32> to vector<1x16xf32>
        tpu.vector_store %arg14[%swap3A_823, %swap3A_824], %swap3A_827 {strides = array<i32>} : memref<128x64xf32, #tpu.memory_space<vmem>>, vector<1x16xf32>,
        %get3A_828 = arith.index_cast %add3A_803 : i32 to index
        %get3A_829 = arith.constant 32 : index
        %get3A_830 = tpu.vector_load %arg12[%get3A_828, %get3A_829] {strides = array<i32>} : memref<128x64xf32, #tpu.memory_space<vmem>>, vector<1x16xf32>,
        %get3A_831 = vector.shape_cast %get3A_830 : vector<1x16xf32> to vector<16xf32>
        %mul3A_832 = vector.broadcast %squeeze3A_805 : f32 to vector<16xf32>
        %mul3A_833 = arith.mulf %get3A_831, %mul3A_832 : vector<16xf32>
        %swap3A_834 = arith.index_cast %add3A_803 : i32 to index
        %swap3A_835 = arith.constant 32 : index
        %swap3A_836 = tpu.vector_load %arg14[%swap3A_834, %swap3A_835] {strides = array<i32>} : memref<128x64xf32, #tpu.memory_space<vmem>>, vector<1x16xf32>,
        %swap3A_837 = vector.shape_cast %swap3A_836 : vector<1x16xf32> to vector<16xf32>
        %swap3A_838 = vector.shape_cast %mul3A_833 : vector<16xf32> to vector<1x16xf32>
        tpu.vector_store %arg14[%swap3A_834, %swap3A_835], %swap3A_838 {strides = array<i32>} : memref<128x64xf32, #tpu.memory_space<vmem>>, vector<1x16xf32>,
        %get3A_839 = arith.index_cast %add3A_803 : i32 to index
        %get3A_840 = arith.constant 48 : index
        %get3A_841 = tpu.vector_load %arg12[%get3A_839, %get3A_840] {strides = array<i32>} : memref<128x64xf32, #tpu.memory_space<vmem>>, vector<1x16xf32>,
        %get3A_842 = vector.shape_cast %get3A_841 : vector<1x16xf32> to vector<16xf32>
        %mul3A_843 = vector.broadcast %squeeze3A_805 : f32 to vector<16xf32>
        %mul3A_844 = arith.mulf %get3A_842, %mul3A_843 : vector<16xf32>
        %swap3A_845 = arith.index_cast %add3A_803 : i32 to index
        %swap3A_846 = arith.constant 48 : index
        %swap3A_847 = tpu.vector_load %arg14[%swap3A_845, %swap3A_846] {strides = array<i32>} : memref<128x64xf32, #tpu.memory_space<vmem>>, vector<1x16xf32>,
        %swap3A_848 = vector.shape_cast %swap3A_847 : vector<1x16xf32> to vector<16xf32>
        %swap3A_849 = vector.shape_cast %mul3A_844 : vector<16xf32> to vector<1x16xf32>
        tpu.vector_store %arg14[%swap3A_845, %swap3A_846], %swap3A_849 {strides = array<i32>} : memref<128x64xf32, #tpu.memory_space<vmem>>, vector<1x16xf32>,
        %mul3A_850 = arith.constant 16 : i32
        %mul3A_851 = arith.muli %scan3A_196, %mul3A_850 : i32
        %add3A_852 = arith.constant 13 : i32
        %add3A_853 = arith.addi %mul3A_851, %add3A_852 : i32
        %slice3A_854 = vector.extract_strided_slice %get3A_202 {offsets = [13], sizes = [1], strides = [1]} : vector<16xf32> to vector<1xf32>
        %squeeze3A_855 = vector.extract %slice3A_854[0] : f32 from vector<1xf32>
        %get3A_856 = arith.index_cast %add3A_853 : i32 to index
        %get3A_857 = arith.constant 0 : index
        %get3A_858 = tpu.vector_load %arg12[%get3A_856, %get3A_857] {strides = array<i32>} : memref<128x64xf32, #tpu.memory_space<vmem>>, vector<1x16xf32>,
        %get3A_859 = vector.shape_cast %get3A_858 : vector<1x16xf32> to vector<16xf32>
        %mul3A_860 = vector.broadcast %squeeze3A_855 : f32 to vector<16xf32>
        %mul3A_861 = arith.mulf %get3A_859, %mul3A_860 : vector<16xf32>
        %swap3A_862 = arith.index_cast %add3A_853 : i32 to index
        %swap3A_863 = arith.constant 0 : index
        %swap3A_864 = tpu.vector_load %arg14[%swap3A_862, %swap3A_863] {strides = array<i32>} : memref<128x64xf32, #tpu.memory_space<vmem>>, vector<1x16xf32>,
        %swap3A_865 = vector.shape_cast %swap3A_864 : vector<1x16xf32> to vector<16xf32>
        %swap3A_866 = vector.shape_cast %mul3A_861 : vector<16xf32> to vector<1x16xf32>
        tpu.vector_store %arg14[%swap3A_862, %swap3A_863], %swap3A_866 {strides = array<i32>} : memref<128x64xf32, #tpu.memory_space<vmem>>, vector<1x16xf32>,
        %get3A_867 = arith.index_cast %add3A_853 : i32 to index
        %get3A_868 = arith.constant 16 : index
        %get3A_869 = tpu.vector_load %arg12[%get3A_867, %get3A_868] {strides = array<i32>} : memref<128x64xf32, #tpu.memory_space<vmem>>, vector<1x16xf32>,
        %get3A_870 = vector.shape_cast %get3A_869 : vector<1x16xf32> to vector<16xf32>
        %mul3A_871 = vector.broadcast %squeeze3A_855 : f32 to vector<16xf32>
        %mul3A_872 = arith.mulf %get3A_870, %mul3A_871 : vector<16xf32>
        %swap3A_873 = arith.index_cast %add3A_853 : i32 to index
        %swap3A_874 = arith.constant 16 : index
        %swap3A_875 = tpu.vector_load %arg14[%swap3A_873, %swap3A_874] {strides = array<i32>} : memref<128x64xf32, #tpu.memory_space<vmem>>, vector<1x16xf32>,
        %swap3A_876 = vector.shape_cast %swap3A_875 : vector<1x16xf32> to vector<16xf32>
        %swap3A_877 = vector.shape_cast %mul3A_872 : vector<16xf32> to vector<1x16xf32>
        tpu.vector_store %arg14[%swap3A_873, %swap3A_874], %swap3A_877 {strides = array<i32>} : memref<128x64xf32, #tpu.memory_space<vmem>>, vector<1x16xf32>,
        %get3A_878 = arith.index_cast %add3A_853 : i32 to index
        %get3A_879 = arith.constant 32 : index
        %get3A_880 = tpu.vector_load %arg12[%get3A_878, %get3A_879] {strides = array<i32>} : memref<128x64xf32, #tpu.memory_space<vmem>>, vector<1x16xf32>,
        %get3A_881 = vector.shape_cast %get3A_880 : vector<1x16xf32> to vector<16xf32>
        %mul3A_882 = vector.broadcast %squeeze3A_855 : f32 to vector<16xf32>
        %mul3A_883 = arith.mulf %get3A_881, %mul3A_882 : vector<16xf32>
        %swap3A_884 = arith.index_cast %add3A_853 : i32 to index
        %swap3A_885 = arith.constant 32 : index
        %swap3A_886 = tpu.vector_load %arg14[%swap3A_884, %swap3A_885] {strides = array<i32>} : memref<128x64xf32, #tpu.memory_space<vmem>>, vector<1x16xf32>,
        %swap3A_887 = vector.shape_cast %swap3A_886 : vector<1x16xf32> to vector<16xf32>
        %swap3A_888 = vector.shape_cast %mul3A_883 : vector<16xf32> to vector<1x16xf32>
        tpu.vector_store %arg14[%swap3A_884, %swap3A_885], %swap3A_888 {strides = array<i32>} : memref<128x64xf32, #tpu.memory_space<vmem>>, vector<1x16xf32>,
        %get3A_889 = arith.index_cast %add3A_853 : i32 to index
        %get3A_890 = arith.constant 48 : index
        %get3A_891 = tpu.vector_load %arg12[%get3A_889, %get3A_890] {strides = array<i32>} : memref<128x64xf32, #tpu.memory_space<vmem>>, vector<1x16xf32>,
        %get3A_892 = vector.shape_cast %get3A_891 : vector<1x16xf32> to vector<16xf32>
        %mul3A_893 = vector.broadcast %squeeze3A_855 : f32 to vector<16xf32>
        %mul3A_894 = arith.mulf %get3A_892, %mul3A_893 : vector<16xf32>
        %swap3A_895 = arith.index_cast %add3A_853 : i32 to index
        %swap3A_896 = arith.constant 48 : index
        %swap3A_897 = tpu.vector_load %arg14[%swap3A_895, %swap3A_896] {strides = array<i32>} : memref<128x64xf32, #tpu.memory_space<vmem>>, vector<1x16xf32>,
        %swap3A_898 = vector.shape_cast %swap3A_897 : vector<1x16xf32> to vector<16xf32>
        %swap3A_899 = vector.shape_cast %mul3A_894 : vector<16xf32> to vector<1x16xf32>
        tpu.vector_store %arg14[%swap3A_895, %swap3A_896], %swap3A_899 {strides = array<i32>} : memref<128x64xf32, #tpu.memory_space<vmem>>, vector<1x16xf32>,
        %mul3A_900 = arith.constant 16 : i32
        %mul3A_901 = arith.muli %scan3A_196, %mul3A_900 : i32
        %add3A_902 = arith.constant 14 : i32
        %add3A_903 = arith.addi %mul3A_901, %add3A_902 : i32
        %slice3A_904 = vector.extract_strided_slice %get3A_202 {offsets = [14], sizes = [1], strides = [1]} : vector<16xf32> to vector<1xf32>
        %squeeze3A_905 = vector.extract %slice3A_904[0] : f32 from vector<1xf32>
        %get3A_906 = arith.index_cast %add3A_903 : i32 to index
        %get3A_907 = arith.constant 0 : index
        %get3A_908 = tpu.vector_load %arg12[%get3A_906, %get3A_907] {strides = array<i32>} : memref<128x64xf32, #tpu.memory_space<vmem>>, vector<1x16xf32>,
        %get3A_909 = vector.shape_cast %get3A_908 : vector<1x16xf32> to vector<16xf32>
        %mul3A_910 = vector.broadcast %squeeze3A_905 : f32 to vector<16xf32>
        %mul3A_911 = arith.mulf %get3A_909, %mul3A_910 : vector<16xf32>
        %swap3A_912 = arith.index_cast %add3A_903 : i32 to index
        %swap3A_913 = arith.constant 0 : index
        %swap3A_914 = tpu.vector_load %arg14[%swap3A_912, %swap3A_913] {strides = array<i32>} : memref<128x64xf32, #tpu.memory_space<vmem>>, vector<1x16xf32>,
        %swap3A_915 = vector.shape_cast %swap3A_914 : vector<1x16xf32> to vector<16xf32>
        %swap3A_916 = vector.shape_cast %mul3A_911 : vector<16xf32> to vector<1x16xf32>
        tpu.vector_store %arg14[%swap3A_912, %swap3A_913], %swap3A_916 {strides = array<i32>} : memref<128x64xf32, #tpu.memory_space<vmem>>, vector<1x16xf32>,
        %get3A_917 = arith.index_cast %add3A_903 : i32 to index
        %get3A_918 = arith.constant 16 : index
        %get3A_919 = tpu.vector_load %arg12[%get3A_917, %get3A_918] {strides = array<i32>} : memref<128x64xf32, #tpu.memory_space<vmem>>, vector<1x16xf32>,
        %get3A_920 = vector.shape_cast %get3A_919 : vector<1x16xf32> to vector<16xf32>
        %mul3A_921 = vector.broadcast %squeeze3A_905 : f32 to vector<16xf32>
        %mul3A_922 = arith.mulf %get3A_920, %mul3A_921 : vector<16xf32>
        %swap3A_923 = arith.index_cast %add3A_903 : i32 to index
        %swap3A_924 = arith.constant 16 : index
        %swap3A_925 = tpu.vector_load %arg14[%swap3A_923, %swap3A_924] {strides = array<i32>} : memref<128x64xf32, #tpu.memory_space<vmem>>, vector<1x16xf32>,
        %swap3A_926 = vector.shape_cast %swap3A_925 : vector<1x16xf32> to vector<16xf32>
        %swap3A_927 = vector.shape_cast %mul3A_922 : vector<16xf32> to vector<1x16xf32>
        tpu.vector_store %arg14[%swap3A_923, %swap3A_924], %swap3A_927 {strides = array<i32>} : memref<128x64xf32, #tpu.memory_space<vmem>>, vector<1x16xf32>,
        %get3A_928 = arith.index_cast %add3A_903 : i32 to index
        %get3A_929 = arith.constant 32 : index
        %get3A_930 = tpu.vector_load %arg12[%get3A_928, %get3A_929] {strides = array<i32>} : memref<128x64xf32, #tpu.memory_space<vmem>>, vector<1x16xf32>,
        %get3A_931 = vector.shape_cast %get3A_930 : vector<1x16xf32> to vector<16xf32>
        %mul3A_932 = vector.broadcast %squeeze3A_905 : f32 to vector<16xf32>
        %mul3A_933 = arith.mulf %get3A_931, %mul3A_932 : vector<16xf32>
        %swap3A_934 = arith.index_cast %add3A_903 : i32 to index
        %swap3A_935 = arith.constant 32 : index
        %swap3A_936 = tpu.vector_load %arg14[%swap3A_934, %swap3A_935] {strides = array<i32>} : memref<128x64xf32, #tpu.memory_space<vmem>>, vector<1x16xf32>,
        %swap3A_937 = vector.shape_cast %swap3A_936 : vector<1x16xf32> to vector<16xf32>
        %swap3A_938 = vector.shape_cast %mul3A_933 : vector<16xf32> to vector<1x16xf32>
        tpu.vector_store %arg14[%swap3A_934, %swap3A_935], %swap3A_938 {strides = array<i32>} : memref<128x64xf32, #tpu.memory_space<vmem>>, vector<1x16xf32>,
        %get3A_939 = arith.index_cast %add3A_903 : i32 to index
        %get3A_940 = arith.constant 48 : index
        %get3A_941 = tpu.vector_load %arg12[%get3A_939, %get3A_940] {strides = array<i32>} : memref<128x64xf32, #tpu.memory_space<vmem>>, vector<1x16xf32>,
        %get3A_942 = vector.shape_cast %get3A_941 : vector<1x16xf32> to vector<16xf32>
        %mul3A_943 = vector.broadcast %squeeze3A_905 : f32 to vector<16xf32>
        %mul3A_944 = arith.mulf %get3A_942, %mul3A_943 : vector<16xf32>
        %swap3A_945 = arith.index_cast %add3A_903 : i32 to index
        %swap3A_946 = arith.constant 48 : index
        %swap3A_947 = tpu.vector_load %arg14[%swap3A_945, %swap3A_946] {strides = array<i32>} : memref<128x64xf32, #tpu.memory_space<vmem>>, vector<1x16xf32>,
        %swap3A_948 = vector.shape_cast %swap3A_947 : vector<1x16xf32> to vector<16xf32>
        %swap3A_949 = vector.shape_cast %mul3A_944 : vector<16xf32> to vector<1x16xf32>
        tpu.vector_store %arg14[%swap3A_945, %swap3A_946], %swap3A_949 {strides = array<i32>} : memref<128x64xf32, #tpu.memory_space<vmem>>, vector<1x16xf32>,
        %mul3A_950 = arith.constant 16 : i32
        %mul3A_951 = arith.muli %scan3A_196, %mul3A_950 : i32
        %add3A_952 = arith.constant 15 : i32
        %add3A_953 = arith.addi %mul3A_951, %add3A_952 : i32
        %slice3A_954 = vector.extract_strided_slice %get3A_202 {offsets = [15], sizes = [1], strides = [1]} : vector<16xf32> to vector<1xf32>
        %squeeze3A_955 = vector.extract %slice3A_954[0] : f32 from vector<1xf32>
        %get3A_956 = arith.index_cast %add3A_953 : i32 to index
        %get3A_957 = arith.constant 0 : index
        %get3A_958 = tpu.vector_load %arg12[%get3A_956, %get3A_957] {strides = array<i32>} : memref<128x64xf32, #tpu.memory_space<vmem>>, vector<1x16xf32>,
        %get3A_959 = vector.shape_cast %get3A_958 : vector<1x16xf32> to vector<16xf32>
        %mul3A_960 = vector.broadcast %squeeze3A_955 : f32 to vector<16xf32>
        %mul3A_961 = arith.mulf %get3A_959, %mul3A_960 : vector<16xf32>
        %swap3A_962 = arith.index_cast %add3A_953 : i32 to index
        %swap3A_963 = arith.constant 0 : index
        %swap3A_964 = tpu.vector_load %arg14[%swap3A_962, %swap3A_963] {strides = array<i32>} : memref<128x64xf32, #tpu.memory_space<vmem>>, vector<1x16xf32>,
        %swap3A_965 = vector.shape_cast %swap3A_964 : vector<1x16xf32> to vector<16xf32>
        %swap3A_966 = vector.shape_cast %mul3A_961 : vector<16xf32> to vector<1x16xf32>
        tpu.vector_store %arg14[%swap3A_962, %swap3A_963], %swap3A_966 {strides = array<i32>} : memref<128x64xf32, #tpu.memory_space<vmem>>, vector<1x16xf32>,
        %get3A_967 = arith.index_cast %add3A_953 : i32 to index
        %get3A_968 = arith.constant 16 : index
        %get3A_969 = tpu.vector_load %arg12[%get3A_967, %get3A_968] {strides = array<i32>} : memref<128x64xf32, #tpu.memory_space<vmem>>, vector<1x16xf32>,
        %get3A_970 = vector.shape_cast %get3A_969 : vector<1x16xf32> to vector<16xf32>
        %mul3A_971 = vector.broadcast %squeeze3A_955 : f32 to vector<16xf32>
        %mul3A_972 = arith.mulf %get3A_970, %mul3A_971 : vector<16xf32>
        %swap3A_973 = arith.index_cast %add3A_953 : i32 to index
        %swap3A_974 = arith.constant 16 : index
        %swap3A_975 = tpu.vector_load %arg14[%swap3A_973, %swap3A_974] {strides = array<i32>} : memref<128x64xf32, #tpu.memory_space<vmem>>, vector<1x16xf32>,
        %swap3A_976 = vector.shape_cast %swap3A_975 : vector<1x16xf32> to vector<16xf32>
        %swap3A_977 = vector.shape_cast %mul3A_972 : vector<16xf32> to vector<1x16xf32>
        tpu.vector_store %arg14[%swap3A_973, %swap3A_974], %swap3A_977 {strides = array<i32>} : memref<128x64xf32, #tpu.memory_space<vmem>>, vector<1x16xf32>,
        %get3A_978 = arith.index_cast %add3A_953 : i32 to index
        %get3A_979 = arith.constant 32 : index
        %get3A_980 = tpu.vector_load %arg12[%get3A_978, %get3A_979] {strides = array<i32>} : memref<128x64xf32, #tpu.memory_space<vmem>>, vector<1x16xf32>,
        %get3A_981 = vector.shape_cast %get3A_980 : vector<1x16xf32> to vector<16xf32>
        %mul3A_982 = vector.broadcast %squeeze3A_955 : f32 to vector<16xf32>
        %mul3A_983 = arith.mulf %get3A_981, %mul3A_982 : vector<16xf32>
        %swap3A_984 = arith.index_cast %add3A_953 : i32 to index
        %swap3A_985 = arith.constant 32 : index
        %swap3A_986 = tpu.vector_load %arg14[%swap3A_984, %swap3A_985] {strides = array<i32>} : memref<128x64xf32, #tpu.memory_space<vmem>>, vector<1x16xf32>,
        %swap3A_987 = vector.shape_cast %swap3A_986 : vector<1x16xf32> to vector<16xf32>
        %swap3A_988 = vector.shape_cast %mul3A_983 : vector<16xf32> to vector<1x16xf32>
        tpu.vector_store %arg14[%swap3A_984, %swap3A_985], %swap3A_988 {strides = array<i32>} : memref<128x64xf32, #tpu.memory_space<vmem>>, vector<1x16xf32>,
        %get3A_989 = arith.index_cast %add3A_953 : i32 to index
        %get3A_990 = arith.constant 48 : index
        %get3A_991 = tpu.vector_load %arg12[%get3A_989, %get3A_990] {strides = array<i32>} : memref<128x64xf32, #tpu.memory_space<vmem>>, vector<1x16xf32>,
        %get3A_992 = vector.shape_cast %get3A_991 : vector<1x16xf32> to vector<16xf32>
        %mul3A_993 = vector.broadcast %squeeze3A_955 : f32 to vector<16xf32>
        %mul3A_994 = arith.mulf %get3A_992, %mul3A_993 : vector<16xf32>
        %swap3A_995 = arith.index_cast %add3A_953 : i32 to index
        %swap3A_996 = arith.constant 48 : index
        %swap3A_997 = tpu.vector_load %arg14[%swap3A_995, %swap3A_996] {strides = array<i32>} : memref<128x64xf32, #tpu.memory_space<vmem>>, vector<1x16xf32>,
        %swap3A_998 = vector.shape_cast %swap3A_997 : vector<1x16xf32> to vector<16xf32>
        %swap3A_999 = vector.shape_cast %mul3A_994 : vector<16xf32> to vector<1x16xf32>
        tpu.vector_store %arg14[%swap3A_995, %swap3A_996], %swap3A_999 {strides = array<i32>} : memref<128x64xf32, #tpu.memory_space<vmem>>, vector<1x16xf32>,
        %scan3A_1000 = arith.constant 0 : i32
        scf.yield %scan3A_1000 : i32
      }
      %scan3A_181 = arith.constant 8 : i32
      %add3A_182 = arith.constant 2 : i32
      %add3A_183 = arith.addi %add3A_163, %add3A_182 : i32
      %lt3A_184 = arith.constant 80 : i32
      %lt3A_185 = arith.cmpi slt, %add3A_183, %lt3A_184 : i32
      %convert_element_type3A_186 = arith.extui %lt3A_185 : i1 to i32
      %cond3A_187 = arith.constant 0 : i32
      %cond3A_188 = arith.cmpi ne, %convert_element_type3A_186, %cond3A_187 : i32
      scf.if %cond3A_188 {
        %add3A_196 = arith.constant 2 : i32
        %add3A_197 = arith.addi %add3A_163, %add3A_196 : i32
        %dma_start3A_198 = arith.constant 0 : i32
        %dma_start3A_199 = tpu.memref_slice %arg8[%add3A_197, %dma_start3A_198] : memref<80x128xi32, #tpu.memory_space<vmem>> -> memref<1x128xi32, #tpu.memory_space<vmem>>
        %dma_start3A_200 = tpu.memref_squeeze %dma_start3A_199 : memref<1x128xi32, #tpu.memory_space<vmem>> -> memref<128xi32, #tpu.memory_space<vmem>>
        %dma_start3A_201 = arith.constant 0 : i32
        %dma_start3A_202 = arith.constant 0 : i32
        %dma_start3A_203 = tpu.memref_slice %arg6[%dma_start3A_201, %dma_start3A_202] : memref<10000x64xf32, #tpu.memory_space<hbm>> -> memref<10000x64xf32, #tpu.memory_space<hbm>>
        tpu.enqueue_indirect_dma source(%dma_start3A_203 : memref<10000x64xf32, #tpu.memory_space<hbm>>) target(%arg12 : memref<128x64xf32, #tpu.memory_space<vmem>>) offsets(%dma_start3A_200 : memref<128xi32, #tpu.memory_space<vmem>>) semaphore(%arg17 : memref<!tpu.dma_semaphore, #tpu.memory_space<semaphore_mem>>)
      } else {
      }
      %dma_start3A_189 = arith.constant 0 : i32
      %dma_start3A_190 = tpu.memref_slice %arg9[%add3A_163, %dma_start3A_189] : memref<80x128xi32, #tpu.memory_space<vmem>> -> memref<1x128xi32, #tpu.memory_space<vmem>>
      %dma_start3A_191 = tpu.memref_squeeze %dma_start3A_190 : memref<1x128xi32, #tpu.memory_space<vmem>> -> memref<128xi32, #tpu.memory_space<vmem>>
      %dma_start3A_192 = arith.constant 0 : i32
      %dma_start3A_193 = arith.constant 0 : i32
      %dma_start3A_194 = tpu.memref_slice %arg15[%dma_start3A_192, %dma_start3A_193] : memref<10000x64xf32, #tpu.memory_space<vmem_shared>> -> memref<10000x64xf32, #tpu.memory_space<vmem_shared>>
      tpu.enqueue_indirect_dma source(%arg14 : memref<128x64xf32, #tpu.memory_space<vmem>>) target(%dma_start3A_194 : memref<10000x64xf32, #tpu.memory_space<vmem_shared>>) offsets(%dma_start3A_191 : memref<128xi32, #tpu.memory_space<vmem>>) semaphore(%arg19 : memref<!tpu.dma_semaphore, #tpu.memory_space<semaphore_mem>>) {add = true}
      %scan3A_195 = arith.constant 0 : i32
      scf.yield %scan3A_195 : i32
    }
    %scan3A_98 = arith.constant 40 : i32
    %dma_wait3A_99 = arith.constant 0 : i32
    %dma_wait3A_100 = arith.constant 0 : i32
    %dma_wait3A_101 = tpu.memref_slice %arg9[%dma_wait3A_99, %dma_wait3A_100] : memref<80x128xi32, #tpu.memory_space<vmem>> -> memref<1x128xi32, #tpu.memory_space<vmem>>
    %dma_wait3A_102 = tpu.memref_squeeze %dma_wait3A_101 : memref<1x128xi32, #tpu.memory_space<vmem>> -> memref<128xi32, #tpu.memory_space<vmem>>
    %dma_wait3A_103 = arith.constant 0 : i32
    %dma_wait3A_104 = arith.constant 0 : i32
    %dma_wait3A_105 = tpu.memref_slice %arg15[%dma_wait3A_103, %dma_wait3A_104] : memref<10000x64xf32, #tpu.memory_space<vmem_shared>> -> memref<10000x64xf32, #tpu.memory_space<vmem_shared>>
    tpu.wait_indirect_dma semaphore(%arg18 : memref<!tpu.dma_semaphore, #tpu.memory_space<semaphore_mem>>) src(%arg13 : memref<128x64xf32, #tpu.memory_space<vmem>>) dst(%dma_wait3A_105 : memref<10000x64xf32, #tpu.memory_space<vmem_shared>>)
    %dma_wait3A_106 = arith.constant 0 : i32
    %dma_wait3A_107 = arith.constant 0 : i32
    %dma_wait3A_108 = tpu.memref_slice %arg9[%dma_wait3A_106, %dma_wait3A_107] : memref<80x128xi32, #tpu.memory_space<vmem>> -> memref<1x128xi32, #tpu.memory_space<vmem>>
    %dma_wait3A_109 = tpu.memref_squeeze %dma_wait3A_108 : memref<1x128xi32, #tpu.memory_space<vmem>> -> memref<128xi32, #tpu.memory_space<vmem>>
    %dma_wait3A_110 = arith.constant 0 : i32
    %dma_wait3A_111 = arith.constant 0 : i32
    %dma_wait3A_112 = tpu.memref_slice %arg15[%dma_wait3A_110, %dma_wait3A_111] : memref<10000x64xf32, #tpu.memory_space<vmem_shared>> -> memref<10000x64xf32, #tpu.memory_space<vmem_shared>>
    tpu.wait_indirect_dma semaphore(%arg19 : memref<!tpu.dma_semaphore, #tpu.memory_space<semaphore_mem>>) src(%arg14 : memref<128x64xf32, #tpu.memory_space<vmem>>) dst(%dma_wait3A_112 : memref<10000x64xf32, #tpu.memory_space<vmem_shared>>)
    %barrier3A_113 = arith.constant 0 : index
    tpu.barrier barrier_id(%barrier3A_113)
    %lt3A_114 = arith.constant 15 : i32
    %lt3A_115 = arith.cmpi slt, %arg1, %lt3A_114 : i32
    %convert_element_type3A_116 = arith.extui %lt3A_115 : i1 to i32
    %cond3A_117 = arith.constant 0 : i32
    %cond3A_118 = arith.cmpi ne, %convert_element_type3A_116, %cond3A_117 : i32
    scf.if %cond3A_118 {
      %run_scoped3A = arith.constant 1 : i32
      "tpu.region"() ({
        %run_scoped3A_124 = tpu.sem_alloc : memref<!tpu.dma_semaphore, #tpu.memory_space<semaphore_mem>>
        %dma_start3A_125 = arith.constant 0 : i32
        %dma_start3A_126 = tpu.memref_slice %arg7[%arg0, %run_scoped3A, %mul3A_2, %dma_start3A_125] : memref<2x2x10000x64xf32, #tpu.memory_space<hbm>> -> memref<1x1x632x64xf32, #tpu.memory_space<hbm>>
        %dma_start3A_127 = tpu.memref_squeeze %dma_start3A_126 : memref<1x1x632x64xf32, #tpu.memory_space<hbm>> -> memref<632x64xf32, #tpu.memory_space<hbm>>
        %dma_start3A_128 = arith.constant 0 : i32
        %dma_start3A_129 = tpu.memref_slice %arg15[%mul3A_2, %dma_start3A_128] : memref<10000x64xf32, #tpu.memory_space<vmem_shared>> -> memref<632x64xf32, #tpu.memory_space<vmem_shared>>
        tpu.enqueue_dma source(%dma_start3A_129 : memref<632x64xf32, #tpu.memory_space<vmem_shared>>) target(%dma_start3A_127 : memref<632x64xf32, #tpu.memory_space<hbm>>) target_semaphore(%run_scoped3A_124 : memref<!tpu.dma_semaphore, #tpu.memory_space<semaphore_mem>>)
        %dma_wait3A_130 = arith.constant 0 : i32
        %dma_wait3A_131 = tpu.memref_slice %arg7[%arg0, %run_scoped3A, %mul3A_2, %dma_wait3A_130] : memref<2x2x10000x64xf32, #tpu.memory_space<hbm>> -> memref<1x1x632x64xf32, #tpu.memory_space<hbm>>
        %dma_wait3A_132 = tpu.memref_squeeze %dma_wait3A_131 : memref<1x1x632x64xf32, #tpu.memory_space<hbm>> -> memref<632x64xf32, #tpu.memory_space<hbm>>
        %dma_wait3A_133 = arith.constant 0 : i32
        %dma_wait3A_134 = tpu.memref_slice %arg15[%mul3A_2, %dma_wait3A_133] : memref<10000x64xf32, #tpu.memory_space<vmem_shared>> -> memref<632x64xf32, #tpu.memory_space<vmem_shared>>
        tpu.wait_dma2 semaphore(%run_scoped3A_124 : memref<!tpu.dma_semaphore, #tpu.memory_space<semaphore_mem>>) src(%dma_wait3A_134 : memref<632x64xf32, #tpu.memory_space<vmem_shared>>) dst(%dma_wait3A_132 : memref<632x64xf32, #tpu.memory_space<hbm>>)
        tpu.yield
      }) : () -> ()
    } else {
    }
    %eq3A_119 = arith.constant 15 : i32
    %eq3A_120 = arith.cmpi eq, %arg1, %eq3A_119 : i32
    %convert_element_type3A_121 = arith.extui %eq3A_120 : i1 to i32
    %cond3A_122 = arith.constant 0 : i32
    %cond3A_123 = arith.cmpi ne, %convert_element_type3A_121, %cond3A_122 : i32
    scf.if %cond3A_123 {
      %run_scoped3A = arith.constant 1 : i32
      "tpu.region"() ({
        %run_scoped3A_124 = tpu.sem_alloc : memref<!tpu.dma_semaphore, #tpu.memory_space<semaphore_mem>>
        %dma_start3A_125 = arith.constant 0 : i32
        %dma_start3A_126 = tpu.memref_slice %arg7[%arg0, %run_scoped3A, %mul3A_2, %dma_start3A_125] : memref<2x2x10000x64xf32, #tpu.memory_space<hbm>> -> memref<1x1x520x64xf32, #tpu.memory_space<hbm>>
        %dma_start3A_127 = tpu.memref_squeeze %dma_start3A_126 : memref<1x1x520x64xf32, #tpu.memory_space<hbm>> -> memref<520x64xf32, #tpu.memory_space<hbm>>
        %dma_start3A_128 = arith.constant 0 : i32
        %dma_start3A_129 = tpu.memref_slice %arg15[%mul3A_2, %dma_start3A_128] : memref<10000x64xf32, #tpu.memory_space<vmem_shared>> -> memref<520x64xf32, #tpu.memory_space<vmem_shared>>
        tpu.enqueue_dma source(%dma_start3A_129 : memref<520x64xf32, #tpu.memory_space<vmem_shared>>) target(%dma_start3A_127 : memref<520x64xf32, #tpu.memory_space<hbm>>) target_semaphore(%run_scoped3A_124 : memref<!tpu.dma_semaphore, #tpu.memory_space<semaphore_mem>>)
        %dma_wait3A_130 = arith.constant 0 : i32
        %dma_wait3A_131 = tpu.memref_slice %arg7[%arg0, %run_scoped3A, %mul3A_2, %dma_wait3A_130] : memref<2x2x10000x64xf32, #tpu.memory_space<hbm>> -> memref<1x1x520x64xf32, #tpu.memory_space<hbm>>
        %dma_wait3A_132 = tpu.memref_squeeze %dma_wait3A_131 : memref<1x1x520x64xf32, #tpu.memory_space<hbm>> -> memref<520x64xf32, #tpu.memory_space<hbm>>
        %dma_wait3A_133 = arith.constant 0 : i32
        %dma_wait3A_134 = tpu.memref_slice %arg15[%mul3A_2, %dma_wait3A_133] : memref<10000x64xf32, #tpu.memory_space<vmem_shared>> -> memref<520x64xf32, #tpu.memory_space<vmem_shared>>
        tpu.wait_dma2 semaphore(%run_scoped3A_124 : memref<!tpu.dma_semaphore, #tpu.memory_space<semaphore_mem>>) src(%dma_wait3A_134 : memref<520x64xf32, #tpu.memory_space<vmem_shared>>) dst(%dma_wait3A_132 : memref<520x64xf32, #tpu.memory_space<hbm>>)
        tpu.yield
      }) : () -> ()
    } else {
    }
    return
  }
}

module attributes {stable_mosaic.version = 14 : i64} {
  func.func @_tc_body(%arg0: i32, %arg1: memref<2x2x1000x64xf32, #tpu.memory_space<vmem>>, %arg2: memref<128x128xf32, #tpu.memory_space<vmem>>, %arg3: memref<1000x128xf32, #tpu.memory_space<vmem>>) attributes {dimension_semantics = [#tpu.dimension_semantics<arbitrary>], iteration_bounds = array<i64: 10>, scalar_prefetch = 0 : i64, scratch_operands = 0 : i64, tpu.core_type = #tpu.core_type<tc>, window_params = [{transform_indices = @transform_0, window_bounds = array<i64: 2, 2, 1000, 64>}, {pipeline_mode = #tpu.pipeline_mode<synchronous>, transform_indices = @transform_1, window_bounds = array<i64: 128, 128>}, {transform_indices = @transform_2, window_bounds = array<i64: 1000, 128>}]} {
    %get3A = arith.constant 0 : index
    %get3A_0 = arith.constant 0 : index
    %get3A_1 = arith.constant 0 : index
    %get3A_2 = arith.constant 0 : index
    %get3A_3 = vector.load %arg1[%get3A, %get3A_0, %get3A_1, %get3A_2] : memref<2x2x1000x64xf32, #tpu.memory_space<vmem>>, vector<1x1x1000x64xf32>
    %get3A_4 = vector.shape_cast %get3A_3 : vector<1x1x1000x64xf32> to vector<1000x64xf32>
    %get3A_5 = arith.constant 1 : index
    %get3A_6 = arith.constant 0 : index
    %get3A_7 = arith.constant 0 : index
    %get3A_8 = arith.constant 0 : index
    %get3A_9 = vector.load %arg1[%get3A_5, %get3A_6, %get3A_7, %get3A_8] : memref<2x2x1000x64xf32, #tpu.memory_space<vmem>>, vector<1x1x1000x64xf32>
    %get3A_10 = vector.shape_cast %get3A_9 : vector<1x1x1000x64xf32> to vector<1000x64xf32>
    %add3A = arith.addf %get3A_4, %get3A_10 : vector<1000x64xf32>
    %get3A_11 = arith.constant 0 : index
    %get3A_12 = arith.constant 1 : index
    %get3A_13 = arith.constant 0 : index
    %get3A_14 = arith.constant 0 : index
    %get3A_15 = vector.load %arg1[%get3A_11, %get3A_12, %get3A_13, %get3A_14] : memref<2x2x1000x64xf32, #tpu.memory_space<vmem>>, vector<1x1x1000x64xf32>
    %get3A_16 = vector.shape_cast %get3A_15 : vector<1x1x1000x64xf32> to vector<1000x64xf32>
    %get3A_17 = arith.constant 1 : index
    %get3A_18 = arith.constant 1 : index
    %get3A_19 = arith.constant 0 : index
    %get3A_20 = arith.constant 0 : index
    %get3A_21 = vector.load %arg1[%get3A_17, %get3A_18, %get3A_19, %get3A_20] : memref<2x2x1000x64xf32, #tpu.memory_space<vmem>>, vector<1x1x1000x64xf32>
    %get3A_22 = vector.shape_cast %get3A_21 : vector<1x1x1000x64xf32> to vector<1000x64xf32>
    %add3A_23 = arith.addf %get3A_16, %get3A_22 : vector<1000x64xf32>
    %concatenate3A = tpu.concatenate %add3A, %add3A_23 in 1 : vector<1000x64xf32>, vector<1000x64xf32> -> vector<1000x128xf32>
    %get3A_24 = arith.constant 0 : index
    %get3A_25 = arith.constant 0 : index
    %get3A_26 = vector.load %arg2[%get3A_24, %get3A_25] : memref<128x128xf32, #tpu.memory_space<vmem>>, vector<128x128xf32>
    %dot_general3A = arith.constant dense<0.000000e+00> : vector<1000x128xf32>
    %dot_general3A_27 = tpu.matmul %concatenate3A, %get3A_26, %dot_general3A {dimension_numbers = #tpu.dot_dimension_numbers<[1], [0], [0], [1], [0, 0, 1, 1], [], []>, transpose_lhs_hint = false} : vector<1000x128xf32>, vector<128x128xf32>, vector<1000x128xf32> -> vector<1000x128xf32>
    %swap3A = arith.constant 0 : index
    %swap3A_28 = arith.constant 0 : index
    %swap3A_29 = vector.load %arg3[%swap3A, %swap3A_28] : memref<1000x128xf32, #tpu.memory_space<vmem>>, vector<1000x128xf32>
    tpu.vector_store %arg3[%swap3A, %swap3A_28], %dot_general3A_27 {strides = array<i32>} : memref<1000x128xf32, #tpu.memory_space<vmem>>, vector<1000x128xf32>,
    return
  }
  func.func @transform_0(%arg0: i32) -> (i32, i32, i32, i32) {
    %c0_i32 = arith.constant 0 : i32
    %c0_i32_0 = arith.constant 0 : i32
    %c0_i32_1 = arith.constant 0 : i32
    %c0_i32_2 = arith.constant 0 : i32
    return %c0_i32, %c0_i32_0, %arg0, %c0_i32_1 : i32, i32, i32, i32
  }
  func.func @transform_1(%arg0: i32) -> (i32, i32) {
    %c0_i32 = arith.constant 0 : i32
    %c0_i32_0 = arith.constant 0 : i32
    %c0_i32_1 = arith.constant 0 : i32
    return %c0_i32, %c0_i32_0 : i32, i32
  }
  func.func @transform_2(%arg0: i32) -> (i32, i32) {
    %c0_i32 = arith.constant 0 : i32
    %c0_i32_0 = arith.constant 0 : i32
    return %arg0, %c0_i32 : i32, i32
  }
}

</mosaic_0001>

<sc_bundles>
// kernel: kernel.4.cloned.1.call-start
scs
__scs_entry_jumppad:
0x0: {  	(pc) =	sbr.rel $0x88, $3  }
0x1: {  	(tag) =	ssettag $0x0;
	lr =	simm.s32 $0x1  }
0x2: {  	[smem:$0x3F9D] =	sst lr;
	_ =	strace $0xD0000000  }
0x3: {  	_ = 	snop  }
0x4: {  	_ = 	snop  }
0x5: {  	_ = 	snop  }
0x6: {  	_ = 	snop  }
0x7: {  	_ = 	snop  }
__scs_overlays_trampoline_lowered:
0x8: {  	[smem:$0x3FAC] =	sst s0  }
0x9: {  	[smem:$0x3FAD] =	sst s1  }
0xa: {  	[smem:$0x3FAE] =	sst s2  }
0xb: {  	[smem:$0x3FAF] =	sst s3  }
0xc: {  	[smem:$0x3FB0] =	sst s4  }
0xd: {  	[smem:$0x3FB1] =	sst s5  }
0xe: {  	[smem:$0x3FB2] =	sst s6  }
0xf: {  	[smem:$0x3FB3] =	sst s7  }
0x10: {  	[smem:$0x3FB4] =	sst s8  }
0x11: {  	[smem:$0x3FB5] =	sst s9;
	s0 =	simm.s32 @!p0 $0x0  }
0x12: {  	s1 =	sld [smem:$0x3F9B];
	s0 =	simm.s32 @p0 $0x1  }
0x13: {  	[smem:$0x3FB6] =	sst s0;
	s0 =	simm.s32 @!p1 $0x0  }
0x14: {  	s2 =	sld [smem:$0x3F9A];
	s0 =	simm.s32 @p1 $0x1  }
0x15: {  	[smem:$0x3FB7] =	sst s0;
	s0 =	simm.s32 @!p2 $0x0  }
0x16: {  	s3 =	sld [smem:$0x3FDB];
	s0 =	simm.s32 @p2 $0x1  }
0x17: {  	s4 =	simm.s32 $0x1BF5;
	[smem:$0x3FB9] =	sst s0  }
0x18: {  	s0 =	sld [smem:$0x3F9C];
	_ =	swait.ge [sflag:s4], $0x0  }
0x19: {  	s7 =	sld [smem:$0x3F9D]  }
0x1a: {  	s8 =	sadd.s32 $0xFFFFE003, lr  }
0x1b: {  	s9 =	sadd.s32 $0xFFFFFEF7, lr;
	s5 =	simm.s32 $0xFFFFFFFF;
	p2 =	slt.u32 s8, $0xFFFFF086  }
0x1c: {  	p1 =	slt.u32 s9, $0xF7A;
	s5 =	simm.s32 @!p2 $0x0  }
0x1d: {  	s5 =	simm.s32 @p1 $0x1;
	p0 =	seq.s32 s7, s2  }
0x1e: {  	s7 =	smul.u32 @!p0 $0xF7A, s2;
	p2 =	seq.s32 @!p0 s5, $0x0  }
0x1f: {  	s9 =	smul.u32 $0xF7A, s1;
	s8 =	simm.s32 @!p0 $0x1BF5;
	p2 =	por !p2, p0  }
0x20: {  	[sflag:s8] =	ssyncset.s32 @!p0 $0xFFFFF086;
	s6 =	sadd.s32 @!p0 s3, s7;
	s7 =	simm.s32 @!p0 $0x108  }
0x21: {  	s3 =	sadd.s32 s3, s9;
	s6 =	sadd.s32 @!p0 $0x88, s6;
	s7 =	simm.s32 @p2 $0x1082  }
0x22: {  	[simem:s7], [sflag:s8] =	dma.local @!p0 [hbm:s6], $0xF7A  }
0x23: {  	s9 =	sor.u32 $0xD0000000, s2;
	s6 =	simm.s32 $0x108;
	_ =	swait.ge @!p0 [sflag:s8], $0x0  }
0x24: {  	s3 =	sadd.s32 $0x88, s3;
	s6 =	simm.s32 @!p1 $0x1082;
	[sflag:s4] =	ssyncset.s32 $0xFFFFF086  }
0x25: {  	[simem:s6], [sflag:s4] =	dma.local [hbm:s3], $0xF7A  }
0x26: {  	[smem:$0x3F9D] =	sst s1;
	(tag) =	ssettag s2;
	_ =	strace s9  }
0x27: {  	s1 =	sld [smem:$0x3FAD]  }
0x28: {  	s2 =	sld [smem:$0x3FAE]  }
0x29: {  	s4 =	sld [smem:$0x3FB0]  }
0x2a: {  	p0 =	seq.s32 s5, $0x0;
	s5 =	sld [smem:$0x3FB1]  }
0x2b: {  	s6 =	sld [smem:$0x3FB2]  }
0x2c: {  	s7 =	sld [smem:$0x3FB3]  }
0x2d: {  	s3 =	simm.s32 $0x108;
	s8 =	sld [smem:$0x3FB4]  }
0x2e: {  	s3 =	simm.s32 @!p0 $0x1082;
	s9 =	sld [smem:$0x3FB5]  }
0x2f: {  	lr =	sadd.s32 s0, s3;
	s0 =	sld [smem:$0x3FAC]  }
0x30: {  	s3 =	sld [smem:$0x3FAF]  }
0x31: {  	[smem:$0x3FB8] =	sst s10  }
0x32: {  	s10 =	sld [smem:$0x3FB6];
	_ =	sdelay $0x3  }
0x33: {  	p0 =	seq.s32 s10, $0x1;
	s10 =	sld [smem:$0x3FB8];
	_ =	sdelay $0x3  }
0x34: {  	[smem:$0x3FB8] =	sst s10  }
0x35: {  	s10 =	sld [smem:$0x3FB7];
	_ =	sdelay $0x3  }
0x36: {  	p1 =	seq.s32 s10, $0x1;
	s10 =	sld [smem:$0x3FB8];
	_ =	sdelay $0x3  }
0x37: {  	[smem:$0x3FB8] =	sst s10  }
0x38: {  	s10 =	sld [smem:$0x3FB9]  }
0x39: {  	_ = 	snop;
	(pc) =	sbr.ind lr, $3  }
0x3a: {  	_ = 	snop  }
0x3b: {  	_ = 	snop  }
0x3c: {  	p2 =	seq.s32 s10, $0x1;
	s10 =	sld [smem:$0x3FB8]  }
0x3d: {  	_ =	shalt  }
0x3e: {  	_ =	shalt  }
0x3f: {  	_ =	shalt  }
0x40: {  	_ =	shalt  }
0x41: {  	_ =	shalt  }
0x42: {  	_ =	shalt  }
0x43: {  	_ =	shalt  }
0x44: {  	_ =	shalt  }
0x45: {  	_ =	shalt  }
0x46: {  	_ =	shalt  }
0x47: {  	_ =	shalt  }
0x48: {  	_ =	shalt  }
0x49: {  	_ =	shalt  }
0x4a: {  	_ =	shalt  }
0x4b: {  	_ =	shalt  }
0x4c: {  	_ =	shalt  }
0x4d: {  	_ =	shalt  }
0x4e: {  	_ =	shalt  }
0x4f: {  	_ =	shalt  }
0x50: {  	_ =	shalt  }
0x51: {  	_ =	shalt  }
0x52: {  	_ =	shalt  }
0x53: {  	_ =	shalt  }
0x54: {  	_ =	shalt  }
0x55: {  	_ =	shalt  }
0x56: {  	_ =	shalt  }
0x57: {  	_ =	shalt  }
0x58: {  	_ =	shalt  }
0x59: {  	_ =	shalt  }
0x5a: {  	_ =	shalt  }
0x5b: {  	_ =	shalt  }
0x5c: {  	_ =	shalt  }
0x5d: {  	_ =	shalt  }
0x5e: {  	_ =	shalt  }
0x5f: {  	_ =	shalt  }
0x60: {  	_ =	shalt  }
0x61: {  	_ =	shalt  }
0x62: {  	_ =	shalt  }
0x63: {  	_ =	shalt  }
0x64: {  	_ =	shalt  }
0x65: {  	_ =	shalt  }
0x66: {  	_ =	shalt  }
0x67: {  	_ =	shalt  }
0x68: {  	_ =	shalt  }
0x69: {  	_ =	shalt  }
0x6a: {  	_ =	shalt  }
0x6b: {  	_ =	shalt  }
0x6c: {  	_ =	shalt  }
0x6d: {  	_ =	shalt  }
0x6e: {  	_ =	shalt  }
0x6f: {  	_ =	shalt  }
0x70: {  	_ =	shalt  }
0x71: {  	_ =	shalt  }
0x72: {  	_ =	shalt  }
0x73: {  	_ =	shalt  }
0x74: {  	_ =	shalt  }
0x75: {  	_ =	shalt  }
0x76: {  	_ =	shalt  }
0x77: {  	_ =	shalt  }
0x78: {  	_ =	shalt  }
0x79: {  	_ =	shalt  }
0x7a: {  	_ =	shalt  }
0x7b: {  	_ =	shalt  }
0x7c: {  	_ =	shalt  }
0x7d: {  	_ =	shalt  }
0x7e: {  	_ =	shalt  }
0x7f: {  	_ =	shalt  }
0x80: {  	_ =	shalt  }
0x81: {  	_ =	shalt  }
0x82: {  	_ =	shalt  }
0x83: {  	_ =	shalt  }
0x84: {  	_ =	shalt  }
0x85: {  	_ =	shalt  }
0x86: {  	_ =	shalt  }
0x87: {  	_ =	shalt  }
.Lfunc_end0:
.L_simem_size_0:
called_computation_lowered:
.L_overlay_start_0:
0x88: {  	s2 =	sld [smem:$0x3FD9]  }
0x89: {  	s3 =	sld [smem:$0x3FFE];
	_ =	sdelay $0x1  }
0x8a: {  	s1 =	srdreg.scid  }
0x8b: {  	s0 =	sand.u32 $0x1, s1  }
0x8c: {  	s17 =	sshll.u32 s0, $0xA;
	s2 =	sadd.s32 s3, s2  }
0x8d: {  	s2 =	sadd.s32 s2, s17  }
0x8e: {  	[smem:$0x3FC4] =	sst s2  }
0x8f: {  	_ = 	snop  }
0x90: {  	s2 =	sld [smem:$0x3FD0];
	(tm) =	ssettm $0x1  }
0x91: {  	s18 =	sld [smem:$0x3FFB];
	_ =	sdelay $0x3  }
0x92: {  	_ =	strace s18  }
0x93: {  	s3 =	sld [smem:$0x3FFC];
	_ =	sdelay $0x3  }
0x94: {  	_ =	strace s3  }
0x95: {  	s3 =	sld [smem:$0x3FFD];
	_ =	sdelay $0x3  }
0x96: {  	_ =	strace s3  }
0x97: {  	_ =	strace $0x8FFFFFFF  }
0x98: {  	s19 =	sld [smem:$0x3FDB];
	_ =	sdelay $0x1  }
0x99: {  	s4 =	simm.s32 $_scs_section_size  }
0x9a: {  	s5 =	simm.s32 $_size__tile_overlayer_lowered;
	s6 =	simm.s32 $_tile_overlayer_lowered  }
0x9b: {  	s22 =	simm.s32 $0x1BFF;
	s21 =	sshll.u32 s6, $0x1;
	s3 =	sadd.s32 s4, s19  }
0x9c: {  	s7 =	simm.s32 $0x0;
	s20 =	sshll.u32 s5, $0x1;
	s5 =	sadd.s32 s21, s3  }
0x9d: {  	[timem:s7], [sflag:s22] =	dma.local [hbm:s5], s20  }
0x9e: {  	_ =	swait.ge [sflag:s22], s20  }
0x9f: {  	s4 =	ssub.s32 $0x0, s20;
	[sflag:s22] =	ssyncset.done $0x0  }
0xa0: {  	[sflag:s22] =	ssyncadd.s32 s4;
	_ =	sdelay $0x1  }
0xa1: {  	s23 =	simm.s32 $0x1B8B  }
0xa2: {  	_ =	swait.ge [sflag:s23], $0x1  }
0xa3: {  	[sflag:s23] =	ssyncset.done $0x0  }
0xa4: {  	s25 =	simm.s32 $0x1B8E;
	s24 =	sld [smem:$0x3FFE];
	[sflag:s23] =	ssyncadd.s32 $0xFFFFFFFF  }
0xa5: {  	s26 =	simm.s32 $execute0_lowered;
	[smem:$0x3FD2] =	sst s25  }
0xa6: {  	s5 =	sshll.u32 s26, $0x1;
	_ =	strace $0x80000046;
	[dreg:$0x1] =	wrdreg $0xFFFFFFFF  }
0xa7: {  	s28 =	simm.s32 $_size_execute0_lowered;
	s3 =	sadd.s32 s3, s5;
	[dreg:$0x0] =	wrdreg $0x0  }
0xa8: {  	s5 =	sshll.u32 s28, $0x1;
	[dreg:$0x2] =	wrdreg s3  }
0xa9: {  	[dreg:$0x3] =	wrdreg s5  }
0xaa: {  	[dreg:$0x4] =	wrdreg $0xC0  }
0xab: {  	_ =	task [dreg:s7], $0x5FFFF  }
0xac: {  	[dreg:$0x1] =	wrdreg $0xFFFFFFFF  }
0xad: {  	[dreg:$0x0] =	wrdreg $0x60  }
0xae: {  	[dreg:$0x2] =	wrdreg s24  }
0xaf: {  	[dreg:$0x3] =	wrdreg s2  }
0xb0: {  	[dreg:$0x4] =	wrdreg $0xF8000  }
0xb1: {  	[dreg:$0x5] =	wrdreg $0x9  }
0xb2: {  	_ =	task.clear_ibuf [dreg:s7], $0x6FFFF;
	_ =	strace $0x90000046  }
0xb3: {  	s29 =	simm.s32 $0x9;
	_ =	strace $0x80000048  }
0xb4: {  	_ =	swait.ge [sflag:s29], $0x1  }
0xb5: {  	[sflag:s29] =	ssyncadd.s32 $0xFFFFFFFF  }
0xb6: {  	_ =	strace $0x90000048  }
0xb7: {  	_ =	sfence  }
0xb8: {  	s30 =	sld [smem:$0x0];
	_ =	sdelay $0x2  }
0xb9: {  	s31 =	sshll.u32 s1, $0xD;
	s1 =	sshrl.u32 s1, $0x2  }
0xba: {  	s3 =	sand.u32 $0x4000, s31;
	s1 =	sadd.s32 s1, s30  }
0xbb: {  	s0 =	sor.u32 s3, s0;
	s1 =	sshll.u32 s1, $0x11  }
0xbc: {  	s0 =	sor.u32 s1, s0  }
0xbd: {  	s0 =	sadd.s32 $0x8F2B, s0  }
0xbe: {  	[sflag:s0] =	ssyncadd.remote.s32 $0x1  }
0xbf: {  	_ =	sfence.sel $0xFFFF  }
0xc0: {  	[dreg:$0x0] =	wrdreg $0xFFFFFFFF;
	(pc) =	sbr.abs _section_cstart, $3  }
0xc1: {  	[dreg:$0x1] =	wrdreg $0xFFFFFFFF  }
0xc2: {  	_ =	task.clear_ibuf [dreg:s7], $0x2FFFF;
	_ =	strace $0x9FFFFFFF  }
0xc3: {  	(tm) =	ssettm $0x7FFFFFFF  }
tec
execute0_lowered:
.L_overlay_start_1:
0x0: {  	(tag) =	ssettag $0x1  }
0x1: {  	s0 =	rddreg [dreg:$0x0]  }
0x2: {  	s1 =	srdreg.scid;
	s2 =	rddreg [dreg:$0x1]  }
0x3: {  	s3 =	rddreg [dreg:$0x2];
	s9 =	stileid.u32;
	s5 =	simm.s32 $0x0  }
0x4: {  	s29 =	simm.s32 $0x80;
	s31 =	simm.s32 $0x9800;
	s28 =	simm.s32 $0x2  }
0x5: {  	s1 =	sand.u32 $0x1, s1;
	[smem:$0x7FF] =	sst s5;
	s7 =	smul.u32 $0x27800, s9  }
0x6: {  	s5 =	sadd.s32 $0x600, s0;
	s22 =	smul.u32 $0x9E00, s9;
	s15 =	sadd.s32 $0x96200, s3  }
0x7: {  	s16 =	sadd.s32 $0x98200, s3;
	s14 =	sadd.s32 $0x9A200, s3;
	s10 =	sadd.s32 $0x9C200, s3  }
0x8: {  	p0 =	seq.s32 s9, $0xF;
	s4 =	sshll.u32 s1, $0x4;
	_ =	strace $0x80000047  }
0x9: {  	s6 =	ssub.s32 $0x2, s1;
	s1 =	smul.u32 $0x138800, s1;
	[dreg:$0x8] =	wrdreg s10  }
0xa: {  	s4 =	sor.u32 s9, s4;
	s8 =	sshrl.u32 s6, $0x1;
	s7 =	sshrl.u32 s7, $0x2  }
0xb: {  	s4 =	smul.u32 $0x500, s4;
	s6 =	ssub.s32 s6, s8;
	s17 =	sadd.s32 s7, s3  }
0xc: {  	s8 =	sadd.s32 $0x94200, s3;
	s25 =	sadd.s32 s22, s1;
	s7 =	sadd.s32 $0x8000, s17  }
0xd: {  	s30 =	smax.u32 s6, $0x1;
	s4 =	sadd.s32 s4, s0;
	[dreg:$0x7] =	wrdreg s7  }
0xe: {  	s1 =	sshrl.u32 s1, $0x3;
	[dreg:$0xe] =	wrdreg s30;
	s20 =	sadd.s32 $0x28000, s4  }
0xf: {  	s0 =	sadd.s32 $0x32000, s0;
	s21 =	sadd.s32 $0x1E000, s4;
	[dreg:$0x4] =	wrdreg s20  }
0x10: {  	s7 =	sshrl.u32 s25, $0x3;
	s4 =	sadd.s32 $0x14000, s4;
	[dreg:$0x5] =	wrdreg s21  }
0x11: {  	s13 =	sadd.s32 $0x2000, s17;
	s7 =	sadd.s32 s0, s7;
	[dreg:$0x6] =	wrdreg s4  }
0x12: {  	s0 =	sadd.s32 s0, s1;
	s4 =	sadd.s32 s22, s3;
	[dreg:$0x9] =	wrdreg s7  }
.Ltmp0:
0x13: {  	s1 =	sadd.s32 $0x12840, s0;
	[dreg:$0xa] =	wrdreg s4;
	(pc) =	sbr.rel .LBB2_1-.Ltmp0, $4  }
0x14: {  	s23 =	sadd.s32 $0x4000, s17;
	s26 =	sadd.s32 $0x13880, s7;
	[dreg:$0xb] =	wrdreg s1  }
0x15: {  	s24 =	sadd.s32 $0x6000, s17;
	s0 =	sadd.s32 $0x260C0, s0;
	[dreg:$0xc] =	wrdreg s26  }
0x16: {  	s25 =	simm.s32 $0x5;
	s7 =	simm.s32 $0x0;
	[dreg:$0xd] =	wrdreg s0  }
0x17: {  	v0 =	vimm.f32 $0.0e+00;
	s0 =	simm.s32 $0x1;
	s26 =	simm.s32 $0xB800;
	s1 =	simm.s32 $0xD800  }
.LBB2_19:
0x18: {  	[spmem:s3] =	stream.indirect.scatter.add.f32 [tilespmem:s1], [sflag:$0x4], $0x40, s10, s29, $0xb8;
	[tilespmem:$0x19440] =	vst v63  }
0x19: {  	s4 =	simm.s32 $0x3  }
0x1a: {  	_ =	swait.ge [sflag:s4], $0x2000  }
0x1b: {  	[sflag:s4] =	ssyncset.done $0x0  }
0x1c: {  	s23 =	simm.s32 $0x4;
	[sflag:s4] =	ssyncadd.s32 $0xFFFFE000  }
0x1d: {  	_ =	swait.ge [sflag:s23], $0x2000  }
0x1e: {  	[sflag:s23] =	ssyncset.done $0x0  }
0x1f: {  	[sflag:s23] =	ssyncadd.s32 $0xFFFFE000  }
0x20: {  	[bflag:$0x0] =	sbarrier.arrive $0xFFFF  }
0x21: {  	s4 =	simm.s32 @p0 $0x1FC5;
	s10 =	rddreg [dreg:$0xd]  }
0x22: {  	[hbm:s10], [sflag:s4] =	dma.local @p0 [spmem:s9], $0x1040  }
0x23: {  	s4 =	simm.s32 @p0 $0x5  }
0x24: {  	_ =	swait.ge @p0 [sflag:s4], $0x1040  }
0x25: {  	[sflag:s4] =	ssyncset.done @p0 $0x0  }
0x26: {  	[sflag:s4] =	ssyncadd.s32 @p0 $0xFFFFEFC0;
	s4 =	rddreg [dreg:$0xc]  }
0x27: {  	[hbm:s4], [sflag:s20] =	dma.local @!p0 [spmem:s21], $0x13C0  }
0x28: {  	s4 =	simm.s32 @!p0 $0x5  }
0x29: {  	_ =	swait.ge @!p0 [sflag:s4], $0x13C0  }
0x2a: {  	s7 =	sadd.s32 $0x1, s7;
	s24 =	rddreg [dreg:$0xe]  }
0x2b: {  	p1 =	sne.s32 s7, s24  }
.Ltmp1:
0x2c: {  	_ = 	snop;
	(pc) =	sbr.rel @!p1 .LBB2_20-.Ltmp1, $4  }
0x2d: {  	s13 =	smov.u32 s15  }
0x2e: {  	s15 =	smov.u32 s18;
	s23 =	smov.u32 s16;
	[sflag:s4] =	ssyncset.done @!p0 $0x0  }
0x2f: {  	s16 =	smov.u32 s8;
	s8 =	smov.u32 s30;
	[sflag:s4] =	ssyncadd.s32 @!p0 $0xFFFFEC40  }
0x30: {  	s24 =	smov.u32 s17;
	s17 =	smov.u32 s14;
	s14 =	smov.u32 s6  }
.LBB2_1:
0x31: {  	s4 =	simm.s32 $0x0;
	s9 =	rddreg [dreg:$0x4]  }
0x32: {  	[tilespmem:s4], [sflag:$0x5] =	stream.linear.gather [hbm4b:s9+s4], $0x2800, $0x38;
	[tilespmem:$0x19440] =	vst v63  }
0x33: {  	_ =	swait.ge [sflag:s25], $0x2800  }
0x34: {  	[sflag:s25] =	ssyncset.done $0x0  }
0x35: {  	s6 =	simm.s32 $0x2800;
	s21 =	rddreg [dreg:$0x5];
	[sflag:s25] =	ssyncadd.s32 $0xFFFFD800  }
0x36: {  	[tilespmem:s6], [sflag:$0x5] =	stream.linear.gather [hbm4b:s21+s4], $0x2800, $0x38;
	[tilespmem:$0x19440] =	vst v63  }
0x37: {  	_ =	swait.ge [sflag:s25], $0x2800  }
0x38: {  	[sflag:s25] =	ssyncset.done $0x0  }
0x39: {  	s30 =	simm.s32 $0x5000;
	s22 =	rddreg [dreg:$0x6];
	[sflag:s25] =	ssyncadd.s32 $0xFFFFD800  }
0x3a: {  	[tilespmem:s30], [sflag:$0x5] =	stream.linear.gather [hbm4b:s22+s4], $0x2800, $0x38;
	[tilespmem:$0x19440] =	vst v63  }
0x3b: {  	_ =	swait.ge [sflag:s25], $0x2800  }
0x3c: {  	[sflag:s25] =	ssyncset.done $0x0  }
0x3d: {  	s9 =	simm.s32 $0x100;
	s4 =	simm.s32 $0x0;
	[sflag:s25] =	ssyncadd.s32 $0xFFFFD800  }
.LBB2_2:
0x3e: {  	p1 =	sne.s32 s9, $0x7F00;
	[tilespmem:s4+$0x7830] =	vst v0;
	s10 =	smov.u32 s9;
	s9 =	sadd.s32 $0x100, s9  }
.Ltmp2:
0x3f: {  	[tilespmem:s4+$0x7820] =	vst v0;
	(pc) =	sbr.rel @p1 .LBB2_2-.Ltmp2, $3  }
0x40: {  	[tilespmem:s4+$0x7800] =	vst v0  }
0x41: {  	[tilespmem:s4+$0x7810] =	vst v0;
	_ =	sdelay $0x1  }
0x42: {  	s4 =	sshra.s32 s10, $0x2  }
0x43: {  	[tilespmem:s4+$0x7830] =	vst v0  }
0x44: {  	[tilespmem:s4+$0x7820] =	vst v0  }
0x45: {  	[tilespmem:s4+$0x7800] =	vst v0  }
0x46: {  	[tilespmem:s4+$0x7810] =	vst v0;
	s4 =	simm.s32 @p0 $0x7800;
	s9 =	simm.s32 @p0 $0x5  }
0x47: {  	[spmem:s8] =	stream.linear.scatter @p0 [tilespmem:s4], [sflag:$0x5], $0x2000, $0x38;
	[tilespmem:$0x19440] =	vst v63  }
0x48: {  	_ =	swait.ge @p0 [sflag:s9], $0x2000  }
0x49: {  	[sflag:s9] =	ssyncset.done @p0 $0x0  }
0x4a: {  	[sflag:s9] =	ssyncadd.s32 @p0 $0xFFFFE000  }
0x4b: {  	[spmem:s15] =	stream.linear.scatter @p0 [tilespmem:s4], [sflag:$0x5], $0x2000, $0x38;
	[tilespmem:$0x19440] =	vst v63  }
0x4c: {  	_ =	swait.ge @p0 [sflag:s9], $0x2000  }
0x4d: {  	[sflag:s9] =	ssyncset.done @p0 $0x0  }
0x4e: {  	[sflag:s9] =	ssyncadd.s32 @p0 $0xFFFFE000  }
0x4f: {  	[spmem:s16] =	stream.linear.scatter @p0 [tilespmem:s4], [sflag:$0x5], $0x2000, $0x38;
	[tilespmem:$0x19440] =	vst v63  }
0x50: {  	_ =	swait.ge @p0 [sflag:s9], $0x2000  }
0x51: {  	[sflag:s9] =	ssyncset.done @p0 $0x0  }
0x52: {  	[sflag:s9] =	ssyncadd.s32 @p0 $0xFFFFE000  }
0x53: {  	[spmem:s14] =	stream.linear.scatter @p0 [tilespmem:s4], [sflag:$0x5], $0x2000, $0x38;
	[tilespmem:$0x19440] =	vst v63  }
0x54: {  	_ =	swait.ge @p0 [sflag:s9], $0x2000  }
0x55: {  	[sflag:s9] =	ssyncset.done @p0 $0x0  }
0x56: {  	s6 =	rddreg [dreg:$0x8];
	[sflag:s9] =	ssyncadd.s32 @p0 $0xFFFFE000  }
0x57: {  	[spmem:s6] =	stream.linear.scatter @p0 [tilespmem:s4], [sflag:$0x5], $0x200, $0x38;
	[tilespmem:$0x19440] =	vst v63  }
0x58: {  	_ =	swait.ge @p0 [sflag:s9], $0x200  }
0x59: {  	[sflag:s9] =	ssyncset.done @p0 $0x0  }
0x5a: {  	s4 =	simm.s32 @!p0 $0x7800;
	[sflag:s9] =	ssyncadd.s32 @p0 $0xFFFFFE00;
	s9 =	simm.s32 @!p0 $0x5  }
0x5b: {  	[spmem:s17] =	stream.linear.scatter @!p0 [tilespmem:s4], [sflag:$0x5], $0x2000, $0x38;
	[tilespmem:$0x19440] =	vst v63  }
0x5c: {  	_ =	swait.ge @!p0 [sflag:s9], $0x2000  }
0x5d: {  	[sflag:s9] =	ssyncset.done @!p0 $0x0  }
0x5e: {  	[sflag:s9] =	ssyncadd.s32 @!p0 $0xFFFFE000  }
0x5f: {  	[spmem:s13] =	stream.linear.scatter @!p0 [tilespmem:s4], [sflag:$0x5], $0x2000, $0x38;
	[tilespmem:$0x19440] =	vst v63  }
0x60: {  	_ =	swait.ge @!p0 [sflag:s9], $0x2000  }
0x61: {  	[sflag:s9] =	ssyncset.done @!p0 $0x0  }
0x62: {  	[sflag:s9] =	ssyncadd.s32 @!p0 $0xFFFFE000  }
0x63: {  	[spmem:s23] =	stream.linear.scatter @!p0 [tilespmem:s4], [sflag:$0x5], $0x2000, $0x38;
	[tilespmem:$0x19440] =	vst v63  }
0x64: {  	_ =	swait.ge @!p0 [sflag:s9], $0x2000  }
0x65: {  	[sflag:s9] =	ssyncset.done @!p0 $0x0  }
0x66: {  	[sflag:s9] =	ssyncadd.s32 @!p0 $0xFFFFE000  }
0x67: {  	[spmem:s24] =	stream.linear.scatter @!p0 [tilespmem:s4], [sflag:$0x5], $0x2000, $0x38;
	[tilespmem:$0x19440] =	vst v63  }
0x68: {  	_ =	swait.ge @!p0 [sflag:s9], $0x2000  }
0x69: {  	[sflag:s9] =	ssyncset.done @!p0 $0x0  }
0x6a: {  	s10 =	rddreg [dreg:$0x7];
	[sflag:s9] =	ssyncadd.s32 @!p0 $0xFFFFE000  }
0x6b: {  	[spmem:s10] =	stream.linear.scatter @!p0 [tilespmem:s4], [sflag:$0x5], $0x1E00, $0x38;
	[tilespmem:$0x19440] =	vst v63  }
0x6c: {  	_ =	swait.ge @!p0 [sflag:s9], $0x1E00  }
0x6d: {  	[sflag:s9] =	ssyncset.done @!p0 $0x0  }
0x6e: {  	[sflag:s9] =	ssyncadd.s32 @!p0 $0xFFFFE200  }
0x6f: {  	s30 =	simm.s32 $0x7800;
	s9 =	simm.s32 $0x0;
	[bflag:$0x0] =	sbarrier.arrive $0xFFFF  }
0x70: {  	[tilespmem:s30], [sflag:$0x1] =	stream.indirect.gather [hbm4b:s2+s29], $0x40, s9, s29, $0xb8;
	[tilespmem:$0x19440] =	vst v63  }
0x71: {  	s20 =	simm.s32 $0x5000;
	s21 =	simm.s32 $0x5080  }
0x72: {  	[tilespmem:s31], [sflag:$0x2] =	stream.indirect.gather [hbm4b:s2+s29], $0x40, s29, s29, $0xb8;
	[tilespmem:$0x19440] =	vst v63  }
.LBB2_4:
0x73: {  	_ =	swait.ge [sflag:s0], $0x2000  }
0x74: {  	p1 =	seq.s32 s9, $0x0;
	[sflag:s0] =	ssyncset.done $0x0  }
0x75: {  	s4 =	simm.s32 @!p1 $0x3;
	[sflag:s0] =	ssyncadd.s32 $0xFFFFE000  }
0x76: {  	_ =	swait.ge @!p1 [sflag:s4], $0x2000  }
0x77: {  	[sflag:s4] =	ssyncset.done @!p1 $0x0  }
0x78: {  	[sflag:s4] =	ssyncadd.s32 @!p1 $0xFFFFE000;
	s4 =	simm.s32 $0x0  }
0x79: {  	v25 =	vld [tilespmem:s4+$0x7800]  }
0x7a: {  	v26 =	vld [tilespmem:s4+$0x7810]  }
0x7b: {  	v24 =	vld [tilespmem:s4+$0x7820]  }
0x7c: {  	v23 =	vld [tilespmem:s4+$0x7830]  }
0x7d: {  	v21 =	vld [tilespmem:s4+$0x7840]  }
0x7e: {  	v22 =	vld [tilespmem:s4+$0x7850]  }
0x7f: {  	v20 =	vld [tilespmem:s4+$0x7860]  }
0x80: {  	v19 =	vld [tilespmem:s4+$0x7870]  }
0x81: {  	v17 =	vld [tilespmem:s4+$0x7880]  }
0x82: {  	v18 =	vld [tilespmem:s4+$0x7890]  }
0x83: {  	v16 =	vld [tilespmem:s4+$0x78A0]  }
0x84: {  	v15 =	vld [tilespmem:s4+$0x78B0]  }
0x85: {  	v13 =	vld [tilespmem:s4+$0x78C0]  }
0x86: {  	v14 =	vld [tilespmem:s4+$0x78D0]  }
0x87: {  	v11 =	vld [tilespmem:s4+$0x78E0]  }
0x88: {  	v12 =	vld [tilespmem:s4+$0x78F0]  }
0x89: {  	v9 =	vld [tilespmem:s4+$0x7900]  }
0x8a: {  	v10 =	vld [tilespmem:s4+$0x7910]  }
0x8b: {  	v8 =	vld [tilespmem:s4+$0x7920]  }
0x8c: {  	v7 =	vld [tilespmem:s4+$0x7930]  }
0x8d: {  	v5 =	vld [tilespmem:s4+$0x7940]  }
0x8e: {  	v6 =	vld [tilespmem:s4+$0x7950]  }
0x8f: {  	v4 =	vld [tilespmem:s4+$0x7960]  }
0x90: {  	v3 =	vld [tilespmem:s4+$0x7970]  }
0x91: {  	v2 =	vld [tilespmem:s4+$0x7980]  }
0x92: {  	s22 =	sshll.u32 s9, $0xA;
	s10 =	simm.s32 $0x1000;
	s11 =	smov.u32 s20;
	v1 =	vld [tilespmem:s20+$0x0]  }
.LBB2_5:
0x93: {  	p2 =	sne.s32 s10, $0x7000;
	v27 =	vld [tilespmem:s4+$0x7990]  }
0x94: {  	v28 =	vld [tilespmem:s4+$0x79A0]  }
0x95: {  	v29 =	vld [tilespmem:s4+$0x79B0]  }
0x96: {  	v30 =	vld [tilespmem:s4+$0x79C0]  }
0x97: {  	v31 =	vbroadcast v1, $0x0;
	v32 =	vbroadcast v1, $0x1;
	v33 =	vld [tilespmem:s4+$0x79D0]  }
0x98: {  	v34 =	vbroadcast v1, $0x2;
	v35 =	vbroadcast v1, $0x3;
	v36 =	vld [tilespmem:s4+$0x79E0]  }
0x99: {  	v25 =	vmul.f32 v31, v25;
	v26 =	vmul.f32 v26, v31;
	v37 =	vld [tilespmem:s4+$0x79F0]  }
0x9a: {  	v24 =	vmul.f32 v24, v31;
	v23 =	vmul.f32 v23, v31;
	v31 =	vld [tilespmem:s4+$0x7A00]  }
0x9b: {  	v21 =	vmul.f32 v21, v32;
	v22 =	vmul.f32 v22, v32;
	[tilespmem:s4+$0xB800] =	vst v25;
	v25 =	vld [tilespmem:s4+$0x7A10]  }
0x9c: {  	v20 =	vmul.f32 v20, v32;
	v19 =	vmul.f32 v19, v32;
	[tilespmem:s4+$0xB810] =	vst v26;
	v26 =	vld [tilespmem:s4+$0x7A20]  }
0x9d: {  	v17 =	vmul.f32 v17, v34;
	v18 =	vmul.f32 v18, v34;
	[tilespmem:s4+$0xB820] =	vst v24;
	v24 =	vld [tilespmem:s4+$0x7A30]  }
0x9e: {  	v16 =	vmul.f32 v16, v34;
	v15 =	vmul.f32 v15, v34;
	[tilespmem:s4+$0xB830] =	vst v23;
	v23 =	vld [tilespmem:s4+$0x7A40]  }
0x9f: {  	v13 =	vmul.f32 v13, v35;
	v14 =	vmul.f32 v14, v35;
	[tilespmem:s4+$0xB840] =	vst v21;
	v21 =	vld [tilespmem:s4+$0x7A50]  }
0xa0: {  	v11 =	vmul.f32 v11, v35;
	v12 =	vmul.f32 v12, v35;
	[tilespmem:s4+$0xB850] =	vst v22;
	v22 =	vld [tilespmem:s4+$0x7A60]  }
0xa1: {  	v32 =	vbroadcast v1, $0x5;
	[tilespmem:s4+$0xB860] =	vst v20;
	v20 =	vbroadcast v1, $0x4;
	v34 =	vld [tilespmem:s4+$0x7A70]  }
0xa2: {  	v35 =	vbroadcast v1, $0x7;
	[tilespmem:s4+$0xB870] =	vst v19;
	v19 =	vbroadcast v1, $0x6;
	v38 =	vld [tilespmem:s4+$0x7A80]  }
0xa3: {  	[tilespmem:s4+$0xB880] =	vst v17;
	v9 =	vmul.f32 v9, v20;
	v10 =	vmul.f32 v10, v20;
	v17 =	vld [tilespmem:s4+$0x7A90]  }
0xa4: {  	v8 =	vmul.f32 v8, v20;
	v7 =	vmul.f32 v7, v20;
	[tilespmem:s4+$0xB890] =	vst v18;
	v18 =	vld [tilespmem:s4+$0x7AA0]  }
0xa5: {  	v5 =	vmul.f32 v5, v32;
	v6 =	vmul.f32 v6, v32;
	[tilespmem:s4+$0xB8A0] =	vst v16;
	v16 =	vld [tilespmem:s4+$0x7AB0]  }
0xa6: {  	v4 =	vmul.f32 v4, v32;
	v3 =	vmul.f32 v3, v32;
	[tilespmem:s4+$0xB8B0] =	vst v15;
	v15 =	vld [tilespmem:s4+$0x7AC0]  }
0xa7: {  	v2 =	vmul.f32 v2, v19;
	[tilespmem:s4+$0xB8C0] =	vst v13;
	v13 =	vmul.f32 v27, v19;
	v20 =	vld [tilespmem:s4+$0x7AD0]  }
0xa8: {  	[tilespmem:s4+$0xB8D0] =	vst v14;
	v14 =	vmul.f32 v28, v19;
	v19 =	vmul.f32 v29, v19;
	v27 =	vld [tilespmem:s4+$0x7AE0]  }
0xa9: {  	v28 =	vmul.f32 v33, v35;
	[tilespmem:s4+$0xB8E0] =	vst v11;
	v11 =	vmul.f32 v30, v35;
	v29 =	vld [tilespmem:s4+$0x7AF0]  }
0xaa: {  	v30 =	vmul.f32 v37, v35;
	[tilespmem:s4+$0xB8F0] =	vst v12;
	v12 =	vmul.f32 v36, v35;
	v32 =	vld [tilespmem:s4+$0x7B00]  }
0xab: {  	v33 =	vbroadcast v1, $0x9;
	[tilespmem:s4+$0xB900] =	vst v9;
	v9 =	vbroadcast v1, $0x8;
	v35 =	vld [tilespmem:s4+$0x7B10]  }
0xac: {  	v36 =	vbroadcast v1, $0xB;
	[tilespmem:s4+$0xB910] =	vst v10;
	v10 =	vbroadcast v1, $0xA;
	v37 =	vld [tilespmem:s4+$0x7B20]  }
0xad: {  	[tilespmem:s4+$0xB920] =	vst v8;
	v8 =	vmul.f32 v31, v9;
	v25 =	vmul.f32 v25, v9;
	v31 =	vld [tilespmem:s4+$0x7B30]  }
0xae: {  	[tilespmem:s4+$0xB930] =	vst v7;
	v7 =	vmul.f32 v26, v9;
	v9 =	vmul.f32 v24, v9;
	v24 =	vld [tilespmem:s4+$0x7B40]  }
0xaf: {  	v21 =	vmul.f32 v21, v33;
	[tilespmem:s4+$0xB940] =	vst v5;
	v5 =	vmul.f32 v23, v33;
	v23 =	vld [tilespmem:s4+$0x7B50]  }
0xb0: {  	[tilespmem:s4+$0xB950] =	vst v6;
	v6 =	vmul.f32 v22, v33;
	v22 =	vmul.f32 v34, v33;
	v26 =	vld [tilespmem:s4+$0x7B60]  }
0xb1: {  	v17 =	vmul.f32 v17, v10;
	[tilespmem:s4+$0xB960] =	vst v4;
	v4 =	vmul.f32 v38, v10;
	v33 =	vld [tilespmem:s4+$0x7B70]  }
0xb2: {  	[tilespmem:s4+$0xB970] =	vst v3;
	v3 =	vmul.f32 v18, v10;
	v10 =	vmul.f32 v16, v10;
	v16 =	vld [tilespmem:s4+$0x7B80]  }
0xb3: {  	[tilespmem:s4+$0xB980] =	vst v2;
	v2 =	vmul.f32 v15, v36;
	v15 =	vmul.f32 v20, v36;
	v18 =	vld [tilespmem:s4+$0x7B90]  }
0xb4: {  	[tilespmem:s4+$0xB990] =	vst v13;
	v13 =	vmul.f32 v27, v36;
	v27 =	vmul.f32 v29, v36;
	v20 =	vld [tilespmem:s4+$0x7BA0]  }
0xb5: {  	v29 =	vbroadcast v1, $0xD;
	[tilespmem:s4+$0xB9A0] =	vst v14;
	v14 =	vbroadcast v1, $0xC;
	v34 =	vld [tilespmem:s4+$0x7BB0]  }
0xb6: {  	[tilespmem:s4+$0xB9B0] =	vst v19;
	v19 =	vbroadcast v1, $0xE;
	v36 =	vld [tilespmem:s4+$0x7BC0];
	v1 =	vbroadcast v1, $0xF  }
0xb7: {  	[tilespmem:s4+$0xB9C0] =	vst v11;
	v11 =	vmul.f32 v32, v14;
	v32 =	vmul.f32 v35, v14;
	v35 =	vld [tilespmem:s4+$0x7BD0]  }
0xb8: {  	[tilespmem:s4+$0xB9D0] =	vst v28;
	v28 =	vmul.f32 v37, v14;
	v14 =	vmul.f32 v31, v14;
	v31 =	vld [tilespmem:s4+$0x7BE0]  }
0xb9: {  	v37 =	vmul.f32 v23, v29;
	[tilespmem:s4+$0xB9E0] =	vst v12;
	v12 =	vmul.f32 v24, v29;
	v23 =	vld [tilespmem:s4+$0x7BF0]  }
0xba: {  	[tilespmem:s4+$0xB9F0] =	vst v30;
	v30 =	vmul.f32 v26, v29;
	v29 =	vmul.f32 v33, v29  }
0xbb: {  	v33 =	vmul.f32 v18, v19;
	[tilespmem:s4+$0xBA00] =	vst v8;
	v8 =	vmul.f32 v16, v19  }
0xbc: {  	v38 =	vmul.f32 v20, v19;
	v34 =	vmul.f32 v34, v19;
	[tilespmem:s4+$0xBA10] =	vst v25  }
0xbd: {  	v36 =	vmul.f32 v36, v1;
	v35 =	vmul.f32 v35, v1;
	[tilespmem:s4+$0xBA20] =	vst v7  }
0xbe: {  	v31 =	vmul.f32 v31, v1;
	[tilespmem:s4+$0xBA30] =	vst v9;
	v1 =	vmul.f32 v23, v1  }
0xbf: {  	[tilespmem:s4+$0xBA40] =	vst v5  }
0xc0: {  	[tilespmem:s4+$0xBA50] =	vst v21  }
0xc1: {  	s12 =	sshra.s32 s10, $0x2;
	[tilespmem:s4+$0xBA60] =	vst v6  }
0xc2: {  	v25 =	vld [tilespmem:s12+$0x7800];
	[tilespmem:s4+$0xBA70] =	vst v22  }
0xc3: {  	v26 =	vld [tilespmem:s12+$0x7810];
	[tilespmem:s4+$0xBA80] =	vst v4  }
0xc4: {  	v24 =	vld [tilespmem:s12+$0x7820];
	[tilespmem:s4+$0xBA90] =	vst v17  }
0xc5: {  	v23 =	vld [tilespmem:s12+$0x7830];
	[tilespmem:s4+$0xBAA0] =	vst v3  }
0xc6: {  	v21 =	vld [tilespmem:s12+$0x7840];
	[tilespmem:s4+$0xBAB0] =	vst v10  }
0xc7: {  	v22 =	vld [tilespmem:s12+$0x7850];
	[tilespmem:s4+$0xBAC0] =	vst v2  }
0xc8: {  	v20 =	vld [tilespmem:s12+$0x7860];
	[tilespmem:s4+$0xBAD0] =	vst v15  }
0xc9: {  	v19 =	vld [tilespmem:s12+$0x7870];
	[tilespmem:s4+$0xBAE0] =	vst v13  }
0xca: {  	v17 =	vld [tilespmem:s12+$0x7880];
	[tilespmem:s4+$0xBAF0] =	vst v27  }
0xcb: {  	v18 =	vld [tilespmem:s12+$0x7890];
	[tilespmem:s4+$0xBB00] =	vst v11  }
0xcc: {  	v16 =	vld [tilespmem:s12+$0x78A0];
	[tilespmem:s4+$0xBB10] =	vst v32  }
0xcd: {  	v15 =	vld [tilespmem:s12+$0x78B0];
	[tilespmem:s4+$0xBB20] =	vst v28  }
0xce: {  	v13 =	vld [tilespmem:s12+$0x78C0];
	[tilespmem:s4+$0xBB30] =	vst v14  }
0xcf: {  	v14 =	vld [tilespmem:s12+$0x78D0];
	[tilespmem:s4+$0xBB40] =	vst v12  }
0xd0: {  	v11 =	vld [tilespmem:s12+$0x78E0];
	[tilespmem:s4+$0xBB50] =	vst v37  }
0xd1: {  	v12 =	vld [tilespmem:s12+$0x78F0];
	[tilespmem:s4+$0xBB60] =	vst v30  }
0xd2: {  	v9 =	vld [tilespmem:s12+$0x7900];
	[tilespmem:s4+$0xBB70] =	vst v29  }
0xd3: {  	v10 =	vld [tilespmem:s12+$0x7910];
	[tilespmem:s4+$0xBB80] =	vst v8  }
0xd4: {  	v8 =	vld [tilespmem:s12+$0x7920];
	[tilespmem:s4+$0xBB90] =	vst v33  }
0xd5: {  	v7 =	vld [tilespmem:s12+$0x7930];
	[tilespmem:s4+$0xBBA0] =	vst v38  }
0xd6: {  	v5 =	vld [tilespmem:s12+$0x7940];
	[tilespmem:s4+$0xBBB0] =	vst v34  }
.Ltmp3:
0xd7: {  	v6 =	vld [tilespmem:s12+$0x7950];
	[tilespmem:s4+$0xBBC0] =	vst v36;
	(pc) =	sbr.rel @p2 .LBB2_5-.Ltmp3, $4  }
0xd8: {  	v4 =	vld [tilespmem:s12+$0x7960];
	[tilespmem:s4+$0xBBD0] =	vst v35  }
0xd9: {  	v3 =	vld [tilespmem:s12+$0x7970];
	[tilespmem:s4+$0xBBE0] =	vst v31  }
0xda: {  	s11 =	sadd.s32 $0x10, s11;
	v2 =	vld [tilespmem:s12+$0x7980];
	[tilespmem:s4+$0xBBF0] =	vst v1;
	s4 =	smov.u32 s12  }
0xdb: {  	s10 =	sadd.s32 $0x1000, s10;
	v1 =	vld [tilespmem:s11+$0x0]  }
0xdc: {  	_ =	sdelay $0x3  }
0xdd: {  	v31 =	vbroadcast v1, $0x0;
	_ =	sdelay $0x1  }
0xde: {  	v25 =	vmul.f32 v31, v25  }
0xdf: {  	v26 =	vmul.f32 v26, v31  }
0xe0: {  	v36 =	vbroadcast v1, $0x1;
	v24 =	vmul.f32 v24, v31;
	[tilespmem:s4+$0xB800] =	vst v25  }
0xe1: {  	v23 =	vmul.f32 v23, v31;
	[tilespmem:s4+$0xB810] =	vst v26  }
0xe2: {  	v21 =	vmul.f32 v21, v36;
	[tilespmem:s4+$0xB820] =	vst v24  }
0xe3: {  	v22 =	vmul.f32 v22, v36;
	[tilespmem:s4+$0xB830] =	vst v23  }
0xe4: {  	v48 =	vbroadcast v1, $0x2;
	v20 =	vmul.f32 v20, v36;
	[tilespmem:s4+$0xB840] =	vst v21  }
0xe5: {  	v19 =	vmul.f32 v19, v36;
	[tilespmem:s4+$0xB850] =	vst v22  }
0xe6: {  	v17 =	vmul.f32 v17, v48;
	[tilespmem:s4+$0xB860] =	vst v20  }
0xe7: {  	v18 =	vmul.f32 v18, v48;
	[tilespmem:s4+$0xB870] =	vst v19  }
0xe8: {  	v49 =	vbroadcast v1, $0x3;
	v16 =	vmul.f32 v16, v48;
	[tilespmem:s4+$0xB880] =	vst v17  }
0xe9: {  	v15 =	vmul.f32 v15, v48;
	[tilespmem:s4+$0xB890] =	vst v18  }
0xea: {  	v13 =	vmul.f32 v13, v49;
	[tilespmem:s4+$0xB8A0] =	vst v16  }
0xeb: {  	v14 =	vmul.f32 v14, v49;
	[tilespmem:s4+$0xB8B0] =	vst v15  }
0xec: {  	v50 =	vbroadcast v1, $0x4;
	v11 =	vmul.f32 v11, v49;
	[tilespmem:s4+$0xB8C0] =	vst v13  }
0xed: {  	v12 =	vmul.f32 v12, v49;
	[tilespmem:s4+$0xB8D0] =	vst v14  }
0xee: {  	v9 =	vmul.f32 v9, v50;
	[tilespmem:s4+$0xB8E0] =	vst v11  }
0xef: {  	v10 =	vmul.f32 v10, v50;
	[tilespmem:s4+$0xB8F0] =	vst v12  }
0xf0: {  	v51 =	vbroadcast v1, $0x5;
	v8 =	vmul.f32 v8, v50;
	[tilespmem:s4+$0xB900] =	vst v9  }
0xf1: {  	v7 =	vmul.f32 v7, v50;
	[tilespmem:s4+$0xB910] =	vst v10  }
0xf2: {  	v27 =	vld [tilespmem:s4+$0x7990];
	v5 =	vmul.f32 v5, v51;
	[tilespmem:s4+$0xB920] =	vst v8  }
0xf3: {  	v28 =	vld [tilespmem:s4+$0x79A0];
	v6 =	vmul.f32 v6, v51;
	[tilespmem:s4+$0xB930] =	vst v7  }
0xf4: {  	v29 =	vld [tilespmem:s4+$0x79B0];
	v52 =	vbroadcast v1, $0x6;
	v4 =	vmul.f32 v4, v51;
	[tilespmem:s4+$0xB940] =	vst v5  }
0xf5: {  	v30 =	vld [tilespmem:s4+$0x79C0];
	v3 =	vmul.f32 v3, v51;
	[tilespmem:s4+$0xB950] =	vst v6  }
0xf6: {  	v32 =	vld [tilespmem:s4+$0x79D0];
	v2 =	vmul.f32 v2, v52;
	[tilespmem:s4+$0xB960] =	vst v4  }
0xf7: {  	v33 =	vld [tilespmem:s4+$0x79E0];
	v27 =	vmul.f32 v27, v52;
	[tilespmem:s4+$0xB970] =	vst v3  }
0xf8: {  	v34 =	vld [tilespmem:s4+$0x79F0];
	v53 =	vbroadcast v1, $0x7;
	v28 =	vmul.f32 v28, v52;
	[tilespmem:s4+$0xB980] =	vst v2  }
0xf9: {  	v35 =	vld [tilespmem:s4+$0x7A00];
	v29 =	vmul.f32 v29, v52;
	[tilespmem:s4+$0xB990] =	vst v27  }
0xfa: {  	v30 =	vmul.f32 v30, v53;
	v25 =	vld [tilespmem:s4+$0x7A10];
	[tilespmem:s4+$0xB9A0] =	vst v28  }
0xfb: {  	v56 =	vmul.f32 v32, v53;
	v26 =	vld [tilespmem:s4+$0x7A20];
	[tilespmem:s4+$0xB9B0] =	vst v29  }
0xfc: {  	v59 =	vbroadcast v1, $0x8;
	v58 =	vmul.f32 v33, v53;
	v24 =	vld [tilespmem:s4+$0x7A30];
	[tilespmem:s4+$0xB9C0] =	vst v30  }
0xfd: {  	v34 =	vmul.f32 v34, v53;
	v23 =	vld [tilespmem:s4+$0x7A40];
	[tilespmem:s4+$0xB9D0] =	vst v56  }
0xfe: {  	v61 =	vmul.f32 v35, v59;
	v21 =	vld [tilespmem:s4+$0x7A50];
	[tilespmem:s4+$0xB9E0] =	vst v58  }
0xff: {  	v22 =	vld [tilespmem:s4+$0x7A60];
	[tilespmem:s4+$0xB9F0] =	vst v34;
	v25 =	vmul.f32 v25, v59  }
0x100: {  	v63 =	vbroadcast v1, $0x9;
	v20 =	vld [tilespmem:s4+$0x7A70];
	[tilespmem:s4+$0xBA00] =	vst v61;
	v26 =	vmul.f32 v26, v59  }
0x101: {  	v19 =	vld [tilespmem:s4+$0x7A80];
	v24 =	vmul.f32 v24, v59;
	[tilespmem:s4+$0xBA10] =	vst v25  }
0x102: {  	v17 =	vld [tilespmem:s4+$0x7A90];
	v23 =	vmul.f32 v23, v63;
	[tilespmem:s4+$0xBA20] =	vst v26  }
0x103: {  	v18 =	vld [tilespmem:s4+$0x7AA0];
	v21 =	vmul.f32 v21, v63;
	[tilespmem:s4+$0xBA30] =	vst v24  }
0x104: {  	v16 =	vld [tilespmem:s4+$0x7AB0];
	v22 =	vmul.f32 v22, v63;
	v24 =	vbroadcast v1, $0xA;
	[tilespmem:s4+$0xBA40] =	vst v23  }
0x105: {  	v15 =	vld [tilespmem:s4+$0x7AC0];
	v20 =	vmul.f32 v20, v63;
	[tilespmem:s4+$0xBA50] =	vst v21  }
0x106: {  	v13 =	vld [tilespmem:s4+$0x7AD0];
	[tilespmem:s4+$0xBA60] =	vst v22;
	v19 =	vmul.f32 v19, v24  }
0x107: {  	v14 =	vld [tilespmem:s4+$0x7AE0];
	[tilespmem:s4+$0xBA70] =	vst v20;
	v17 =	vmul.f32 v17, v24  }
0x108: {  	v11 =	vld [tilespmem:s4+$0x7AF0];
	v20 =	vbroadcast v1, $0xB;
	v18 =	vmul.f32 v18, v24;
	[tilespmem:s4+$0xBA80] =	vst v19  }
0x109: {  	v12 =	vld [tilespmem:s4+$0x7B00];
	v16 =	vmul.f32 v16, v24;
	[tilespmem:s4+$0xBA90] =	vst v17  }
0x10a: {  	v9 =	vld [tilespmem:s4+$0x7B10];
	v15 =	vmul.f32 v15, v20;
	[tilespmem:s4+$0xBAA0] =	vst v18  }
0x10b: {  	v10 =	vld [tilespmem:s4+$0x7B20];
	v13 =	vmul.f32 v13, v20;
	[tilespmem:s4+$0xBAB0] =	vst v16  }
0x10c: {  	v8 =	vld [tilespmem:s4+$0x7B30];
	v14 =	vmul.f32 v14, v20;
	v16 =	vbroadcast v1, $0xC;
	[tilespmem:s4+$0xBAC0] =	vst v15  }
0x10d: {  	v7 =	vld [tilespmem:s4+$0x7B40];
	v11 =	vmul.f32 v11, v20;
	[tilespmem:s4+$0xBAD0] =	vst v13  }
0x10e: {  	v5 =	vld [tilespmem:s4+$0x7B50];
	[tilespmem:s4+$0xBAE0] =	vst v14;
	v12 =	vmul.f32 v12, v16  }
0x10f: {  	v6 =	vld [tilespmem:s4+$0x7B60];
	[tilespmem:s4+$0xBAF0] =	vst v11;
	v9 =	vmul.f32 v9, v16  }
0x110: {  	v4 =	vld [tilespmem:s4+$0x7B70];
	v11 =	vbroadcast v1, $0xD;
	v10 =	vmul.f32 v10, v16;
	[tilespmem:s4+$0xBB00] =	vst v12  }
0x111: {  	v3 =	vld [tilespmem:s4+$0x7B80];
	v8 =	vmul.f32 v8, v16;
	[tilespmem:s4+$0xBB10] =	vst v9  }
0x112: {  	v2 =	vld [tilespmem:s4+$0x7B90];
	v7 =	vmul.f32 v7, v11;
	[tilespmem:s4+$0xBB20] =	vst v10  }
0x113: {  	v27 =	vld [tilespmem:s4+$0x7BA0];
	v5 =	vmul.f32 v5, v11;
	[tilespmem:s4+$0xBB30] =	vst v8  }
0x114: {  	v54 =	vld [tilespmem:s4+$0x7BB0];
	v6 =	vmul.f32 v6, v11;
	v8 =	vbroadcast v1, $0xE;
	[tilespmem:s4+$0xBB40] =	vst v7  }
0x115: {  	v55 =	vld [tilespmem:s4+$0x7BC0];
	v4 =	vmul.f32 v4, v11;
	[tilespmem:s4+$0xBB50] =	vst v5  }
0x116: {  	v57 =	vld [tilespmem:s4+$0x7BD0];
	[tilespmem:s4+$0xBB60] =	vst v6;
	v3 =	vmul.f32 v3, v8  }
0x117: {  	v60 =	vld [tilespmem:s4+$0x7BE0];
	[tilespmem:s4+$0xBB70] =	vst v4;
	v2 =	vmul.f32 v2, v8  }
0x118: {  	v62 =	vld [tilespmem:s4+$0x7BF0];
	v1 =	vbroadcast v1, $0xF;
	v4 =	vmul.f32 v27, v8;
	[tilespmem:s4+$0xBB80] =	vst v3  }
0x119: {  	v3 =	vmul.f32 v54, v8;
	[tilespmem:s4+$0xBB90] =	vst v2  }
0x11a: {  	v2 =	vmul.f32 v55, v1;
	[tilespmem:s4+$0xBBA0] =	vst v4  }
0x11b: {  	v4 =	vmul.f32 v57, v1;
	[tilespmem:s4+$0xBBB0] =	vst v3  }
0x11c: {  	v3 =	vmul.f32 v60, v1;
	[tilespmem:s4+$0xBBC0] =	vst v2  }
0x11d: {  	p2 =	seq.s32 s9, $0x27;
	v1 =	vmul.f32 v62, v1;
	[tilespmem:s4+$0xBBD0] =	vst v4  }
0x11e: {  	s19 =	sshra.s32 s22, $0x2;
	s10 =	sshra.s32 @!p2 s22, $0x2;
	[tilespmem:s4+$0xBBE0] =	vst v3  }
0x11f: {  	s11 =	simm.s32 @!p2 $0x7800;
	[tilespmem:s4+$0xBBF0] =	vst v1;
	s4 =	sadd.s32 @!p2 $0x100, s10;
	s10 =	simm.s32 @!p2 $0x80  }
0x120: {  	[tilespmem:s11], [sflag:$0x1] =	stream.indirect.gather @!p2 [hbm4b:s2+s10], $0x40, s4, s10, $0xb8;
	[tilespmem:$0x19440] =	vst v63  }
0x121: {  	s30 =	sadd.s32 $0x2800, s19  }
0x122: {  	[spmem:s3] =	stream.indirect.scatter.add.f32 [tilespmem:s26], [sflag:$0x3], $0x40, s30, s29, $0xb8;
	[tilespmem:$0x19440] =	vst v63  }
0x123: {  	_ =	swait.ge [sflag:s28], $0x2000  }
0x124: {  	[sflag:s28] =	ssyncset.done $0x0  }
0x125: {  	s4 =	simm.s32 @!p1 $0x4;
	[sflag:s28] =	ssyncadd.s32 $0xFFFFE000  }
0x126: {  	_ =	swait.ge @!p1 [sflag:s4], $0x2000  }
0x127: {  	[sflag:s4] =	ssyncset.done @!p1 $0x0  }
0x128: {  	[sflag:s4] =	ssyncadd.s32 @!p1 $0xFFFFE000;
	s4 =	simm.s32 $0x0  }
0x129: {  	v25 =	vld [tilespmem:s4+$0x9800]  }
0x12a: {  	v26 =	vld [tilespmem:s4+$0x9810]  }
0x12b: {  	v24 =	vld [tilespmem:s4+$0x9820]  }
0x12c: {  	v23 =	vld [tilespmem:s4+$0x9830]  }
0x12d: {  	v21 =	vld [tilespmem:s4+$0x9840]  }
0x12e: {  	v22 =	vld [tilespmem:s4+$0x9850]  }
0x12f: {  	v20 =	vld [tilespmem:s4+$0x9860]  }
0x130: {  	v19 =	vld [tilespmem:s4+$0x9870]  }
0x131: {  	v17 =	vld [tilespmem:s4+$0x9880]  }
0x132: {  	v18 =	vld [tilespmem:s4+$0x9890]  }
0x133: {  	v16 =	vld [tilespmem:s4+$0x98A0]  }
0x134: {  	v15 =	vld [tilespmem:s4+$0x98B0]  }
0x135: {  	v13 =	vld [tilespmem:s4+$0x98C0]  }
0x136: {  	v14 =	vld [tilespmem:s4+$0x98D0]  }
0x137: {  	v11 =	vld [tilespmem:s4+$0x98E0]  }
0x138: {  	v12 =	vld [tilespmem:s4+$0x98F0]  }
0x139: {  	v9 =	vld [tilespmem:s4+$0x9900]  }
0x13a: {  	v10 =	vld [tilespmem:s4+$0x9910]  }
0x13b: {  	v8 =	vld [tilespmem:s4+$0x9920]  }
0x13c: {  	v7 =	vld [tilespmem:s4+$0x9930]  }
0x13d: {  	v5 =	vld [tilespmem:s4+$0x9940]  }
0x13e: {  	v6 =	vld [tilespmem:s4+$0x9950]  }
0x13f: {  	v4 =	vld [tilespmem:s4+$0x9960]  }
0x140: {  	v3 =	vld [tilespmem:s4+$0x9970]  }
0x141: {  	v2 =	vld [tilespmem:s4+$0x9980]  }
0x142: {  	s10 =	sor.u32 $0x200, s22;
	s22 =	simm.s32 $0x1000;
	s11 =	smov.u32 s21;
	v1 =	vld [tilespmem:s21+$0x0]  }
.LBB2_7:
0x143: {  	p1 =	sne.s32 s22, $0x7000;
	v27 =	vld [tilespmem:s4+$0x9990]  }
0x144: {  	v28 =	vld [tilespmem:s4+$0x99A0]  }
0x145: {  	v29 =	vld [tilespmem:s4+$0x99B0]  }
0x146: {  	v30 =	vld [tilespmem:s4+$0x99C0]  }
0x147: {  	v31 =	vbroadcast v1, $0x0;
	v32 =	vbroadcast v1, $0x1;
	v33 =	vld [tilespmem:s4+$0x99D0]  }
0x148: {  	v34 =	vbroadcast v1, $0x2;
	v35 =	vbroadcast v1, $0x3;
	v36 =	vld [tilespmem:s4+$0x99E0]  }
0x149: {  	v25 =	vmul.f32 v31, v25;
	v26 =	vmul.f32 v26, v31;
	v37 =	vld [tilespmem:s4+$0x99F0]  }
0x14a: {  	v24 =	vmul.f32 v24, v31;
	v23 =	vmul.f32 v23, v31;
	v31 =	vld [tilespmem:s4+$0x9A00]  }
0x14b: {  	v21 =	vmul.f32 v21, v32;
	v22 =	vmul.f32 v22, v32;
	[tilespmem:s4+$0xD800] =	vst v25;
	v25 =	vld [tilespmem:s4+$0x9A10]  }
0x14c: {  	v20 =	vmul.f32 v20, v32;
	v19 =	vmul.f32 v19, v32;
	[tilespmem:s4+$0xD810] =	vst v26;
	v26 =	vld [tilespmem:s4+$0x9A20]  }
0x14d: {  	v17 =	vmul.f32 v17, v34;
	v18 =	vmul.f32 v18, v34;
	[tilespmem:s4+$0xD820] =	vst v24;
	v24 =	vld [tilespmem:s4+$0x9A30]  }
0x14e: {  	v16 =	vmul.f32 v16, v34;
	v15 =	vmul.f32 v15, v34;
	[tilespmem:s4+$0xD830] =	vst v23;
	v23 =	vld [tilespmem:s4+$0x9A40]  }
0x14f: {  	v13 =	vmul.f32 v13, v35;
	v14 =	vmul.f32 v14, v35;
	[tilespmem:s4+$0xD840] =	vst v21;
	v21 =	vld [tilespmem:s4+$0x9A50]  }
0x150: {  	v11 =	vmul.f32 v11, v35;
	v12 =	vmul.f32 v12, v35;
	[tilespmem:s4+$0xD850] =	vst v22;
	v22 =	vld [tilespmem:s4+$0x9A60]  }
0x151: {  	v32 =	vbroadcast v1, $0x5;
	[tilespmem:s4+$0xD860] =	vst v20;
	v20 =	vbroadcast v1, $0x4;
	v34 =	vld [tilespmem:s4+$0x9A70]  }
0x152: {  	v35 =	vbroadcast v1, $0x7;
	[tilespmem:s4+$0xD870] =	vst v19;
	v19 =	vbroadcast v1, $0x6;
	v38 =	vld [tilespmem:s4+$0x9A80]  }
0x153: {  	[tilespmem:s4+$0xD880] =	vst v17;
	v9 =	vmul.f32 v9, v20;
	v10 =	vmul.f32 v10, v20;
	v17 =	vld [tilespmem:s4+$0x9A90]  }
0x154: {  	v8 =	vmul.f32 v8, v20;
	v7 =	vmul.f32 v7, v20;
	[tilespmem:s4+$0xD890] =	vst v18;
	v18 =	vld [tilespmem:s4+$0x9AA0]  }
0x155: {  	v5 =	vmul.f32 v5, v32;
	v6 =	vmul.f32 v6, v32;
	[tilespmem:s4+$0xD8A0] =	vst v16;
	v16 =	vld [tilespmem:s4+$0x9AB0]  }
0x156: {  	v4 =	vmul.f32 v4, v32;
	v3 =	vmul.f32 v3, v32;
	[tilespmem:s4+$0xD8B0] =	vst v15;
	v15 =	vld [tilespmem:s4+$0x9AC0]  }
0x157: {  	v2 =	vmul.f32 v2, v19;
	[tilespmem:s4+$0xD8C0] =	vst v13;
	v13 =	vmul.f32 v27, v19;
	v20 =	vld [tilespmem:s4+$0x9AD0]  }
0x158: {  	[tilespmem:s4+$0xD8D0] =	vst v14;
	v14 =	vmul.f32 v28, v19;
	v19 =	vmul.f32 v29, v19;
	v27 =	vld [tilespmem:s4+$0x9AE0]  }
0x159: {  	v28 =	vmul.f32 v33, v35;
	[tilespmem:s4+$0xD8E0] =	vst v11;
	v11 =	vmul.f32 v30, v35;
	v29 =	vld [tilespmem:s4+$0x9AF0]  }
0x15a: {  	v30 =	vmul.f32 v37, v35;
	[tilespmem:s4+$0xD8F0] =	vst v12;
	v12 =	vmul.f32 v36, v35;
	v32 =	vld [tilespmem:s4+$0x9B00]  }
0x15b: {  	v33 =	vbroadcast v1, $0x9;
	[tilespmem:s4+$0xD900] =	vst v9;
	v9 =	vbroadcast v1, $0x8;
	v35 =	vld [tilespmem:s4+$0x9B10]  }
0x15c: {  	v36 =	vbroadcast v1, $0xB;
	[tilespmem:s4+$0xD910] =	vst v10;
	v10 =	vbroadcast v1, $0xA;
	v37 =	vld [tilespmem:s4+$0x9B20]  }
0x15d: {  	[tilespmem:s4+$0xD920] =	vst v8;
	v8 =	vmul.f32 v31, v9;
	v25 =	vmul.f32 v25, v9;
	v31 =	vld [tilespmem:s4+$0x9B30]  }
0x15e: {  	[tilespmem:s4+$0xD930] =	vst v7;
	v7 =	vmul.f32 v26, v9;
	v9 =	vmul.f32 v24, v9;
	v24 =	vld [tilespmem:s4+$0x9B40]  }
0x15f: {  	v21 =	vmul.f32 v21, v33;
	[tilespmem:s4+$0xD940] =	vst v5;
	v5 =	vmul.f32 v23, v33;
	v23 =	vld [tilespmem:s4+$0x9B50]  }
0x160: {  	[tilespmem:s4+$0xD950] =	vst v6;
	v6 =	vmul.f32 v22, v33;
	v22 =	vmul.f32 v34, v33;
	v26 =	vld [tilespmem:s4+$0x9B60]  }
0x161: {  	v17 =	vmul.f32 v17, v10;
	[tilespmem:s4+$0xD960] =	vst v4;
	v4 =	vmul.f32 v38, v10;
	v33 =	vld [tilespmem:s4+$0x9B70]  }
0x162: {  	[tilespmem:s4+$0xD970] =	vst v3;
	v3 =	vmul.f32 v18, v10;
	v10 =	vmul.f32 v16, v10;
	v16 =	vld [tilespmem:s4+$0x9B80]  }
0x163: {  	[tilespmem:s4+$0xD980] =	vst v2;
	v2 =	vmul.f32 v15, v36;
	v15 =	vmul.f32 v20, v36;
	v18 =	vld [tilespmem:s4+$0x9B90]  }
0x164: {  	[tilespmem:s4+$0xD990] =	vst v13;
	v13 =	vmul.f32 v27, v36;
	v27 =	vmul.f32 v29, v36;
	v20 =	vld [tilespmem:s4+$0x9BA0]  }
0x165: {  	v29 =	vbroadcast v1, $0xD;
	[tilespmem:s4+$0xD9A0] =	vst v14;
	v14 =	vbroadcast v1, $0xC;
	v34 =	vld [tilespmem:s4+$0x9BB0]  }
0x166: {  	[tilespmem:s4+$0xD9B0] =	vst v19;
	v19 =	vbroadcast v1, $0xE;
	v36 =	vld [tilespmem:s4+$0x9BC0];
	v1 =	vbroadcast v1, $0xF  }
0x167: {  	[tilespmem:s4+$0xD9C0] =	vst v11;
	v11 =	vmul.f32 v32, v14;
	v32 =	vmul.f32 v35, v14;
	v35 =	vld [tilespmem:s4+$0x9BD0]  }
0x168: {  	[tilespmem:s4+$0xD9D0] =	vst v28;
	v28 =	vmul.f32 v37, v14;
	v14 =	vmul.f32 v31, v14;
	v31 =	vld [tilespmem:s4+$0x9BE0]  }
0x169: {  	v37 =	vmul.f32 v23, v29;
	[tilespmem:s4+$0xD9E0] =	vst v12;
	v12 =	vmul.f32 v24, v29;
	v23 =	vld [tilespmem:s4+$0x9BF0]  }
0x16a: {  	[tilespmem:s4+$0xD9F0] =	vst v30;
	v30 =	vmul.f32 v26, v29;
	v29 =	vmul.f32 v33, v29  }
0x16b: {  	v33 =	vmul.f32 v18, v19;
	[tilespmem:s4+$0xDA00] =	vst v8;
	v8 =	vmul.f32 v16, v19  }
0x16c: {  	v38 =	vmul.f32 v20, v19;
	v34 =	vmul.f32 v34, v19;
	[tilespmem:s4+$0xDA10] =	vst v25  }
0x16d: {  	v36 =	vmul.f32 v36, v1;
	v35 =	vmul.f32 v35, v1;
	[tilespmem:s4+$0xDA20] =	vst v7  }
0x16e: {  	v31 =	vmul.f32 v31, v1;
	[tilespmem:s4+$0xDA30] =	vst v9;
	v1 =	vmul.f32 v23, v1  }
0x16f: {  	[tilespmem:s4+$0xDA40] =	vst v5  }
0x170: {  	[tilespmem:s4+$0xDA50] =	vst v21  }
0x171: {  	s12 =	sshra.s32 s22, $0x2;
	[tilespmem:s4+$0xDA60] =	vst v6  }
0x172: {  	v25 =	vld [tilespmem:s12+$0x9800];
	[tilespmem:s4+$0xDA70] =	vst v22  }
0x173: {  	v26 =	vld [tilespmem:s12+$0x9810];
	[tilespmem:s4+$0xDA80] =	vst v4  }
0x174: {  	v24 =	vld [tilespmem:s12+$0x9820];
	[tilespmem:s4+$0xDA90] =	vst v17  }
0x175: {  	v23 =	vld [tilespmem:s12+$0x9830];
	[tilespmem:s4+$0xDAA0] =	vst v3  }
0x176: {  	v21 =	vld [tilespmem:s12+$0x9840];
	[tilespmem:s4+$0xDAB0] =	vst v10  }
0x177: {  	v22 =	vld [tilespmem:s12+$0x9850];
	[tilespmem:s4+$0xDAC0] =	vst v2  }
0x178: {  	v20 =	vld [tilespmem:s12+$0x9860];
	[tilespmem:s4+$0xDAD0] =	vst v15  }
0x179: {  	v19 =	vld [tilespmem:s12+$0x9870];
	[tilespmem:s4+$0xDAE0] =	vst v13  }
0x17a: {  	v17 =	vld [tilespmem:s12+$0x9880];
	[tilespmem:s4+$0xDAF0] =	vst v27  }
0x17b: {  	v18 =	vld [tilespmem:s12+$0x9890];
	[tilespmem:s4+$0xDB00] =	vst v11  }
0x17c: {  	v16 =	vld [tilespmem:s12+$0x98A0];
	[tilespmem:s4+$0xDB10] =	vst v32  }
0x17d: {  	v15 =	vld [tilespmem:s12+$0x98B0];
	[tilespmem:s4+$0xDB20] =	vst v28  }
0x17e: {  	v13 =	vld [tilespmem:s12+$0x98C0];
	[tilespmem:s4+$0xDB30] =	vst v14  }
0x17f: {  	v14 =	vld [tilespmem:s12+$0x98D0];
	[tilespmem:s4+$0xDB40] =	vst v12  }
0x180: {  	v11 =	vld [tilespmem:s12+$0x98E0];
	[tilespmem:s4+$0xDB50] =	vst v37  }
0x181: {  	v12 =	vld [tilespmem:s12+$0x98F0];
	[tilespmem:s4+$0xDB60] =	vst v30  }
0x182: {  	v9 =	vld [tilespmem:s12+$0x9900];
	[tilespmem:s4+$0xDB70] =	vst v29  }
0x183: {  	v10 =	vld [tilespmem:s12+$0x9910];
	[tilespmem:s4+$0xDB80] =	vst v8  }
0x184: {  	v8 =	vld [tilespmem:s12+$0x9920];
	[tilespmem:s4+$0xDB90] =	vst v33  }
0x185: {  	v7 =	vld [tilespmem:s12+$0x9930];
	[tilespmem:s4+$0xDBA0] =	vst v38  }
0x186: {  	v5 =	vld [tilespmem:s12+$0x9940];
	[tilespmem:s4+$0xDBB0] =	vst v34  }
.Ltmp4:
0x187: {  	v6 =	vld [tilespmem:s12+$0x9950];
	[tilespmem:s4+$0xDBC0] =	vst v36;
	(pc) =	sbr.rel @p1 .LBB2_7-.Ltmp4, $4  }
0x188: {  	v4 =	vld [tilespmem:s12+$0x9960];
	[tilespmem:s4+$0xDBD0] =	vst v35  }
0x189: {  	v3 =	vld [tilespmem:s12+$0x9970];
	[tilespmem:s4+$0xDBE0] =	vst v31  }
0x18a: {  	s11 =	sadd.s32 $0x10, s11;
	v2 =	vld [tilespmem:s12+$0x9980];
	[tilespmem:s4+$0xDBF0] =	vst v1;
	s4 =	smov.u32 s12  }
0x18b: {  	s22 =	sadd.s32 $0x1000, s22;
	v1 =	vld [tilespmem:s11+$0x0]  }
0x18c: {  	_ =	sdelay $0x3  }
0x18d: {  	v31 =	vbroadcast v1, $0x0;
	_ =	sdelay $0x1  }
0x18e: {  	v25 =	vmul.f32 v31, v25  }
0x18f: {  	v26 =	vmul.f32 v26, v31  }
0x190: {  	v36 =	vbroadcast v1, $0x1;
	v24 =	vmul.f32 v24, v31;
	[tilespmem:s4+$0xD800] =	vst v25  }
0x191: {  	v23 =	vmul.f32 v23, v31;
	[tilespmem:s4+$0xD810] =	vst v26  }
0x192: {  	v21 =	vmul.f32 v21, v36;
	[tilespmem:s4+$0xD820] =	vst v24  }
0x193: {  	v22 =	vmul.f32 v22, v36;
	[tilespmem:s4+$0xD830] =	vst v23  }
0x194: {  	v57 =	vbroadcast v1, $0x2;
	v20 =	vmul.f32 v20, v36;
	[tilespmem:s4+$0xD840] =	vst v21  }
0x195: {  	v19 =	vmul.f32 v19, v36;
	[tilespmem:s4+$0xD850] =	vst v22  }
0x196: {  	v17 =	vmul.f32 v17, v57;
	[tilespmem:s4+$0xD860] =	vst v20  }
0x197: {  	v18 =	vmul.f32 v18, v57;
	[tilespmem:s4+$0xD870] =	vst v19  }
0x198: {  	v58 =	vbroadcast v1, $0x3;
	v16 =	vmul.f32 v16, v57;
	[tilespmem:s4+$0xD880] =	vst v17  }
0x199: {  	v15 =	vmul.f32 v15, v57;
	[tilespmem:s4+$0xD890] =	vst v18  }
0x19a: {  	v13 =	vmul.f32 v13, v58;
	[tilespmem:s4+$0xD8A0] =	vst v16  }
0x19b: {  	v14 =	vmul.f32 v14, v58;
	[tilespmem:s4+$0xD8B0] =	vst v15  }
0x19c: {  	v59 =	vbroadcast v1, $0x4;
	v11 =	vmul.f32 v11, v58;
	[tilespmem:s4+$0xD8C0] =	vst v13  }
0x19d: {  	v12 =	vmul.f32 v12, v58;
	[tilespmem:s4+$0xD8D0] =	vst v14  }
0x19e: {  	v9 =	vmul.f32 v9, v59;
	[tilespmem:s4+$0xD8E0] =	vst v11  }
0x19f: {  	v10 =	vmul.f32 v10, v59;
	[tilespmem:s4+$0xD8F0] =	vst v12  }
0x1a0: {  	v62 =	vbroadcast v1, $0x5;
	v8 =	vmul.f32 v8, v59;
	[tilespmem:s4+$0xD900] =	vst v9  }
0x1a1: {  	v7 =	vmul.f32 v7, v59;
	[tilespmem:s4+$0xD910] =	vst v10  }
0x1a2: {  	v27 =	vld [tilespmem:s4+$0x9990];
	v5 =	vmul.f32 v5, v62;
	[tilespmem:s4+$0xD920] =	vst v8  }
0x1a3: {  	v28 =	vld [tilespmem:s4+$0x99A0];
	v6 =	vmul.f32 v6, v62;
	[tilespmem:s4+$0xD930] =	vst v7  }
0x1a4: {  	v29 =	vld [tilespmem:s4+$0x99B0];
	v43 =	vbroadcast v1, $0x6;
	v4 =	vmul.f32 v4, v62;
	[tilespmem:s4+$0xD940] =	vst v5  }
0x1a5: {  	v30 =	vld [tilespmem:s4+$0x99C0];
	v3 =	vmul.f32 v3, v62;
	[tilespmem:s4+$0xD950] =	vst v6  }
0x1a6: {  	v32 =	vld [tilespmem:s4+$0x99D0];
	v2 =	vmul.f32 v2, v43;
	[tilespmem:s4+$0xD960] =	vst v4  }
0x1a7: {  	v33 =	vld [tilespmem:s4+$0x99E0];
	v27 =	vmul.f32 v27, v43;
	[tilespmem:s4+$0xD970] =	vst v3  }
0x1a8: {  	v34 =	vld [tilespmem:s4+$0x99F0];
	v46 =	vbroadcast v1, $0x7;
	v28 =	vmul.f32 v28, v43;
	[tilespmem:s4+$0xD980] =	vst v2  }
0x1a9: {  	v35 =	vld [tilespmem:s4+$0x9A00];
	v29 =	vmul.f32 v29, v43;
	[tilespmem:s4+$0xD990] =	vst v27  }
0x1aa: {  	v56 =	vld [tilespmem:s4+$0x9A10];
	v30 =	vmul.f32 v30, v46;
	[tilespmem:s4+$0xD9A0] =	vst v28  }
0x1ab: {  	v60 =	vld [tilespmem:s4+$0x9B10];
	v49 =	vmul.f32 v32, v46;
	[tilespmem:s4+$0xD9B0] =	vst v29  }
0x1ac: {  	v61 =	vld [tilespmem:s4+$0x9B20];
	v52 =	vbroadcast v1, $0x8;
	v51 =	vmul.f32 v33, v46;
	[tilespmem:s4+$0xD9C0] =	vst v30  }
0x1ad: {  	v63 =	vld [tilespmem:s4+$0x9B30];
	v34 =	vmul.f32 v34, v46;
	[tilespmem:s4+$0xD9D0] =	vst v49  }
0x1ae: {  	v40 =	vld [tilespmem:s4+$0x9B40];
	v54 =	vmul.f32 v35, v52;
	v59 =	vbroadcast v1, $0xC;
	[tilespmem:s4+$0xD9E0] =	vst v51  }
0x1af: {  	v41 =	vld [tilespmem:s4+$0x9B50];
	v25 =	vmul.f32 v56, v52;
	[tilespmem:s4+$0xD9F0] =	vst v34  }
0x1b0: {  	v42 =	vld [tilespmem:s4+$0x9B60];
	[tilespmem:s4+$0xDA00] =	vst v54;
	v9 =	vmul.f32 v60, v59  }
0x1b1: {  	v44 =	vld [tilespmem:s4+$0x9B70];
	v60 =	vbroadcast v1, $0xD;
	v10 =	vmul.f32 v61, v59;
	[tilespmem:s4+$0xDA10] =	vst v25  }
0x1b2: {  	v45 =	vld [tilespmem:s4+$0x9BA0];
	v57 =	vbroadcast v1, $0xA;
	v8 =	vmul.f32 v63, v59;
	[tilespmem:s4+$0xDB10] =	vst v9  }
0x1b3: {  	v50 =	vld [tilespmem:s4+$0x9BD0];
	v58 =	vbroadcast v1, $0xB;
	v7 =	vmul.f32 v40, v60;
	[tilespmem:s4+$0xDB20] =	vst v10  }
0x1b4: {  	v26 =	vld [tilespmem:s4+$0x9A20];
	v56 =	vbroadcast v1, $0x9;
	v5 =	vmul.f32 v41, v60;
	[tilespmem:s4+$0xDB30] =	vst v8  }
0x1b5: {  	v24 =	vld [tilespmem:s4+$0x9A30];
	v61 =	vbroadcast v1, $0xE;
	v6 =	vmul.f32 v42, v60;
	[tilespmem:s4+$0xDB40] =	vst v7  }
0x1b6: {  	v23 =	vld [tilespmem:s4+$0x9A40];
	v1 =	vbroadcast v1, $0xF;
	v4 =	vmul.f32 v44, v60;
	[tilespmem:s4+$0xDB50] =	vst v5  }
0x1b7: {  	v21 =	vld [tilespmem:s4+$0x9A50];
	v62 =	vmul.f32 v45, v61;
	[tilespmem:s4+$0xDB60] =	vst v6  }
0x1b8: {  	v22 =	vld [tilespmem:s4+$0x9A60];
	v63 =	vmul.f32 v50, v1;
	[tilespmem:s4+$0xDB70] =	vst v4  }
0x1b9: {  	v20 =	vld [tilespmem:s4+$0x9A70];
	[tilespmem:s4+$0xDBA0] =	vst v62;
	v26 =	vmul.f32 v26, v52  }
0x1ba: {  	v19 =	vld [tilespmem:s4+$0x9A80];
	[tilespmem:s4+$0xDBD0] =	vst v63;
	v24 =	vmul.f32 v24, v52  }
0x1bb: {  	v17 =	vld [tilespmem:s4+$0x9A90];
	v23 =	vmul.f32 v23, v56;
	[tilespmem:s4+$0xDA20] =	vst v26  }
0x1bc: {  	v18 =	vld [tilespmem:s4+$0x9AA0];
	v21 =	vmul.f32 v21, v56;
	[tilespmem:s4+$0xDA30] =	vst v24  }
0x1bd: {  	v16 =	vld [tilespmem:s4+$0x9AB0];
	v22 =	vmul.f32 v22, v56;
	[tilespmem:s4+$0xDA40] =	vst v23  }
0x1be: {  	v15 =	vld [tilespmem:s4+$0x9AC0];
	v20 =	vmul.f32 v20, v56;
	[tilespmem:s4+$0xDA50] =	vst v21  }
0x1bf: {  	v13 =	vld [tilespmem:s4+$0x9AD0];
	v19 =	vmul.f32 v19, v57;
	[tilespmem:s4+$0xDA60] =	vst v22  }
0x1c0: {  	v14 =	vld [tilespmem:s4+$0x9AE0];
	v17 =	vmul.f32 v17, v57;
	[tilespmem:s4+$0xDA70] =	vst v20  }
0x1c1: {  	v11 =	vld [tilespmem:s4+$0x9AF0];
	v18 =	vmul.f32 v18, v57;
	[tilespmem:s4+$0xDA80] =	vst v19  }
0x1c2: {  	v12 =	vld [tilespmem:s4+$0x9B00];
	v16 =	vmul.f32 v16, v57;
	[tilespmem:s4+$0xDA90] =	vst v17  }
0x1c3: {  	v3 =	vld [tilespmem:s4+$0x9B80];
	v15 =	vmul.f32 v15, v58;
	[tilespmem:s4+$0xDAA0] =	vst v18  }
0x1c4: {  	v2 =	vld [tilespmem:s4+$0x9B90];
	v13 =	vmul.f32 v13, v58;
	[tilespmem:s4+$0xDAB0] =	vst v16  }
0x1c5: {  	v47 =	vld [tilespmem:s4+$0x9BB0];
	v14 =	vmul.f32 v14, v58;
	[tilespmem:s4+$0xDAC0] =	vst v15  }
0x1c6: {  	v48 =	vld [tilespmem:s4+$0x9BC0];
	v11 =	vmul.f32 v11, v58;
	[tilespmem:s4+$0xDAD0] =	vst v13  }
0x1c7: {  	v53 =	vld [tilespmem:s4+$0x9BE0];
	v12 =	vmul.f32 v12, v59;
	[tilespmem:s4+$0xDAE0] =	vst v14  }
0x1c8: {  	v55 =	vld [tilespmem:s4+$0x9BF0];
	v3 =	vmul.f32 v3, v61;
	[tilespmem:s4+$0xDAF0] =	vst v11  }
0x1c9: {  	v2 =	vmul.f32 v2, v61;
	[tilespmem:s4+$0xDB00] =	vst v12  }
0x1ca: {  	[tilespmem:s4+$0xDB80] =	vst v3;
	v3 =	vmul.f32 v47, v61  }
.Ltmp5:
0x1cb: {  	[tilespmem:s4+$0xDB90] =	vst v2;
	v2 =	vmul.f32 v48, v1;
	(pc) =	sbr.rel @p2 .LBB2_10-.Ltmp5, $4  }
0x1cc: {  	[tilespmem:s4+$0xDBB0] =	vst v3;
	v3 =	vmul.f32 v53, v1  }
0x1cd: {  	[tilespmem:s4+$0xDBC0] =	vst v2;
	v1 =	vmul.f32 v55, v1  }
0x1ce: {  	s10 =	sshra.s32 s10, $0x2;
	[tilespmem:s4+$0xDBE0] =	vst v3  }
0x1cf: {  	[tilespmem:s4+$0xDBF0] =	vst v1;
	s4 =	sadd.s32 $0x2800, s10  }
.Ltmp6:
0x1d0: {  	(pc) =	sbr.rel .LBB2_4-.Ltmp6, $4  }
0x1d1: {  	s10 =	sadd.s32 $0x180, s19  }
0x1d2: {  	[tilespmem:s31], [sflag:$0x2] =	stream.indirect.gather [hbm4b:s2+s29], $0x40, s10, s29, $0xb8;
	[tilespmem:$0x19440] =	vst v63  }
0x1d3: {  	s9 =	sadd.s32 $0x1, s9;
	s20 =	sadd.s32 $0x100, s20;
	s21 =	sadd.s32 $0x100, s21  }
0x1d4: {  	[spmem:s3] =	stream.indirect.scatter.add.f32 [tilespmem:s1], [sflag:$0x4], $0x40, s4, s29, $0xb8;
	[tilespmem:$0x19440] =	vst v63  }
.LBB2_10:
0x1d5: {  	[spmem:s3] =	stream.indirect.scatter.add.f32 [tilespmem:s1], [sflag:$0x4], $0x40, s4, s29, $0xb8;
	[tilespmem:$0x19440] =	vst v63  }
0x1d6: {  	s22 =	simm.s32 $0x3  }
0x1d7: {  	_ =	swait.ge [sflag:s22], $0x2000  }
0x1d8: {  	[sflag:s22] =	ssyncset.done $0x0  }
0x1d9: {  	s30 =	simm.s32 $0x4;
	[sflag:s22] =	ssyncadd.s32 $0xFFFFE000  }
0x1da: {  	_ =	swait.ge [sflag:s30], $0x2000  }
0x1db: {  	[sflag:s30] =	ssyncset.done $0x0  }
0x1dc: {  	[sflag:s30] =	ssyncadd.s32 $0xFFFFE000  }
0x1dd: {  	[bflag:$0x0] =	sbarrier.arrive $0xFFFF  }
0x1de: {  	s9 =	sshrl.u32 @p0 s8, $0x3;
	s4 =	simm.s32 @p0 $0x1FC5;
	s6 =	rddreg [dreg:$0xb]  }
0x1df: {  	[hbm:s6], [sflag:s4] =	dma.local @p0 [spmem:s9], $0x1040  }
0x1e0: {  	s4 =	simm.s32 @p0 $0x5  }
0x1e1: {  	_ =	swait.ge @p0 [sflag:s4], $0x1040  }
0x1e2: {  	s10 =	stileid.u32;
	[sflag:s4] =	ssyncset.done @p0 $0x0  }
0x1e3: {  	s10 =	sshll.u32 @!p0 s10, $0x6;
	[sflag:s4] =	ssyncadd.s32 @p0 $0xFFFFEFC0;
	s4 =	rddreg [dreg:$0xa]  }
0x1e4: {  	s20 =	sor.u32 @!p0 $0x1C05, s10;
	s21 =	sshrl.u32 @!p0 s4, $0x3;
	s4 =	rddreg [dreg:$0x9]  }
0x1e5: {  	[hbm:s4], [sflag:s20] =	dma.local @!p0 [spmem:s21], $0x13C0  }
0x1e6: {  	s4 =	simm.s32 @!p0 $0x5  }
0x1e7: {  	_ =	swait.ge @!p0 [sflag:s4], $0x13C0  }
0x1e8: {  	[sflag:s4] =	ssyncset.done @!p0 $0x0  }
0x1e9: {  	[sflag:s4] =	ssyncadd.s32 @!p0 $0xFFFFEC40  }
0x1ea: {  	s10 =	simm.s32 $0x100;
	s4 =	simm.s32 $0x0;
	[bflag:$0x0] =	sbarrier.arrive $0xFFFF  }
.LBB2_11:
0x1eb: {  	p1 =	sne.s32 s10, $0x7F00;
	[tilespmem:s4+$0x7830] =	vst v0;
	s11 =	smov.u32 s10;
	s10 =	sadd.s32 $0x100, s10  }
.Ltmp7:
0x1ec: {  	[tilespmem:s4+$0x7820] =	vst v0;
	(pc) =	sbr.rel @p1 .LBB2_11-.Ltmp7, $3  }
0x1ed: {  	[tilespmem:s4+$0x7800] =	vst v0  }
0x1ee: {  	[tilespmem:s4+$0x7810] =	vst v0;
	_ =	sdelay $0x1  }
0x1ef: {  	s4 =	sshra.s32 s11, $0x2  }
0x1f0: {  	[tilespmem:s4+$0x7830] =	vst v0  }
0x1f1: {  	[tilespmem:s4+$0x7820] =	vst v0  }
0x1f2: {  	[tilespmem:s4+$0x7800] =	vst v0  }
0x1f3: {  	[tilespmem:s4+$0x7810] =	vst v0;
	s4 =	simm.s32 @p0 $0x7800;
	s10 =	simm.s32 @p0 $0x5  }
0x1f4: {  	[spmem:s8] =	stream.linear.scatter @p0 [tilespmem:s4], [sflag:$0x5], $0x2000, $0x38;
	[tilespmem:$0x19440] =	vst v63  }
0x1f5: {  	_ =	swait.ge @p0 [sflag:s10], $0x2000  }
0x1f6: {  	[sflag:s10] =	ssyncset.done @p0 $0x0  }
0x1f7: {  	[sflag:s10] =	ssyncadd.s32 @p0 $0xFFFFE000  }
0x1f8: {  	[spmem:s15] =	stream.linear.scatter @p0 [tilespmem:s4], [sflag:$0x5], $0x2000, $0x38;
	[tilespmem:$0x19440] =	vst v63  }
0x1f9: {  	_ =	swait.ge @p0 [sflag:s10], $0x2000  }
0x1fa: {  	[sflag:s10] =	ssyncset.done @p0 $0x0  }
0x1fb: {  	[sflag:s10] =	ssyncadd.s32 @p0 $0xFFFFE000  }
0x1fc: {  	[spmem:s16] =	stream.linear.scatter @p0 [tilespmem:s4], [sflag:$0x5], $0x2000, $0x38;
	[tilespmem:$0x19440] =	vst v63  }
0x1fd: {  	_ =	swait.ge @p0 [sflag:s10], $0x2000  }
0x1fe: {  	[sflag:s10] =	ssyncset.done @p0 $0x0  }
0x1ff: {  	[sflag:s10] =	ssyncadd.s32 @p0 $0xFFFFE000  }
0x200: {  	[spmem:s14] =	stream.linear.scatter @p0 [tilespmem:s4], [sflag:$0x5], $0x2000, $0x38;
	[tilespmem:$0x19440] =	vst v63  }
0x201: {  	_ =	swait.ge @p0 [sflag:s10], $0x2000  }
0x202: {  	[sflag:s10] =	ssyncset.done @p0 $0x0  }
0x203: {  	s11 =	rddreg [dreg:$0x8];
	[sflag:s10] =	ssyncadd.s32 @p0 $0xFFFFE000  }
0x204: {  	[spmem:s11] =	stream.linear.scatter @p0 [tilespmem:s4], [sflag:$0x5], $0x200, $0x38;
	[tilespmem:$0x19440] =	vst v63  }
0x205: {  	_ =	swait.ge @p0 [sflag:s10], $0x200  }
0x206: {  	[sflag:s10] =	ssyncset.done @p0 $0x0  }
0x207: {  	s4 =	simm.s32 @!p0 $0x7800;
	[sflag:s10] =	ssyncadd.s32 @p0 $0xFFFFFE00;
	s10 =	simm.s32 @!p0 $0x5  }
0x208: {  	[spmem:s17] =	stream.linear.scatter @!p0 [tilespmem:s4], [sflag:$0x5], $0x2000, $0x38;
	[tilespmem:$0x19440] =	vst v63  }
0x209: {  	_ =	swait.ge @!p0 [sflag:s10], $0x2000  }
0x20a: {  	[sflag:s10] =	ssyncset.done @!p0 $0x0  }
0x20b: {  	[sflag:s10] =	ssyncadd.s32 @!p0 $0xFFFFE000  }
0x20c: {  	[spmem:s13] =	stream.linear.scatter @!p0 [tilespmem:s4], [sflag:$0x5], $0x2000, $0x38;
	[tilespmem:$0x19440] =	vst v63  }
0x20d: {  	_ =	swait.ge @!p0 [sflag:s10], $0x2000  }
0x20e: {  	[sflag:s10] =	ssyncset.done @!p0 $0x0  }
0x20f: {  	[sflag:s10] =	ssyncadd.s32 @!p0 $0xFFFFE000  }
0x210: {  	[spmem:s23] =	stream.linear.scatter @!p0 [tilespmem:s4], [sflag:$0x5], $0x2000, $0x38;
	[tilespmem:$0x19440] =	vst v63  }
0x211: {  	_ =	swait.ge @!p0 [sflag:s10], $0x2000  }
0x212: {  	[sflag:s10] =	ssyncset.done @!p0 $0x0  }
0x213: {  	[sflag:s10] =	ssyncadd.s32 @!p0 $0xFFFFE000  }
0x214: {  	[spmem:s24] =	stream.linear.scatter @!p0 [tilespmem:s4], [sflag:$0x5], $0x2000, $0x38;
	[tilespmem:$0x19440] =	vst v63  }
0x215: {  	_ =	swait.ge @!p0 [sflag:s10], $0x2000  }
0x216: {  	[sflag:s10] =	ssyncset.done @!p0 $0x0  }
0x217: {  	s30 =	smov.u32 s8;
	s11 =	rddreg [dreg:$0x7];
	[sflag:s10] =	ssyncadd.s32 @!p0 $0xFFFFE000  }
0x218: {  	[spmem:s11] =	stream.linear.scatter @!p0 [tilespmem:s4], [sflag:$0x5], $0x1E00, $0x38;
	[tilespmem:$0x19440] =	vst v63  }
0x219: {  	s18 =	smov.u32 s15;
	s6 =	smov.u32 s14;
	_ =	swait.ge @!p0 [sflag:s10], $0x1E00  }
0x21a: {  	s22 =	simm.s32 $0x0;
	s12 =	simm.s32 $0x5080;
	[sflag:s10] =	ssyncset.done @!p0 $0x0  }
0x21b: {  	s8 =	smov.u32 s16;
	s14 =	smov.u32 s17;
	[sflag:s10] =	ssyncadd.s32 @!p0 $0xFFFFE200  }
0x21c: {  	s17 =	smov.u32 s24;
	s24 =	simm.s32 $0x7800;
	[bflag:$0x0] =	sbarrier.arrive $0xFFFF  }
0x21d: {  	[tilespmem:s24], [sflag:$0x1] =	stream.indirect.gather [hbm4b:s5+s29], $0x40, s22, s29, $0xb8;
	[tilespmem:$0x19440] =	vst v63  }
0x21e: {  	s15 =	smov.u32 s13;
	s16 =	smov.u32 s23;
	s23 =	simm.s32 $0x5000  }
0x21f: {  	[tilespmem:s31], [sflag:$0x2] =	stream.indirect.gather [hbm4b:s5+s29], $0x40, s29, s29, $0xb8;
	[tilespmem:$0x19440] =	vst v63  }
.LBB2_13:
0x220: {  	_ =	swait.ge [sflag:s0], $0x2000  }
0x221: {  	p1 =	seq.s32 s22, $0x0;
	[sflag:s0] =	ssyncset.done $0x0  }
0x222: {  	s4 =	simm.s32 @!p1 $0x3;
	[sflag:s0] =	ssyncadd.s32 $0xFFFFE000  }
0x223: {  	_ =	swait.ge @!p1 [sflag:s4], $0x2000  }
0x224: {  	[sflag:s4] =	ssyncset.done @!p1 $0x0  }
0x225: {  	[sflag:s4] =	ssyncadd.s32 @!p1 $0xFFFFE000;
	s4 =	simm.s32 $0x0  }
0x226: {  	v25 =	vld [tilespmem:s4+$0x7800]  }
0x227: {  	v26 =	vld [tilespmem:s4+$0x7810]  }
0x228: {  	v24 =	vld [tilespmem:s4+$0x7820]  }
0x229: {  	v23 =	vld [tilespmem:s4+$0x7830]  }
0x22a: {  	v21 =	vld [tilespmem:s4+$0x7840]  }
0x22b: {  	v22 =	vld [tilespmem:s4+$0x7850]  }
0x22c: {  	v20 =	vld [tilespmem:s4+$0x7860]  }
0x22d: {  	v19 =	vld [tilespmem:s4+$0x7870]  }
0x22e: {  	v17 =	vld [tilespmem:s4+$0x7880]  }
0x22f: {  	v18 =	vld [tilespmem:s4+$0x7890]  }
0x230: {  	v16 =	vld [tilespmem:s4+$0x78A0]  }
0x231: {  	v15 =	vld [tilespmem:s4+$0x78B0]  }
0x232: {  	v13 =	vld [tilespmem:s4+$0x78C0]  }
0x233: {  	v14 =	vld [tilespmem:s4+$0x78D0]  }
0x234: {  	v11 =	vld [tilespmem:s4+$0x78E0]  }
0x235: {  	v12 =	vld [tilespmem:s4+$0x78F0]  }
0x236: {  	v9 =	vld [tilespmem:s4+$0x7900]  }
0x237: {  	v10 =	vld [tilespmem:s4+$0x7910]  }
0x238: {  	v8 =	vld [tilespmem:s4+$0x7920]  }
0x239: {  	v7 =	vld [tilespmem:s4+$0x7930]  }
0x23a: {  	v5 =	vld [tilespmem:s4+$0x7940]  }
0x23b: {  	v6 =	vld [tilespmem:s4+$0x7950]  }
0x23c: {  	v4 =	vld [tilespmem:s4+$0x7960]  }
0x23d: {  	v3 =	vld [tilespmem:s4+$0x7970]  }
0x23e: {  	v2 =	vld [tilespmem:s4+$0x7980]  }
0x23f: {  	s19 =	sshll.u32 s22, $0xA;
	s10 =	simm.s32 $0x1000;
	s11 =	smov.u32 s23;
	v1 =	vld [tilespmem:s23+$0x0]  }
.LBB2_14:
0x240: {  	p2 =	sne.s32 s10, $0x7000;
	v27 =	vld [tilespmem:s4+$0x7990]  }
0x241: {  	v28 =	vld [tilespmem:s4+$0x79A0]  }
0x242: {  	v29 =	vld [tilespmem:s4+$0x79B0]  }
0x243: {  	v30 =	vld [tilespmem:s4+$0x79C0]  }
0x244: {  	v31 =	vbroadcast v1, $0x0;
	v32 =	vbroadcast v1, $0x1;
	v33 =	vld [tilespmem:s4+$0x79D0]  }
0x245: {  	v34 =	vbroadcast v1, $0x2;
	v35 =	vbroadcast v1, $0x3;
	v36 =	vld [tilespmem:s4+$0x79E0]  }
0x246: {  	v25 =	vmul.f32 v31, v25;
	v26 =	vmul.f32 v26, v31;
	v37 =	vld [tilespmem:s4+$0x79F0]  }
0x247: {  	v24 =	vmul.f32 v24, v31;
	v23 =	vmul.f32 v23, v31;
	v31 =	vld [tilespmem:s4+$0x7A00]  }
0x248: {  	v21 =	vmul.f32 v21, v32;
	v22 =	vmul.f32 v22, v32;
	[tilespmem:s4+$0xB800] =	vst v25;
	v25 =	vld [tilespmem:s4+$0x7A10]  }
0x249: {  	v20 =	vmul.f32 v20, v32;
	v19 =	vmul.f32 v19, v32;
	[tilespmem:s4+$0xB810] =	vst v26;
	v26 =	vld [tilespmem:s4+$0x7A20]  }
0x24a: {  	v17 =	vmul.f32 v17, v34;
	v18 =	vmul.f32 v18, v34;
	[tilespmem:s4+$0xB820] =	vst v24;
	v24 =	vld [tilespmem:s4+$0x7A30]  }
0x24b: {  	v16 =	vmul.f32 v16, v34;
	v15 =	vmul.f32 v15, v34;
	[tilespmem:s4+$0xB830] =	vst v23;
	v23 =	vld [tilespmem:s4+$0x7A40]  }
0x24c: {  	v13 =	vmul.f32 v13, v35;
	v14 =	vmul.f32 v14, v35;
	[tilespmem:s4+$0xB840] =	vst v21;
	v21 =	vld [tilespmem:s4+$0x7A50]  }
0x24d: {  	v11 =	vmul.f32 v11, v35;
	v12 =	vmul.f32 v12, v35;
	[tilespmem:s4+$0xB850] =	vst v22;
	v22 =	vld [tilespmem:s4+$0x7A60]  }
0x24e: {  	v32 =	vbroadcast v1, $0x5;
	[tilespmem:s4+$0xB860] =	vst v20;
	v20 =	vbroadcast v1, $0x4;
	v34 =	vld [tilespmem:s4+$0x7A70]  }
0x24f: {  	v35 =	vbroadcast v1, $0x7;
	[tilespmem:s4+$0xB870] =	vst v19;
	v19 =	vbroadcast v1, $0x6;
	v38 =	vld [tilespmem:s4+$0x7A80]  }
0x250: {  	[tilespmem:s4+$0xB880] =	vst v17;
	v9 =	vmul.f32 v9, v20;
	v10 =	vmul.f32 v10, v20;
	v17 =	vld [tilespmem:s4+$0x7A90]  }
0x251: {  	v8 =	vmul.f32 v8, v20;
	v7 =	vmul.f32 v7, v20;
	[tilespmem:s4+$0xB890] =	vst v18;
	v18 =	vld [tilespmem:s4+$0x7AA0]  }
0x252: {  	v5 =	vmul.f32 v5, v32;
	v6 =	vmul.f32 v6, v32;
	[tilespmem:s4+$0xB8A0] =	vst v16;
	v16 =	vld [tilespmem:s4+$0x7AB0]  }
0x253: {  	v4 =	vmul.f32 v4, v32;
	v3 =	vmul.f32 v3, v32;
	[tilespmem:s4+$0xB8B0] =	vst v15;
	v15 =	vld [tilespmem:s4+$0x7AC0]  }
0x254: {  	v2 =	vmul.f32 v2, v19;
	[tilespmem:s4+$0xB8C0] =	vst v13;
	v13 =	vmul.f32 v27, v19;
	v20 =	vld [tilespmem:s4+$0x7AD0]  }
0x255: {  	[tilespmem:s4+$0xB8D0] =	vst v14;
	v14 =	vmul.f32 v28, v19;
	v19 =	vmul.f32 v29, v19;
	v27 =	vld [tilespmem:s4+$0x7AE0]  }
0x256: {  	v28 =	vmul.f32 v33, v35;
	[tilespmem:s4+$0xB8E0] =	vst v11;
	v11 =	vmul.f32 v30, v35;
	v29 =	vld [tilespmem:s4+$0x7AF0]  }
0x257: {  	v30 =	vmul.f32 v37, v35;
	[tilespmem:s4+$0xB8F0] =	vst v12;
	v12 =	vmul.f32 v36, v35;
	v32 =	vld [tilespmem:s4+$0x7B00]  }
0x258: {  	v33 =	vbroadcast v1, $0x9;
	[tilespmem:s4+$0xB900] =	vst v9;
	v9 =	vbroadcast v1, $0x8;
	v35 =	vld [tilespmem:s4+$0x7B10]  }
0x259: {  	v36 =	vbroadcast v1, $0xB;
	[tilespmem:s4+$0xB910] =	vst v10;
	v10 =	vbroadcast v1, $0xA;
	v37 =	vld [tilespmem:s4+$0x7B20]  }
0x25a: {  	[tilespmem:s4+$0xB920] =	vst v8;
	v8 =	vmul.f32 v31, v9;
	v25 =	vmul.f32 v25, v9;
	v31 =	vld [tilespmem:s4+$0x7B30]  }
0x25b: {  	[tilespmem:s4+$0xB930] =	vst v7;
	v7 =	vmul.f32 v26, v9;
	v9 =	vmul.f32 v24, v9;
	v24 =	vld [tilespmem:s4+$0x7B40]  }
0x25c: {  	v21 =	vmul.f32 v21, v33;
	[tilespmem:s4+$0xB940] =	vst v5;
	v5 =	vmul.f32 v23, v33;
	v23 =	vld [tilespmem:s4+$0x7B50]  }
0x25d: {  	[tilespmem:s4+$0xB950] =	vst v6;
	v6 =	vmul.f32 v22, v33;
	v22 =	vmul.f32 v34, v33;
	v26 =	vld [tilespmem:s4+$0x7B60]  }
0x25e: {  	v17 =	vmul.f32 v17, v10;
	[tilespmem:s4+$0xB960] =	vst v4;
	v4 =	vmul.f32 v38, v10;
	v33 =	vld [tilespmem:s4+$0x7B70]  }
0x25f: {  	[tilespmem:s4+$0xB970] =	vst v3;
	v3 =	vmul.f32 v18, v10;
	v10 =	vmul.f32 v16, v10;
	v16 =	vld [tilespmem:s4+$0x7B80]  }
0x260: {  	[tilespmem:s4+$0xB980] =	vst v2;
	v2 =	vmul.f32 v15, v36;
	v15 =	vmul.f32 v20, v36;
	v18 =	vld [tilespmem:s4+$0x7B90]  }
0x261: {  	[tilespmem:s4+$0xB990] =	vst v13;
	v13 =	vmul.f32 v27, v36;
	v27 =	vmul.f32 v29, v36;
	v20 =	vld [tilespmem:s4+$0x7BA0]  }
0x262: {  	v29 =	vbroadcast v1, $0xD;
	[tilespmem:s4+$0xB9A0] =	vst v14;
	v14 =	vbroadcast v1, $0xC;
	v34 =	vld [tilespmem:s4+$0x7BB0]  }
0x263: {  	[tilespmem:s4+$0xB9B0] =	vst v19;
	v19 =	vbroadcast v1, $0xE;
	v36 =	vld [tilespmem:s4+$0x7BC0];
	v1 =	vbroadcast v1, $0xF  }
0x264: {  	[tilespmem:s4+$0xB9C0] =	vst v11;
	v11 =	vmul.f32 v32, v14;
	v32 =	vmul.f32 v35, v14;
	v35 =	vld [tilespmem:s4+$0x7BD0]  }
0x265: {  	[tilespmem:s4+$0xB9D0] =	vst v28;
	v28 =	vmul.f32 v37, v14;
	v14 =	vmul.f32 v31, v14;
	v31 =	vld [tilespmem:s4+$0x7BE0]  }
0x266: {  	v37 =	vmul.f32 v23, v29;
	[tilespmem:s4+$0xB9E0] =	vst v12;
	v12 =	vmul.f32 v24, v29;
	v23 =	vld [tilespmem:s4+$0x7BF0]  }
0x267: {  	[tilespmem:s4+$0xB9F0] =	vst v30;
	v30 =	vmul.f32 v26, v29;
	v29 =	vmul.f32 v33, v29  }
0x268: {  	v33 =	vmul.f32 v18, v19;
	[tilespmem:s4+$0xBA00] =	vst v8;
	v8 =	vmul.f32 v16, v19  }
0x269: {  	v38 =	vmul.f32 v20, v19;
	v34 =	vmul.f32 v34, v19;
	[tilespmem:s4+$0xBA10] =	vst v25  }
0x26a: {  	v36 =	vmul.f32 v36, v1;
	v35 =	vmul.f32 v35, v1;
	[tilespmem:s4+$0xBA20] =	vst v7  }
0x26b: {  	v31 =	vmul.f32 v31, v1;
	[tilespmem:s4+$0xBA30] =	vst v9;
	v1 =	vmul.f32 v23, v1  }
0x26c: {  	[tilespmem:s4+$0xBA40] =	vst v5  }
0x26d: {  	[tilespmem:s4+$0xBA50] =	vst v21  }
0x26e: {  	s24 =	sshra.s32 s10, $0x2;
	[tilespmem:s4+$0xBA60] =	vst v6  }
0x26f: {  	v25 =	vld [tilespmem:s24+$0x7800];
	[tilespmem:s4+$0xBA70] =	vst v22  }
0x270: {  	v26 =	vld [tilespmem:s24+$0x7810];
	[tilespmem:s4+$0xBA80] =	vst v4  }
0x271: {  	v24 =	vld [tilespmem:s24+$0x7820];
	[tilespmem:s4+$0xBA90] =	vst v17  }
0x272: {  	v23 =	vld [tilespmem:s24+$0x7830];
	[tilespmem:s4+$0xBAA0] =	vst v3  }
0x273: {  	v21 =	vld [tilespmem:s24+$0x7840];
	[tilespmem:s4+$0xBAB0] =	vst v10  }
0x274: {  	v22 =	vld [tilespmem:s24+$0x7850];
	[tilespmem:s4+$0xBAC0] =	vst v2  }
0x275: {  	v20 =	vld [tilespmem:s24+$0x7860];
	[tilespmem:s4+$0xBAD0] =	vst v15  }
0x276: {  	v19 =	vld [tilespmem:s24+$0x7870];
	[tilespmem:s4+$0xBAE0] =	vst v13  }
0x277: {  	v17 =	vld [tilespmem:s24+$0x7880];
	[tilespmem:s4+$0xBAF0] =	vst v27  }
0x278: {  	v18 =	vld [tilespmem:s24+$0x7890];
	[tilespmem:s4+$0xBB00] =	vst v11  }
0x279: {  	v16 =	vld [tilespmem:s24+$0x78A0];
	[tilespmem:s4+$0xBB10] =	vst v32  }
0x27a: {  	v15 =	vld [tilespmem:s24+$0x78B0];
	[tilespmem:s4+$0xBB20] =	vst v28  }
0x27b: {  	v13 =	vld [tilespmem:s24+$0x78C0];
	[tilespmem:s4+$0xBB30] =	vst v14  }
0x27c: {  	v14 =	vld [tilespmem:s24+$0x78D0];
	[tilespmem:s4+$0xBB40] =	vst v12  }
0x27d: {  	v11 =	vld [tilespmem:s24+$0x78E0];
	[tilespmem:s4+$0xBB50] =	vst v37  }
0x27e: {  	v12 =	vld [tilespmem:s24+$0x78F0];
	[tilespmem:s4+$0xBB60] =	vst v30  }
0x27f: {  	v9 =	vld [tilespmem:s24+$0x7900];
	[tilespmem:s4+$0xBB70] =	vst v29  }
0x280: {  	v10 =	vld [tilespmem:s24+$0x7910];
	[tilespmem:s4+$0xBB80] =	vst v8  }
0x281: {  	v8 =	vld [tilespmem:s24+$0x7920];
	[tilespmem:s4+$0xBB90] =	vst v33  }
0x282: {  	v7 =	vld [tilespmem:s24+$0x7930];
	[tilespmem:s4+$0xBBA0] =	vst v38  }
0x283: {  	v5 =	vld [tilespmem:s24+$0x7940];
	[tilespmem:s4+$0xBBB0] =	vst v34  }
.Ltmp8:
0x284: {  	v6 =	vld [tilespmem:s24+$0x7950];
	[tilespmem:s4+$0xBBC0] =	vst v36;
	(pc) =	sbr.rel @p2 .LBB2_14-.Ltmp8, $4  }
0x285: {  	v4 =	vld [tilespmem:s24+$0x7960];
	[tilespmem:s4+$0xBBD0] =	vst v35  }
0x286: {  	v3 =	vld [tilespmem:s24+$0x7970];
	[tilespmem:s4+$0xBBE0] =	vst v31  }
0x287: {  	s11 =	sadd.s32 $0x10, s11;
	v2 =	vld [tilespmem:s24+$0x7980];
	[tilespmem:s4+$0xBBF0] =	vst v1;
	s4 =	smov.u32 s24  }
0x288: {  	s10 =	sadd.s32 $0x1000, s10;
	v1 =	vld [tilespmem:s11+$0x0]  }
0x289: {  	_ =	sdelay $0x3  }
0x28a: {  	v31 =	vbroadcast v1, $0x0;
	_ =	sdelay $0x1  }
0x28b: {  	v25 =	vmul.f32 v31, v25  }
0x28c: {  	v26 =	vmul.f32 v26, v31  }
0x28d: {  	v36 =	vbroadcast v1, $0x1;
	v24 =	vmul.f32 v24, v31;
	[tilespmem:s4+$0xB800] =	vst v25  }
0x28e: {  	v23 =	vmul.f32 v23, v31;
	[tilespmem:s4+$0xB810] =	vst v26  }
0x28f: {  	v21 =	vmul.f32 v21, v36;
	[tilespmem:s4+$0xB820] =	vst v24  }
0x290: {  	v22 =	vmul.f32 v22, v36;
	[tilespmem:s4+$0xB830] =	vst v23  }
0x291: {  	v48 =	vbroadcast v1, $0x2;
	v20 =	vmul.f32 v20, v36;
	[tilespmem:s4+$0xB840] =	vst v21  }
0x292: {  	v19 =	vmul.f32 v19, v36;
	[tilespmem:s4+$0xB850] =	vst v22  }
0x293: {  	v17 =	vmul.f32 v17, v48;
	[tilespmem:s4+$0xB860] =	vst v20  }
0x294: {  	v18 =	vmul.f32 v18, v48;
	[tilespmem:s4+$0xB870] =	vst v19  }
0x295: {  	v49 =	vbroadcast v1, $0x3;
	v16 =	vmul.f32 v16, v48;
	[tilespmem:s4+$0xB880] =	vst v17  }
0x296: {  	v15 =	vmul.f32 v15, v48;
	[tilespmem:s4+$0xB890] =	vst v18  }
0x297: {  	v13 =	vmul.f32 v13, v49;
	[tilespmem:s4+$0xB8A0] =	vst v16  }
0x298: {  	v14 =	vmul.f32 v14, v49;
	[tilespmem:s4+$0xB8B0] =	vst v15  }
0x299: {  	v50 =	vbroadcast v1, $0x4;
	v11 =	vmul.f32 v11, v49;
	[tilespmem:s4+$0xB8C0] =	vst v13  }
0x29a: {  	v12 =	vmul.f32 v12, v49;
	[tilespmem:s4+$0xB8D0] =	vst v14  }
0x29b: {  	v9 =	vmul.f32 v9, v50;
	[tilespmem:s4+$0xB8E0] =	vst v11  }
0x29c: {  	v10 =	vmul.f32 v10, v50;
	[tilespmem:s4+$0xB8F0] =	vst v12  }
0x29d: {  	v51 =	vbroadcast v1, $0x5;
	v8 =	vmul.f32 v8, v50;
	[tilespmem:s4+$0xB900] =	vst v9  }
0x29e: {  	v7 =	vmul.f32 v7, v50;
	[tilespmem:s4+$0xB910] =	vst v10  }
0x29f: {  	v27 =	vld [tilespmem:s4+$0x7990];
	v5 =	vmul.f32 v5, v51;
	[tilespmem:s4+$0xB920] =	vst v8  }
0x2a0: {  	v28 =	vld [tilespmem:s4+$0x79A0];
	v6 =	vmul.f32 v6, v51;
	[tilespmem:s4+$0xB930] =	vst v7  }
0x2a1: {  	v29 =	vld [tilespmem:s4+$0x79B0];
	v52 =	vbroadcast v1, $0x6;
	v4 =	vmul.f32 v4, v51;
	[tilespmem:s4+$0xB940] =	vst v5  }
0x2a2: {  	v30 =	vld [tilespmem:s4+$0x79C0];
	v3 =	vmul.f32 v3, v51;
	[tilespmem:s4+$0xB950] =	vst v6  }
0x2a3: {  	v32 =	vld [tilespmem:s4+$0x79D0];
	v2 =	vmul.f32 v2, v52;
	[tilespmem:s4+$0xB960] =	vst v4  }
0x2a4: {  	v33 =	vld [tilespmem:s4+$0x79E0];
	v27 =	vmul.f32 v27, v52;
	[tilespmem:s4+$0xB970] =	vst v3  }
0x2a5: {  	v34 =	vld [tilespmem:s4+$0x79F0];
	v53 =	vbroadcast v1, $0x7;
	v28 =	vmul.f32 v28, v52;
	[tilespmem:s4+$0xB980] =	vst v2  }
0x2a6: {  	v35 =	vld [tilespmem:s4+$0x7A00];
	v29 =	vmul.f32 v29, v52;
	[tilespmem:s4+$0xB990] =	vst v27  }
0x2a7: {  	v30 =	vmul.f32 v30, v53;
	v25 =	vld [tilespmem:s4+$0x7A10];
	[tilespmem:s4+$0xB9A0] =	vst v28  }
0x2a8: {  	v56 =	vmul.f32 v32, v53;
	v26 =	vld [tilespmem:s4+$0x7A20];
	[tilespmem:s4+$0xB9B0] =	vst v29  }
0x2a9: {  	v59 =	vbroadcast v1, $0x8;
	v58 =	vmul.f32 v33, v53;
	v24 =	vld [tilespmem:s4+$0x7A30];
	[tilespmem:s4+$0xB9C0] =	vst v30  }
0x2aa: {  	v34 =	vmul.f32 v34, v53;
	v23 =	vld [tilespmem:s4+$0x7A40];
	[tilespmem:s4+$0xB9D0] =	vst v56  }
0x2ab: {  	v61 =	vmul.f32 v35, v59;
	v21 =	vld [tilespmem:s4+$0x7A50];
	[tilespmem:s4+$0xB9E0] =	vst v58  }
0x2ac: {  	v22 =	vld [tilespmem:s4+$0x7A60];
	[tilespmem:s4+$0xB9F0] =	vst v34;
	v25 =	vmul.f32 v25, v59  }
0x2ad: {  	v63 =	vbroadcast v1, $0x9;
	v20 =	vld [tilespmem:s4+$0x7A70];
	[tilespmem:s4+$0xBA00] =	vst v61;
	v26 =	vmul.f32 v26, v59  }
0x2ae: {  	v19 =	vld [tilespmem:s4+$0x7A80];
	v24 =	vmul.f32 v24, v59;
	[tilespmem:s4+$0xBA10] =	vst v25  }
0x2af: {  	v17 =	vld [tilespmem:s4+$0x7A90];
	v23 =	vmul.f32 v23, v63;
	[tilespmem:s4+$0xBA20] =	vst v26  }
0x2b0: {  	v18 =	vld [tilespmem:s4+$0x7AA0];
	v21 =	vmul.f32 v21, v63;
	[tilespmem:s4+$0xBA30] =	vst v24  }
0x2b1: {  	v16 =	vld [tilespmem:s4+$0x7AB0];
	v22 =	vmul.f32 v22, v63;
	v24 =	vbroadcast v1, $0xA;
	[tilespmem:s4+$0xBA40] =	vst v23  }
0x2b2: {  	v15 =	vld [tilespmem:s4+$0x7AC0];
	v20 =	vmul.f32 v20, v63;
	[tilespmem:s4+$0xBA50] =	vst v21  }
0x2b3: {  	v13 =	vld [tilespmem:s4+$0x7AD0];
	[tilespmem:s4+$0xBA60] =	vst v22;
	v19 =	vmul.f32 v19, v24  }
0x2b4: {  	v14 =	vld [tilespmem:s4+$0x7AE0];
	[tilespmem:s4+$0xBA70] =	vst v20;
	v17 =	vmul.f32 v17, v24  }
0x2b5: {  	v11 =	vld [tilespmem:s4+$0x7AF0];
	v20 =	vbroadcast v1, $0xB;
	v18 =	vmul.f32 v18, v24;
	[tilespmem:s4+$0xBA80] =	vst v19  }
0x2b6: {  	v12 =	vld [tilespmem:s4+$0x7B00];
	v16 =	vmul.f32 v16, v24;
	[tilespmem:s4+$0xBA90] =	vst v17  }
0x2b7: {  	v9 =	vld [tilespmem:s4+$0x7B10];
	v15 =	vmul.f32 v15, v20;
	[tilespmem:s4+$0xBAA0] =	vst v18  }
0x2b8: {  	v10 =	vld [tilespmem:s4+$0x7B20];
	v13 =	vmul.f32 v13, v20;
	[tilespmem:s4+$0xBAB0] =	vst v16  }
0x2b9: {  	v8 =	vld [tilespmem:s4+$0x7B30];
	v14 =	vmul.f32 v14, v20;
	v16 =	vbroadcast v1, $0xC;
	[tilespmem:s4+$0xBAC0] =	vst v15  }
0x2ba: {  	v7 =	vld [tilespmem:s4+$0x7B40];
	v11 =	vmul.f32 v11, v20;
	[tilespmem:s4+$0xBAD0] =	vst v13  }
0x2bb: {  	v5 =	vld [tilespmem:s4+$0x7B50];
	[tilespmem:s4+$0xBAE0] =	vst v14;
	v12 =	vmul.f32 v12, v16  }
0x2bc: {  	v6 =	vld [tilespmem:s4+$0x7B60];
	[tilespmem:s4+$0xBAF0] =	vst v11;
	v9 =	vmul.f32 v9, v16  }
0x2bd: {  	v4 =	vld [tilespmem:s4+$0x7B70];
	v11 =	vbroadcast v1, $0xD;
	v10 =	vmul.f32 v10, v16;
	[tilespmem:s4+$0xBB00] =	vst v12  }
0x2be: {  	v3 =	vld [tilespmem:s4+$0x7B80];
	v8 =	vmul.f32 v8, v16;
	[tilespmem:s4+$0xBB10] =	vst v9  }
0x2bf: {  	v2 =	vld [tilespmem:s4+$0x7B90];
	v7 =	vmul.f32 v7, v11;
	[tilespmem:s4+$0xBB20] =	vst v10  }
0x2c0: {  	v27 =	vld [tilespmem:s4+$0x7BA0];
	v5 =	vmul.f32 v5, v11;
	[tilespmem:s4+$0xBB30] =	vst v8  }
0x2c1: {  	v54 =	vld [tilespmem:s4+$0x7BB0];
	v6 =	vmul.f32 v6, v11;
	v8 =	vbroadcast v1, $0xE;
	[tilespmem:s4+$0xBB40] =	vst v7  }
0x2c2: {  	v55 =	vld [tilespmem:s4+$0x7BC0];
	v4 =	vmul.f32 v4, v11;
	[tilespmem:s4+$0xBB50] =	vst v5  }
0x2c3: {  	v57 =	vld [tilespmem:s4+$0x7BD0];
	[tilespmem:s4+$0xBB60] =	vst v6;
	v3 =	vmul.f32 v3, v8  }
0x2c4: {  	v60 =	vld [tilespmem:s4+$0x7BE0];
	[tilespmem:s4+$0xBB70] =	vst v4;
	v2 =	vmul.f32 v2, v8  }
0x2c5: {  	v62 =	vld [tilespmem:s4+$0x7BF0];
	v1 =	vbroadcast v1, $0xF;
	v4 =	vmul.f32 v27, v8;
	[tilespmem:s4+$0xBB80] =	vst v3  }
0x2c6: {  	v3 =	vmul.f32 v54, v8;
	[tilespmem:s4+$0xBB90] =	vst v2  }
0x2c7: {  	v2 =	vmul.f32 v55, v1;
	[tilespmem:s4+$0xBBA0] =	vst v4  }
0x2c8: {  	v4 =	vmul.f32 v57, v1;
	[tilespmem:s4+$0xBBB0] =	vst v3  }
0x2c9: {  	v3 =	vmul.f32 v60, v1;
	[tilespmem:s4+$0xBBC0] =	vst v2  }
0x2ca: {  	p2 =	seq.s32 s22, $0x27;
	v1 =	vmul.f32 v62, v1;
	[tilespmem:s4+$0xBBD0] =	vst v4  }
0x2cb: {  	s10 =	sshra.s32 @!p2 s19, $0x2;
	[tilespmem:s4+$0xBBE0] =	vst v3  }
0x2cc: {  	s11 =	simm.s32 @!p2 $0x7800;
	[tilespmem:s4+$0xBBF0] =	vst v1;
	s4 =	sadd.s32 @!p2 $0x100, s10;
	s10 =	simm.s32 @!p2 $0x80  }
0x2cd: {  	[tilespmem:s11], [sflag:$0x1] =	stream.indirect.gather @!p2 [hbm4b:s5+s10], $0x40, s4, s10, $0xb8;
	[tilespmem:$0x19440] =	vst v63  }
0x2ce: {  	s4 =	sshra.s32 s19, $0x2  }
0x2cf: {  	s24 =	sadd.s32 $0x2800, s4  }
0x2d0: {  	[spmem:s3] =	stream.indirect.scatter.add.f32 [tilespmem:s26], [sflag:$0x3], $0x40, s24, s29, $0xb8;
	[tilespmem:$0x19440] =	vst v63  }
0x2d1: {  	_ =	swait.ge [sflag:s28], $0x2000  }
0x2d2: {  	[sflag:s28] =	ssyncset.done $0x0  }
0x2d3: {  	s10 =	simm.s32 @!p1 $0x4;
	[sflag:s28] =	ssyncadd.s32 $0xFFFFE000  }
0x2d4: {  	_ =	swait.ge @!p1 [sflag:s10], $0x2000  }
0x2d5: {  	[sflag:s10] =	ssyncset.done @!p1 $0x0  }
0x2d6: {  	[sflag:s10] =	ssyncadd.s32 @!p1 $0xFFFFE000;
	s10 =	simm.s32 $0x0  }
0x2d7: {  	v25 =	vld [tilespmem:s10+$0x9800]  }
0x2d8: {  	v26 =	vld [tilespmem:s10+$0x9810]  }
0x2d9: {  	v24 =	vld [tilespmem:s10+$0x9820]  }
0x2da: {  	v23 =	vld [tilespmem:s10+$0x9830]  }
0x2db: {  	v21 =	vld [tilespmem:s10+$0x9840]  }
0x2dc: {  	v22 =	vld [tilespmem:s10+$0x9850]  }
0x2dd: {  	v20 =	vld [tilespmem:s10+$0x9860]  }
0x2de: {  	v19 =	vld [tilespmem:s10+$0x9870]  }
0x2df: {  	v17 =	vld [tilespmem:s10+$0x9880]  }
0x2e0: {  	v18 =	vld [tilespmem:s10+$0x9890]  }
0x2e1: {  	v16 =	vld [tilespmem:s10+$0x98A0]  }
0x2e2: {  	v15 =	vld [tilespmem:s10+$0x98B0]  }
0x2e3: {  	v13 =	vld [tilespmem:s10+$0x98C0]  }
0x2e4: {  	v14 =	vld [tilespmem:s10+$0x98D0]  }
0x2e5: {  	v11 =	vld [tilespmem:s10+$0x98E0]  }
0x2e6: {  	v12 =	vld [tilespmem:s10+$0x98F0]  }
0x2e7: {  	v9 =	vld [tilespmem:s10+$0x9900]  }
0x2e8: {  	v10 =	vld [tilespmem:s10+$0x9910]  }
0x2e9: {  	v8 =	vld [tilespmem:s10+$0x9920]  }
0x2ea: {  	v7 =	vld [tilespmem:s10+$0x9930]  }
0x2eb: {  	v5 =	vld [tilespmem:s10+$0x9940]  }
0x2ec: {  	v6 =	vld [tilespmem:s10+$0x9950]  }
0x2ed: {  	v4 =	vld [tilespmem:s10+$0x9960]  }
0x2ee: {  	v3 =	vld [tilespmem:s10+$0x9970]  }
0x2ef: {  	v2 =	vld [tilespmem:s10+$0x9980]  }
0x2f0: {  	s19 =	sor.u32 $0x200, s19;
	s11 =	simm.s32 $0x1000;
	s24 =	smov.u32 s12;
	v1 =	vld [tilespmem:s12+$0x0]  }
.LBB2_16:
0x2f1: {  	p1 =	sne.s32 s11, $0x7000;
	v27 =	vld [tilespmem:s10+$0x9990]  }
0x2f2: {  	v28 =	vld [tilespmem:s10+$0x99A0]  }
0x2f3: {  	v29 =	vld [tilespmem:s10+$0x99B0]  }
0x2f4: {  	v30 =	vld [tilespmem:s10+$0x99C0]  }
0x2f5: {  	v31 =	vbroadcast v1, $0x0;
	v32 =	vbroadcast v1, $0x1;
	v33 =	vld [tilespmem:s10+$0x99D0]  }
0x2f6: {  	v34 =	vbroadcast v1, $0x2;
	v35 =	vbroadcast v1, $0x3;
	v36 =	vld [tilespmem:s10+$0x99E0]  }
0x2f7: {  	v25 =	vmul.f32 v31, v25;
	v26 =	vmul.f32 v26, v31;
	v37 =	vld [tilespmem:s10+$0x99F0]  }
0x2f8: {  	v24 =	vmul.f32 v24, v31;
	v23 =	vmul.f32 v23, v31;
	v31 =	vld [tilespmem:s10+$0x9A00]  }
0x2f9: {  	v21 =	vmul.f32 v21, v32;
	v22 =	vmul.f32 v22, v32;
	[tilespmem:s10+$0xD800] =	vst v25;
	v25 =	vld [tilespmem:s10+$0x9A10]  }
0x2fa: {  	v20 =	vmul.f32 v20, v32;
	v19 =	vmul.f32 v19, v32;
	[tilespmem:s10+$0xD810] =	vst v26;
	v26 =	vld [tilespmem:s10+$0x9A20]  }
0x2fb: {  	v17 =	vmul.f32 v17, v34;
	v18 =	vmul.f32 v18, v34;
	[tilespmem:s10+$0xD820] =	vst v24;
	v24 =	vld [tilespmem:s10+$0x9A30]  }
0x2fc: {  	v16 =	vmul.f32 v16, v34;
	v15 =	vmul.f32 v15, v34;
	[tilespmem:s10+$0xD830] =	vst v23;
	v23 =	vld [tilespmem:s10+$0x9A40]  }
0x2fd: {  	v13 =	vmul.f32 v13, v35;
	v14 =	vmul.f32 v14, v35;
	[tilespmem:s10+$0xD840] =	vst v21;
	v21 =	vld [tilespmem:s10+$0x9A50]  }
0x2fe: {  	v11 =	vmul.f32 v11, v35;
	v12 =	vmul.f32 v12, v35;
	[tilespmem:s10+$0xD850] =	vst v22;
	v22 =	vld [tilespmem:s10+$0x9A60]  }
0x2ff: {  	v32 =	vbroadcast v1, $0x5;
	[tilespmem:s10+$0xD860] =	vst v20;
	v20 =	vbroadcast v1, $0x4;
	v34 =	vld [tilespmem:s10+$0x9A70]  }
0x300: {  	v35 =	vbroadcast v1, $0x7;
	[tilespmem:s10+$0xD870] =	vst v19;
	v19 =	vbroadcast v1, $0x6;
	v38 =	vld [tilespmem:s10+$0x9A80]  }
0x301: {  	[tilespmem:s10+$0xD880] =	vst v17;
	v9 =	vmul.f32 v9, v20;
	v10 =	vmul.f32 v10, v20;
	v17 =	vld [tilespmem:s10+$0x9A90]  }
0x302: {  	v8 =	vmul.f32 v8, v20;
	v7 =	vmul.f32 v7, v20;
	[tilespmem:s10+$0xD890] =	vst v18;
	v18 =	vld [tilespmem:s10+$0x9AA0]  }
0x303: {  	v5 =	vmul.f32 v5, v32;
	v6 =	vmul.f32 v6, v32;
	[tilespmem:s10+$0xD8A0] =	vst v16;
	v16 =	vld [tilespmem:s10+$0x9AB0]  }
0x304: {  	v4 =	vmul.f32 v4, v32;
	v3 =	vmul.f32 v3, v32;
	[tilespmem:s10+$0xD8B0] =	vst v15;
	v15 =	vld [tilespmem:s10+$0x9AC0]  }
0x305: {  	v2 =	vmul.f32 v2, v19;
	[tilespmem:s10+$0xD8C0] =	vst v13;
	v13 =	vmul.f32 v27, v19;
	v20 =	vld [tilespmem:s10+$0x9AD0]  }
0x306: {  	[tilespmem:s10+$0xD8D0] =	vst v14;
	v14 =	vmul.f32 v28, v19;
	v19 =	vmul.f32 v29, v19;
	v27 =	vld [tilespmem:s10+$0x9AE0]  }
0x307: {  	v28 =	vmul.f32 v33, v35;
	[tilespmem:s10+$0xD8E0] =	vst v11;
	v11 =	vmul.f32 v30, v35;
	v29 =	vld [tilespmem:s10+$0x9AF0]  }
0x308: {  	v30 =	vmul.f32 v37, v35;
	[tilespmem:s10+$0xD8F0] =	vst v12;
	v12 =	vmul.f32 v36, v35;
	v32 =	vld [tilespmem:s10+$0x9B00]  }
0x309: {  	v33 =	vbroadcast v1, $0x9;
	[tilespmem:s10+$0xD900] =	vst v9;
	v9 =	vbroadcast v1, $0x8;
	v35 =	vld [tilespmem:s10+$0x9B10]  }
0x30a: {  	v36 =	vbroadcast v1, $0xB;
	[tilespmem:s10+$0xD910] =	vst v10;
	v10 =	vbroadcast v1, $0xA;
	v37 =	vld [tilespmem:s10+$0x9B20]  }
0x30b: {  	[tilespmem:s10+$0xD920] =	vst v8;
	v8 =	vmul.f32 v31, v9;
	v25 =	vmul.f32 v25, v9;
	v31 =	vld [tilespmem:s10+$0x9B30]  }
0x30c: {  	[tilespmem:s10+$0xD930] =	vst v7;
	v7 =	vmul.f32 v26, v9;
	v9 =	vmul.f32 v24, v9;
	v24 =	vld [tilespmem:s10+$0x9B40]  }
0x30d: {  	v21 =	vmul.f32 v21, v33;
	[tilespmem:s10+$0xD940] =	vst v5;
	v5 =	vmul.f32 v23, v33;
	v23 =	vld [tilespmem:s10+$0x9B50]  }
0x30e: {  	[tilespmem:s10+$0xD950] =	vst v6;
	v6 =	vmul.f32 v22, v33;
	v22 =	vmul.f32 v34, v33;
	v26 =	vld [tilespmem:s10+$0x9B60]  }
0x30f: {  	v17 =	vmul.f32 v17, v10;
	[tilespmem:s10+$0xD960] =	vst v4;
	v4 =	vmul.f32 v38, v10;
	v33 =	vld [tilespmem:s10+$0x9B70]  }
0x310: {  	[tilespmem:s10+$0xD970] =	vst v3;
	v3 =	vmul.f32 v18, v10;
	v10 =	vmul.f32 v16, v10;
	v16 =	vld [tilespmem:s10+$0x9B80]  }
0x311: {  	[tilespmem:s10+$0xD980] =	vst v2;
	v2 =	vmul.f32 v15, v36;
	v15 =	vmul.f32 v20, v36;
	v18 =	vld [tilespmem:s10+$0x9B90]  }
0x312: {  	[tilespmem:s10+$0xD990] =	vst v13;
	v13 =	vmul.f32 v27, v36;
	v27 =	vmul.f32 v29, v36;
	v20 =	vld [tilespmem:s10+$0x9BA0]  }
0x313: {  	v29 =	vbroadcast v1, $0xD;
	[tilespmem:s10+$0xD9A0] =	vst v14;
	v14 =	vbroadcast v1, $0xC;
	v34 =	vld [tilespmem:s10+$0x9BB0]  }
0x314: {  	[tilespmem:s10+$0xD9B0] =	vst v19;
	v19 =	vbroadcast v1, $0xE;
	v36 =	vld [tilespmem:s10+$0x9BC0];
	v1 =	vbroadcast v1, $0xF  }
0x315: {  	[tilespmem:s10+$0xD9C0] =	vst v11;
	v11 =	vmul.f32 v32, v14;
	v32 =	vmul.f32 v35, v14;
	v35 =	vld [tilespmem:s10+$0x9BD0]  }
0x316: {  	[tilespmem:s10+$0xD9D0] =	vst v28;
	v28 =	vmul.f32 v37, v14;
	v14 =	vmul.f32 v31, v14;
	v31 =	vld [tilespmem:s10+$0x9BE0]  }
0x317: {  	v37 =	vmul.f32 v23, v29;
	[tilespmem:s10+$0xD9E0] =	vst v12;
	v12 =	vmul.f32 v24, v29;
	v23 =	vld [tilespmem:s10+$0x9BF0]  }
0x318: {  	[tilespmem:s10+$0xD9F0] =	vst v30;
	v30 =	vmul.f32 v26, v29;
	v29 =	vmul.f32 v33, v29  }
0x319: {  	v33 =	vmul.f32 v18, v19;
	[tilespmem:s10+$0xDA00] =	vst v8;
	v8 =	vmul.f32 v16, v19  }
0x31a: {  	v38 =	vmul.f32 v20, v19;
	v34 =	vmul.f32 v34, v19;
	[tilespmem:s10+$0xDA10] =	vst v25  }
0x31b: {  	v36 =	vmul.f32 v36, v1;
	v35 =	vmul.f32 v35, v1;
	[tilespmem:s10+$0xDA20] =	vst v7  }
0x31c: {  	v31 =	vmul.f32 v31, v1;
	[tilespmem:s10+$0xDA30] =	vst v9;
	v1 =	vmul.f32 v23, v1  }
0x31d: {  	[tilespmem:s10+$0xDA40] =	vst v5  }
0x31e: {  	[tilespmem:s10+$0xDA50] =	vst v21  }
0x31f: {  	s13 =	sshra.s32 s11, $0x2;
	[tilespmem:s10+$0xDA60] =	vst v6  }
0x320: {  	v25 =	vld [tilespmem:s13+$0x9800];
	[tilespmem:s10+$0xDA70] =	vst v22  }
0x321: {  	v26 =	vld [tilespmem:s13+$0x9810];
	[tilespmem:s10+$0xDA80] =	vst v4  }
0x322: {  	v24 =	vld [tilespmem:s13+$0x9820];
	[tilespmem:s10+$0xDA90] =	vst v17  }
0x323: {  	v23 =	vld [tilespmem:s13+$0x9830];
	[tilespmem:s10+$0xDAA0] =	vst v3  }
0x324: {  	v21 =	vld [tilespmem:s13+$0x9840];
	[tilespmem:s10+$0xDAB0] =	vst v10  }
0x325: {  	v22 =	vld [tilespmem:s13+$0x9850];
	[tilespmem:s10+$0xDAC0] =	vst v2  }
0x326: {  	v20 =	vld [tilespmem:s13+$0x9860];
	[tilespmem:s10+$0xDAD0] =	vst v15  }
0x327: {  	v19 =	vld [tilespmem:s13+$0x9870];
	[tilespmem:s10+$0xDAE0] =	vst v13  }
0x328: {  	v17 =	vld [tilespmem:s13+$0x9880];
	[tilespmem:s10+$0xDAF0] =	vst v27  }
0x329: {  	v18 =	vld [tilespmem:s13+$0x9890];
	[tilespmem:s10+$0xDB00] =	vst v11  }
0x32a: {  	v16 =	vld [tilespmem:s13+$0x98A0];
	[tilespmem:s10+$0xDB10] =	vst v32  }
0x32b: {  	v15 =	vld [tilespmem:s13+$0x98B0];
	[tilespmem:s10+$0xDB20] =	vst v28  }
0x32c: {  	v13 =	vld [tilespmem:s13+$0x98C0];
	[tilespmem:s10+$0xDB30] =	vst v14  }
0x32d: {  	v14 =	vld [tilespmem:s13+$0x98D0];
	[tilespmem:s10+$0xDB40] =	vst v12  }
0x32e: {  	v11 =	vld [tilespmem:s13+$0x98E0];
	[tilespmem:s10+$0xDB50] =	vst v37  }
0x32f: {  	v12 =	vld [tilespmem:s13+$0x98F0];
	[tilespmem:s10+$0xDB60] =	vst v30  }
0x330: {  	v9 =	vld [tilespmem:s13+$0x9900];
	[tilespmem:s10+$0xDB70] =	vst v29  }
0x331: {  	v10 =	vld [tilespmem:s13+$0x9910];
	[tilespmem:s10+$0xDB80] =	vst v8  }
0x332: {  	v8 =	vld [tilespmem:s13+$0x9920];
	[tilespmem:s10+$0xDB90] =	vst v33  }
0x333: {  	v7 =	vld [tilespmem:s13+$0x9930];
	[tilespmem:s10+$0xDBA0] =	vst v38  }
0x334: {  	v5 =	vld [tilespmem:s13+$0x9940];
	[tilespmem:s10+$0xDBB0] =	vst v34  }
.Ltmp9:
0x335: {  	v6 =	vld [tilespmem:s13+$0x9950];
	[tilespmem:s10+$0xDBC0] =	vst v36;
	(pc) =	sbr.rel @p1 .LBB2_16-.Ltmp9, $4  }
0x336: {  	v4 =	vld [tilespmem:s13+$0x9960];
	[tilespmem:s10+$0xDBD0] =	vst v35  }
0x337: {  	v3 =	vld [tilespmem:s13+$0x9970];
	[tilespmem:s10+$0xDBE0] =	vst v31  }
0x338: {  	s24 =	sadd.s32 $0x10, s24;
	v2 =	vld [tilespmem:s13+$0x9980];
	[tilespmem:s10+$0xDBF0] =	vst v1;
	s10 =	smov.u32 s13  }
0x339: {  	s11 =	sadd.s32 $0x1000, s11;
	v1 =	vld [tilespmem:s24+$0x0]  }
0x33a: {  	_ =	sdelay $0x3  }
0x33b: {  	v31 =	vbroadcast v1, $0x0;
	_ =	sdelay $0x1  }
0x33c: {  	v25 =	vmul.f32 v31, v25  }
0x33d: {  	v26 =	vmul.f32 v26, v31  }
0x33e: {  	v36 =	vbroadcast v1, $0x1;
	v24 =	vmul.f32 v24, v31;
	[tilespmem:s10+$0xD800] =	vst v25  }
0x33f: {  	v23 =	vmul.f32 v23, v31;
	[tilespmem:s10+$0xD810] =	vst v26  }
0x340: {  	v21 =	vmul.f32 v21, v36;
	[tilespmem:s10+$0xD820] =	vst v24  }
0x341: {  	v22 =	vmul.f32 v22, v36;
	[tilespmem:s10+$0xD830] =	vst v23  }
0x342: {  	v57 =	vbroadcast v1, $0x2;
	v20 =	vmul.f32 v20, v36;
	[tilespmem:s10+$0xD840] =	vst v21  }
0x343: {  	v19 =	vmul.f32 v19, v36;
	[tilespmem:s10+$0xD850] =	vst v22  }
0x344: {  	v17 =	vmul.f32 v17, v57;
	[tilespmem:s10+$0xD860] =	vst v20  }
0x345: {  	v18 =	vmul.f32 v18, v57;
	[tilespmem:s10+$0xD870] =	vst v19  }
0x346: {  	v58 =	vbroadcast v1, $0x3;
	v16 =	vmul.f32 v16, v57;
	[tilespmem:s10+$0xD880] =	vst v17  }
0x347: {  	v15 =	vmul.f32 v15, v57;
	[tilespmem:s10+$0xD890] =	vst v18  }
0x348: {  	v13 =	vmul.f32 v13, v58;
	[tilespmem:s10+$0xD8A0] =	vst v16  }
0x349: {  	v14 =	vmul.f32 v14, v58;
	[tilespmem:s10+$0xD8B0] =	vst v15  }
0x34a: {  	v59 =	vbroadcast v1, $0x4;
	v11 =	vmul.f32 v11, v58;
	[tilespmem:s10+$0xD8C0] =	vst v13  }
0x34b: {  	v12 =	vmul.f32 v12, v58;
	[tilespmem:s10+$0xD8D0] =	vst v14  }
0x34c: {  	v9 =	vmul.f32 v9, v59;
	[tilespmem:s10+$0xD8E0] =	vst v11  }
0x34d: {  	v10 =	vmul.f32 v10, v59;
	[tilespmem:s10+$0xD8F0] =	vst v12  }
0x34e: {  	v62 =	vbroadcast v1, $0x5;
	v8 =	vmul.f32 v8, v59;
	[tilespmem:s10+$0xD900] =	vst v9  }
0x34f: {  	v7 =	vmul.f32 v7, v59;
	[tilespmem:s10+$0xD910] =	vst v10  }
0x350: {  	v27 =	vld [tilespmem:s10+$0x9990];
	v5 =	vmul.f32 v5, v62;
	[tilespmem:s10+$0xD920] =	vst v8  }
0x351: {  	v28 =	vld [tilespmem:s10+$0x99A0];
	v6 =	vmul.f32 v6, v62;
	[tilespmem:s10+$0xD930] =	vst v7  }
0x352: {  	v29 =	vld [tilespmem:s10+$0x99B0];
	v43 =	vbroadcast v1, $0x6;
	v4 =	vmul.f32 v4, v62;
	[tilespmem:s10+$0xD940] =	vst v5  }
0x353: {  	v30 =	vld [tilespmem:s10+$0x99C0];
	v3 =	vmul.f32 v3, v62;
	[tilespmem:s10+$0xD950] =	vst v6  }
0x354: {  	v32 =	vld [tilespmem:s10+$0x99D0];
	v2 =	vmul.f32 v2, v43;
	[tilespmem:s10+$0xD960] =	vst v4  }
0x355: {  	v33 =	vld [tilespmem:s10+$0x99E0];
	v27 =	vmul.f32 v27, v43;
	[tilespmem:s10+$0xD970] =	vst v3  }
0x356: {  	v34 =	vld [tilespmem:s10+$0x99F0];
	v46 =	vbroadcast v1, $0x7;
	v28 =	vmul.f32 v28, v43;
	[tilespmem:s10+$0xD980] =	vst v2  }
0x357: {  	v35 =	vld [tilespmem:s10+$0x9A00];
	v29 =	vmul.f32 v29, v43;
	[tilespmem:s10+$0xD990] =	vst v27  }
0x358: {  	v56 =	vld [tilespmem:s10+$0x9A10];
	v30 =	vmul.f32 v30, v46;
	[tilespmem:s10+$0xD9A0] =	vst v28  }
0x359: {  	v60 =	vld [tilespmem:s10+$0x9B10];
	v49 =	vmul.f32 v32, v46;
	[tilespmem:s10+$0xD9B0] =	vst v29  }
0x35a: {  	v61 =	vld [tilespmem:s10+$0x9B20];
	v52 =	vbroadcast v1, $0x8;
	v51 =	vmul.f32 v33, v46;
	[tilespmem:s10+$0xD9C0] =	vst v30  }
0x35b: {  	v63 =	vld [tilespmem:s10+$0x9B30];
	v34 =	vmul.f32 v34, v46;
	[tilespmem:s10+$0xD9D0] =	vst v49  }
0x35c: {  	v40 =	vld [tilespmem:s10+$0x9B40];
	v54 =	vmul.f32 v35, v52;
	v59 =	vbroadcast v1, $0xC;
	[tilespmem:s10+$0xD9E0] =	vst v51  }
0x35d: {  	v41 =	vld [tilespmem:s10+$0x9B50];
	v25 =	vmul.f32 v56, v52;
	[tilespmem:s10+$0xD9F0] =	vst v34  }
0x35e: {  	v42 =	vld [tilespmem:s10+$0x9B60];
	[tilespmem:s10+$0xDA00] =	vst v54;
	v9 =	vmul.f32 v60, v59  }
0x35f: {  	v44 =	vld [tilespmem:s10+$0x9B70];
	v60 =	vbroadcast v1, $0xD;
	v10 =	vmul.f32 v61, v59;
	[tilespmem:s10+$0xDA10] =	vst v25  }
0x360: {  	v45 =	vld [tilespmem:s10+$0x9BA0];
	v57 =	vbroadcast v1, $0xA;
	v8 =	vmul.f32 v63, v59;
	[tilespmem:s10+$0xDB10] =	vst v9  }
0x361: {  	v50 =	vld [tilespmem:s10+$0x9BD0];
	v58 =	vbroadcast v1, $0xB;
	v7 =	vmul.f32 v40, v60;
	[tilespmem:s10+$0xDB20] =	vst v10  }
0x362: {  	v26 =	vld [tilespmem:s10+$0x9A20];
	v56 =	vbroadcast v1, $0x9;
	v5 =	vmul.f32 v41, v60;
	[tilespmem:s10+$0xDB30] =	vst v8  }
0x363: {  	v24 =	vld [tilespmem:s10+$0x9A30];
	v61 =	vbroadcast v1, $0xE;
	v6 =	vmul.f32 v42, v60;
	[tilespmem:s10+$0xDB40] =	vst v7  }
0x364: {  	v23 =	vld [tilespmem:s10+$0x9A40];
	v1 =	vbroadcast v1, $0xF;
	v4 =	vmul.f32 v44, v60;
	[tilespmem:s10+$0xDB50] =	vst v5  }
0x365: {  	v21 =	vld [tilespmem:s10+$0x9A50];
	v62 =	vmul.f32 v45, v61;
	[tilespmem:s10+$0xDB60] =	vst v6  }
0x366: {  	v22 =	vld [tilespmem:s10+$0x9A60];
	v63 =	vmul.f32 v50, v1;
	[tilespmem:s10+$0xDB70] =	vst v4  }
0x367: {  	v20 =	vld [tilespmem:s10+$0x9A70];
	[tilespmem:s10+$0xDBA0] =	vst v62;
	v26 =	vmul.f32 v26, v52  }
0x368: {  	v19 =	vld [tilespmem:s10+$0x9A80];
	[tilespmem:s10+$0xDBD0] =	vst v63;
	v24 =	vmul.f32 v24, v52  }
0x369: {  	v17 =	vld [tilespmem:s10+$0x9A90];
	v23 =	vmul.f32 v23, v56;
	[tilespmem:s10+$0xDA20] =	vst v26  }
0x36a: {  	v18 =	vld [tilespmem:s10+$0x9AA0];
	v21 =	vmul.f32 v21, v56;
	[tilespmem:s10+$0xDA30] =	vst v24  }
0x36b: {  	v16 =	vld [tilespmem:s10+$0x9AB0];
	v22 =	vmul.f32 v22, v56;
	[tilespmem:s10+$0xDA40] =	vst v23  }
0x36c: {  	v15 =	vld [tilespmem:s10+$0x9AC0];
	v20 =	vmul.f32 v20, v56;
	[tilespmem:s10+$0xDA50] =	vst v21  }
0x36d: {  	v13 =	vld [tilespmem:s10+$0x9AD0];
	v19 =	vmul.f32 v19, v57;
	[tilespmem:s10+$0xDA60] =	vst v22  }
0x36e: {  	v14 =	vld [tilespmem:s10+$0x9AE0];
	v17 =	vmul.f32 v17, v57;
	[tilespmem:s10+$0xDA70] =	vst v20  }
0x36f: {  	v11 =	vld [tilespmem:s10+$0x9AF0];
	v18 =	vmul.f32 v18, v57;
	[tilespmem:s10+$0xDA80] =	vst v19  }
0x370: {  	v12 =	vld [tilespmem:s10+$0x9B00];
	v16 =	vmul.f32 v16, v57;
	[tilespmem:s10+$0xDA90] =	vst v17  }
0x371: {  	v3 =	vld [tilespmem:s10+$0x9B80];
	v15 =	vmul.f32 v15, v58;
	[tilespmem:s10+$0xDAA0] =	vst v18  }
0x372: {  	v2 =	vld [tilespmem:s10+$0x9B90];
	v13 =	vmul.f32 v13, v58;
	[tilespmem:s10+$0xDAB0] =	vst v16  }
0x373: {  	v47 =	vld [tilespmem:s10+$0x9BB0];
	v14 =	vmul.f32 v14, v58;
	[tilespmem:s10+$0xDAC0] =	vst v15  }
0x374: {  	v48 =	vld [tilespmem:s10+$0x9BC0];
	v11 =	vmul.f32 v11, v58;
	[tilespmem:s10+$0xDAD0] =	vst v13  }
0x375: {  	v53 =	vld [tilespmem:s10+$0x9BE0];
	v12 =	vmul.f32 v12, v59;
	[tilespmem:s10+$0xDAE0] =	vst v14  }
0x376: {  	v55 =	vld [tilespmem:s10+$0x9BF0];
	v3 =	vmul.f32 v3, v61;
	[tilespmem:s10+$0xDAF0] =	vst v11  }
0x377: {  	v2 =	vmul.f32 v2, v61;
	[tilespmem:s10+$0xDB00] =	vst v12  }
0x378: {  	[tilespmem:s10+$0xDB80] =	vst v3;
	v3 =	vmul.f32 v47, v61  }
.Ltmp10:
0x379: {  	[tilespmem:s10+$0xDB90] =	vst v2;
	v2 =	vmul.f32 v48, v1;
	(pc) =	sbr.rel @p2 .LBB2_19-.Ltmp10, $4  }
0x37a: {  	[tilespmem:s10+$0xDBB0] =	vst v3;
	v3 =	vmul.f32 v53, v1  }
0x37b: {  	[tilespmem:s10+$0xDBC0] =	vst v2;
	v1 =	vmul.f32 v55, v1  }
0x37c: {  	s11 =	sshra.s32 s19, $0x2;
	[tilespmem:s10+$0xDBE0] =	vst v3  }
0x37d: {  	[tilespmem:s10+$0xDBF0] =	vst v1;
	s10 =	sadd.s32 $0x2800, s11  }
.Ltmp11:
0x37e: {  	(pc) =	sbr.rel .LBB2_13-.Ltmp11, $4  }
0x37f: {  	s4 =	sadd.s32 $0x180, s4  }
0x380: {  	[tilespmem:s31], [sflag:$0x2] =	stream.indirect.gather [hbm4b:s5+s29], $0x40, s4, s29, $0xb8;
	[tilespmem:$0x19440] =	vst v63  }
0x381: {  	s22 =	sadd.s32 $0x1, s22;
	s23 =	sadd.s32 $0x100, s23;
	s12 =	sadd.s32 $0x100, s12  }
0x382: {  	[spmem:s3] =	stream.indirect.scatter.add.f32 [tilespmem:s1], [sflag:$0x4], $0x40, s10, s29, $0xb8;
	[tilespmem:$0x19440] =	vst v63  }
.LBB2_20:
0x383: {  	_ =	sfence.sel $0x180000  }
0x384: {  	[bflag:$0x0] =	sbarrier.arrive $0xFFFF  }
0x385: {  	_ =	strace $0x90000047  }
0x386: {  	s0 =	stileid.u32;
	[bflag:$0x2] =	sbarrier.arrive $0xFFFF  }
0x387: {  	p0 =	sne.s32 s0, $0x0;
	s0 =	rddreg [dreg:$0x3]  }
0x388: {  	s0 =	sadd.s32 @!p0 $0x100000, s0  }
0x389: {  	[sflag:s0] =	ssyncadd.tile.s32 @!p0 $0x1;
	_ =	shalt  }
.Lfunc_end2:
_tile_overlayer_lowered:
.L_overlay_start_2:
0x38a: {  	(tag) =	ssettag $0x2  }
0x38b: {  	s0 =	rddreg [dreg:$0x0];
	s2 =	stileid.u32  }
0x38c: {  	s1 =	rddreg [dreg:$0x1];
	p0 =	sne.s32 s2, $0x0  }
0x38d: {  	s3 =	rddreg [dreg:$0x2];
	[bflag:$0x3] =	sbarrier.arrive $0xFFFF;
	s2 =	simm.s32 @!p0 $0x1C05  }
0x38e: {  	[timem:s3], [sflag:s2] =	dma.local @!p0 [hbm:s0], s1  }
0x38f: {  	s0 =	simm.s32 @!p0 $0x5  }
0x390: {  	_ =	swait.ge @!p0 [sflag:s0], s1  }
0x391: {  	s1 =	ssub.s32 @!p0 $0x0, s1;
	[sflag:s0] =	ssyncset.done @!p0 $0x0  }
0x392: {  	[sflag:s0] =	ssyncadd.s32 @!p0 s1  }
0x393: {  	[bflag:$0x3] =	sbarrier.arrive $0xFFFF  }
0x394: {  	_ =	shalt  }

</sc_bundles>
